<compile_context>
chip_gen: v7x
topology: tpu7x:2x2x1
jax: 0.10.2.dev20260603
libtpu: 0.0.44.dev20260713+nightly
codegen_flags: <defaults>
</compile_context>

<pallas_src>
import functools

import jax
import jax.numpy as jnp
from jax import lax
from jax.experimental import pallas as pl
from jax.experimental.pallas import tpu as pltpu
from jax.experimental.pallas import tpu_sc as plsc

NUM_Q = 8
INPUT_DIM = 512
CODE_DIM = 256
KSIZE = 2048
T = 8192

BT = 256


def _tables_kernel(emb_ref, wout_ref, table_ref, esq_ref):
    emb_q = emb_ref[0]
    wout_q = wout_ref[0]
    table_ref[0] = jax.lax.dot_general(
        emb_q, wout_q, (((1,), (1,)), ((), ())),
        preferred_element_type=jnp.float32)
    esq_ref[...] = jnp.sum(emb_q * emb_q, axis=-1).reshape(1, 1, KSIZE)


def _make_tables(emb_qkc, Wout_qdc):
    return pl.pallas_call(
        _tables_kernel,
        grid=(NUM_Q,),
        in_specs=[
            pl.BlockSpec((1, KSIZE, CODE_DIM), lambda q: (q, 0, 0)),
            pl.BlockSpec((1, INPUT_DIM, CODE_DIM), lambda q: (q, 0, 0)),
        ],
        out_specs=(
            pl.BlockSpec((1, KSIZE, INPUT_DIM), lambda q: (q, 0, 0)),
            pl.BlockSpec((1, 1, KSIZE), lambda q: (q, 0, 0)),
        ),
        out_shape=(
            jax.ShapeDtypeStruct((NUM_Q, KSIZE, INPUT_DIM), jnp.float32),
            jax.ShapeDtypeStruct((NUM_Q, 1, KSIZE), jnp.float32),
        ),
    )(emb_qkc, Wout_qdc)


def _stage_kernel(res_ref, dec_ref, win_ref, emb2_ref, esq_ref,
                  resout_ref, idx_ref, *, subtract):
    if subtract:
        res = res_ref[...] - dec_ref[...]
        resout_ref[...] = res
    else:
        res = res_ref[...]
    xp = jax.lax.dot_general(
        res, win_ref[...], (((1,), (1,)), ((), ())),
        preferred_element_type=jnp.float32)
    x_sq = jnp.sum(xp * xp, axis=-1, keepdims=True)
    cross2 = jax.lax.dot_general(
        xp, emb2_ref[...], (((1,), (1,)), ((), ())),
        preferred_element_type=jnp.float32)
    dist = (x_sq - cross2) + esq_ref[...]

    di = jax.lax.bitcast_convert_type(dist, jnp.int32)
    base = jax.lax.bitcast_convert_type(x_sq, jnp.int32)
    iota = jax.lax.broadcasted_iota(jnp.int32, (BT, KSIZE), 1)
    key = (di - base) * KSIZE + iota
    minkey = jnp.min(key, axis=-1, keepdims=True)
    idx = jnp.bitwise_and(minkey, KSIZE - 1)
    idx_ref[...] = idx.reshape(1, BT)


def _run_stage(res, dec_prev, win_q, emb2_q, esq_q):
    subtract = dec_prev is not None
    grid = (T // BT,)
    tile = pl.BlockSpec((BT, INPUT_DIM), lambda i: (i, 0))
    wspec = pl.BlockSpec((CODE_DIM, INPUT_DIM), lambda i: (0, 0))
    espec = pl.BlockSpec((KSIZE, CODE_DIM), lambda i: (0, 0))
    sspec = pl.BlockSpec((1, KSIZE), lambda i: (0, 0))
    ispec = pl.BlockSpec((1, BT), lambda i: (0, i))
    if subtract:
        in_specs = [tile, tile, wspec, espec, sspec]
        out_specs = (tile, ispec)
        out_shape = (
            jax.ShapeDtypeStruct((T, INPUT_DIM), jnp.float32),
            jax.ShapeDtypeStruct((1, T), jnp.int32),
        )
        args = (res, dec_prev, win_q, emb2_q, esq_q)
    else:
        in_specs = [tile, wspec, espec, sspec]
        out_specs = (ispec,)
        out_shape = (jax.ShapeDtypeStruct((1, T), jnp.int32),)
        args = (res, win_q, emb2_q, esq_q)

    def body(*refs):
        if subtract:
            r, d, w, e, s, ro, io = refs
            _stage_kernel(r, d, w, e, s, ro, io, subtract=True)
        else:
            r, w, e, s, io = refs
            _stage_kernel(r, None, w, e, s, None, io, subtract=False)

    outs = pl.pallas_call(
        body, grid=grid, in_specs=in_specs, out_specs=out_specs,
        out_shape=out_shape)(*args)
    if subtract:
        return outs[0], outs[1]
    return res, outs[0]


def _final_kernel(x_ref, res_ref, dec_ref, out_ref):
    out_ref[...] = x_ref[...] - (res_ref[...] - dec_ref[...])


def _run_final(x_td, res, dec):
    tile = pl.BlockSpec((BT, INPUT_DIM), lambda i: (i, 0))
    return pl.pallas_call(
        _final_kernel, grid=(T // BT,),
        in_specs=[tile, tile, tile], out_specs=tile,
        out_shape=jax.ShapeDtypeStruct((T, INPUT_DIM), jnp.float32),
    )(x_td, res, dec)


_SC_CHUNK = 64


def _sc_gather(table, idx_t):
    info = plsc.get_sparse_core_info()
    nw = info.num_cores * info.num_subcores
    b_per_w = T // nw
    n_chunks = b_per_w // _SC_CHUNK
    mesh = plsc.VectorSubcoreMesh(core_axis_name="c", subcore_axis_name="s")

    @functools.partial(
        pl.kernel, mesh=mesh,
        out_type=jax.ShapeDtypeStruct((T, INPUT_DIM), jnp.float32),
        scratch_types=[
            pltpu.VMEM((_SC_CHUNK,), jnp.int32),
            pltpu.VMEM((_SC_CHUNK, INPUT_DIM), jnp.float32),
            pltpu.SemaphoreType.DMA,
        ],
    )
    def gather(table_hbm, idx_hbm, out_hbm, idx_v, rows_v, sem):
        wid = lax.axis_index("s") * info.num_cores + lax.axis_index("c")
        base = wid * b_per_w
        for j in range(n_chunks):
            off = base + j * _SC_CHUNK
            pltpu.sync_copy(idx_hbm.at[pl.ds(off, _SC_CHUNK)], idx_v)
            pltpu.async_copy(table_hbm.at[idx_v], rows_v, sem).wait()
            pltpu.sync_copy(rows_v, out_hbm.at[pl.ds(off, _SC_CHUNK)])

    return gather(table, idx_t)


def kernel(x_td, Win_qcd, Wout_qdc, emb_qkc):
    emb2 = emb_qkc * 2.0
    tables, esq = _make_tables(emb_qkc, Wout_qdc)

    res = x_td
    dec = None
    codes_rows = []
    for q in range(NUM_Q):
        res, idx_row = _run_stage(
            res, dec, Win_qcd[q], emb2[q], esq[q])
        codes_rows.append(idx_row)
        dec = _sc_gather(tables[q], idx_row.reshape(T))
    out_td = _run_final(x_td, res, dec)
    codes_qt = jnp.concatenate(codes_rows, axis=0)
    return out_td, codes_qt

# --- scband reference (transcript-rebuilt; emitter-appended) ---
"""Pipeline reference for scband-mimi-residual-vector-quantizer-54322746359968 (READ-ONLY COPY).

The authoritative reference and input builder live on the scoring server;
editing this copy changes nothing except your own understanding.
"""

import jax, jax.numpy as jnp
import numpy as np

NUM_Q = 8
INPUT_DIM = 512
CODE_DIM = 256
KSIZE = 2048
T = 8192


def setup_inputs(seed: int = 0) -> dict:
    key = jax.random.key(seed)
    k0, k1, k2, k3 = jax.random.split(key, 4)
    x_td = jax.random.normal(k0, (T, INPUT_DIM), dtype=jnp.float32)
    lim_in = 1.0 / np.sqrt(INPUT_DIM)
    Win_qcd = jax.random.uniform(k1, (NUM_Q, CODE_DIM, INPUT_DIM), minval=-lim_in, maxval=lim_in, dtype=jnp.float32)
    lim_out = 1.0 / np.sqrt(CODE_DIM)
    Wout_qdc = jax.random.uniform(k2, (NUM_Q, INPUT_DIM, CODE_DIM), minval=-lim_out, maxval=lim_out, dtype=jnp.float32)
    emb_qkc = jax.random.uniform(k3, (NUM_Q, KSIZE, CODE_DIM), minval=-1.0 / KSIZE, maxval=1.0 / KSIZE, dtype=jnp.float32)
    return {"x_td": x_td, "Win_qcd": Win_qcd, "Wout_qdc": Wout_qdc, "emb_qkc": emb_qkc}


def _quantize(xp_tc, emb_kc):
    x_sq_t = jnp.sum(xp_tc ** 2, axis=-1, keepdims=True)
    e_sq_k = jnp.sum(emb_kc ** 2, axis=-1)
    cross_tk = xp_tc @ emb_kc.T
    dist_tk = x_sq_t - 2 * cross_tk + e_sq_k
    return jnp.argmin(dist_tk, axis=-1)


def reference(x_td, Win_qcd, Wout_qdc, emb_qkc):
    # Residual VQ: encode (input_proj -> nearest codebook entry) then decode
    # (codebook gather -> output_proj), accumulating over quantizers while
    # subtracting each layer's decoded contribution from the residual.
    residual_td = x_td
    output_td = jnp.zeros_like(x_td)
    all_indices = []
    for q in range(NUM_Q):
        xp_tc = residual_td @ Win_qcd[q].T  # input_proj (no bias)
        idx_t = _quantize(xp_tc, emb_qkc[q])
        all_indices.append(idx_t)
        quant_tc = jnp.take(emb_qkc[q], idx_t, axis=0)  # codebook decode (gather)
        dec_td = quant_tc @ Wout_qdc[q].T  # output_proj (no bias)
        residual_td = residual_td - dec_td
        output_td = output_td + dec_td
    codes_qt = jnp.stack(all_indices, axis=0)
    return output_td, codes_qt

if __name__ == "__main__":
    import jax
    _d = setup_inputs()
    print(jax.jit(kernel)(*tuple(_d.values())))

</pallas_src>

<mosaic_0001>
#map = affine_map<(d0, d1) -> (0, 0)>
#map1 = affine_map<(d0, d1) -> (0)>
module attributes {stable_mosaic.version = 14 : i64} {
  func.func @gather(%arg0: i32, %arg1: i32, %arg2: memref<2048x512xf32, #tpu.memory_space<hbm>>, %arg3: memref<8192xi32, #tpu.memory_space<hbm>>, %arg4: memref<8192x512xf32, #tpu.memory_space<hbm>>, %arg5: memref<64xi32, #tpu.memory_space<vmem>>, %arg6: memref<64x512xf32, #tpu.memory_space<vmem>>, %arg7: memref<!tpu.dma_semaphore, #tpu.memory_space<semaphore_mem>>) attributes {dimension_semantics = [#tpu.dimension_semantics<core_parallel>, #tpu.dimension_semantics<subcore_parallel>], iteration_bounds = array<i64: 2, 16>, scalar_prefetch = 0 : i64, scratch_operands = 3 : i64, tpu.core_type = #tpu.core_type<sc_vector_subcore>, window_params = [{transform_indices = #map}, {transform_indices = #map1}, {transform_indices = #map}]} {
    %mul3A = arith.constant 2 : i32
    %mul3A_0 = arith.muli %arg1, %mul3A : i32
    %add3A = arith.addi %mul3A_0, %arg0 : i32
    %mul3A_1 = arith.constant 256 : i32
    %mul3A_2 = arith.muli %add3A, %mul3A_1 : i32
    %add3A_3 = arith.constant 0 : i32
    %add3A_4 = arith.addi %mul3A_2, %add3A_3 : i32
    "tpu.region"() ({
      %run_scoped3A = tpu.sem_alloc : memref<!tpu.dma_semaphore, #tpu.memory_space<semaphore_mem>>
      %dma_start3A_33 = tpu.memref_slice %arg3[%add3A_4] : memref<8192xi32, #tpu.memory_space<hbm>> -> memref<64xi32, #tpu.memory_space<hbm>>
      %dma_start3A_34 = tpu.memref_slice %arg3[%add3A_4] : memref<8192xi32, #tpu.memory_space<hbm>> -> memref<64xi32, #tpu.memory_space<hbm>>
      tpu.enqueue_dma source(%dma_start3A_34 : memref<64xi32, #tpu.memory_space<hbm>>) target(%arg5 : memref<64xi32, #tpu.memory_space<vmem>>) target_semaphore(%run_scoped3A : memref<!tpu.dma_semaphore, #tpu.memory_space<semaphore_mem>>)
      %dma_wait3A_35 = tpu.memref_slice %arg3[%add3A_4] : memref<8192xi32, #tpu.memory_space<hbm>> -> memref<64xi32, #tpu.memory_space<hbm>>
      %dma_wait3A_36 = tpu.memref_slice %arg3[%add3A_4] : memref<8192xi32, #tpu.memory_space<hbm>> -> memref<64xi32, #tpu.memory_space<hbm>>
      tpu.wait_dma2 semaphore(%run_scoped3A : memref<!tpu.dma_semaphore, #tpu.memory_space<semaphore_mem>>) src(%dma_wait3A_36 : memref<64xi32, #tpu.memory_space<hbm>>) dst(%arg5 : memref<64xi32, #tpu.memory_space<vmem>>)
      tpu.yield
    }) : () -> ()
    %dma_start3A = arith.constant 0 : i32
    %dma_start3A_5 = arith.constant 0 : i32
    %dma_start3A_6 = tpu.memref_slice %arg2[%dma_start3A, %dma_start3A_5] : memref<2048x512xf32, #tpu.memory_space<hbm>> -> memref<2048x512xf32, #tpu.memory_space<hbm>>
    tpu.enqueue_indirect_dma source(%dma_start3A_6 : memref<2048x512xf32, #tpu.memory_space<hbm>>) target(%arg6 : memref<64x512xf32, #tpu.memory_space<vmem>>) offsets(%arg5 : memref<64xi32, #tpu.memory_space<vmem>>) semaphore(%arg7 : memref<!tpu.dma_semaphore, #tpu.memory_space<semaphore_mem>>)
    %dma_wait3A = arith.constant 0 : i32
    %dma_wait3A_7 = arith.constant 0 : i32
    %dma_wait3A_8 = tpu.memref_slice %arg2[%dma_wait3A, %dma_wait3A_7] : memref<2048x512xf32, #tpu.memory_space<hbm>> -> memref<2048x512xf32, #tpu.memory_space<hbm>>
    tpu.wait_indirect_dma semaphore(%arg7 : memref<!tpu.dma_semaphore, #tpu.memory_space<semaphore_mem>>) src(%dma_wait3A_8 : memref<2048x512xf32, #tpu.memory_space<hbm>>) dst(%arg6 : memref<64x512xf32, #tpu.memory_space<vmem>>)
    "tpu.region"() ({
      %run_scoped3A = tpu.sem_alloc : memref<!tpu.dma_semaphore, #tpu.memory_space<semaphore_mem>>
      %dma_start3A_33 = arith.constant 0 : i32
      %dma_start3A_34 = tpu.memref_slice %arg4[%add3A_4, %dma_start3A_33] : memref<8192x512xf32, #tpu.memory_space<hbm>> -> memref<64x512xf32, #tpu.memory_space<hbm>>
      %dma_start3A_35 = arith.constant 0 : i32
      %dma_start3A_36 = tpu.memref_slice %arg4[%add3A_4, %dma_start3A_35] : memref<8192x512xf32, #tpu.memory_space<hbm>> -> memref<64x512xf32, #tpu.memory_space<hbm>>
      tpu.enqueue_dma source(%arg6 : memref<64x512xf32, #tpu.memory_space<vmem>>) target(%dma_start3A_36 : memref<64x512xf32, #tpu.memory_space<hbm>>) target_semaphore(%run_scoped3A : memref<!tpu.dma_semaphore, #tpu.memory_space<semaphore_mem>>)
      %dma_wait3A_37 = arith.constant 0 : i32
      %dma_wait3A_38 = tpu.memref_slice %arg4[%add3A_4, %dma_wait3A_37] : memref<8192x512xf32, #tpu.memory_space<hbm>> -> memref<64x512xf32, #tpu.memory_space<hbm>>
      %dma_wait3A_39 = arith.constant 0 : i32
      %dma_wait3A_40 = tpu.memref_slice %arg4[%add3A_4, %dma_wait3A_39] : memref<8192x512xf32, #tpu.memory_space<hbm>> -> memref<64x512xf32, #tpu.memory_space<hbm>>
      tpu.wait_dma2 semaphore(%run_scoped3A : memref<!tpu.dma_semaphore, #tpu.memory_space<semaphore_mem>>) src(%arg6 : memref<64x512xf32, #tpu.memory_space<vmem>>) dst(%dma_wait3A_40 : memref<64x512xf32, #tpu.memory_space<hbm>>)
      tpu.yield
    }) : () -> ()
    %add3A_9 = arith.constant 64 : i32
    %add3A_10 = arith.addi %mul3A_2, %add3A_9 : i32
    "tpu.region"() ({
      %run_scoped3A = tpu.sem_alloc : memref<!tpu.dma_semaphore, #tpu.memory_space<semaphore_mem>>
      %dma_start3A_33 = tpu.memref_slice %arg3[%add3A_10] : memref<8192xi32, #tpu.memory_space<hbm>> -> memref<64xi32, #tpu.memory_space<hbm>>
      %dma_start3A_34 = tpu.memref_slice %arg3[%add3A_10] : memref<8192xi32, #tpu.memory_space<hbm>> -> memref<64xi32, #tpu.memory_space<hbm>>
      tpu.enqueue_dma source(%dma_start3A_34 : memref<64xi32, #tpu.memory_space<hbm>>) target(%arg5 : memref<64xi32, #tpu.memory_space<vmem>>) target_semaphore(%run_scoped3A : memref<!tpu.dma_semaphore, #tpu.memory_space<semaphore_mem>>)
      %dma_wait3A_35 = tpu.memref_slice %arg3[%add3A_10] : memref<8192xi32, #tpu.memory_space<hbm>> -> memref<64xi32, #tpu.memory_space<hbm>>
      %dma_wait3A_36 = tpu.memref_slice %arg3[%add3A_10] : memref<8192xi32, #tpu.memory_space<hbm>> -> memref<64xi32, #tpu.memory_space<hbm>>
      tpu.wait_dma2 semaphore(%run_scoped3A : memref<!tpu.dma_semaphore, #tpu.memory_space<semaphore_mem>>) src(%dma_wait3A_36 : memref<64xi32, #tpu.memory_space<hbm>>) dst(%arg5 : memref<64xi32, #tpu.memory_space<vmem>>)
      tpu.yield
    }) : () -> ()
    %dma_start3A_11 = arith.constant 0 : i32
    %dma_start3A_12 = arith.constant 0 : i32
    %dma_start3A_13 = tpu.memref_slice %arg2[%dma_start3A_11, %dma_start3A_12] : memref<2048x512xf32, #tpu.memory_space<hbm>> -> memref<2048x512xf32, #tpu.memory_space<hbm>>
    tpu.enqueue_indirect_dma source(%dma_start3A_13 : memref<2048x512xf32, #tpu.memory_space<hbm>>) target(%arg6 : memref<64x512xf32, #tpu.memory_space<vmem>>) offsets(%arg5 : memref<64xi32, #tpu.memory_space<vmem>>) semaphore(%arg7 : memref<!tpu.dma_semaphore, #tpu.memory_space<semaphore_mem>>)
    %dma_wait3A_14 = arith.constant 0 : i32
    %dma_wait3A_15 = arith.constant 0 : i32
    %dma_wait3A_16 = tpu.memref_slice %arg2[%dma_wait3A_14, %dma_wait3A_15] : memref<2048x512xf32, #tpu.memory_space<hbm>> -> memref<2048x512xf32, #tpu.memory_space<hbm>>
    tpu.wait_indirect_dma semaphore(%arg7 : memref<!tpu.dma_semaphore, #tpu.memory_space<semaphore_mem>>) src(%dma_wait3A_16 : memref<2048x512xf32, #tpu.memory_space<hbm>>) dst(%arg6 : memref<64x512xf32, #tpu.memory_space<vmem>>)
    "tpu.region"() ({
      %run_scoped3A = tpu.sem_alloc : memref<!tpu.dma_semaphore, #tpu.memory_space<semaphore_mem>>
      %dma_start3A_33 = arith.constant 0 : i32
      %dma_start3A_34 = tpu.memref_slice %arg4[%add3A_10, %dma_start3A_33] : memref<8192x512xf32, #tpu.memory_space<hbm>> -> memref<64x512xf32, #tpu.memory_space<hbm>>
      %dma_start3A_35 = arith.constant 0 : i32
      %dma_start3A_36 = tpu.memref_slice %arg4[%add3A_10, %dma_start3A_35] : memref<8192x512xf32, #tpu.memory_space<hbm>> -> memref<64x512xf32, #tpu.memory_space<hbm>>
      tpu.enqueue_dma source(%arg6 : memref<64x512xf32, #tpu.memory_space<vmem>>) target(%dma_start3A_36 : memref<64x512xf32, #tpu.memory_space<hbm>>) target_semaphore(%run_scoped3A : memref<!tpu.dma_semaphore, #tpu.memory_space<semaphore_mem>>)
      %dma_wait3A_37 = arith.constant 0 : i32
      %dma_wait3A_38 = tpu.memref_slice %arg4[%add3A_10, %dma_wait3A_37] : memref<8192x512xf32, #tpu.memory_space<hbm>> -> memref<64x512xf32, #tpu.memory_space<hbm>>
      %dma_wait3A_39 = arith.constant 0 : i32
      %dma_wait3A_40 = tpu.memref_slice %arg4[%add3A_10, %dma_wait3A_39] : memref<8192x512xf32, #tpu.memory_space<hbm>> -> memref<64x512xf32, #tpu.memory_space<hbm>>
      tpu.wait_dma2 semaphore(%run_scoped3A : memref<!tpu.dma_semaphore, #tpu.memory_space<semaphore_mem>>) src(%arg6 : memref<64x512xf32, #tpu.memory_space<vmem>>) dst(%dma_wait3A_40 : memref<64x512xf32, #tpu.memory_space<hbm>>)
      tpu.yield
    }) : () -> ()
    %add3A_17 = arith.constant 128 : i32
    %add3A_18 = arith.addi %mul3A_2, %add3A_17 : i32
    "tpu.region"() ({
      %run_scoped3A = tpu.sem_alloc : memref<!tpu.dma_semaphore, #tpu.memory_space<semaphore_mem>>
      %dma_start3A_33 = tpu.memref_slice %arg3[%add3A_18] : memref<8192xi32, #tpu.memory_space<hbm>> -> memref<64xi32, #tpu.memory_space<hbm>>
      %dma_start3A_34 = tpu.memref_slice %arg3[%add3A_18] : memref<8192xi32, #tpu.memory_space<hbm>> -> memref<64xi32, #tpu.memory_space<hbm>>
      tpu.enqueue_dma source(%dma_start3A_34 : memref<64xi32, #tpu.memory_space<hbm>>) target(%arg5 : memref<64xi32, #tpu.memory_space<vmem>>) target_semaphore(%run_scoped3A : memref<!tpu.dma_semaphore, #tpu.memory_space<semaphore_mem>>)
      %dma_wait3A_35 = tpu.memref_slice %arg3[%add3A_18] : memref<8192xi32, #tpu.memory_space<hbm>> -> memref<64xi32, #tpu.memory_space<hbm>>
      %dma_wait3A_36 = tpu.memref_slice %arg3[%add3A_18] : memref<8192xi32, #tpu.memory_space<hbm>> -> memref<64xi32, #tpu.memory_space<hbm>>
      tpu.wait_dma2 semaphore(%run_scoped3A : memref<!tpu.dma_semaphore, #tpu.memory_space<semaphore_mem>>) src(%dma_wait3A_36 : memref<64xi32, #tpu.memory_space<hbm>>) dst(%arg5 : memref<64xi32, #tpu.memory_space<vmem>>)
      tpu.yield
    }) : () -> ()
    %dma_start3A_19 = arith.constant 0 : i32
    %dma_start3A_20 = arith.constant 0 : i32
    %dma_start3A_21 = tpu.memref_slice %arg2[%dma_start3A_19, %dma_start3A_20] : memref<2048x512xf32, #tpu.memory_space<hbm>> -> memref<2048x512xf32, #tpu.memory_space<hbm>>
    tpu.enqueue_indirect_dma source(%dma_start3A_21 : memref<2048x512xf32, #tpu.memory_space<hbm>>) target(%arg6 : memref<64x512xf32, #tpu.memory_space<vmem>>) offsets(%arg5 : memref<64xi32, #tpu.memory_space<vmem>>) semaphore(%arg7 : memref<!tpu.dma_semaphore, #tpu.memory_space<semaphore_mem>>)
    %dma_wait3A_22 = arith.constant 0 : i32
    %dma_wait3A_23 = arith.constant 0 : i32
    %dma_wait3A_24 = tpu.memref_slice %arg2[%dma_wait3A_22, %dma_wait3A_23] : memref<2048x512xf32, #tpu.memory_space<hbm>> -> memref<2048x512xf32, #tpu.memory_space<hbm>>
    tpu.wait_indirect_dma semaphore(%arg7 : memref<!tpu.dma_semaphore, #tpu.memory_space<semaphore_mem>>) src(%dma_wait3A_24 : memref<2048x512xf32, #tpu.memory_space<hbm>>) dst(%arg6 : memref<64x512xf32, #tpu.memory_space<vmem>>)
    "tpu.region"() ({
      %run_scoped3A = tpu.sem_alloc : memref<!tpu.dma_semaphore, #tpu.memory_space<semaphore_mem>>
      %dma_start3A_33 = arith.constant 0 : i32
      %dma_start3A_34 = tpu.memref_slice %arg4[%add3A_18, %dma_start3A_33] : memref<8192x512xf32, #tpu.memory_space<hbm>> -> memref<64x512xf32, #tpu.memory_space<hbm>>
      %dma_start3A_35 = arith.constant 0 : i32
      %dma_start3A_36 = tpu.memref_slice %arg4[%add3A_18, %dma_start3A_35] : memref<8192x512xf32, #tpu.memory_space<hbm>> -> memref<64x512xf32, #tpu.memory_space<hbm>>
      tpu.enqueue_dma source(%arg6 : memref<64x512xf32, #tpu.memory_space<vmem>>) target(%dma_start3A_36 : memref<64x512xf32, #tpu.memory_space<hbm>>) target_semaphore(%run_scoped3A : memref<!tpu.dma_semaphore, #tpu.memory_space<semaphore_mem>>)
      %dma_wait3A_37 = arith.constant 0 : i32
      %dma_wait3A_38 = tpu.memref_slice %arg4[%add3A_18, %dma_wait3A_37] : memref<8192x512xf32, #tpu.memory_space<hbm>> -> memref<64x512xf32, #tpu.memory_space<hbm>>
      %dma_wait3A_39 = arith.constant 0 : i32
      %dma_wait3A_40 = tpu.memref_slice %arg4[%add3A_18, %dma_wait3A_39] : memref<8192x512xf32, #tpu.memory_space<hbm>> -> memref<64x512xf32, #tpu.memory_space<hbm>>
      tpu.wait_dma2 semaphore(%run_scoped3A : memref<!tpu.dma_semaphore, #tpu.memory_space<semaphore_mem>>) src(%arg6 : memref<64x512xf32, #tpu.memory_space<vmem>>) dst(%dma_wait3A_40 : memref<64x512xf32, #tpu.memory_space<hbm>>)
      tpu.yield
    }) : () -> ()
    %add3A_25 = arith.constant 192 : i32
    %add3A_26 = arith.addi %mul3A_2, %add3A_25 : i32
    "tpu.region"() ({
      %run_scoped3A = tpu.sem_alloc : memref<!tpu.dma_semaphore, #tpu.memory_space<semaphore_mem>>
      %dma_start3A_33 = tpu.memref_slice %arg3[%add3A_26] : memref<8192xi32, #tpu.memory_space<hbm>> -> memref<64xi32, #tpu.memory_space<hbm>>
      %dma_start3A_34 = tpu.memref_slice %arg3[%add3A_26] : memref<8192xi32, #tpu.memory_space<hbm>> -> memref<64xi32, #tpu.memory_space<hbm>>
      tpu.enqueue_dma source(%dma_start3A_34 : memref<64xi32, #tpu.memory_space<hbm>>) target(%arg5 : memref<64xi32, #tpu.memory_space<vmem>>) target_semaphore(%run_scoped3A : memref<!tpu.dma_semaphore, #tpu.memory_space<semaphore_mem>>)
      %dma_wait3A_35 = tpu.memref_slice %arg3[%add3A_26] : memref<8192xi32, #tpu.memory_space<hbm>> -> memref<64xi32, #tpu.memory_space<hbm>>
      %dma_wait3A_36 = tpu.memref_slice %arg3[%add3A_26] : memref<8192xi32, #tpu.memory_space<hbm>> -> memref<64xi32, #tpu.memory_space<hbm>>
      tpu.wait_dma2 semaphore(%run_scoped3A : memref<!tpu.dma_semaphore, #tpu.memory_space<semaphore_mem>>) src(%dma_wait3A_36 : memref<64xi32, #tpu.memory_space<hbm>>) dst(%arg5 : memref<64xi32, #tpu.memory_space<vmem>>)
      tpu.yield
    }) : () -> ()
    %dma_start3A_27 = arith.constant 0 : i32
    %dma_start3A_28 = arith.constant 0 : i32
    %dma_start3A_29 = tpu.memref_slice %arg2[%dma_start3A_27, %dma_start3A_28] : memref<2048x512xf32, #tpu.memory_space<hbm>> -> memref<2048x512xf32, #tpu.memory_space<hbm>>
    tpu.enqueue_indirect_dma source(%dma_start3A_29 : memref<2048x512xf32, #tpu.memory_space<hbm>>) target(%arg6 : memref<64x512xf32, #tpu.memory_space<vmem>>) offsets(%arg5 : memref<64xi32, #tpu.memory_space<vmem>>) semaphore(%arg7 : memref<!tpu.dma_semaphore, #tpu.memory_space<semaphore_mem>>)
    %dma_wait3A_30 = arith.constant 0 : i32
    %dma_wait3A_31 = arith.constant 0 : i32
    %dma_wait3A_32 = tpu.memref_slice %arg2[%dma_wait3A_30, %dma_wait3A_31] : memref<2048x512xf32, #tpu.memory_space<hbm>> -> memref<2048x512xf32, #tpu.memory_space<hbm>>
    tpu.wait_indirect_dma semaphore(%arg7 : memref<!tpu.dma_semaphore, #tpu.memory_space<semaphore_mem>>) src(%dma_wait3A_32 : memref<2048x512xf32, #tpu.memory_space<hbm>>) dst(%arg6 : memref<64x512xf32, #tpu.memory_space<vmem>>)
    "tpu.region"() ({
      %run_scoped3A = tpu.sem_alloc : memref<!tpu.dma_semaphore, #tpu.memory_space<semaphore_mem>>
      %dma_start3A_33 = arith.constant 0 : i32
      %dma_start3A_34 = tpu.memref_slice %arg4[%add3A_26, %dma_start3A_33] : memref<8192x512xf32, #tpu.memory_space<hbm>> -> memref<64x512xf32, #tpu.memory_space<hbm>>
      %dma_start3A_35 = arith.constant 0 : i32
      %dma_start3A_36 = tpu.memref_slice %arg4[%add3A_26, %dma_start3A_35] : memref<8192x512xf32, #tpu.memory_space<hbm>> -> memref<64x512xf32, #tpu.memory_space<hbm>>
      tpu.enqueue_dma source(%arg6 : memref<64x512xf32, #tpu.memory_space<vmem>>) target(%dma_start3A_36 : memref<64x512xf32, #tpu.memory_space<hbm>>) target_semaphore(%run_scoped3A : memref<!tpu.dma_semaphore, #tpu.memory_space<semaphore_mem>>)
      %dma_wait3A_37 = arith.constant 0 : i32
      %dma_wait3A_38 = tpu.memref_slice %arg4[%add3A_26, %dma_wait3A_37] : memref<8192x512xf32, #tpu.memory_space<hbm>> -> memref<64x512xf32, #tpu.memory_space<hbm>>
      %dma_wait3A_39 = arith.constant 0 : i32
      %dma_wait3A_40 = tpu.memref_slice %arg4[%add3A_26, %dma_wait3A_39] : memref<8192x512xf32, #tpu.memory_space<hbm>> -> memref<64x512xf32, #tpu.memory_space<hbm>>
      tpu.wait_dma2 semaphore(%run_scoped3A : memref<!tpu.dma_semaphore, #tpu.memory_space<semaphore_mem>>) src(%arg6 : memref<64x512xf32, #tpu.memory_space<vmem>>) dst(%dma_wait3A_40 : memref<64x512xf32, #tpu.memory_space<hbm>>)
      tpu.yield
    }) : () -> ()
    return
  }
}

#map = affine_map<(d0, d1) -> (0, 0)>
#map1 = affine_map<(d0, d1) -> (0)>
module attributes {stable_mosaic.version = 14 : i64} {
  func.func @gather(%arg0: i32, %arg1: i32, %arg2: memref<2048x512xf32, #tpu.memory_space<hbm>>, %arg3: memref<8192xi32, #tpu.memory_space<hbm>>, %arg4: memref<8192x512xf32, #tpu.memory_space<hbm>>, %arg5: memref<64xi32, #tpu.memory_space<vmem>>, %arg6: memref<64x512xf32, #tpu.memory_space<vmem>>, %arg7: memref<!tpu.dma_semaphore, #tpu.memory_space<semaphore_mem>>) attributes {dimension_semantics = [#tpu.dimension_semantics<core_parallel>, #tpu.dimension_semantics<subcore_parallel>], iteration_bounds = array<i64: 2, 16>, scalar_prefetch = 0 : i64, scratch_operands = 3 : i64, tpu.core_type = #tpu.core_type<sc_vector_subcore>, window_params = [{transform_indices = #map}, {transform_indices = #map1}, {transform_indices = #map}]} {
    %mul3A = arith.constant 2 : i32
    %mul3A_0 = arith.muli %arg1, %mul3A : i32
    %add3A = arith.addi %mul3A_0, %arg0 : i32
    %mul3A_1 = arith.constant 256 : i32
    %mul3A_2 = arith.muli %add3A, %mul3A_1 : i32
    %add3A_3 = arith.constant 0 : i32
    %add3A_4 = arith.addi %mul3A_2, %add3A_3 : i32
    "tpu.region"() ({
      %run_scoped3A = tpu.sem_alloc : memref<!tpu.dma_semaphore, #tpu.memory_space<semaphore_mem>>
      %dma_start3A_33 = tpu.memref_slice %arg3[%add3A_4] : memref<8192xi32, #tpu.memory_space<hbm>> -> memref<64xi32, #tpu.memory_space<hbm>>
      %dma_start3A_34 = tpu.memref_slice %arg3[%add3A_4] : memref<8192xi32, #tpu.memory_space<hbm>> -> memref<64xi32, #tpu.memory_space<hbm>>
      tpu.enqueue_dma source(%dma_start3A_34 : memref<64xi32, #tpu.memory_space<hbm>>) target(%arg5 : memref<64xi32, #tpu.memory_space<vmem>>) target_semaphore(%run_scoped3A : memref<!tpu.dma_semaphore, #tpu.memory_space<semaphore_mem>>)
      %dma_wait3A_35 = tpu.memref_slice %arg3[%add3A_4] : memref<8192xi32, #tpu.memory_space<hbm>> -> memref<64xi32, #tpu.memory_space<hbm>>
      %dma_wait3A_36 = tpu.memref_slice %arg3[%add3A_4] : memref<8192xi32, #tpu.memory_space<hbm>> -> memref<64xi32, #tpu.memory_space<hbm>>
      tpu.wait_dma2 semaphore(%run_scoped3A : memref<!tpu.dma_semaphore, #tpu.memory_space<semaphore_mem>>) src(%dma_wait3A_36 : memref<64xi32, #tpu.memory_space<hbm>>) dst(%arg5 : memref<64xi32, #tpu.memory_space<vmem>>)
      tpu.yield
    }) : () -> ()
    %dma_start3A = arith.constant 0 : i32
    %dma_start3A_5 = arith.constant 0 : i32
    %dma_start3A_6 = tpu.memref_slice %arg2[%dma_start3A, %dma_start3A_5] : memref<2048x512xf32, #tpu.memory_space<hbm>> -> memref<2048x512xf32, #tpu.memory_space<hbm>>
    tpu.enqueue_indirect_dma source(%dma_start3A_6 : memref<2048x512xf32, #tpu.memory_space<hbm>>) target(%arg6 : memref<64x512xf32, #tpu.memory_space<vmem>>) offsets(%arg5 : memref<64xi32, #tpu.memory_space<vmem>>) semaphore(%arg7 : memref<!tpu.dma_semaphore, #tpu.memory_space<semaphore_mem>>)
    %dma_wait3A = arith.constant 0 : i32
    %dma_wait3A_7 = arith.constant 0 : i32
    %dma_wait3A_8 = tpu.memref_slice %arg2[%dma_wait3A, %dma_wait3A_7] : memref<2048x512xf32, #tpu.memory_space<hbm>> -> memref<2048x512xf32, #tpu.memory_space<hbm>>
    tpu.wait_indirect_dma semaphore(%arg7 : memref<!tpu.dma_semaphore, #tpu.memory_space<semaphore_mem>>) src(%dma_wait3A_8 : memref<2048x512xf32, #tpu.memory_space<hbm>>) dst(%arg6 : memref<64x512xf32, #tpu.memory_space<vmem>>)
    "tpu.region"() ({
      %run_scoped3A = tpu.sem_alloc : memref<!tpu.dma_semaphore, #tpu.memory_space<semaphore_mem>>
      %dma_start3A_33 = arith.constant 0 : i32
      %dma_start3A_34 = tpu.memref_slice %arg4[%add3A_4, %dma_start3A_33] : memref<8192x512xf32, #tpu.memory_space<hbm>> -> memref<64x512xf32, #tpu.memory_space<hbm>>
      %dma_start3A_35 = arith.constant 0 : i32
      %dma_start3A_36 = tpu.memref_slice %arg4[%add3A_4, %dma_start3A_35] : memref<8192x512xf32, #tpu.memory_space<hbm>> -> memref<64x512xf32, #tpu.memory_space<hbm>>
      tpu.enqueue_dma source(%arg6 : memref<64x512xf32, #tpu.memory_space<vmem>>) target(%dma_start3A_36 : memref<64x512xf32, #tpu.memory_space<hbm>>) target_semaphore(%run_scoped3A : memref<!tpu.dma_semaphore, #tpu.memory_space<semaphore_mem>>)
      %dma_wait3A_37 = arith.constant 0 : i32
      %dma_wait3A_38 = tpu.memref_slice %arg4[%add3A_4, %dma_wait3A_37] : memref<8192x512xf32, #tpu.memory_space<hbm>> -> memref<64x512xf32, #tpu.memory_space<hbm>>
      %dma_wait3A_39 = arith.constant 0 : i32
      %dma_wait3A_40 = tpu.memref_slice %arg4[%add3A_4, %dma_wait3A_39] : memref<8192x512xf32, #tpu.memory_space<hbm>> -> memref<64x512xf32, #tpu.memory_space<hbm>>
      tpu.wait_dma2 semaphore(%run_scoped3A : memref<!tpu.dma_semaphore, #tpu.memory_space<semaphore_mem>>) src(%arg6 : memref<64x512xf32, #tpu.memory_space<vmem>>) dst(%dma_wait3A_40 : memref<64x512xf32, #tpu.memory_space<hbm>>)
      tpu.yield
    }) : () -> ()
    %add3A_9 = arith.constant 64 : i32
    %add3A_10 = arith.addi %mul3A_2, %add3A_9 : i32
    "tpu.region"() ({
      %run_scoped3A = tpu.sem_alloc : memref<!tpu.dma_semaphore, #tpu.memory_space<semaphore_mem>>
      %dma_start3A_33 = tpu.memref_slice %arg3[%add3A_10] : memref<8192xi32, #tpu.memory_space<hbm>> -> memref<64xi32, #tpu.memory_space<hbm>>
      %dma_start3A_34 = tpu.memref_slice %arg3[%add3A_10] : memref<8192xi32, #tpu.memory_space<hbm>> -> memref<64xi32, #tpu.memory_space<hbm>>
      tpu.enqueue_dma source(%dma_start3A_34 : memref<64xi32, #tpu.memory_space<hbm>>) target(%arg5 : memref<64xi32, #tpu.memory_space<vmem>>) target_semaphore(%run_scoped3A : memref<!tpu.dma_semaphore, #tpu.memory_space<semaphore_mem>>)
      %dma_wait3A_35 = tpu.memref_slice %arg3[%add3A_10] : memref<8192xi32, #tpu.memory_space<hbm>> -> memref<64xi32, #tpu.memory_space<hbm>>
      %dma_wait3A_36 = tpu.memref_slice %arg3[%add3A_10] : memref<8192xi32, #tpu.memory_space<hbm>> -> memref<64xi32, #tpu.memory_space<hbm>>
      tpu.wait_dma2 semaphore(%run_scoped3A : memref<!tpu.dma_semaphore, #tpu.memory_space<semaphore_mem>>) src(%dma_wait3A_36 : memref<64xi32, #tpu.memory_space<hbm>>) dst(%arg5 : memref<64xi32, #tpu.memory_space<vmem>>)
      tpu.yield
    }) : () -> ()
    %dma_start3A_11 = arith.constant 0 : i32
    %dma_start3A_12 = arith.constant 0 : i32
    %dma_start3A_13 = tpu.memref_slice %arg2[%dma_start3A_11, %dma_start3A_12] : memref<2048x512xf32, #tpu.memory_space<hbm>> -> memref<2048x512xf32, #tpu.memory_space<hbm>>
    tpu.enqueue_indirect_dma source(%dma_start3A_13 : memref<2048x512xf32, #tpu.memory_space<hbm>>) target(%arg6 : memref<64x512xf32, #tpu.memory_space<vmem>>) offsets(%arg5 : memref<64xi32, #tpu.memory_space<vmem>>) semaphore(%arg7 : memref<!tpu.dma_semaphore, #tpu.memory_space<semaphore_mem>>)
    %dma_wait3A_14 = arith.constant 0 : i32
    %dma_wait3A_15 = arith.constant 0 : i32
    %dma_wait3A_16 = tpu.memref_slice %arg2[%dma_wait3A_14, %dma_wait3A_15] : memref<2048x512xf32, #tpu.memory_space<hbm>> -> memref<2048x512xf32, #tpu.memory_space<hbm>>
    tpu.wait_indirect_dma semaphore(%arg7 : memref<!tpu.dma_semaphore, #tpu.memory_space<semaphore_mem>>) src(%dma_wait3A_16 : memref<2048x512xf32, #tpu.memory_space<hbm>>) dst(%arg6 : memref<64x512xf32, #tpu.memory_space<vmem>>)
    "tpu.region"() ({
      %run_scoped3A = tpu.sem_alloc : memref<!tpu.dma_semaphore, #tpu.memory_space<semaphore_mem>>
      %dma_start3A_33 = arith.constant 0 : i32
      %dma_start3A_34 = tpu.memref_slice %arg4[%add3A_10, %dma_start3A_33] : memref<8192x512xf32, #tpu.memory_space<hbm>> -> memref<64x512xf32, #tpu.memory_space<hbm>>
      %dma_start3A_35 = arith.constant 0 : i32
      %dma_start3A_36 = tpu.memref_slice %arg4[%add3A_10, %dma_start3A_35] : memref<8192x512xf32, #tpu.memory_space<hbm>> -> memref<64x512xf32, #tpu.memory_space<hbm>>
      tpu.enqueue_dma source(%arg6 : memref<64x512xf32, #tpu.memory_space<vmem>>) target(%dma_start3A_36 : memref<64x512xf32, #tpu.memory_space<hbm>>) target_semaphore(%run_scoped3A : memref<!tpu.dma_semaphore, #tpu.memory_space<semaphore_mem>>)
      %dma_wait3A_37 = arith.constant 0 : i32
      %dma_wait3A_38 = tpu.memref_slice %arg4[%add3A_10, %dma_wait3A_37] : memref<8192x512xf32, #tpu.memory_space<hbm>> -> memref<64x512xf32, #tpu.memory_space<hbm>>
      %dma_wait3A_39 = arith.constant 0 : i32
      %dma_wait3A_40 = tpu.memref_slice %arg4[%add3A_10, %dma_wait3A_39] : memref<8192x512xf32, #tpu.memory_space<hbm>> -> memref<64x512xf32, #tpu.memory_space<hbm>>
      tpu.wait_dma2 semaphore(%run_scoped3A : memref<!tpu.dma_semaphore, #tpu.memory_space<semaphore_mem>>) src(%arg6 : memref<64x512xf32, #tpu.memory_space<vmem>>) dst(%dma_wait3A_40 : memref<64x512xf32, #tpu.memory_space<hbm>>)
      tpu.yield
    }) : () -> ()
    %add3A_17 = arith.constant 128 : i32
    %add3A_18 = arith.addi %mul3A_2, %add3A_17 : i32
    "tpu.region"() ({
      %run_scoped3A = tpu.sem_alloc : memref<!tpu.dma_semaphore, #tpu.memory_space<semaphore_mem>>
      %dma_start3A_33 = tpu.memref_slice %arg3[%add3A_18] : memref<8192xi32, #tpu.memory_space<hbm>> -> memref<64xi32, #tpu.memory_space<hbm>>
      %dma_start3A_34 = tpu.memref_slice %arg3[%add3A_18] : memref<8192xi32, #tpu.memory_space<hbm>> -> memref<64xi32, #tpu.memory_space<hbm>>
      tpu.enqueue_dma source(%dma_start3A_34 : memref<64xi32, #tpu.memory_space<hbm>>) target(%arg5 : memref<64xi32, #tpu.memory_space<vmem>>) target_semaphore(%run_scoped3A : memref<!tpu.dma_semaphore, #tpu.memory_space<semaphore_mem>>)
      %dma_wait3A_35 = tpu.memref_slice %arg3[%add3A_18] : memref<8192xi32, #tpu.memory_space<hbm>> -> memref<64xi32, #tpu.memory_space<hbm>>
      %dma_wait3A_36 = tpu.memref_slice %arg3[%add3A_18] : memref<8192xi32, #tpu.memory_space<hbm>> -> memref<64xi32, #tpu.memory_space<hbm>>
      tpu.wait_dma2 semaphore(%run_scoped3A : memref<!tpu.dma_semaphore, #tpu.memory_space<semaphore_mem>>) src(%dma_wait3A_36 : memref<64xi32, #tpu.memory_space<hbm>>) dst(%arg5 : memref<64xi32, #tpu.memory_space<vmem>>)
      tpu.yield
    }) : () -> ()
    %dma_start3A_19 = arith.constant 0 : i32
    %dma_start3A_20 = arith.constant 0 : i32
    %dma_start3A_21 = tpu.memref_slice %arg2[%dma_start3A_19, %dma_start3A_20] : memref<2048x512xf32, #tpu.memory_space<hbm>> -> memref<2048x512xf32, #tpu.memory_space<hbm>>
    tpu.enqueue_indirect_dma source(%dma_start3A_21 : memref<2048x512xf32, #tpu.memory_space<hbm>>) target(%arg6 : memref<64x512xf32, #tpu.memory_space<vmem>>) offsets(%arg5 : memref<64xi32, #tpu.memory_space<vmem>>) semaphore(%arg7 : memref<!tpu.dma_semaphore, #tpu.memory_space<semaphore_mem>>)
    %dma_wait3A_22 = arith.constant 0 : i32
    %dma_wait3A_23 = arith.constant 0 : i32
    %dma_wait3A_24 = tpu.memref_slice %arg2[%dma_wait3A_22, %dma_wait3A_23] : memref<2048x512xf32, #tpu.memory_space<hbm>> -> memref<2048x512xf32, #tpu.memory_space<hbm>>
    tpu.wait_indirect_dma semaphore(%arg7 : memref<!tpu.dma_semaphore, #tpu.memory_space<semaphore_mem>>) src(%dma_wait3A_24 : memref<2048x512xf32, #tpu.memory_space<hbm>>) dst(%arg6 : memref<64x512xf32, #tpu.memory_space<vmem>>)
    "tpu.region"() ({
      %run_scoped3A = tpu.sem_alloc : memref<!tpu.dma_semaphore, #tpu.memory_space<semaphore_mem>>
      %dma_start3A_33 = arith.constant 0 : i32
      %dma_start3A_34 = tpu.memref_slice %arg4[%add3A_18, %dma_start3A_33] : memref<8192x512xf32, #tpu.memory_space<hbm>> -> memref<64x512xf32, #tpu.memory_space<hbm>>
      %dma_start3A_35 = arith.constant 0 : i32
      %dma_start3A_36 = tpu.memref_slice %arg4[%add3A_18, %dma_start3A_35] : memref<8192x512xf32, #tpu.memory_space<hbm>> -> memref<64x512xf32, #tpu.memory_space<hbm>>
      tpu.enqueue_dma source(%arg6 : memref<64x512xf32, #tpu.memory_space<vmem>>) target(%dma_start3A_36 : memref<64x512xf32, #tpu.memory_space<hbm>>) target_semaphore(%run_scoped3A : memref<!tpu.dma_semaphore, #tpu.memory_space<semaphore_mem>>)
      %dma_wait3A_37 = arith.constant 0 : i32
      %dma_wait3A_38 = tpu.memref_slice %arg4[%add3A_18, %dma_wait3A_37] : memref<8192x512xf32, #tpu.memory_space<hbm>> -> memref<64x512xf32, #tpu.memory_space<hbm>>
      %dma_wait3A_39 = arith.constant 0 : i32
      %dma_wait3A_40 = tpu.memref_slice %arg4[%add3A_18, %dma_wait3A_39] : memref<8192x512xf32, #tpu.memory_space<hbm>> -> memref<64x512xf32, #tpu.memory_space<hbm>>
      tpu.wait_dma2 semaphore(%run_scoped3A : memref<!tpu.dma_semaphore, #tpu.memory_space<semaphore_mem>>) src(%arg6 : memref<64x512xf32, #tpu.memory_space<vmem>>) dst(%dma_wait3A_40 : memref<64x512xf32, #tpu.memory_space<hbm>>)
      tpu.yield
    }) : () -> ()
    %add3A_25 = arith.constant 192 : i32
    %add3A_26 = arith.addi %mul3A_2, %add3A_25 : i32
    "tpu.region"() ({
      %run_scoped3A = tpu.sem_alloc : memref<!tpu.dma_semaphore, #tpu.memory_space<semaphore_mem>>
      %dma_start3A_33 = tpu.memref_slice %arg3[%add3A_26] : memref<8192xi32, #tpu.memory_space<hbm>> -> memref<64xi32, #tpu.memory_space<hbm>>
      %dma_start3A_34 = tpu.memref_slice %arg3[%add3A_26] : memref<8192xi32, #tpu.memory_space<hbm>> -> memref<64xi32, #tpu.memory_space<hbm>>
      tpu.enqueue_dma source(%dma_start3A_34 : memref<64xi32, #tpu.memory_space<hbm>>) target(%arg5 : memref<64xi32, #tpu.memory_space<vmem>>) target_semaphore(%run_scoped3A : memref<!tpu.dma_semaphore, #tpu.memory_space<semaphore_mem>>)
      %dma_wait3A_35 = tpu.memref_slice %arg3[%add3A_26] : memref<8192xi32, #tpu.memory_space<hbm>> -> memref<64xi32, #tpu.memory_space<hbm>>
      %dma_wait3A_36 = tpu.memref_slice %arg3[%add3A_26] : memref<8192xi32, #tpu.memory_space<hbm>> -> memref<64xi32, #tpu.memory_space<hbm>>
      tpu.wait_dma2 semaphore(%run_scoped3A : memref<!tpu.dma_semaphore, #tpu.memory_space<semaphore_mem>>) src(%dma_wait3A_36 : memref<64xi32, #tpu.memory_space<hbm>>) dst(%arg5 : memref<64xi32, #tpu.memory_space<vmem>>)
      tpu.yield
    }) : () -> ()
    %dma_start3A_27 = arith.constant 0 : i32
    %dma_start3A_28 = arith.constant 0 : i32
    %dma_start3A_29 = tpu.memref_slice %arg2[%dma_start3A_27, %dma_start3A_28] : memref<2048x512xf32, #tpu.memory_space<hbm>> -> memref<2048x512xf32, #tpu.memory_space<hbm>>
    tpu.enqueue_indirect_dma source(%dma_start3A_29 : memref<2048x512xf32, #tpu.memory_space<hbm>>) target(%arg6 : memref<64x512xf32, #tpu.memory_space<vmem>>) offsets(%arg5 : memref<64xi32, #tpu.memory_space<vmem>>) semaphore(%arg7 : memref<!tpu.dma_semaphore, #tpu.memory_space<semaphore_mem>>)
    %dma_wait3A_30 = arith.constant 0 : i32
    %dma_wait3A_31 = arith.constant 0 : i32
    %dma_wait3A_32 = tpu.memref_slice %arg2[%dma_wait3A_30, %dma_wait3A_31] : memref<2048x512xf32, #tpu.memory_space<hbm>> -> memref<2048x512xf32, #tpu.memory_space<hbm>>
    tpu.wait_indirect_dma semaphore(%arg7 : memref<!tpu.dma_semaphore, #tpu.memory_space<semaphore_mem>>) src(%dma_wait3A_32 : memref<2048x512xf32, #tpu.memory_space<hbm>>) dst(%arg6 : memref<64x512xf32, #tpu.memory_space<vmem>>)
    "tpu.region"() ({
      %run_scoped3A = tpu.sem_alloc : memref<!tpu.dma_semaphore, #tpu.memory_space<semaphore_mem>>
      %dma_start3A_33 = arith.constant 0 : i32
      %dma_start3A_34 = tpu.memref_slice %arg4[%add3A_26, %dma_start3A_33] : memref<8192x512xf32, #tpu.memory_space<hbm>> -> memref<64x512xf32, #tpu.memory_space<hbm>>
      %dma_start3A_35 = arith.constant 0 : i32
      %dma_start3A_36 = tpu.memref_slice %arg4[%add3A_26, %dma_start3A_35] : memref<8192x512xf32, #tpu.memory_space<hbm>> -> memref<64x512xf32, #tpu.memory_space<hbm>>
      tpu.enqueue_dma source(%arg6 : memref<64x512xf32, #tpu.memory_space<vmem>>) target(%dma_start3A_36 : memref<64x512xf32, #tpu.memory_space<hbm>>) target_semaphore(%run_scoped3A : memref<!tpu.dma_semaphore, #tpu.memory_space<semaphore_mem>>)
      %dma_wait3A_37 = arith.constant 0 : i32
      %dma_wait3A_38 = tpu.memref_slice %arg4[%add3A_26, %dma_wait3A_37] : memref<8192x512xf32, #tpu.memory_space<hbm>> -> memref<64x512xf32, #tpu.memory_space<hbm>>
      %dma_wait3A_39 = arith.constant 0 : i32
      %dma_wait3A_40 = tpu.memref_slice %arg4[%add3A_26, %dma_wait3A_39] : memref<8192x512xf32, #tpu.memory_space<hbm>> -> memref<64x512xf32, #tpu.memory_space<hbm>>
      tpu.wait_dma2 semaphore(%run_scoped3A : memref<!tpu.dma_semaphore, #tpu.memory_space<semaphore_mem>>) src(%arg6 : memref<64x512xf32, #tpu.memory_space<vmem>>) dst(%dma_wait3A_40 : memref<64x512xf32, #tpu.memory_space<hbm>>)
      tpu.yield
    }) : () -> ()
    return
  }
}

#map = affine_map<(d0, d1) -> (0, 0)>
#map1 = affine_map<(d0, d1) -> (0)>
module attributes {stable_mosaic.version = 14 : i64} {
  func.func @gather(%arg0: i32, %arg1: i32, %arg2: memref<2048x512xf32, #tpu.memory_space<hbm>>, %arg3: memref<8192xi32, #tpu.memory_space<hbm>>, %arg4: memref<8192x512xf32, #tpu.memory_space<hbm>>, %arg5: memref<64xi32, #tpu.memory_space<vmem>>, %arg6: memref<64x512xf32, #tpu.memory_space<vmem>>, %arg7: memref<!tpu.dma_semaphore, #tpu.memory_space<semaphore_mem>>) attributes {dimension_semantics = [#tpu.dimension_semantics<core_parallel>, #tpu.dimension_semantics<subcore_parallel>], iteration_bounds = array<i64: 2, 16>, scalar_prefetch = 0 : i64, scratch_operands = 3 : i64, tpu.core_type = #tpu.core_type<sc_vector_subcore>, window_params = [{transform_indices = #map}, {transform_indices = #map1}, {transform_indices = #map}]} {
    %mul3A = arith.constant 2 : i32
    %mul3A_0 = arith.muli %arg1, %mul3A : i32
    %add3A = arith.addi %mul3A_0, %arg0 : i32
    %mul3A_1 = arith.constant 256 : i32
    %mul3A_2 = arith.muli %add3A, %mul3A_1 : i32
    %add3A_3 = arith.constant 0 : i32
    %add3A_4 = arith.addi %mul3A_2, %add3A_3 : i32
    "tpu.region"() ({
      %run_scoped3A = tpu.sem_alloc : memref<!tpu.dma_semaphore, #tpu.memory_space<semaphore_mem>>
      %dma_start3A_33 = tpu.memref_slice %arg3[%add3A_4] : memref<8192xi32, #tpu.memory_space<hbm>> -> memref<64xi32, #tpu.memory_space<hbm>>
      %dma_start3A_34 = tpu.memref_slice %arg3[%add3A_4] : memref<8192xi32, #tpu.memory_space<hbm>> -> memref<64xi32, #tpu.memory_space<hbm>>
      tpu.enqueue_dma source(%dma_start3A_34 : memref<64xi32, #tpu.memory_space<hbm>>) target(%arg5 : memref<64xi32, #tpu.memory_space<vmem>>) target_semaphore(%run_scoped3A : memref<!tpu.dma_semaphore, #tpu.memory_space<semaphore_mem>>)
      %dma_wait3A_35 = tpu.memref_slice %arg3[%add3A_4] : memref<8192xi32, #tpu.memory_space<hbm>> -> memref<64xi32, #tpu.memory_space<hbm>>
      %dma_wait3A_36 = tpu.memref_slice %arg3[%add3A_4] : memref<8192xi32, #tpu.memory_space<hbm>> -> memref<64xi32, #tpu.memory_space<hbm>>
      tpu.wait_dma2 semaphore(%run_scoped3A : memref<!tpu.dma_semaphore, #tpu.memory_space<semaphore_mem>>) src(%dma_wait3A_36 : memref<64xi32, #tpu.memory_space<hbm>>) dst(%arg5 : memref<64xi32, #tpu.memory_space<vmem>>)
      tpu.yield
    }) : () -> ()
    %dma_start3A = arith.constant 0 : i32
    %dma_start3A_5 = arith.constant 0 : i32
    %dma_start3A_6 = tpu.memref_slice %arg2[%dma_start3A, %dma_start3A_5] : memref<2048x512xf32, #tpu.memory_space<hbm>> -> memref<2048x512xf32, #tpu.memory_space<hbm>>
    tpu.enqueue_indirect_dma source(%dma_start3A_6 : memref<2048x512xf32, #tpu.memory_space<hbm>>) target(%arg6 : memref<64x512xf32, #tpu.memory_space<vmem>>) offsets(%arg5 : memref<64xi32, #tpu.memory_space<vmem>>) semaphore(%arg7 : memref<!tpu.dma_semaphore, #tpu.memory_space<semaphore_mem>>)
    %dma_wait3A = arith.constant 0 : i32
    %dma_wait3A_7 = arith.constant 0 : i32
    %dma_wait3A_8 = tpu.memref_slice %arg2[%dma_wait3A, %dma_wait3A_7] : memref<2048x512xf32, #tpu.memory_space<hbm>> -> memref<2048x512xf32, #tpu.memory_space<hbm>>
    tpu.wait_indirect_dma semaphore(%arg7 : memref<!tpu.dma_semaphore, #tpu.memory_space<semaphore_mem>>) src(%dma_wait3A_8 : memref<2048x512xf32, #tpu.memory_space<hbm>>) dst(%arg6 : memref<64x512xf32, #tpu.memory_space<vmem>>)
    "tpu.region"() ({
      %run_scoped3A = tpu.sem_alloc : memref<!tpu.dma_semaphore, #tpu.memory_space<semaphore_mem>>
      %dma_start3A_33 = arith.constant 0 : i32
      %dma_start3A_34 = tpu.memref_slice %arg4[%add3A_4, %dma_start3A_33] : memref<8192x512xf32, #tpu.memory_space<hbm>> -> memref<64x512xf32, #tpu.memory_space<hbm>>
      %dma_start3A_35 = arith.constant 0 : i32
      %dma_start3A_36 = tpu.memref_slice %arg4[%add3A_4, %dma_start3A_35] : memref<8192x512xf32, #tpu.memory_space<hbm>> -> memref<64x512xf32, #tpu.memory_space<hbm>>
      tpu.enqueue_dma source(%arg6 : memref<64x512xf32, #tpu.memory_space<vmem>>) target(%dma_start3A_36 : memref<64x512xf32, #tpu.memory_space<hbm>>) target_semaphore(%run_scoped3A : memref<!tpu.dma_semaphore, #tpu.memory_space<semaphore_mem>>)
      %dma_wait3A_37 = arith.constant 0 : i32
      %dma_wait3A_38 = tpu.memref_slice %arg4[%add3A_4, %dma_wait3A_37] : memref<8192x512xf32, #tpu.memory_space<hbm>> -> memref<64x512xf32, #tpu.memory_space<hbm>>
      %dma_wait3A_39 = arith.constant 0 : i32
      %dma_wait3A_40 = tpu.memref_slice %arg4[%add3A_4, %dma_wait3A_39] : memref<8192x512xf32, #tpu.memory_space<hbm>> -> memref<64x512xf32, #tpu.memory_space<hbm>>
      tpu.wait_dma2 semaphore(%run_scoped3A : memref<!tpu.dma_semaphore, #tpu.memory_space<semaphore_mem>>) src(%arg6 : memref<64x512xf32, #tpu.memory_space<vmem>>) dst(%dma_wait3A_40 : memref<64x512xf32, #tpu.memory_space<hbm>>)
      tpu.yield
    }) : () -> ()
    %add3A_9 = arith.constant 64 : i32
    %add3A_10 = arith.addi %mul3A_2, %add3A_9 : i32
    "tpu.region"() ({
      %run_scoped3A = tpu.sem_alloc : memref<!tpu.dma_semaphore, #tpu.memory_space<semaphore_mem>>
      %dma_start3A_33 = tpu.memref_slice %arg3[%add3A_10] : memref<8192xi32, #tpu.memory_space<hbm>> -> memref<64xi32, #tpu.memory_space<hbm>>
      %dma_start3A_34 = tpu.memref_slice %arg3[%add3A_10] : memref<8192xi32, #tpu.memory_space<hbm>> -> memref<64xi32, #tpu.memory_space<hbm>>
      tpu.enqueue_dma source(%dma_start3A_34 : memref<64xi32, #tpu.memory_space<hbm>>) target(%arg5 : memref<64xi32, #tpu.memory_space<vmem>>) target_semaphore(%run_scoped3A : memref<!tpu.dma_semaphore, #tpu.memory_space<semaphore_mem>>)
      %dma_wait3A_35 = tpu.memref_slice %arg3[%add3A_10] : memref<8192xi32, #tpu.memory_space<hbm>> -> memref<64xi32, #tpu.memory_space<hbm>>
      %dma_wait3A_36 = tpu.memref_slice %arg3[%add3A_10] : memref<8192xi32, #tpu.memory_space<hbm>> -> memref<64xi32, #tpu.memory_space<hbm>>
      tpu.wait_dma2 semaphore(%run_scoped3A : memref<!tpu.dma_semaphore, #tpu.memory_space<semaphore_mem>>) src(%dma_wait3A_36 : memref<64xi32, #tpu.memory_space<hbm>>) dst(%arg5 : memref<64xi32, #tpu.memory_space<vmem>>)
      tpu.yield
    }) : () -> ()
    %dma_start3A_11 = arith.constant 0 : i32
    %dma_start3A_12 = arith.constant 0 : i32
    %dma_start3A_13 = tpu.memref_slice %arg2[%dma_start3A_11, %dma_start3A_12] : memref<2048x512xf32, #tpu.memory_space<hbm>> -> memref<2048x512xf32, #tpu.memory_space<hbm>>
    tpu.enqueue_indirect_dma source(%dma_start3A_13 : memref<2048x512xf32, #tpu.memory_space<hbm>>) target(%arg6 : memref<64x512xf32, #tpu.memory_space<vmem>>) offsets(%arg5 : memref<64xi32, #tpu.memory_space<vmem>>) semaphore(%arg7 : memref<!tpu.dma_semaphore, #tpu.memory_space<semaphore_mem>>)
    %dma_wait3A_14 = arith.constant 0 : i32
    %dma_wait3A_15 = arith.constant 0 : i32
    %dma_wait3A_16 = tpu.memref_slice %arg2[%dma_wait3A_14, %dma_wait3A_15] : memref<2048x512xf32, #tpu.memory_space<hbm>> -> memref<2048x512xf32, #tpu.memory_space<hbm>>
    tpu.wait_indirect_dma semaphore(%arg7 : memref<!tpu.dma_semaphore, #tpu.memory_space<semaphore_mem>>) src(%dma_wait3A_16 : memref<2048x512xf32, #tpu.memory_space<hbm>>) dst(%arg6 : memref<64x512xf32, #tpu.memory_space<vmem>>)
    "tpu.region"() ({
      %run_scoped3A = tpu.sem_alloc : memref<!tpu.dma_semaphore, #tpu.memory_space<semaphore_mem>>
      %dma_start3A_33 = arith.constant 0 : i32
      %dma_start3A_34 = tpu.memref_slice %arg4[%add3A_10, %dma_start3A_33] : memref<8192x512xf32, #tpu.memory_space<hbm>> -> memref<64x512xf32, #tpu.memory_space<hbm>>
      %dma_start3A_35 = arith.constant 0 : i32
      %dma_start3A_36 = tpu.memref_slice %arg4[%add3A_10, %dma_start3A_35] : memref<8192x512xf32, #tpu.memory_space<hbm>> -> memref<64x512xf32, #tpu.memory_space<hbm>>
      tpu.enqueue_dma source(%arg6 : memref<64x512xf32, #tpu.memory_space<vmem>>) target(%dma_start3A_36 : memref<64x512xf32, #tpu.memory_space<hbm>>) target_semaphore(%run_scoped3A : memref<!tpu.dma_semaphore, #tpu.memory_space<semaphore_mem>>)
      %dma_wait3A_37 = arith.constant 0 : i32
      %dma_wait3A_38 = tpu.memref_slice %arg4[%add3A_10, %dma_wait3A_37] : memref<8192x512xf32, #tpu.memory_space<hbm>> -> memref<64x512xf32, #tpu.memory_space<hbm>>
      %dma_wait3A_39 = arith.constant 0 : i32
      %dma_wait3A_40 = tpu.memref_slice %arg4[%add3A_10, %dma_wait3A_39] : memref<8192x512xf32, #tpu.memory_space<hbm>> -> memref<64x512xf32, #tpu.memory_space<hbm>>
      tpu.wait_dma2 semaphore(%run_scoped3A : memref<!tpu.dma_semaphore, #tpu.memory_space<semaphore_mem>>) src(%arg6 : memref<64x512xf32, #tpu.memory_space<vmem>>) dst(%dma_wait3A_40 : memref<64x512xf32, #tpu.memory_space<hbm>>)
      tpu.yield
    }) : () -> ()
    %add3A_17 = arith.constant 128 : i32
    %add3A_18 = arith.addi %mul3A_2, %add3A_17 : i32
    "tpu.region"() ({
      %run_scoped3A = tpu.sem_alloc : memref<!tpu.dma_semaphore, #tpu.memory_space<semaphore_mem>>
      %dma_start3A_33 = tpu.memref_slice %arg3[%add3A_18] : memref<8192xi32, #tpu.memory_space<hbm>> -> memref<64xi32, #tpu.memory_space<hbm>>
      %dma_start3A_34 = tpu.memref_slice %arg3[%add3A_18] : memref<8192xi32, #tpu.memory_space<hbm>> -> memref<64xi32, #tpu.memory_space<hbm>>
      tpu.enqueue_dma source(%dma_start3A_34 : memref<64xi32, #tpu.memory_space<hbm>>) target(%arg5 : memref<64xi32, #tpu.memory_space<vmem>>) target_semaphore(%run_scoped3A : memref<!tpu.dma_semaphore, #tpu.memory_space<semaphore_mem>>)
      %dma_wait3A_35 = tpu.memref_slice %arg3[%add3A_18] : memref<8192xi32, #tpu.memory_space<hbm>> -> memref<64xi32, #tpu.memory_space<hbm>>
      %dma_wait3A_36 = tpu.memref_slice %arg3[%add3A_18] : memref<8192xi32, #tpu.memory_space<hbm>> -> memref<64xi32, #tpu.memory_space<hbm>>
      tpu.wait_dma2 semaphore(%run_scoped3A : memref<!tpu.dma_semaphore, #tpu.memory_space<semaphore_mem>>) src(%dma_wait3A_36 : memref<64xi32, #tpu.memory_space<hbm>>) dst(%arg5 : memref<64xi32, #tpu.memory_space<vmem>>)
      tpu.yield
    }) : () -> ()
    %dma_start3A_19 = arith.constant 0 : i32
    %dma_start3A_20 = arith.constant 0 : i32
    %dma_start3A_21 = tpu.memref_slice %arg2[%dma_start3A_19, %dma_start3A_20] : memref<2048x512xf32, #tpu.memory_space<hbm>> -> memref<2048x512xf32, #tpu.memory_space<hbm>>
    tpu.enqueue_indirect_dma source(%dma_start3A_21 : memref<2048x512xf32, #tpu.memory_space<hbm>>) target(%arg6 : memref<64x512xf32, #tpu.memory_space<vmem>>) offsets(%arg5 : memref<64xi32, #tpu.memory_space<vmem>>) semaphore(%arg7 : memref<!tpu.dma_semaphore, #tpu.memory_space<semaphore_mem>>)
    %dma_wait3A_22 = arith.constant 0 : i32
    %dma_wait3A_23 = arith.constant 0 : i32
    %dma_wait3A_24 = tpu.memref_slice %arg2[%dma_wait3A_22, %dma_wait3A_23] : memref<2048x512xf32, #tpu.memory_space<hbm>> -> memref<2048x512xf32, #tpu.memory_space<hbm>>
    tpu.wait_indirect_dma semaphore(%arg7 : memref<!tpu.dma_semaphore, #tpu.memory_space<semaphore_mem>>) src(%dma_wait3A_24 : memref<2048x512xf32, #tpu.memory_space<hbm>>) dst(%arg6 : memref<64x512xf32, #tpu.memory_space<vmem>>)
    "tpu.region"() ({
      %run_scoped3A = tpu.sem_alloc : memref<!tpu.dma_semaphore, #tpu.memory_space<semaphore_mem>>
      %dma_start3A_33 = arith.constant 0 : i32
      %dma_start3A_34 = tpu.memref_slice %arg4[%add3A_18, %dma_start3A_33] : memref<8192x512xf32, #tpu.memory_space<hbm>> -> memref<64x512xf32, #tpu.memory_space<hbm>>
      %dma_start3A_35 = arith.constant 0 : i32
      %dma_start3A_36 = tpu.memref_slice %arg4[%add3A_18, %dma_start3A_35] : memref<8192x512xf32, #tpu.memory_space<hbm>> -> memref<64x512xf32, #tpu.memory_space<hbm>>
      tpu.enqueue_dma source(%arg6 : memref<64x512xf32, #tpu.memory_space<vmem>>) target(%dma_start3A_36 : memref<64x512xf32, #tpu.memory_space<hbm>>) target_semaphore(%run_scoped3A : memref<!tpu.dma_semaphore, #tpu.memory_space<semaphore_mem>>)
      %dma_wait3A_37 = arith.constant 0 : i32
      %dma_wait3A_38 = tpu.memref_slice %arg4[%add3A_18, %dma_wait3A_37] : memref<8192x512xf32, #tpu.memory_space<hbm>> -> memref<64x512xf32, #tpu.memory_space<hbm>>
      %dma_wait3A_39 = arith.constant 0 : i32
      %dma_wait3A_40 = tpu.memref_slice %arg4[%add3A_18, %dma_wait3A_39] : memref<8192x512xf32, #tpu.memory_space<hbm>> -> memref<64x512xf32, #tpu.memory_space<hbm>>
      tpu.wait_dma2 semaphore(%run_scoped3A : memref<!tpu.dma_semaphore, #tpu.memory_space<semaphore_mem>>) src(%arg6 : memref<64x512xf32, #tpu.memory_space<vmem>>) dst(%dma_wait3A_40 : memref<64x512xf32, #tpu.memory_space<hbm>>)
      tpu.yield
    }) : () -> ()
    %add3A_25 = arith.constant 192 : i32
    %add3A_26 = arith.addi %mul3A_2, %add3A_25 : i32
    "tpu.region"() ({
      %run_scoped3A = tpu.sem_alloc : memref<!tpu.dma_semaphore, #tpu.memory_space<semaphore_mem>>
      %dma_start3A_33 = tpu.memref_slice %arg3[%add3A_26] : memref<8192xi32, #tpu.memory_space<hbm>> -> memref<64xi32, #tpu.memory_space<hbm>>
      %dma_start3A_34 = tpu.memref_slice %arg3[%add3A_26] : memref<8192xi32, #tpu.memory_space<hbm>> -> memref<64xi32, #tpu.memory_space<hbm>>
      tpu.enqueue_dma source(%dma_start3A_34 : memref<64xi32, #tpu.memory_space<hbm>>) target(%arg5 : memref<64xi32, #tpu.memory_space<vmem>>) target_semaphore(%run_scoped3A : memref<!tpu.dma_semaphore, #tpu.memory_space<semaphore_mem>>)
      %dma_wait3A_35 = tpu.memref_slice %arg3[%add3A_26] : memref<8192xi32, #tpu.memory_space<hbm>> -> memref<64xi32, #tpu.memory_space<hbm>>
      %dma_wait3A_36 = tpu.memref_slice %arg3[%add3A_26] : memref<8192xi32, #tpu.memory_space<hbm>> -> memref<64xi32, #tpu.memory_space<hbm>>
      tpu.wait_dma2 semaphore(%run_scoped3A : memref<!tpu.dma_semaphore, #tpu.memory_space<semaphore_mem>>) src(%dma_wait3A_36 : memref<64xi32, #tpu.memory_space<hbm>>) dst(%arg5 : memref<64xi32, #tpu.memory_space<vmem>>)
      tpu.yield
    }) : () -> ()
    %dma_start3A_27 = arith.constant 0 : i32
    %dma_start3A_28 = arith.constant 0 : i32
    %dma_start3A_29 = tpu.memref_slice %arg2[%dma_start3A_27, %dma_start3A_28] : memref<2048x512xf32, #tpu.memory_space<hbm>> -> memref<2048x512xf32, #tpu.memory_space<hbm>>
    tpu.enqueue_indirect_dma source(%dma_start3A_29 : memref<2048x512xf32, #tpu.memory_space<hbm>>) target(%arg6 : memref<64x512xf32, #tpu.memory_space<vmem>>) offsets(%arg5 : memref<64xi32, #tpu.memory_space<vmem>>) semaphore(%arg7 : memref<!tpu.dma_semaphore, #tpu.memory_space<semaphore_mem>>)
    %dma_wait3A_30 = arith.constant 0 : i32
    %dma_wait3A_31 = arith.constant 0 : i32
    %dma_wait3A_32 = tpu.memref_slice %arg2[%dma_wait3A_30, %dma_wait3A_31] : memref<2048x512xf32, #tpu.memory_space<hbm>> -> memref<2048x512xf32, #tpu.memory_space<hbm>>
    tpu.wait_indirect_dma semaphore(%arg7 : memref<!tpu.dma_semaphore, #tpu.memory_space<semaphore_mem>>) src(%dma_wait3A_32 : memref<2048x512xf32, #tpu.memory_space<hbm>>) dst(%arg6 : memref<64x512xf32, #tpu.memory_space<vmem>>)
    "tpu.region"() ({
      %run_scoped3A = tpu.sem_alloc : memref<!tpu.dma_semaphore, #tpu.memory_space<semaphore_mem>>
      %dma_start3A_33 = arith.constant 0 : i32
      %dma_start3A_34 = tpu.memref_slice %arg4[%add3A_26, %dma_start3A_33] : memref<8192x512xf32, #tpu.memory_space<hbm>> -> memref<64x512xf32, #tpu.memory_space<hbm>>
      %dma_start3A_35 = arith.constant 0 : i32
      %dma_start3A_36 = tpu.memref_slice %arg4[%add3A_26, %dma_start3A_35] : memref<8192x512xf32, #tpu.memory_space<hbm>> -> memref<64x512xf32, #tpu.memory_space<hbm>>
      tpu.enqueue_dma source(%arg6 : memref<64x512xf32, #tpu.memory_space<vmem>>) target(%dma_start3A_36 : memref<64x512xf32, #tpu.memory_space<hbm>>) target_semaphore(%run_scoped3A : memref<!tpu.dma_semaphore, #tpu.memory_space<semaphore_mem>>)
      %dma_wait3A_37 = arith.constant 0 : i32
      %dma_wait3A_38 = tpu.memref_slice %arg4[%add3A_26, %dma_wait3A_37] : memref<8192x512xf32, #tpu.memory_space<hbm>> -> memref<64x512xf32, #tpu.memory_space<hbm>>
      %dma_wait3A_39 = arith.constant 0 : i32
      %dma_wait3A_40 = tpu.memref_slice %arg4[%add3A_26, %dma_wait3A_39] : memref<8192x512xf32, #tpu.memory_space<hbm>> -> memref<64x512xf32, #tpu.memory_space<hbm>>
      tpu.wait_dma2 semaphore(%run_scoped3A : memref<!tpu.dma_semaphore, #tpu.memory_space<semaphore_mem>>) src(%arg6 : memref<64x512xf32, #tpu.memory_space<vmem>>) dst(%dma_wait3A_40 : memref<64x512xf32, #tpu.memory_space<hbm>>)
      tpu.yield
    }) : () -> ()
    return
  }
}

#map = affine_map<(d0, d1) -> (0, 0)>
#map1 = affine_map<(d0, d1) -> (0)>
module attributes {stable_mosaic.version = 14 : i64} {
  func.func @gather(%arg0: i32, %arg1: i32, %arg2: memref<2048x512xf32, #tpu.memory_space<hbm>>, %arg3: memref<8192xi32, #tpu.memory_space<hbm>>, %arg4: memref<8192x512xf32, #tpu.memory_space<hbm>>, %arg5: memref<64xi32, #tpu.memory_space<vmem>>, %arg6: memref<64x512xf32, #tpu.memory_space<vmem>>, %arg7: memref<!tpu.dma_semaphore, #tpu.memory_space<semaphore_mem>>) attributes {dimension_semantics = [#tpu.dimension_semantics<core_parallel>, #tpu.dimension_semantics<subcore_parallel>], iteration_bounds = array<i64: 2, 16>, scalar_prefetch = 0 : i64, scratch_operands = 3 : i64, tpu.core_type = #tpu.core_type<sc_vector_subcore>, window_params = [{transform_indices = #map}, {transform_indices = #map1}, {transform_indices = #map}]} {
    %mul3A = arith.constant 2 : i32
    %mul3A_0 = arith.muli %arg1, %mul3A : i32
    %add3A = arith.addi %mul3A_0, %arg0 : i32
    %mul3A_1 = arith.constant 256 : i32
    %mul3A_2 = arith.muli %add3A, %mul3A_1 : i32
    %add3A_3 = arith.constant 0 : i32
    %add3A_4 = arith.addi %mul3A_2, %add3A_3 : i32
    "tpu.region"() ({
      %run_scoped3A = tpu.sem_alloc : memref<!tpu.dma_semaphore, #tpu.memory_space<semaphore_mem>>
      %dma_start3A_33 = tpu.memref_slice %arg3[%add3A_4] : memref<8192xi32, #tpu.memory_space<hbm>> -> memref<64xi32, #tpu.memory_space<hbm>>
      %dma_start3A_34 = tpu.memref_slice %arg3[%add3A_4] : memref<8192xi32, #tpu.memory_space<hbm>> -> memref<64xi32, #tpu.memory_space<hbm>>
      tpu.enqueue_dma source(%dma_start3A_34 : memref<64xi32, #tpu.memory_space<hbm>>) target(%arg5 : memref<64xi32, #tpu.memory_space<vmem>>) target_semaphore(%run_scoped3A : memref<!tpu.dma_semaphore, #tpu.memory_space<semaphore_mem>>)
      %dma_wait3A_35 = tpu.memref_slice %arg3[%add3A_4] : memref<8192xi32, #tpu.memory_space<hbm>> -> memref<64xi32, #tpu.memory_space<hbm>>
      %dma_wait3A_36 = tpu.memref_slice %arg3[%add3A_4] : memref<8192xi32, #tpu.memory_space<hbm>> -> memref<64xi32, #tpu.memory_space<hbm>>
      tpu.wait_dma2 semaphore(%run_scoped3A : memref<!tpu.dma_semaphore, #tpu.memory_space<semaphore_mem>>) src(%dma_wait3A_36 : memref<64xi32, #tpu.memory_space<hbm>>) dst(%arg5 : memref<64xi32, #tpu.memory_space<vmem>>)
      tpu.yield
    }) : () -> ()
    %dma_start3A = arith.constant 0 : i32
    %dma_start3A_5 = arith.constant 0 : i32
    %dma_start3A_6 = tpu.memref_slice %arg2[%dma_start3A, %dma_start3A_5] : memref<2048x512xf32, #tpu.memory_space<hbm>> -> memref<2048x512xf32, #tpu.memory_space<hbm>>
    tpu.enqueue_indirect_dma source(%dma_start3A_6 : memref<2048x512xf32, #tpu.memory_space<hbm>>) target(%arg6 : memref<64x512xf32, #tpu.memory_space<vmem>>) offsets(%arg5 : memref<64xi32, #tpu.memory_space<vmem>>) semaphore(%arg7 : memref<!tpu.dma_semaphore, #tpu.memory_space<semaphore_mem>>)
    %dma_wait3A = arith.constant 0 : i32
    %dma_wait3A_7 = arith.constant 0 : i32
    %dma_wait3A_8 = tpu.memref_slice %arg2[%dma_wait3A, %dma_wait3A_7] : memref<2048x512xf32, #tpu.memory_space<hbm>> -> memref<2048x512xf32, #tpu.memory_space<hbm>>
    tpu.wait_indirect_dma semaphore(%arg7 : memref<!tpu.dma_semaphore, #tpu.memory_space<semaphore_mem>>) src(%dma_wait3A_8 : memref<2048x512xf32, #tpu.memory_space<hbm>>) dst(%arg6 : memref<64x512xf32, #tpu.memory_space<vmem>>)
    "tpu.region"() ({
      %run_scoped3A = tpu.sem_alloc : memref<!tpu.dma_semaphore, #tpu.memory_space<semaphore_mem>>
      %dma_start3A_33 = arith.constant 0 : i32
      %dma_start3A_34 = tpu.memref_slice %arg4[%add3A_4, %dma_start3A_33] : memref<8192x512xf32, #tpu.memory_space<hbm>> -> memref<64x512xf32, #tpu.memory_space<hbm>>
      %dma_start3A_35 = arith.constant 0 : i32
      %dma_start3A_36 = tpu.memref_slice %arg4[%add3A_4, %dma_start3A_35] : memref<8192x512xf32, #tpu.memory_space<hbm>> -> memref<64x512xf32, #tpu.memory_space<hbm>>
      tpu.enqueue_dma source(%arg6 : memref<64x512xf32, #tpu.memory_space<vmem>>) target(%dma_start3A_36 : memref<64x512xf32, #tpu.memory_space<hbm>>) target_semaphore(%run_scoped3A : memref<!tpu.dma_semaphore, #tpu.memory_space<semaphore_mem>>)
      %dma_wait3A_37 = arith.constant 0 : i32
      %dma_wait3A_38 = tpu.memref_slice %arg4[%add3A_4, %dma_wait3A_37] : memref<8192x512xf32, #tpu.memory_space<hbm>> -> memref<64x512xf32, #tpu.memory_space<hbm>>
      %dma_wait3A_39 = arith.constant 0 : i32
      %dma_wait3A_40 = tpu.memref_slice %arg4[%add3A_4, %dma_wait3A_39] : memref<8192x512xf32, #tpu.memory_space<hbm>> -> memref<64x512xf32, #tpu.memory_space<hbm>>
      tpu.wait_dma2 semaphore(%run_scoped3A : memref<!tpu.dma_semaphore, #tpu.memory_space<semaphore_mem>>) src(%arg6 : memref<64x512xf32, #tpu.memory_space<vmem>>) dst(%dma_wait3A_40 : memref<64x512xf32, #tpu.memory_space<hbm>>)
      tpu.yield
    }) : () -> ()
    %add3A_9 = arith.constant 64 : i32
    %add3A_10 = arith.addi %mul3A_2, %add3A_9 : i32
    "tpu.region"() ({
      %run_scoped3A = tpu.sem_alloc : memref<!tpu.dma_semaphore, #tpu.memory_space<semaphore_mem>>
      %dma_start3A_33 = tpu.memref_slice %arg3[%add3A_10] : memref<8192xi32, #tpu.memory_space<hbm>> -> memref<64xi32, #tpu.memory_space<hbm>>
      %dma_start3A_34 = tpu.memref_slice %arg3[%add3A_10] : memref<8192xi32, #tpu.memory_space<hbm>> -> memref<64xi32, #tpu.memory_space<hbm>>
      tpu.enqueue_dma source(%dma_start3A_34 : memref<64xi32, #tpu.memory_space<hbm>>) target(%arg5 : memref<64xi32, #tpu.memory_space<vmem>>) target_semaphore(%run_scoped3A : memref<!tpu.dma_semaphore, #tpu.memory_space<semaphore_mem>>)
      %dma_wait3A_35 = tpu.memref_slice %arg3[%add3A_10] : memref<8192xi32, #tpu.memory_space<hbm>> -> memref<64xi32, #tpu.memory_space<hbm>>
      %dma_wait3A_36 = tpu.memref_slice %arg3[%add3A_10] : memref<8192xi32, #tpu.memory_space<hbm>> -> memref<64xi32, #tpu.memory_space<hbm>>
      tpu.wait_dma2 semaphore(%run_scoped3A : memref<!tpu.dma_semaphore, #tpu.memory_space<semaphore_mem>>) src(%dma_wait3A_36 : memref<64xi32, #tpu.memory_space<hbm>>) dst(%arg5 : memref<64xi32, #tpu.memory_space<vmem>>)
      tpu.yield
    }) : () -> ()
    %dma_start3A_11 = arith.constant 0 : i32
    %dma_start3A_12 = arith.constant 0 : i32
    %dma_start3A_13 = tpu.memref_slice %arg2[%dma_start3A_11, %dma_start3A_12] : memref<2048x512xf32, #tpu.memory_space<hbm>> -> memref<2048x512xf32, #tpu.memory_space<hbm>>
    tpu.enqueue_indirect_dma source(%dma_start3A_13 : memref<2048x512xf32, #tpu.memory_space<hbm>>) target(%arg6 : memref<64x512xf32, #tpu.memory_space<vmem>>) offsets(%arg5 : memref<64xi32, #tpu.memory_space<vmem>>) semaphore(%arg7 : memref<!tpu.dma_semaphore, #tpu.memory_space<semaphore_mem>>)
    %dma_wait3A_14 = arith.constant 0 : i32
    %dma_wait3A_15 = arith.constant 0 : i32
    %dma_wait3A_16 = tpu.memref_slice %arg2[%dma_wait3A_14, %dma_wait3A_15] : memref<2048x512xf32, #tpu.memory_space<hbm>> -> memref<2048x512xf32, #tpu.memory_space<hbm>>
    tpu.wait_indirect_dma semaphore(%arg7 : memref<!tpu.dma_semaphore, #tpu.memory_space<semaphore_mem>>) src(%dma_wait3A_16 : memref<2048x512xf32, #tpu.memory_space<hbm>>) dst(%arg6 : memref<64x512xf32, #tpu.memory_space<vmem>>)
    "tpu.region"() ({
      %run_scoped3A = tpu.sem_alloc : memref<!tpu.dma_semaphore, #tpu.memory_space<semaphore_mem>>
      %dma_start3A_33 = arith.constant 0 : i32
      %dma_start3A_34 = tpu.memref_slice %arg4[%add3A_10, %dma_start3A_33] : memref<8192x512xf32, #tpu.memory_space<hbm>> -> memref<64x512xf32, #tpu.memory_space<hbm>>
      %dma_start3A_35 = arith.constant 0 : i32
      %dma_start3A_36 = tpu.memref_slice %arg4[%add3A_10, %dma_start3A_35] : memref<8192x512xf32, #tpu.memory_space<hbm>> -> memref<64x512xf32, #tpu.memory_space<hbm>>
      tpu.enqueue_dma source(%arg6 : memref<64x512xf32, #tpu.memory_space<vmem>>) target(%dma_start3A_36 : memref<64x512xf32, #tpu.memory_space<hbm>>) target_semaphore(%run_scoped3A : memref<!tpu.dma_semaphore, #tpu.memory_space<semaphore_mem>>)
      %dma_wait3A_37 = arith.constant 0 : i32
      %dma_wait3A_38 = tpu.memref_slice %arg4[%add3A_10, %dma_wait3A_37] : memref<8192x512xf32, #tpu.memory_space<hbm>> -> memref<64x512xf32, #tpu.memory_space<hbm>>
      %dma_wait3A_39 = arith.constant 0 : i32
      %dma_wait3A_40 = tpu.memref_slice %arg4[%add3A_10, %dma_wait3A_39] : memref<8192x512xf32, #tpu.memory_space<hbm>> -> memref<64x512xf32, #tpu.memory_space<hbm>>
      tpu.wait_dma2 semaphore(%run_scoped3A : memref<!tpu.dma_semaphore, #tpu.memory_space<semaphore_mem>>) src(%arg6 : memref<64x512xf32, #tpu.memory_space<vmem>>) dst(%dma_wait3A_40 : memref<64x512xf32, #tpu.memory_space<hbm>>)
      tpu.yield
    }) : () -> ()
    %add3A_17 = arith.constant 128 : i32
    %add3A_18 = arith.addi %mul3A_2, %add3A_17 : i32
    "tpu.region"() ({
      %run_scoped3A = tpu.sem_alloc : memref<!tpu.dma_semaphore, #tpu.memory_space<semaphore_mem>>
      %dma_start3A_33 = tpu.memref_slice %arg3[%add3A_18] : memref<8192xi32, #tpu.memory_space<hbm>> -> memref<64xi32, #tpu.memory_space<hbm>>
      %dma_start3A_34 = tpu.memref_slice %arg3[%add3A_18] : memref<8192xi32, #tpu.memory_space<hbm>> -> memref<64xi32, #tpu.memory_space<hbm>>
      tpu.enqueue_dma source(%dma_start3A_34 : memref<64xi32, #tpu.memory_space<hbm>>) target(%arg5 : memref<64xi32, #tpu.memory_space<vmem>>) target_semaphore(%run_scoped3A : memref<!tpu.dma_semaphore, #tpu.memory_space<semaphore_mem>>)
      %dma_wait3A_35 = tpu.memref_slice %arg3[%add3A_18] : memref<8192xi32, #tpu.memory_space<hbm>> -> memref<64xi32, #tpu.memory_space<hbm>>
      %dma_wait3A_36 = tpu.memref_slice %arg3[%add3A_18] : memref<8192xi32, #tpu.memory_space<hbm>> -> memref<64xi32, #tpu.memory_space<hbm>>
      tpu.wait_dma2 semaphore(%run_scoped3A : memref<!tpu.dma_semaphore, #tpu.memory_space<semaphore_mem>>) src(%dma_wait3A_36 : memref<64xi32, #tpu.memory_space<hbm>>) dst(%arg5 : memref<64xi32, #tpu.memory_space<vmem>>)
      tpu.yield
    }) : () -> ()
    %dma_start3A_19 = arith.constant 0 : i32
    %dma_start3A_20 = arith.constant 0 : i32
    %dma_start3A_21 = tpu.memref_slice %arg2[%dma_start3A_19, %dma_start3A_20] : memref<2048x512xf32, #tpu.memory_space<hbm>> -> memref<2048x512xf32, #tpu.memory_space<hbm>>
    tpu.enqueue_indirect_dma source(%dma_start3A_21 : memref<2048x512xf32, #tpu.memory_space<hbm>>) target(%arg6 : memref<64x512xf32, #tpu.memory_space<vmem>>) offsets(%arg5 : memref<64xi32, #tpu.memory_space<vmem>>) semaphore(%arg7 : memref<!tpu.dma_semaphore, #tpu.memory_space<semaphore_mem>>)
    %dma_wait3A_22 = arith.constant 0 : i32
    %dma_wait3A_23 = arith.constant 0 : i32
    %dma_wait3A_24 = tpu.memref_slice %arg2[%dma_wait3A_22, %dma_wait3A_23] : memref<2048x512xf32, #tpu.memory_space<hbm>> -> memref<2048x512xf32, #tpu.memory_space<hbm>>
    tpu.wait_indirect_dma semaphore(%arg7 : memref<!tpu.dma_semaphore, #tpu.memory_space<semaphore_mem>>) src(%dma_wait3A_24 : memref<2048x512xf32, #tpu.memory_space<hbm>>) dst(%arg6 : memref<64x512xf32, #tpu.memory_space<vmem>>)
    "tpu.region"() ({
      %run_scoped3A = tpu.sem_alloc : memref<!tpu.dma_semaphore, #tpu.memory_space<semaphore_mem>>
      %dma_start3A_33 = arith.constant 0 : i32
      %dma_start3A_34 = tpu.memref_slice %arg4[%add3A_18, %dma_start3A_33] : memref<8192x512xf32, #tpu.memory_space<hbm>> -> memref<64x512xf32, #tpu.memory_space<hbm>>
      %dma_start3A_35 = arith.constant 0 : i32
      %dma_start3A_36 = tpu.memref_slice %arg4[%add3A_18, %dma_start3A_35] : memref<8192x512xf32, #tpu.memory_space<hbm>> -> memref<64x512xf32, #tpu.memory_space<hbm>>
      tpu.enqueue_dma source(%arg6 : memref<64x512xf32, #tpu.memory_space<vmem>>) target(%dma_start3A_36 : memref<64x512xf32, #tpu.memory_space<hbm>>) target_semaphore(%run_scoped3A : memref<!tpu.dma_semaphore, #tpu.memory_space<semaphore_mem>>)
      %dma_wait3A_37 = arith.constant 0 : i32
      %dma_wait3A_38 = tpu.memref_slice %arg4[%add3A_18, %dma_wait3A_37] : memref<8192x512xf32, #tpu.memory_space<hbm>> -> memref<64x512xf32, #tpu.memory_space<hbm>>
      %dma_wait3A_39 = arith.constant 0 : i32
      %dma_wait3A_40 = tpu.memref_slice %arg4[%add3A_18, %dma_wait3A_39] : memref<8192x512xf32, #tpu.memory_space<hbm>> -> memref<64x512xf32, #tpu.memory_space<hbm>>
      tpu.wait_dma2 semaphore(%run_scoped3A : memref<!tpu.dma_semaphore, #tpu.memory_space<semaphore_mem>>) src(%arg6 : memref<64x512xf32, #tpu.memory_space<vmem>>) dst(%dma_wait3A_40 : memref<64x512xf32, #tpu.memory_space<hbm>>)
      tpu.yield
    }) : () -> ()
    %add3A_25 = arith.constant 192 : i32
    %add3A_26 = arith.addi %mul3A_2, %add3A_25 : i32
    "tpu.region"() ({
      %run_scoped3A = tpu.sem_alloc : memref<!tpu.dma_semaphore, #tpu.memory_space<semaphore_mem>>
      %dma_start3A_33 = tpu.memref_slice %arg3[%add3A_26] : memref<8192xi32, #tpu.memory_space<hbm>> -> memref<64xi32, #tpu.memory_space<hbm>>
      %dma_start3A_34 = tpu.memref_slice %arg3[%add3A_26] : memref<8192xi32, #tpu.memory_space<hbm>> -> memref<64xi32, #tpu.memory_space<hbm>>
      tpu.enqueue_dma source(%dma_start3A_34 : memref<64xi32, #tpu.memory_space<hbm>>) target(%arg5 : memref<64xi32, #tpu.memory_space<vmem>>) target_semaphore(%run_scoped3A : memref<!tpu.dma_semaphore, #tpu.memory_space<semaphore_mem>>)
      %dma_wait3A_35 = tpu.memref_slice %arg3[%add3A_26] : memref<8192xi32, #tpu.memory_space<hbm>> -> memref<64xi32, #tpu.memory_space<hbm>>
      %dma_wait3A_36 = tpu.memref_slice %arg3[%add3A_26] : memref<8192xi32, #tpu.memory_space<hbm>> -> memref<64xi32, #tpu.memory_space<hbm>>
      tpu.wait_dma2 semaphore(%run_scoped3A : memref<!tpu.dma_semaphore, #tpu.memory_space<semaphore_mem>>) src(%dma_wait3A_36 : memref<64xi32, #tpu.memory_space<hbm>>) dst(%arg5 : memref<64xi32, #tpu.memory_space<vmem>>)
      tpu.yield
    }) : () -> ()
    %dma_start3A_27 = arith.constant 0 : i32
    %dma_start3A_28 = arith.constant 0 : i32
    %dma_start3A_29 = tpu.memref_slice %arg2[%dma_start3A_27, %dma_start3A_28] : memref<2048x512xf32, #tpu.memory_space<hbm>> -> memref<2048x512xf32, #tpu.memory_space<hbm>>
    tpu.enqueue_indirect_dma source(%dma_start3A_29 : memref<2048x512xf32, #tpu.memory_space<hbm>>) target(%arg6 : memref<64x512xf32, #tpu.memory_space<vmem>>) offsets(%arg5 : memref<64xi32, #tpu.memory_space<vmem>>) semaphore(%arg7 : memref<!tpu.dma_semaphore, #tpu.memory_space<semaphore_mem>>)
    %dma_wait3A_30 = arith.constant 0 : i32
    %dma_wait3A_31 = arith.constant 0 : i32
    %dma_wait3A_32 = tpu.memref_slice %arg2[%dma_wait3A_30, %dma_wait3A_31] : memref<2048x512xf32, #tpu.memory_space<hbm>> -> memref<2048x512xf32, #tpu.memory_space<hbm>>
    tpu.wait_indirect_dma semaphore(%arg7 : memref<!tpu.dma_semaphore, #tpu.memory_space<semaphore_mem>>) src(%dma_wait3A_32 : memref<2048x512xf32, #tpu.memory_space<hbm>>) dst(%arg6 : memref<64x512xf32, #tpu.memory_space<vmem>>)
    "tpu.region"() ({
      %run_scoped3A = tpu.sem_alloc : memref<!tpu.dma_semaphore, #tpu.memory_space<semaphore_mem>>
      %dma_start3A_33 = arith.constant 0 : i32
      %dma_start3A_34 = tpu.memref_slice %arg4[%add3A_26, %dma_start3A_33] : memref<8192x512xf32, #tpu.memory_space<hbm>> -> memref<64x512xf32, #tpu.memory_space<hbm>>
      %dma_start3A_35 = arith.constant 0 : i32
      %dma_start3A_36 = tpu.memref_slice %arg4[%add3A_26, %dma_start3A_35] : memref<8192x512xf32, #tpu.memory_space<hbm>> -> memref<64x512xf32, #tpu.memory_space<hbm>>
      tpu.enqueue_dma source(%arg6 : memref<64x512xf32, #tpu.memory_space<vmem>>) target(%dma_start3A_36 : memref<64x512xf32, #tpu.memory_space<hbm>>) target_semaphore(%run_scoped3A : memref<!tpu.dma_semaphore, #tpu.memory_space<semaphore_mem>>)
      %dma_wait3A_37 = arith.constant 0 : i32
      %dma_wait3A_38 = tpu.memref_slice %arg4[%add3A_26, %dma_wait3A_37] : memref<8192x512xf32, #tpu.memory_space<hbm>> -> memref<64x512xf32, #tpu.memory_space<hbm>>
      %dma_wait3A_39 = arith.constant 0 : i32
      %dma_wait3A_40 = tpu.memref_slice %arg4[%add3A_26, %dma_wait3A_39] : memref<8192x512xf32, #tpu.memory_space<hbm>> -> memref<64x512xf32, #tpu.memory_space<hbm>>
      tpu.wait_dma2 semaphore(%run_scoped3A : memref<!tpu.dma_semaphore, #tpu.memory_space<semaphore_mem>>) src(%arg6 : memref<64x512xf32, #tpu.memory_space<vmem>>) dst(%dma_wait3A_40 : memref<64x512xf32, #tpu.memory_space<hbm>>)
      tpu.yield
    }) : () -> ()
    return
  }
}

#map = affine_map<(d0, d1) -> (0, 0)>
#map1 = affine_map<(d0, d1) -> (0)>
module attributes {stable_mosaic.version = 14 : i64} {
  func.func @gather(%arg0: i32, %arg1: i32, %arg2: memref<2048x512xf32, #tpu.memory_space<hbm>>, %arg3: memref<8192xi32, #tpu.memory_space<hbm>>, %arg4: memref<8192x512xf32, #tpu.memory_space<hbm>>, %arg5: memref<64xi32, #tpu.memory_space<vmem>>, %arg6: memref<64x512xf32, #tpu.memory_space<vmem>>, %arg7: memref<!tpu.dma_semaphore, #tpu.memory_space<semaphore_mem>>) attributes {dimension_semantics = [#tpu.dimension_semantics<core_parallel>, #tpu.dimension_semantics<subcore_parallel>], iteration_bounds = array<i64: 2, 16>, scalar_prefetch = 0 : i64, scratch_operands = 3 : i64, tpu.core_type = #tpu.core_type<sc_vector_subcore>, window_params = [{transform_indices = #map}, {transform_indices = #map1}, {transform_indices = #map}]} {
    %mul3A = arith.constant 2 : i32
    %mul3A_0 = arith.muli %arg1, %mul3A : i32
    %add3A = arith.addi %mul3A_0, %arg0 : i32
    %mul3A_1 = arith.constant 256 : i32
    %mul3A_2 = arith.muli %add3A, %mul3A_1 : i32
    %add3A_3 = arith.constant 0 : i32
    %add3A_4 = arith.addi %mul3A_2, %add3A_3 : i32
    "tpu.region"() ({
      %run_scoped3A = tpu.sem_alloc : memref<!tpu.dma_semaphore, #tpu.memory_space<semaphore_mem>>
      %dma_start3A_33 = tpu.memref_slice %arg3[%add3A_4] : memref<8192xi32, #tpu.memory_space<hbm>> -> memref<64xi32, #tpu.memory_space<hbm>>
      %dma_start3A_34 = tpu.memref_slice %arg3[%add3A_4] : memref<8192xi32, #tpu.memory_space<hbm>> -> memref<64xi32, #tpu.memory_space<hbm>>
      tpu.enqueue_dma source(%dma_start3A_34 : memref<64xi32, #tpu.memory_space<hbm>>) target(%arg5 : memref<64xi32, #tpu.memory_space<vmem>>) target_semaphore(%run_scoped3A : memref<!tpu.dma_semaphore, #tpu.memory_space<semaphore_mem>>)
      %dma_wait3A_35 = tpu.memref_slice %arg3[%add3A_4] : memref<8192xi32, #tpu.memory_space<hbm>> -> memref<64xi32, #tpu.memory_space<hbm>>
      %dma_wait3A_36 = tpu.memref_slice %arg3[%add3A_4] : memref<8192xi32, #tpu.memory_space<hbm>> -> memref<64xi32, #tpu.memory_space<hbm>>
      tpu.wait_dma2 semaphore(%run_scoped3A : memref<!tpu.dma_semaphore, #tpu.memory_space<semaphore_mem>>) src(%dma_wait3A_36 : memref<64xi32, #tpu.memory_space<hbm>>) dst(%arg5 : memref<64xi32, #tpu.memory_space<vmem>>)
      tpu.yield
    }) : () -> ()
    %dma_start3A = arith.constant 0 : i32
    %dma_start3A_5 = arith.constant 0 : i32
    %dma_start3A_6 = tpu.memref_slice %arg2[%dma_start3A, %dma_start3A_5] : memref<2048x512xf32, #tpu.memory_space<hbm>> -> memref<2048x512xf32, #tpu.memory_space<hbm>>
    tpu.enqueue_indirect_dma source(%dma_start3A_6 : memref<2048x512xf32, #tpu.memory_space<hbm>>) target(%arg6 : memref<64x512xf32, #tpu.memory_space<vmem>>) offsets(%arg5 : memref<64xi32, #tpu.memory_space<vmem>>) semaphore(%arg7 : memref<!tpu.dma_semaphore, #tpu.memory_space<semaphore_mem>>)
    %dma_wait3A = arith.constant 0 : i32
    %dma_wait3A_7 = arith.constant 0 : i32
    %dma_wait3A_8 = tpu.memref_slice %arg2[%dma_wait3A, %dma_wait3A_7] : memref<2048x512xf32, #tpu.memory_space<hbm>> -> memref<2048x512xf32, #tpu.memory_space<hbm>>
    tpu.wait_indirect_dma semaphore(%arg7 : memref<!tpu.dma_semaphore, #tpu.memory_space<semaphore_mem>>) src(%dma_wait3A_8 : memref<2048x512xf32, #tpu.memory_space<hbm>>) dst(%arg6 : memref<64x512xf32, #tpu.memory_space<vmem>>)
    "tpu.region"() ({
      %run_scoped3A = tpu.sem_alloc : memref<!tpu.dma_semaphore, #tpu.memory_space<semaphore_mem>>
      %dma_start3A_33 = arith.constant 0 : i32
      %dma_start3A_34 = tpu.memref_slice %arg4[%add3A_4, %dma_start3A_33] : memref<8192x512xf32, #tpu.memory_space<hbm>> -> memref<64x512xf32, #tpu.memory_space<hbm>>
      %dma_start3A_35 = arith.constant 0 : i32
      %dma_start3A_36 = tpu.memref_slice %arg4[%add3A_4, %dma_start3A_35] : memref<8192x512xf32, #tpu.memory_space<hbm>> -> memref<64x512xf32, #tpu.memory_space<hbm>>
      tpu.enqueue_dma source(%arg6 : memref<64x512xf32, #tpu.memory_space<vmem>>) target(%dma_start3A_36 : memref<64x512xf32, #tpu.memory_space<hbm>>) target_semaphore(%run_scoped3A : memref<!tpu.dma_semaphore, #tpu.memory_space<semaphore_mem>>)
      %dma_wait3A_37 = arith.constant 0 : i32
      %dma_wait3A_38 = tpu.memref_slice %arg4[%add3A_4, %dma_wait3A_37] : memref<8192x512xf32, #tpu.memory_space<hbm>> -> memref<64x512xf32, #tpu.memory_space<hbm>>
      %dma_wait3A_39 = arith.constant 0 : i32
      %dma_wait3A_40 = tpu.memref_slice %arg4[%add3A_4, %dma_wait3A_39] : memref<8192x512xf32, #tpu.memory_space<hbm>> -> memref<64x512xf32, #tpu.memory_space<hbm>>
      tpu.wait_dma2 semaphore(%run_scoped3A : memref<!tpu.dma_semaphore, #tpu.memory_space<semaphore_mem>>) src(%arg6 : memref<64x512xf32, #tpu.memory_space<vmem>>) dst(%dma_wait3A_40 : memref<64x512xf32, #tpu.memory_space<hbm>>)
      tpu.yield
    }) : () -> ()
    %add3A_9 = arith.constant 64 : i32
    %add3A_10 = arith.addi %mul3A_2, %add3A_9 : i32
    "tpu.region"() ({
      %run_scoped3A = tpu.sem_alloc : memref<!tpu.dma_semaphore, #tpu.memory_space<semaphore_mem>>
      %dma_start3A_33 = tpu.memref_slice %arg3[%add3A_10] : memref<8192xi32, #tpu.memory_space<hbm>> -> memref<64xi32, #tpu.memory_space<hbm>>
      %dma_start3A_34 = tpu.memref_slice %arg3[%add3A_10] : memref<8192xi32, #tpu.memory_space<hbm>> -> memref<64xi32, #tpu.memory_space<hbm>>
      tpu.enqueue_dma source(%dma_start3A_34 : memref<64xi32, #tpu.memory_space<hbm>>) target(%arg5 : memref<64xi32, #tpu.memory_space<vmem>>) target_semaphore(%run_scoped3A : memref<!tpu.dma_semaphore, #tpu.memory_space<semaphore_mem>>)
      %dma_wait3A_35 = tpu.memref_slice %arg3[%add3A_10] : memref<8192xi32, #tpu.memory_space<hbm>> -> memref<64xi32, #tpu.memory_space<hbm>>
      %dma_wait3A_36 = tpu.memref_slice %arg3[%add3A_10] : memref<8192xi32, #tpu.memory_space<hbm>> -> memref<64xi32, #tpu.memory_space<hbm>>
      tpu.wait_dma2 semaphore(%run_scoped3A : memref<!tpu.dma_semaphore, #tpu.memory_space<semaphore_mem>>) src(%dma_wait3A_36 : memref<64xi32, #tpu.memory_space<hbm>>) dst(%arg5 : memref<64xi32, #tpu.memory_space<vmem>>)
      tpu.yield
    }) : () -> ()
    %dma_start3A_11 = arith.constant 0 : i32
    %dma_start3A_12 = arith.constant 0 : i32
    %dma_start3A_13 = tpu.memref_slice %arg2[%dma_start3A_11, %dma_start3A_12] : memref<2048x512xf32, #tpu.memory_space<hbm>> -> memref<2048x512xf32, #tpu.memory_space<hbm>>
    tpu.enqueue_indirect_dma source(%dma_start3A_13 : memref<2048x512xf32, #tpu.memory_space<hbm>>) target(%arg6 : memref<64x512xf32, #tpu.memory_space<vmem>>) offsets(%arg5 : memref<64xi32, #tpu.memory_space<vmem>>) semaphore(%arg7 : memref<!tpu.dma_semaphore, #tpu.memory_space<semaphore_mem>>)
    %dma_wait3A_14 = arith.constant 0 : i32
    %dma_wait3A_15 = arith.constant 0 : i32
    %dma_wait3A_16 = tpu.memref_slice %arg2[%dma_wait3A_14, %dma_wait3A_15] : memref<2048x512xf32, #tpu.memory_space<hbm>> -> memref<2048x512xf32, #tpu.memory_space<hbm>>
    tpu.wait_indirect_dma semaphore(%arg7 : memref<!tpu.dma_semaphore, #tpu.memory_space<semaphore_mem>>) src(%dma_wait3A_16 : memref<2048x512xf32, #tpu.memory_space<hbm>>) dst(%arg6 : memref<64x512xf32, #tpu.memory_space<vmem>>)
    "tpu.region"() ({
      %run_scoped3A = tpu.sem_alloc : memref<!tpu.dma_semaphore, #tpu.memory_space<semaphore_mem>>
      %dma_start3A_33 = arith.constant 0 : i32
      %dma_start3A_34 = tpu.memref_slice %arg4[%add3A_10, %dma_start3A_33] : memref<8192x512xf32, #tpu.memory_space<hbm>> -> memref<64x512xf32, #tpu.memory_space<hbm>>
      %dma_start3A_35 = arith.constant 0 : i32
      %dma_start3A_36 = tpu.memref_slice %arg4[%add3A_10, %dma_start3A_35] : memref<8192x512xf32, #tpu.memory_space<hbm>> -> memref<64x512xf32, #tpu.memory_space<hbm>>
      tpu.enqueue_dma source(%arg6 : memref<64x512xf32, #tpu.memory_space<vmem>>) target(%dma_start3A_36 : memref<64x512xf32, #tpu.memory_space<hbm>>) target_semaphore(%run_scoped3A : memref<!tpu.dma_semaphore, #tpu.memory_space<semaphore_mem>>)
      %dma_wait3A_37 = arith.constant 0 : i32
      %dma_wait3A_38 = tpu.memref_slice %arg4[%add3A_10, %dma_wait3A_37] : memref<8192x512xf32, #tpu.memory_space<hbm>> -> memref<64x512xf32, #tpu.memory_space<hbm>>
      %dma_wait3A_39 = arith.constant 0 : i32
      %dma_wait3A_40 = tpu.memref_slice %arg4[%add3A_10, %dma_wait3A_39] : memref<8192x512xf32, #tpu.memory_space<hbm>> -> memref<64x512xf32, #tpu.memory_space<hbm>>
      tpu.wait_dma2 semaphore(%run_scoped3A : memref<!tpu.dma_semaphore, #tpu.memory_space<semaphore_mem>>) src(%arg6 : memref<64x512xf32, #tpu.memory_space<vmem>>) dst(%dma_wait3A_40 : memref<64x512xf32, #tpu.memory_space<hbm>>)
      tpu.yield
    }) : () -> ()
    %add3A_17 = arith.constant 128 : i32
    %add3A_18 = arith.addi %mul3A_2, %add3A_17 : i32
    "tpu.region"() ({
      %run_scoped3A = tpu.sem_alloc : memref<!tpu.dma_semaphore, #tpu.memory_space<semaphore_mem>>
      %dma_start3A_33 = tpu.memref_slice %arg3[%add3A_18] : memref<8192xi32, #tpu.memory_space<hbm>> -> memref<64xi32, #tpu.memory_space<hbm>>
      %dma_start3A_34 = tpu.memref_slice %arg3[%add3A_18] : memref<8192xi32, #tpu.memory_space<hbm>> -> memref<64xi32, #tpu.memory_space<hbm>>
      tpu.enqueue_dma source(%dma_start3A_34 : memref<64xi32, #tpu.memory_space<hbm>>) target(%arg5 : memref<64xi32, #tpu.memory_space<vmem>>) target_semaphore(%run_scoped3A : memref<!tpu.dma_semaphore, #tpu.memory_space<semaphore_mem>>)
      %dma_wait3A_35 = tpu.memref_slice %arg3[%add3A_18] : memref<8192xi32, #tpu.memory_space<hbm>> -> memref<64xi32, #tpu.memory_space<hbm>>
      %dma_wait3A_36 = tpu.memref_slice %arg3[%add3A_18] : memref<8192xi32, #tpu.memory_space<hbm>> -> memref<64xi32, #tpu.memory_space<hbm>>
      tpu.wait_dma2 semaphore(%run_scoped3A : memref<!tpu.dma_semaphore, #tpu.memory_space<semaphore_mem>>) src(%dma_wait3A_36 : memref<64xi32, #tpu.memory_space<hbm>>) dst(%arg5 : memref<64xi32, #tpu.memory_space<vmem>>)
      tpu.yield
    }) : () -> ()
    %dma_start3A_19 = arith.constant 0 : i32
    %dma_start3A_20 = arith.constant 0 : i32
    %dma_start3A_21 = tpu.memref_slice %arg2[%dma_start3A_19, %dma_start3A_20] : memref<2048x512xf32, #tpu.memory_space<hbm>> -> memref<2048x512xf32, #tpu.memory_space<hbm>>
    tpu.enqueue_indirect_dma source(%dma_start3A_21 : memref<2048x512xf32, #tpu.memory_space<hbm>>) target(%arg6 : memref<64x512xf32, #tpu.memory_space<vmem>>) offsets(%arg5 : memref<64xi32, #tpu.memory_space<vmem>>) semaphore(%arg7 : memref<!tpu.dma_semaphore, #tpu.memory_space<semaphore_mem>>)
    %dma_wait3A_22 = arith.constant 0 : i32
    %dma_wait3A_23 = arith.constant 0 : i32
    %dma_wait3A_24 = tpu.memref_slice %arg2[%dma_wait3A_22, %dma_wait3A_23] : memref<2048x512xf32, #tpu.memory_space<hbm>> -> memref<2048x512xf32, #tpu.memory_space<hbm>>
    tpu.wait_indirect_dma semaphore(%arg7 : memref<!tpu.dma_semaphore, #tpu.memory_space<semaphore_mem>>) src(%dma_wait3A_24 : memref<2048x512xf32, #tpu.memory_space<hbm>>) dst(%arg6 : memref<64x512xf32, #tpu.memory_space<vmem>>)
    "tpu.region"() ({
      %run_scoped3A = tpu.sem_alloc : memref<!tpu.dma_semaphore, #tpu.memory_space<semaphore_mem>>
      %dma_start3A_33 = arith.constant 0 : i32
      %dma_start3A_34 = tpu.memref_slice %arg4[%add3A_18, %dma_start3A_33] : memref<8192x512xf32, #tpu.memory_space<hbm>> -> memref<64x512xf32, #tpu.memory_space<hbm>>
      %dma_start3A_35 = arith.constant 0 : i32
      %dma_start3A_36 = tpu.memref_slice %arg4[%add3A_18, %dma_start3A_35] : memref<8192x512xf32, #tpu.memory_space<hbm>> -> memref<64x512xf32, #tpu.memory_space<hbm>>
      tpu.enqueue_dma source(%arg6 : memref<64x512xf32, #tpu.memory_space<vmem>>) target(%dma_start3A_36 : memref<64x512xf32, #tpu.memory_space<hbm>>) target_semaphore(%run_scoped3A : memref<!tpu.dma_semaphore, #tpu.memory_space<semaphore_mem>>)
      %dma_wait3A_37 = arith.constant 0 : i32
      %dma_wait3A_38 = tpu.memref_slice %arg4[%add3A_18, %dma_wait3A_37] : memref<8192x512xf32, #tpu.memory_space<hbm>> -> memref<64x512xf32, #tpu.memory_space<hbm>>
      %dma_wait3A_39 = arith.constant 0 : i32
      %dma_wait3A_40 = tpu.memref_slice %arg4[%add3A_18, %dma_wait3A_39] : memref<8192x512xf32, #tpu.memory_space<hbm>> -> memref<64x512xf32, #tpu.memory_space<hbm>>
      tpu.wait_dma2 semaphore(%run_scoped3A : memref<!tpu.dma_semaphore, #tpu.memory_space<semaphore_mem>>) src(%arg6 : memref<64x512xf32, #tpu.memory_space<vmem>>) dst(%dma_wait3A_40 : memref<64x512xf32, #tpu.memory_space<hbm>>)
      tpu.yield
    }) : () -> ()
    %add3A_25 = arith.constant 192 : i32
    %add3A_26 = arith.addi %mul3A_2, %add3A_25 : i32
    "tpu.region"() ({
      %run_scoped3A = tpu.sem_alloc : memref<!tpu.dma_semaphore, #tpu.memory_space<semaphore_mem>>
      %dma_start3A_33 = tpu.memref_slice %arg3[%add3A_26] : memref<8192xi32, #tpu.memory_space<hbm>> -> memref<64xi32, #tpu.memory_space<hbm>>
      %dma_start3A_34 = tpu.memref_slice %arg3[%add3A_26] : memref<8192xi32, #tpu.memory_space<hbm>> -> memref<64xi32, #tpu.memory_space<hbm>>
      tpu.enqueue_dma source(%dma_start3A_34 : memref<64xi32, #tpu.memory_space<hbm>>) target(%arg5 : memref<64xi32, #tpu.memory_space<vmem>>) target_semaphore(%run_scoped3A : memref<!tpu.dma_semaphore, #tpu.memory_space<semaphore_mem>>)
      %dma_wait3A_35 = tpu.memref_slice %arg3[%add3A_26] : memref<8192xi32, #tpu.memory_space<hbm>> -> memref<64xi32, #tpu.memory_space<hbm>>
      %dma_wait3A_36 = tpu.memref_slice %arg3[%add3A_26] : memref<8192xi32, #tpu.memory_space<hbm>> -> memref<64xi32, #tpu.memory_space<hbm>>
      tpu.wait_dma2 semaphore(%run_scoped3A : memref<!tpu.dma_semaphore, #tpu.memory_space<semaphore_mem>>) src(%dma_wait3A_36 : memref<64xi32, #tpu.memory_space<hbm>>) dst(%arg5 : memref<64xi32, #tpu.memory_space<vmem>>)
      tpu.yield
    }) : () -> ()
    %dma_start3A_27 = arith.constant 0 : i32
    %dma_start3A_28 = arith.constant 0 : i32
    %dma_start3A_29 = tpu.memref_slice %arg2[%dma_start3A_27, %dma_start3A_28] : memref<2048x512xf32, #tpu.memory_space<hbm>> -> memref<2048x512xf32, #tpu.memory_space<hbm>>
    tpu.enqueue_indirect_dma source(%dma_start3A_29 : memref<2048x512xf32, #tpu.memory_space<hbm>>) target(%arg6 : memref<64x512xf32, #tpu.memory_space<vmem>>) offsets(%arg5 : memref<64xi32, #tpu.memory_space<vmem>>) semaphore(%arg7 : memref<!tpu.dma_semaphore, #tpu.memory_space<semaphore_mem>>)
    %dma_wait3A_30 = arith.constant 0 : i32
    %dma_wait3A_31 = arith.constant 0 : i32
    %dma_wait3A_32 = tpu.memref_slice %arg2[%dma_wait3A_30, %dma_wait3A_31] : memref<2048x512xf32, #tpu.memory_space<hbm>> -> memref<2048x512xf32, #tpu.memory_space<hbm>>
    tpu.wait_indirect_dma semaphore(%arg7 : memref<!tpu.dma_semaphore, #tpu.memory_space<semaphore_mem>>) src(%dma_wait3A_32 : memref<2048x512xf32, #tpu.memory_space<hbm>>) dst(%arg6 : memref<64x512xf32, #tpu.memory_space<vmem>>)
    "tpu.region"() ({
      %run_scoped3A = tpu.sem_alloc : memref<!tpu.dma_semaphore, #tpu.memory_space<semaphore_mem>>
      %dma_start3A_33 = arith.constant 0 : i32
      %dma_start3A_34 = tpu.memref_slice %arg4[%add3A_26, %dma_start3A_33] : memref<8192x512xf32, #tpu.memory_space<hbm>> -> memref<64x512xf32, #tpu.memory_space<hbm>>
      %dma_start3A_35 = arith.constant 0 : i32
      %dma_start3A_36 = tpu.memref_slice %arg4[%add3A_26, %dma_start3A_35] : memref<8192x512xf32, #tpu.memory_space<hbm>> -> memref<64x512xf32, #tpu.memory_space<hbm>>
      tpu.enqueue_dma source(%arg6 : memref<64x512xf32, #tpu.memory_space<vmem>>) target(%dma_start3A_36 : memref<64x512xf32, #tpu.memory_space<hbm>>) target_semaphore(%run_scoped3A : memref<!tpu.dma_semaphore, #tpu.memory_space<semaphore_mem>>)
      %dma_wait3A_37 = arith.constant 0 : i32
      %dma_wait3A_38 = tpu.memref_slice %arg4[%add3A_26, %dma_wait3A_37] : memref<8192x512xf32, #tpu.memory_space<hbm>> -> memref<64x512xf32, #tpu.memory_space<hbm>>
      %dma_wait3A_39 = arith.constant 0 : i32
      %dma_wait3A_40 = tpu.memref_slice %arg4[%add3A_26, %dma_wait3A_39] : memref<8192x512xf32, #tpu.memory_space<hbm>> -> memref<64x512xf32, #tpu.memory_space<hbm>>
      tpu.wait_dma2 semaphore(%run_scoped3A : memref<!tpu.dma_semaphore, #tpu.memory_space<semaphore_mem>>) src(%arg6 : memref<64x512xf32, #tpu.memory_space<vmem>>) dst(%dma_wait3A_40 : memref<64x512xf32, #tpu.memory_space<hbm>>)
      tpu.yield
    }) : () -> ()
    return
  }
}

#map = affine_map<(d0, d1) -> (0, 0)>
#map1 = affine_map<(d0, d1) -> (0)>
module attributes {stable_mosaic.version = 14 : i64} {
  func.func @gather(%arg0: i32, %arg1: i32, %arg2: memref<2048x512xf32, #tpu.memory_space<hbm>>, %arg3: memref<8192xi32, #tpu.memory_space<hbm>>, %arg4: memref<8192x512xf32, #tpu.memory_space<hbm>>, %arg5: memref<64xi32, #tpu.memory_space<vmem>>, %arg6: memref<64x512xf32, #tpu.memory_space<vmem>>, %arg7: memref<!tpu.dma_semaphore, #tpu.memory_space<semaphore_mem>>) attributes {dimension_semantics = [#tpu.dimension_semantics<core_parallel>, #tpu.dimension_semantics<subcore_parallel>], iteration_bounds = array<i64: 2, 16>, scalar_prefetch = 0 : i64, scratch_operands = 3 : i64, tpu.core_type = #tpu.core_type<sc_vector_subcore>, window_params = [{transform_indices = #map}, {transform_indices = #map1}, {transform_indices = #map}]} {
    %mul3A = arith.constant 2 : i32
    %mul3A_0 = arith.muli %arg1, %mul3A : i32
    %add3A = arith.addi %mul3A_0, %arg0 : i32
    %mul3A_1 = arith.constant 256 : i32
    %mul3A_2 = arith.muli %add3A, %mul3A_1 : i32
    %add3A_3 = arith.constant 0 : i32
    %add3A_4 = arith.addi %mul3A_2, %add3A_3 : i32
    "tpu.region"() ({
      %run_scoped3A = tpu.sem_alloc : memref<!tpu.dma_semaphore, #tpu.memory_space<semaphore_mem>>
      %dma_start3A_33 = tpu.memref_slice %arg3[%add3A_4] : memref<8192xi32, #tpu.memory_space<hbm>> -> memref<64xi32, #tpu.memory_space<hbm>>
      %dma_start3A_34 = tpu.memref_slice %arg3[%add3A_4] : memref<8192xi32, #tpu.memory_space<hbm>> -> memref<64xi32, #tpu.memory_space<hbm>>
      tpu.enqueue_dma source(%dma_start3A_34 : memref<64xi32, #tpu.memory_space<hbm>>) target(%arg5 : memref<64xi32, #tpu.memory_space<vmem>>) target_semaphore(%run_scoped3A : memref<!tpu.dma_semaphore, #tpu.memory_space<semaphore_mem>>)
      %dma_wait3A_35 = tpu.memref_slice %arg3[%add3A_4] : memref<8192xi32, #tpu.memory_space<hbm>> -> memref<64xi32, #tpu.memory_space<hbm>>
      %dma_wait3A_36 = tpu.memref_slice %arg3[%add3A_4] : memref<8192xi32, #tpu.memory_space<hbm>> -> memref<64xi32, #tpu.memory_space<hbm>>
      tpu.wait_dma2 semaphore(%run_scoped3A : memref<!tpu.dma_semaphore, #tpu.memory_space<semaphore_mem>>) src(%dma_wait3A_36 : memref<64xi32, #tpu.memory_space<hbm>>) dst(%arg5 : memref<64xi32, #tpu.memory_space<vmem>>)
      tpu.yield
    }) : () -> ()
    %dma_start3A = arith.constant 0 : i32
    %dma_start3A_5 = arith.constant 0 : i32
    %dma_start3A_6 = tpu.memref_slice %arg2[%dma_start3A, %dma_start3A_5] : memref<2048x512xf32, #tpu.memory_space<hbm>> -> memref<2048x512xf32, #tpu.memory_space<hbm>>
    tpu.enqueue_indirect_dma source(%dma_start3A_6 : memref<2048x512xf32, #tpu.memory_space<hbm>>) target(%arg6 : memref<64x512xf32, #tpu.memory_space<vmem>>) offsets(%arg5 : memref<64xi32, #tpu.memory_space<vmem>>) semaphore(%arg7 : memref<!tpu.dma_semaphore, #tpu.memory_space<semaphore_mem>>)
    %dma_wait3A = arith.constant 0 : i32
    %dma_wait3A_7 = arith.constant 0 : i32
    %dma_wait3A_8 = tpu.memref_slice %arg2[%dma_wait3A, %dma_wait3A_7] : memref<2048x512xf32, #tpu.memory_space<hbm>> -> memref<2048x512xf32, #tpu.memory_space<hbm>>
    tpu.wait_indirect_dma semaphore(%arg7 : memref<!tpu.dma_semaphore, #tpu.memory_space<semaphore_mem>>) src(%dma_wait3A_8 : memref<2048x512xf32, #tpu.memory_space<hbm>>) dst(%arg6 : memref<64x512xf32, #tpu.memory_space<vmem>>)
    "tpu.region"() ({
      %run_scoped3A = tpu.sem_alloc : memref<!tpu.dma_semaphore, #tpu.memory_space<semaphore_mem>>
      %dma_start3A_33 = arith.constant 0 : i32
      %dma_start3A_34 = tpu.memref_slice %arg4[%add3A_4, %dma_start3A_33] : memref<8192x512xf32, #tpu.memory_space<hbm>> -> memref<64x512xf32, #tpu.memory_space<hbm>>
      %dma_start3A_35 = arith.constant 0 : i32
      %dma_start3A_36 = tpu.memref_slice %arg4[%add3A_4, %dma_start3A_35] : memref<8192x512xf32, #tpu.memory_space<hbm>> -> memref<64x512xf32, #tpu.memory_space<hbm>>
      tpu.enqueue_dma source(%arg6 : memref<64x512xf32, #tpu.memory_space<vmem>>) target(%dma_start3A_36 : memref<64x512xf32, #tpu.memory_space<hbm>>) target_semaphore(%run_scoped3A : memref<!tpu.dma_semaphore, #tpu.memory_space<semaphore_mem>>)
      %dma_wait3A_37 = arith.constant 0 : i32
      %dma_wait3A_38 = tpu.memref_slice %arg4[%add3A_4, %dma_wait3A_37] : memref<8192x512xf32, #tpu.memory_space<hbm>> -> memref<64x512xf32, #tpu.memory_space<hbm>>
      %dma_wait3A_39 = arith.constant 0 : i32
      %dma_wait3A_40 = tpu.memref_slice %arg4[%add3A_4, %dma_wait3A_39] : memref<8192x512xf32, #tpu.memory_space<hbm>> -> memref<64x512xf32, #tpu.memory_space<hbm>>
      tpu.wait_dma2 semaphore(%run_scoped3A : memref<!tpu.dma_semaphore, #tpu.memory_space<semaphore_mem>>) src(%arg6 : memref<64x512xf32, #tpu.memory_space<vmem>>) dst(%dma_wait3A_40 : memref<64x512xf32, #tpu.memory_space<hbm>>)
      tpu.yield
    }) : () -> ()
    %add3A_9 = arith.constant 64 : i32
    %add3A_10 = arith.addi %mul3A_2, %add3A_9 : i32
    "tpu.region"() ({
      %run_scoped3A = tpu.sem_alloc : memref<!tpu.dma_semaphore, #tpu.memory_space<semaphore_mem>>
      %dma_start3A_33 = tpu.memref_slice %arg3[%add3A_10] : memref<8192xi32, #tpu.memory_space<hbm>> -> memref<64xi32, #tpu.memory_space<hbm>>
      %dma_start3A_34 = tpu.memref_slice %arg3[%add3A_10] : memref<8192xi32, #tpu.memory_space<hbm>> -> memref<64xi32, #tpu.memory_space<hbm>>
      tpu.enqueue_dma source(%dma_start3A_34 : memref<64xi32, #tpu.memory_space<hbm>>) target(%arg5 : memref<64xi32, #tpu.memory_space<vmem>>) target_semaphore(%run_scoped3A : memref<!tpu.dma_semaphore, #tpu.memory_space<semaphore_mem>>)
      %dma_wait3A_35 = tpu.memref_slice %arg3[%add3A_10] : memref<8192xi32, #tpu.memory_space<hbm>> -> memref<64xi32, #tpu.memory_space<hbm>>
      %dma_wait3A_36 = tpu.memref_slice %arg3[%add3A_10] : memref<8192xi32, #tpu.memory_space<hbm>> -> memref<64xi32, #tpu.memory_space<hbm>>
      tpu.wait_dma2 semaphore(%run_scoped3A : memref<!tpu.dma_semaphore, #tpu.memory_space<semaphore_mem>>) src(%dma_wait3A_36 : memref<64xi32, #tpu.memory_space<hbm>>) dst(%arg5 : memref<64xi32, #tpu.memory_space<vmem>>)
      tpu.yield
    }) : () -> ()
    %dma_start3A_11 = arith.constant 0 : i32
    %dma_start3A_12 = arith.constant 0 : i32
    %dma_start3A_13 = tpu.memref_slice %arg2[%dma_start3A_11, %dma_start3A_12] : memref<2048x512xf32, #tpu.memory_space<hbm>> -> memref<2048x512xf32, #tpu.memory_space<hbm>>
    tpu.enqueue_indirect_dma source(%dma_start3A_13 : memref<2048x512xf32, #tpu.memory_space<hbm>>) target(%arg6 : memref<64x512xf32, #tpu.memory_space<vmem>>) offsets(%arg5 : memref<64xi32, #tpu.memory_space<vmem>>) semaphore(%arg7 : memref<!tpu.dma_semaphore, #tpu.memory_space<semaphore_mem>>)
    %dma_wait3A_14 = arith.constant 0 : i32
    %dma_wait3A_15 = arith.constant 0 : i32
    %dma_wait3A_16 = tpu.memref_slice %arg2[%dma_wait3A_14, %dma_wait3A_15] : memref<2048x512xf32, #tpu.memory_space<hbm>> -> memref<2048x512xf32, #tpu.memory_space<hbm>>
    tpu.wait_indirect_dma semaphore(%arg7 : memref<!tpu.dma_semaphore, #tpu.memory_space<semaphore_mem>>) src(%dma_wait3A_16 : memref<2048x512xf32, #tpu.memory_space<hbm>>) dst(%arg6 : memref<64x512xf32, #tpu.memory_space<vmem>>)
    "tpu.region"() ({
      %run_scoped3A = tpu.sem_alloc : memref<!tpu.dma_semaphore, #tpu.memory_space<semaphore_mem>>
      %dma_start3A_33 = arith.constant 0 : i32
      %dma_start3A_34 = tpu.memref_slice %arg4[%add3A_10, %dma_start3A_33] : memref<8192x512xf32, #tpu.memory_space<hbm>> -> memref<64x512xf32, #tpu.memory_space<hbm>>
      %dma_start3A_35 = arith.constant 0 : i32
      %dma_start3A_36 = tpu.memref_slice %arg4[%add3A_10, %dma_start3A_35] : memref<8192x512xf32, #tpu.memory_space<hbm>> -> memref<64x512xf32, #tpu.memory_space<hbm>>
      tpu.enqueue_dma source(%arg6 : memref<64x512xf32, #tpu.memory_space<vmem>>) target(%dma_start3A_36 : memref<64x512xf32, #tpu.memory_space<hbm>>) target_semaphore(%run_scoped3A : memref<!tpu.dma_semaphore, #tpu.memory_space<semaphore_mem>>)
      %dma_wait3A_37 = arith.constant 0 : i32
      %dma_wait3A_38 = tpu.memref_slice %arg4[%add3A_10, %dma_wait3A_37] : memref<8192x512xf32, #tpu.memory_space<hbm>> -> memref<64x512xf32, #tpu.memory_space<hbm>>
      %dma_wait3A_39 = arith.constant 0 : i32
      %dma_wait3A_40 = tpu.memref_slice %arg4[%add3A_10, %dma_wait3A_39] : memref<8192x512xf32, #tpu.memory_space<hbm>> -> memref<64x512xf32, #tpu.memory_space<hbm>>
      tpu.wait_dma2 semaphore(%run_scoped3A : memref<!tpu.dma_semaphore, #tpu.memory_space<semaphore_mem>>) src(%arg6 : memref<64x512xf32, #tpu.memory_space<vmem>>) dst(%dma_wait3A_40 : memref<64x512xf32, #tpu.memory_space<hbm>>)
      tpu.yield
    }) : () -> ()
    %add3A_17 = arith.constant 128 : i32
    %add3A_18 = arith.addi %mul3A_2, %add3A_17 : i32
    "tpu.region"() ({
      %run_scoped3A = tpu.sem_alloc : memref<!tpu.dma_semaphore, #tpu.memory_space<semaphore_mem>>
      %dma_start3A_33 = tpu.memref_slice %arg3[%add3A_18] : memref<8192xi32, #tpu.memory_space<hbm>> -> memref<64xi32, #tpu.memory_space<hbm>>
      %dma_start3A_34 = tpu.memref_slice %arg3[%add3A_18] : memref<8192xi32, #tpu.memory_space<hbm>> -> memref<64xi32, #tpu.memory_space<hbm>>
      tpu.enqueue_dma source(%dma_start3A_34 : memref<64xi32, #tpu.memory_space<hbm>>) target(%arg5 : memref<64xi32, #tpu.memory_space<vmem>>) target_semaphore(%run_scoped3A : memref<!tpu.dma_semaphore, #tpu.memory_space<semaphore_mem>>)
      %dma_wait3A_35 = tpu.memref_slice %arg3[%add3A_18] : memref<8192xi32, #tpu.memory_space<hbm>> -> memref<64xi32, #tpu.memory_space<hbm>>
      %dma_wait3A_36 = tpu.memref_slice %arg3[%add3A_18] : memref<8192xi32, #tpu.memory_space<hbm>> -> memref<64xi32, #tpu.memory_space<hbm>>
      tpu.wait_dma2 semaphore(%run_scoped3A : memref<!tpu.dma_semaphore, #tpu.memory_space<semaphore_mem>>) src(%dma_wait3A_36 : memref<64xi32, #tpu.memory_space<hbm>>) dst(%arg5 : memref<64xi32, #tpu.memory_space<vmem>>)
      tpu.yield
    }) : () -> ()
    %dma_start3A_19 = arith.constant 0 : i32
    %dma_start3A_20 = arith.constant 0 : i32
    %dma_start3A_21 = tpu.memref_slice %arg2[%dma_start3A_19, %dma_start3A_20] : memref<2048x512xf32, #tpu.memory_space<hbm>> -> memref<2048x512xf32, #tpu.memory_space<hbm>>
    tpu.enqueue_indirect_dma source(%dma_start3A_21 : memref<2048x512xf32, #tpu.memory_space<hbm>>) target(%arg6 : memref<64x512xf32, #tpu.memory_space<vmem>>) offsets(%arg5 : memref<64xi32, #tpu.memory_space<vmem>>) semaphore(%arg7 : memref<!tpu.dma_semaphore, #tpu.memory_space<semaphore_mem>>)
    %dma_wait3A_22 = arith.constant 0 : i32
    %dma_wait3A_23 = arith.constant 0 : i32
    %dma_wait3A_24 = tpu.memref_slice %arg2[%dma_wait3A_22, %dma_wait3A_23] : memref<2048x512xf32, #tpu.memory_space<hbm>> -> memref<2048x512xf32, #tpu.memory_space<hbm>>
    tpu.wait_indirect_dma semaphore(%arg7 : memref<!tpu.dma_semaphore, #tpu.memory_space<semaphore_mem>>) src(%dma_wait3A_24 : memref<2048x512xf32, #tpu.memory_space<hbm>>) dst(%arg6 : memref<64x512xf32, #tpu.memory_space<vmem>>)
    "tpu.region"() ({
      %run_scoped3A = tpu.sem_alloc : memref<!tpu.dma_semaphore, #tpu.memory_space<semaphore_mem>>
      %dma_start3A_33 = arith.constant 0 : i32
      %dma_start3A_34 = tpu.memref_slice %arg4[%add3A_18, %dma_start3A_33] : memref<8192x512xf32, #tpu.memory_space<hbm>> -> memref<64x512xf32, #tpu.memory_space<hbm>>
      %dma_start3A_35 = arith.constant 0 : i32
      %dma_start3A_36 = tpu.memref_slice %arg4[%add3A_18, %dma_start3A_35] : memref<8192x512xf32, #tpu.memory_space<hbm>> -> memref<64x512xf32, #tpu.memory_space<hbm>>
      tpu.enqueue_dma source(%arg6 : memref<64x512xf32, #tpu.memory_space<vmem>>) target(%dma_start3A_36 : memref<64x512xf32, #tpu.memory_space<hbm>>) target_semaphore(%run_scoped3A : memref<!tpu.dma_semaphore, #tpu.memory_space<semaphore_mem>>)
      %dma_wait3A_37 = arith.constant 0 : i32
      %dma_wait3A_38 = tpu.memref_slice %arg4[%add3A_18, %dma_wait3A_37] : memref<8192x512xf32, #tpu.memory_space<hbm>> -> memref<64x512xf32, #tpu.memory_space<hbm>>
      %dma_wait3A_39 = arith.constant 0 : i32
      %dma_wait3A_40 = tpu.memref_slice %arg4[%add3A_18, %dma_wait3A_39] : memref<8192x512xf32, #tpu.memory_space<hbm>> -> memref<64x512xf32, #tpu.memory_space<hbm>>
      tpu.wait_dma2 semaphore(%run_scoped3A : memref<!tpu.dma_semaphore, #tpu.memory_space<semaphore_mem>>) src(%arg6 : memref<64x512xf32, #tpu.memory_space<vmem>>) dst(%dma_wait3A_40 : memref<64x512xf32, #tpu.memory_space<hbm>>)
      tpu.yield
    }) : () -> ()
    %add3A_25 = arith.constant 192 : i32
    %add3A_26 = arith.addi %mul3A_2, %add3A_25 : i32
    "tpu.region"() ({
      %run_scoped3A = tpu.sem_alloc : memref<!tpu.dma_semaphore, #tpu.memory_space<semaphore_mem>>
      %dma_start3A_33 = tpu.memref_slice %arg3[%add3A_26] : memref<8192xi32, #tpu.memory_space<hbm>> -> memref<64xi32, #tpu.memory_space<hbm>>
      %dma_start3A_34 = tpu.memref_slice %arg3[%add3A_26] : memref<8192xi32, #tpu.memory_space<hbm>> -> memref<64xi32, #tpu.memory_space<hbm>>
      tpu.enqueue_dma source(%dma_start3A_34 : memref<64xi32, #tpu.memory_space<hbm>>) target(%arg5 : memref<64xi32, #tpu.memory_space<vmem>>) target_semaphore(%run_scoped3A : memref<!tpu.dma_semaphore, #tpu.memory_space<semaphore_mem>>)
      %dma_wait3A_35 = tpu.memref_slice %arg3[%add3A_26] : memref<8192xi32, #tpu.memory_space<hbm>> -> memref<64xi32, #tpu.memory_space<hbm>>
      %dma_wait3A_36 = tpu.memref_slice %arg3[%add3A_26] : memref<8192xi32, #tpu.memory_space<hbm>> -> memref<64xi32, #tpu.memory_space<hbm>>
      tpu.wait_dma2 semaphore(%run_scoped3A : memref<!tpu.dma_semaphore, #tpu.memory_space<semaphore_mem>>) src(%dma_wait3A_36 : memref<64xi32, #tpu.memory_space<hbm>>) dst(%arg5 : memref<64xi32, #tpu.memory_space<vmem>>)
      tpu.yield
    }) : () -> ()
    %dma_start3A_27 = arith.constant 0 : i32
    %dma_start3A_28 = arith.constant 0 : i32
    %dma_start3A_29 = tpu.memref_slice %arg2[%dma_start3A_27, %dma_start3A_28] : memref<2048x512xf32, #tpu.memory_space<hbm>> -> memref<2048x512xf32, #tpu.memory_space<hbm>>
    tpu.enqueue_indirect_dma source(%dma_start3A_29 : memref<2048x512xf32, #tpu.memory_space<hbm>>) target(%arg6 : memref<64x512xf32, #tpu.memory_space<vmem>>) offsets(%arg5 : memref<64xi32, #tpu.memory_space<vmem>>) semaphore(%arg7 : memref<!tpu.dma_semaphore, #tpu.memory_space<semaphore_mem>>)
    %dma_wait3A_30 = arith.constant 0 : i32
    %dma_wait3A_31 = arith.constant 0 : i32
    %dma_wait3A_32 = tpu.memref_slice %arg2[%dma_wait3A_30, %dma_wait3A_31] : memref<2048x512xf32, #tpu.memory_space<hbm>> -> memref<2048x512xf32, #tpu.memory_space<hbm>>
    tpu.wait_indirect_dma semaphore(%arg7 : memref<!tpu.dma_semaphore, #tpu.memory_space<semaphore_mem>>) src(%dma_wait3A_32 : memref<2048x512xf32, #tpu.memory_space<hbm>>) dst(%arg6 : memref<64x512xf32, #tpu.memory_space<vmem>>)
    "tpu.region"() ({
      %run_scoped3A = tpu.sem_alloc : memref<!tpu.dma_semaphore, #tpu.memory_space<semaphore_mem>>
      %dma_start3A_33 = arith.constant 0 : i32
      %dma_start3A_34 = tpu.memref_slice %arg4[%add3A_26, %dma_start3A_33] : memref<8192x512xf32, #tpu.memory_space<hbm>> -> memref<64x512xf32, #tpu.memory_space<hbm>>
      %dma_start3A_35 = arith.constant 0 : i32
      %dma_start3A_36 = tpu.memref_slice %arg4[%add3A_26, %dma_start3A_35] : memref<8192x512xf32, #tpu.memory_space<hbm>> -> memref<64x512xf32, #tpu.memory_space<hbm>>
      tpu.enqueue_dma source(%arg6 : memref<64x512xf32, #tpu.memory_space<vmem>>) target(%dma_start3A_36 : memref<64x512xf32, #tpu.memory_space<hbm>>) target_semaphore(%run_scoped3A : memref<!tpu.dma_semaphore, #tpu.memory_space<semaphore_mem>>)
      %dma_wait3A_37 = arith.constant 0 : i32
      %dma_wait3A_38 = tpu.memref_slice %arg4[%add3A_26, %dma_wait3A_37] : memref<8192x512xf32, #tpu.memory_space<hbm>> -> memref<64x512xf32, #tpu.memory_space<hbm>>
      %dma_wait3A_39 = arith.constant 0 : i32
      %dma_wait3A_40 = tpu.memref_slice %arg4[%add3A_26, %dma_wait3A_39] : memref<8192x512xf32, #tpu.memory_space<hbm>> -> memref<64x512xf32, #tpu.memory_space<hbm>>
      tpu.wait_dma2 semaphore(%run_scoped3A : memref<!tpu.dma_semaphore, #tpu.memory_space<semaphore_mem>>) src(%arg6 : memref<64x512xf32, #tpu.memory_space<vmem>>) dst(%dma_wait3A_40 : memref<64x512xf32, #tpu.memory_space<hbm>>)
      tpu.yield
    }) : () -> ()
    return
  }
}

#map = affine_map<(d0, d1) -> (0, 0)>
#map1 = affine_map<(d0, d1) -> (0)>
module attributes {stable_mosaic.version = 14 : i64} {
  func.func @gather(%arg0: i32, %arg1: i32, %arg2: memref<2048x512xf32, #tpu.memory_space<hbm>>, %arg3: memref<8192xi32, #tpu.memory_space<hbm>>, %arg4: memref<8192x512xf32, #tpu.memory_space<hbm>>, %arg5: memref<64xi32, #tpu.memory_space<vmem>>, %arg6: memref<64x512xf32, #tpu.memory_space<vmem>>, %arg7: memref<!tpu.dma_semaphore, #tpu.memory_space<semaphore_mem>>) attributes {dimension_semantics = [#tpu.dimension_semantics<core_parallel>, #tpu.dimension_semantics<subcore_parallel>], iteration_bounds = array<i64: 2, 16>, scalar_prefetch = 0 : i64, scratch_operands = 3 : i64, tpu.core_type = #tpu.core_type<sc_vector_subcore>, window_params = [{transform_indices = #map}, {transform_indices = #map1}, {transform_indices = #map}]} {
    %mul3A = arith.constant 2 : i32
    %mul3A_0 = arith.muli %arg1, %mul3A : i32
    %add3A = arith.addi %mul3A_0, %arg0 : i32
    %mul3A_1 = arith.constant 256 : i32
    %mul3A_2 = arith.muli %add3A, %mul3A_1 : i32
    %add3A_3 = arith.constant 0 : i32
    %add3A_4 = arith.addi %mul3A_2, %add3A_3 : i32
    "tpu.region"() ({
      %run_scoped3A = tpu.sem_alloc : memref<!tpu.dma_semaphore, #tpu.memory_space<semaphore_mem>>
      %dma_start3A_33 = tpu.memref_slice %arg3[%add3A_4] : memref<8192xi32, #tpu.memory_space<hbm>> -> memref<64xi32, #tpu.memory_space<hbm>>
      %dma_start3A_34 = tpu.memref_slice %arg3[%add3A_4] : memref<8192xi32, #tpu.memory_space<hbm>> -> memref<64xi32, #tpu.memory_space<hbm>>
      tpu.enqueue_dma source(%dma_start3A_34 : memref<64xi32, #tpu.memory_space<hbm>>) target(%arg5 : memref<64xi32, #tpu.memory_space<vmem>>) target_semaphore(%run_scoped3A : memref<!tpu.dma_semaphore, #tpu.memory_space<semaphore_mem>>)
      %dma_wait3A_35 = tpu.memref_slice %arg3[%add3A_4] : memref<8192xi32, #tpu.memory_space<hbm>> -> memref<64xi32, #tpu.memory_space<hbm>>
      %dma_wait3A_36 = tpu.memref_slice %arg3[%add3A_4] : memref<8192xi32, #tpu.memory_space<hbm>> -> memref<64xi32, #tpu.memory_space<hbm>>
      tpu.wait_dma2 semaphore(%run_scoped3A : memref<!tpu.dma_semaphore, #tpu.memory_space<semaphore_mem>>) src(%dma_wait3A_36 : memref<64xi32, #tpu.memory_space<hbm>>) dst(%arg5 : memref<64xi32, #tpu.memory_space<vmem>>)
      tpu.yield
    }) : () -> ()
    %dma_start3A = arith.constant 0 : i32
    %dma_start3A_5 = arith.constant 0 : i32
    %dma_start3A_6 = tpu.memref_slice %arg2[%dma_start3A, %dma_start3A_5] : memref<2048x512xf32, #tpu.memory_space<hbm>> -> memref<2048x512xf32, #tpu.memory_space<hbm>>
    tpu.enqueue_indirect_dma source(%dma_start3A_6 : memref<2048x512xf32, #tpu.memory_space<hbm>>) target(%arg6 : memref<64x512xf32, #tpu.memory_space<vmem>>) offsets(%arg5 : memref<64xi32, #tpu.memory_space<vmem>>) semaphore(%arg7 : memref<!tpu.dma_semaphore, #tpu.memory_space<semaphore_mem>>)
    %dma_wait3A = arith.constant 0 : i32
    %dma_wait3A_7 = arith.constant 0 : i32
    %dma_wait3A_8 = tpu.memref_slice %arg2[%dma_wait3A, %dma_wait3A_7] : memref<2048x512xf32, #tpu.memory_space<hbm>> -> memref<2048x512xf32, #tpu.memory_space<hbm>>
    tpu.wait_indirect_dma semaphore(%arg7 : memref<!tpu.dma_semaphore, #tpu.memory_space<semaphore_mem>>) src(%dma_wait3A_8 : memref<2048x512xf32, #tpu.memory_space<hbm>>) dst(%arg6 : memref<64x512xf32, #tpu.memory_space<vmem>>)
    "tpu.region"() ({
      %run_scoped3A = tpu.sem_alloc : memref<!tpu.dma_semaphore, #tpu.memory_space<semaphore_mem>>
      %dma_start3A_33 = arith.constant 0 : i32
      %dma_start3A_34 = tpu.memref_slice %arg4[%add3A_4, %dma_start3A_33] : memref<8192x512xf32, #tpu.memory_space<hbm>> -> memref<64x512xf32, #tpu.memory_space<hbm>>
      %dma_start3A_35 = arith.constant 0 : i32
      %dma_start3A_36 = tpu.memref_slice %arg4[%add3A_4, %dma_start3A_35] : memref<8192x512xf32, #tpu.memory_space<hbm>> -> memref<64x512xf32, #tpu.memory_space<hbm>>
      tpu.enqueue_dma source(%arg6 : memref<64x512xf32, #tpu.memory_space<vmem>>) target(%dma_start3A_36 : memref<64x512xf32, #tpu.memory_space<hbm>>) target_semaphore(%run_scoped3A : memref<!tpu.dma_semaphore, #tpu.memory_space<semaphore_mem>>)
      %dma_wait3A_37 = arith.constant 0 : i32
      %dma_wait3A_38 = tpu.memref_slice %arg4[%add3A_4, %dma_wait3A_37] : memref<8192x512xf32, #tpu.memory_space<hbm>> -> memref<64x512xf32, #tpu.memory_space<hbm>>
      %dma_wait3A_39 = arith.constant 0 : i32
      %dma_wait3A_40 = tpu.memref_slice %arg4[%add3A_4, %dma_wait3A_39] : memref<8192x512xf32, #tpu.memory_space<hbm>> -> memref<64x512xf32, #tpu.memory_space<hbm>>
      tpu.wait_dma2 semaphore(%run_scoped3A : memref<!tpu.dma_semaphore, #tpu.memory_space<semaphore_mem>>) src(%arg6 : memref<64x512xf32, #tpu.memory_space<vmem>>) dst(%dma_wait3A_40 : memref<64x512xf32, #tpu.memory_space<hbm>>)
      tpu.yield
    }) : () -> ()
    %add3A_9 = arith.constant 64 : i32
    %add3A_10 = arith.addi %mul3A_2, %add3A_9 : i32
    "tpu.region"() ({
      %run_scoped3A = tpu.sem_alloc : memref<!tpu.dma_semaphore, #tpu.memory_space<semaphore_mem>>
      %dma_start3A_33 = tpu.memref_slice %arg3[%add3A_10] : memref<8192xi32, #tpu.memory_space<hbm>> -> memref<64xi32, #tpu.memory_space<hbm>>
      %dma_start3A_34 = tpu.memref_slice %arg3[%add3A_10] : memref<8192xi32, #tpu.memory_space<hbm>> -> memref<64xi32, #tpu.memory_space<hbm>>
      tpu.enqueue_dma source(%dma_start3A_34 : memref<64xi32, #tpu.memory_space<hbm>>) target(%arg5 : memref<64xi32, #tpu.memory_space<vmem>>) target_semaphore(%run_scoped3A : memref<!tpu.dma_semaphore, #tpu.memory_space<semaphore_mem>>)
      %dma_wait3A_35 = tpu.memref_slice %arg3[%add3A_10] : memref<8192xi32, #tpu.memory_space<hbm>> -> memref<64xi32, #tpu.memory_space<hbm>>
      %dma_wait3A_36 = tpu.memref_slice %arg3[%add3A_10] : memref<8192xi32, #tpu.memory_space<hbm>> -> memref<64xi32, #tpu.memory_space<hbm>>
      tpu.wait_dma2 semaphore(%run_scoped3A : memref<!tpu.dma_semaphore, #tpu.memory_space<semaphore_mem>>) src(%dma_wait3A_36 : memref<64xi32, #tpu.memory_space<hbm>>) dst(%arg5 : memref<64xi32, #tpu.memory_space<vmem>>)
      tpu.yield
    }) : () -> ()
    %dma_start3A_11 = arith.constant 0 : i32
    %dma_start3A_12 = arith.constant 0 : i32
    %dma_start3A_13 = tpu.memref_slice %arg2[%dma_start3A_11, %dma_start3A_12] : memref<2048x512xf32, #tpu.memory_space<hbm>> -> memref<2048x512xf32, #tpu.memory_space<hbm>>
    tpu.enqueue_indirect_dma source(%dma_start3A_13 : memref<2048x512xf32, #tpu.memory_space<hbm>>) target(%arg6 : memref<64x512xf32, #tpu.memory_space<vmem>>) offsets(%arg5 : memref<64xi32, #tpu.memory_space<vmem>>) semaphore(%arg7 : memref<!tpu.dma_semaphore, #tpu.memory_space<semaphore_mem>>)
    %dma_wait3A_14 = arith.constant 0 : i32
    %dma_wait3A_15 = arith.constant 0 : i32
    %dma_wait3A_16 = tpu.memref_slice %arg2[%dma_wait3A_14, %dma_wait3A_15] : memref<2048x512xf32, #tpu.memory_space<hbm>> -> memref<2048x512xf32, #tpu.memory_space<hbm>>
    tpu.wait_indirect_dma semaphore(%arg7 : memref<!tpu.dma_semaphore, #tpu.memory_space<semaphore_mem>>) src(%dma_wait3A_16 : memref<2048x512xf32, #tpu.memory_space<hbm>>) dst(%arg6 : memref<64x512xf32, #tpu.memory_space<vmem>>)
    "tpu.region"() ({
      %run_scoped3A = tpu.sem_alloc : memref<!tpu.dma_semaphore, #tpu.memory_space<semaphore_mem>>
      %dma_start3A_33 = arith.constant 0 : i32
      %dma_start3A_34 = tpu.memref_slice %arg4[%add3A_10, %dma_start3A_33] : memref<8192x512xf32, #tpu.memory_space<hbm>> -> memref<64x512xf32, #tpu.memory_space<hbm>>
      %dma_start3A_35 = arith.constant 0 : i32
      %dma_start3A_36 = tpu.memref_slice %arg4[%add3A_10, %dma_start3A_35] : memref<8192x512xf32, #tpu.memory_space<hbm>> -> memref<64x512xf32, #tpu.memory_space<hbm>>
      tpu.enqueue_dma source(%arg6 : memref<64x512xf32, #tpu.memory_space<vmem>>) target(%dma_start3A_36 : memref<64x512xf32, #tpu.memory_space<hbm>>) target_semaphore(%run_scoped3A : memref<!tpu.dma_semaphore, #tpu.memory_space<semaphore_mem>>)
      %dma_wait3A_37 = arith.constant 0 : i32
      %dma_wait3A_38 = tpu.memref_slice %arg4[%add3A_10, %dma_wait3A_37] : memref<8192x512xf32, #tpu.memory_space<hbm>> -> memref<64x512xf32, #tpu.memory_space<hbm>>
      %dma_wait3A_39 = arith.constant 0 : i32
      %dma_wait3A_40 = tpu.memref_slice %arg4[%add3A_10, %dma_wait3A_39] : memref<8192x512xf32, #tpu.memory_space<hbm>> -> memref<64x512xf32, #tpu.memory_space<hbm>>
      tpu.wait_dma2 semaphore(%run_scoped3A : memref<!tpu.dma_semaphore, #tpu.memory_space<semaphore_mem>>) src(%arg6 : memref<64x512xf32, #tpu.memory_space<vmem>>) dst(%dma_wait3A_40 : memref<64x512xf32, #tpu.memory_space<hbm>>)
      tpu.yield
    }) : () -> ()
    %add3A_17 = arith.constant 128 : i32
    %add3A_18 = arith.addi %mul3A_2, %add3A_17 : i32
    "tpu.region"() ({
      %run_scoped3A = tpu.sem_alloc : memref<!tpu.dma_semaphore, #tpu.memory_space<semaphore_mem>>
      %dma_start3A_33 = tpu.memref_slice %arg3[%add3A_18] : memref<8192xi32, #tpu.memory_space<hbm>> -> memref<64xi32, #tpu.memory_space<hbm>>
      %dma_start3A_34 = tpu.memref_slice %arg3[%add3A_18] : memref<8192xi32, #tpu.memory_space<hbm>> -> memref<64xi32, #tpu.memory_space<hbm>>
      tpu.enqueue_dma source(%dma_start3A_34 : memref<64xi32, #tpu.memory_space<hbm>>) target(%arg5 : memref<64xi32, #tpu.memory_space<vmem>>) target_semaphore(%run_scoped3A : memref<!tpu.dma_semaphore, #tpu.memory_space<semaphore_mem>>)
      %dma_wait3A_35 = tpu.memref_slice %arg3[%add3A_18] : memref<8192xi32, #tpu.memory_space<hbm>> -> memref<64xi32, #tpu.memory_space<hbm>>
      %dma_wait3A_36 = tpu.memref_slice %arg3[%add3A_18] : memref<8192xi32, #tpu.memory_space<hbm>> -> memref<64xi32, #tpu.memory_space<hbm>>
      tpu.wait_dma2 semaphore(%run_scoped3A : memref<!tpu.dma_semaphore, #tpu.memory_space<semaphore_mem>>) src(%dma_wait3A_36 : memref<64xi32, #tpu.memory_space<hbm>>) dst(%arg5 : memref<64xi32, #tpu.memory_space<vmem>>)
      tpu.yield
    }) : () -> ()
    %dma_start3A_19 = arith.constant 0 : i32
    %dma_start3A_20 = arith.constant 0 : i32
    %dma_start3A_21 = tpu.memref_slice %arg2[%dma_start3A_19, %dma_start3A_20] : memref<2048x512xf32, #tpu.memory_space<hbm>> -> memref<2048x512xf32, #tpu.memory_space<hbm>>
    tpu.enqueue_indirect_dma source(%dma_start3A_21 : memref<2048x512xf32, #tpu.memory_space<hbm>>) target(%arg6 : memref<64x512xf32, #tpu.memory_space<vmem>>) offsets(%arg5 : memref<64xi32, #tpu.memory_space<vmem>>) semaphore(%arg7 : memref<!tpu.dma_semaphore, #tpu.memory_space<semaphore_mem>>)
    %dma_wait3A_22 = arith.constant 0 : i32
    %dma_wait3A_23 = arith.constant 0 : i32
    %dma_wait3A_24 = tpu.memref_slice %arg2[%dma_wait3A_22, %dma_wait3A_23] : memref<2048x512xf32, #tpu.memory_space<hbm>> -> memref<2048x512xf32, #tpu.memory_space<hbm>>
    tpu.wait_indirect_dma semaphore(%arg7 : memref<!tpu.dma_semaphore, #tpu.memory_space<semaphore_mem>>) src(%dma_wait3A_24 : memref<2048x512xf32, #tpu.memory_space<hbm>>) dst(%arg6 : memref<64x512xf32, #tpu.memory_space<vmem>>)
    "tpu.region"() ({
      %run_scoped3A = tpu.sem_alloc : memref<!tpu.dma_semaphore, #tpu.memory_space<semaphore_mem>>
      %dma_start3A_33 = arith.constant 0 : i32
      %dma_start3A_34 = tpu.memref_slice %arg4[%add3A_18, %dma_start3A_33] : memref<8192x512xf32, #tpu.memory_space<hbm>> -> memref<64x512xf32, #tpu.memory_space<hbm>>
      %dma_start3A_35 = arith.constant 0 : i32
      %dma_start3A_36 = tpu.memref_slice %arg4[%add3A_18, %dma_start3A_35] : memref<8192x512xf32, #tpu.memory_space<hbm>> -> memref<64x512xf32, #tpu.memory_space<hbm>>
      tpu.enqueue_dma source(%arg6 : memref<64x512xf32, #tpu.memory_space<vmem>>) target(%dma_start3A_36 : memref<64x512xf32, #tpu.memory_space<hbm>>) target_semaphore(%run_scoped3A : memref<!tpu.dma_semaphore, #tpu.memory_space<semaphore_mem>>)
      %dma_wait3A_37 = arith.constant 0 : i32
      %dma_wait3A_38 = tpu.memref_slice %arg4[%add3A_18, %dma_wait3A_37] : memref<8192x512xf32, #tpu.memory_space<hbm>> -> memref<64x512xf32, #tpu.memory_space<hbm>>
      %dma_wait3A_39 = arith.constant 0 : i32
      %dma_wait3A_40 = tpu.memref_slice %arg4[%add3A_18, %dma_wait3A_39] : memref<8192x512xf32, #tpu.memory_space<hbm>> -> memref<64x512xf32, #tpu.memory_space<hbm>>
      tpu.wait_dma2 semaphore(%run_scoped3A : memref<!tpu.dma_semaphore, #tpu.memory_space<semaphore_mem>>) src(%arg6 : memref<64x512xf32, #tpu.memory_space<vmem>>) dst(%dma_wait3A_40 : memref<64x512xf32, #tpu.memory_space<hbm>>)
      tpu.yield
    }) : () -> ()
    %add3A_25 = arith.constant 192 : i32
    %add3A_26 = arith.addi %mul3A_2, %add3A_25 : i32
    "tpu.region"() ({
      %run_scoped3A = tpu.sem_alloc : memref<!tpu.dma_semaphore, #tpu.memory_space<semaphore_mem>>
      %dma_start3A_33 = tpu.memref_slice %arg3[%add3A_26] : memref<8192xi32, #tpu.memory_space<hbm>> -> memref<64xi32, #tpu.memory_space<hbm>>
      %dma_start3A_34 = tpu.memref_slice %arg3[%add3A_26] : memref<8192xi32, #tpu.memory_space<hbm>> -> memref<64xi32, #tpu.memory_space<hbm>>
      tpu.enqueue_dma source(%dma_start3A_34 : memref<64xi32, #tpu.memory_space<hbm>>) target(%arg5 : memref<64xi32, #tpu.memory_space<vmem>>) target_semaphore(%run_scoped3A : memref<!tpu.dma_semaphore, #tpu.memory_space<semaphore_mem>>)
      %dma_wait3A_35 = tpu.memref_slice %arg3[%add3A_26] : memref<8192xi32, #tpu.memory_space<hbm>> -> memref<64xi32, #tpu.memory_space<hbm>>
      %dma_wait3A_36 = tpu.memref_slice %arg3[%add3A_26] : memref<8192xi32, #tpu.memory_space<hbm>> -> memref<64xi32, #tpu.memory_space<hbm>>
      tpu.wait_dma2 semaphore(%run_scoped3A : memref<!tpu.dma_semaphore, #tpu.memory_space<semaphore_mem>>) src(%dma_wait3A_36 : memref<64xi32, #tpu.memory_space<hbm>>) dst(%arg5 : memref<64xi32, #tpu.memory_space<vmem>>)
      tpu.yield
    }) : () -> ()
    %dma_start3A_27 = arith.constant 0 : i32
    %dma_start3A_28 = arith.constant 0 : i32
    %dma_start3A_29 = tpu.memref_slice %arg2[%dma_start3A_27, %dma_start3A_28] : memref<2048x512xf32, #tpu.memory_space<hbm>> -> memref<2048x512xf32, #tpu.memory_space<hbm>>
    tpu.enqueue_indirect_dma source(%dma_start3A_29 : memref<2048x512xf32, #tpu.memory_space<hbm>>) target(%arg6 : memref<64x512xf32, #tpu.memory_space<vmem>>) offsets(%arg5 : memref<64xi32, #tpu.memory_space<vmem>>) semaphore(%arg7 : memref<!tpu.dma_semaphore, #tpu.memory_space<semaphore_mem>>)
    %dma_wait3A_30 = arith.constant 0 : i32
    %dma_wait3A_31 = arith.constant 0 : i32
    %dma_wait3A_32 = tpu.memref_slice %arg2[%dma_wait3A_30, %dma_wait3A_31] : memref<2048x512xf32, #tpu.memory_space<hbm>> -> memref<2048x512xf32, #tpu.memory_space<hbm>>
    tpu.wait_indirect_dma semaphore(%arg7 : memref<!tpu.dma_semaphore, #tpu.memory_space<semaphore_mem>>) src(%dma_wait3A_32 : memref<2048x512xf32, #tpu.memory_space<hbm>>) dst(%arg6 : memref<64x512xf32, #tpu.memory_space<vmem>>)
    "tpu.region"() ({
      %run_scoped3A = tpu.sem_alloc : memref<!tpu.dma_semaphore, #tpu.memory_space<semaphore_mem>>
      %dma_start3A_33 = arith.constant 0 : i32
      %dma_start3A_34 = tpu.memref_slice %arg4[%add3A_26, %dma_start3A_33] : memref<8192x512xf32, #tpu.memory_space<hbm>> -> memref<64x512xf32, #tpu.memory_space<hbm>>
      %dma_start3A_35 = arith.constant 0 : i32
      %dma_start3A_36 = tpu.memref_slice %arg4[%add3A_26, %dma_start3A_35] : memref<8192x512xf32, #tpu.memory_space<hbm>> -> memref<64x512xf32, #tpu.memory_space<hbm>>
      tpu.enqueue_dma source(%arg6 : memref<64x512xf32, #tpu.memory_space<vmem>>) target(%dma_start3A_36 : memref<64x512xf32, #tpu.memory_space<hbm>>) target_semaphore(%run_scoped3A : memref<!tpu.dma_semaphore, #tpu.memory_space<semaphore_mem>>)
      %dma_wait3A_37 = arith.constant 0 : i32
      %dma_wait3A_38 = tpu.memref_slice %arg4[%add3A_26, %dma_wait3A_37] : memref<8192x512xf32, #tpu.memory_space<hbm>> -> memref<64x512xf32, #tpu.memory_space<hbm>>
      %dma_wait3A_39 = arith.constant 0 : i32
      %dma_wait3A_40 = tpu.memref_slice %arg4[%add3A_26, %dma_wait3A_39] : memref<8192x512xf32, #tpu.memory_space<hbm>> -> memref<64x512xf32, #tpu.memory_space<hbm>>
      tpu.wait_dma2 semaphore(%run_scoped3A : memref<!tpu.dma_semaphore, #tpu.memory_space<semaphore_mem>>) src(%arg6 : memref<64x512xf32, #tpu.memory_space<vmem>>) dst(%dma_wait3A_40 : memref<64x512xf32, #tpu.memory_space<hbm>>)
      tpu.yield
    }) : () -> ()
    return
  }
}

#map = affine_map<(d0, d1) -> (0, 0)>
#map1 = affine_map<(d0, d1) -> (0)>
module attributes {stable_mosaic.version = 14 : i64} {
  func.func @gather(%arg0: i32, %arg1: i32, %arg2: memref<2048x512xf32, #tpu.memory_space<hbm>>, %arg3: memref<8192xi32, #tpu.memory_space<hbm>>, %arg4: memref<8192x512xf32, #tpu.memory_space<hbm>>, %arg5: memref<64xi32, #tpu.memory_space<vmem>>, %arg6: memref<64x512xf32, #tpu.memory_space<vmem>>, %arg7: memref<!tpu.dma_semaphore, #tpu.memory_space<semaphore_mem>>) attributes {dimension_semantics = [#tpu.dimension_semantics<core_parallel>, #tpu.dimension_semantics<subcore_parallel>], iteration_bounds = array<i64: 2, 16>, scalar_prefetch = 0 : i64, scratch_operands = 3 : i64, tpu.core_type = #tpu.core_type<sc_vector_subcore>, window_params = [{transform_indices = #map}, {transform_indices = #map1}, {transform_indices = #map}]} {
    %mul3A = arith.constant 2 : i32
    %mul3A_0 = arith.muli %arg1, %mul3A : i32
    %add3A = arith.addi %mul3A_0, %arg0 : i32
    %mul3A_1 = arith.constant 256 : i32
    %mul3A_2 = arith.muli %add3A, %mul3A_1 : i32
    %add3A_3 = arith.constant 0 : i32
    %add3A_4 = arith.addi %mul3A_2, %add3A_3 : i32
    "tpu.region"() ({
      %run_scoped3A = tpu.sem_alloc : memref<!tpu.dma_semaphore, #tpu.memory_space<semaphore_mem>>
      %dma_start3A_33 = tpu.memref_slice %arg3[%add3A_4] : memref<8192xi32, #tpu.memory_space<hbm>> -> memref<64xi32, #tpu.memory_space<hbm>>
      %dma_start3A_34 = tpu.memref_slice %arg3[%add3A_4] : memref<8192xi32, #tpu.memory_space<hbm>> -> memref<64xi32, #tpu.memory_space<hbm>>
      tpu.enqueue_dma source(%dma_start3A_34 : memref<64xi32, #tpu.memory_space<hbm>>) target(%arg5 : memref<64xi32, #tpu.memory_space<vmem>>) target_semaphore(%run_scoped3A : memref<!tpu.dma_semaphore, #tpu.memory_space<semaphore_mem>>)
      %dma_wait3A_35 = tpu.memref_slice %arg3[%add3A_4] : memref<8192xi32, #tpu.memory_space<hbm>> -> memref<64xi32, #tpu.memory_space<hbm>>
      %dma_wait3A_36 = tpu.memref_slice %arg3[%add3A_4] : memref<8192xi32, #tpu.memory_space<hbm>> -> memref<64xi32, #tpu.memory_space<hbm>>
      tpu.wait_dma2 semaphore(%run_scoped3A : memref<!tpu.dma_semaphore, #tpu.memory_space<semaphore_mem>>) src(%dma_wait3A_36 : memref<64xi32, #tpu.memory_space<hbm>>) dst(%arg5 : memref<64xi32, #tpu.memory_space<vmem>>)
      tpu.yield
    }) : () -> ()
    %dma_start3A = arith.constant 0 : i32
    %dma_start3A_5 = arith.constant 0 : i32
    %dma_start3A_6 = tpu.memref_slice %arg2[%dma_start3A, %dma_start3A_5] : memref<2048x512xf32, #tpu.memory_space<hbm>> -> memref<2048x512xf32, #tpu.memory_space<hbm>>
    tpu.enqueue_indirect_dma source(%dma_start3A_6 : memref<2048x512xf32, #tpu.memory_space<hbm>>) target(%arg6 : memref<64x512xf32, #tpu.memory_space<vmem>>) offsets(%arg5 : memref<64xi32, #tpu.memory_space<vmem>>) semaphore(%arg7 : memref<!tpu.dma_semaphore, #tpu.memory_space<semaphore_mem>>)
    %dma_wait3A = arith.constant 0 : i32
    %dma_wait3A_7 = arith.constant 0 : i32
    %dma_wait3A_8 = tpu.memref_slice %arg2[%dma_wait3A, %dma_wait3A_7] : memref<2048x512xf32, #tpu.memory_space<hbm>> -> memref<2048x512xf32, #tpu.memory_space<hbm>>
    tpu.wait_indirect_dma semaphore(%arg7 : memref<!tpu.dma_semaphore, #tpu.memory_space<semaphore_mem>>) src(%dma_wait3A_8 : memref<2048x512xf32, #tpu.memory_space<hbm>>) dst(%arg6 : memref<64x512xf32, #tpu.memory_space<vmem>>)
    "tpu.region"() ({
      %run_scoped3A = tpu.sem_alloc : memref<!tpu.dma_semaphore, #tpu.memory_space<semaphore_mem>>
      %dma_start3A_33 = arith.constant 0 : i32
      %dma_start3A_34 = tpu.memref_slice %arg4[%add3A_4, %dma_start3A_33] : memref<8192x512xf32, #tpu.memory_space<hbm>> -> memref<64x512xf32, #tpu.memory_space<hbm>>
      %dma_start3A_35 = arith.constant 0 : i32
      %dma_start3A_36 = tpu.memref_slice %arg4[%add3A_4, %dma_start3A_35] : memref<8192x512xf32, #tpu.memory_space<hbm>> -> memref<64x512xf32, #tpu.memory_space<hbm>>
      tpu.enqueue_dma source(%arg6 : memref<64x512xf32, #tpu.memory_space<vmem>>) target(%dma_start3A_36 : memref<64x512xf32, #tpu.memory_space<hbm>>) target_semaphore(%run_scoped3A : memref<!tpu.dma_semaphore, #tpu.memory_space<semaphore_mem>>)
      %dma_wait3A_37 = arith.constant 0 : i32
      %dma_wait3A_38 = tpu.memref_slice %arg4[%add3A_4, %dma_wait3A_37] : memref<8192x512xf32, #tpu.memory_space<hbm>> -> memref<64x512xf32, #tpu.memory_space<hbm>>
      %dma_wait3A_39 = arith.constant 0 : i32
      %dma_wait3A_40 = tpu.memref_slice %arg4[%add3A_4, %dma_wait3A_39] : memref<8192x512xf32, #tpu.memory_space<hbm>> -> memref<64x512xf32, #tpu.memory_space<hbm>>
      tpu.wait_dma2 semaphore(%run_scoped3A : memref<!tpu.dma_semaphore, #tpu.memory_space<semaphore_mem>>) src(%arg6 : memref<64x512xf32, #tpu.memory_space<vmem>>) dst(%dma_wait3A_40 : memref<64x512xf32, #tpu.memory_space<hbm>>)
      tpu.yield
    }) : () -> ()
    %add3A_9 = arith.constant 64 : i32
    %add3A_10 = arith.addi %mul3A_2, %add3A_9 : i32
    "tpu.region"() ({
      %run_scoped3A = tpu.sem_alloc : memref<!tpu.dma_semaphore, #tpu.memory_space<semaphore_mem>>
      %dma_start3A_33 = tpu.memref_slice %arg3[%add3A_10] : memref<8192xi32, #tpu.memory_space<hbm>> -> memref<64xi32, #tpu.memory_space<hbm>>
      %dma_start3A_34 = tpu.memref_slice %arg3[%add3A_10] : memref<8192xi32, #tpu.memory_space<hbm>> -> memref<64xi32, #tpu.memory_space<hbm>>
      tpu.enqueue_dma source(%dma_start3A_34 : memref<64xi32, #tpu.memory_space<hbm>>) target(%arg5 : memref<64xi32, #tpu.memory_space<vmem>>) target_semaphore(%run_scoped3A : memref<!tpu.dma_semaphore, #tpu.memory_space<semaphore_mem>>)
      %dma_wait3A_35 = tpu.memref_slice %arg3[%add3A_10] : memref<8192xi32, #tpu.memory_space<hbm>> -> memref<64xi32, #tpu.memory_space<hbm>>
      %dma_wait3A_36 = tpu.memref_slice %arg3[%add3A_10] : memref<8192xi32, #tpu.memory_space<hbm>> -> memref<64xi32, #tpu.memory_space<hbm>>
      tpu.wait_dma2 semaphore(%run_scoped3A : memref<!tpu.dma_semaphore, #tpu.memory_space<semaphore_mem>>) src(%dma_wait3A_36 : memref<64xi32, #tpu.memory_space<hbm>>) dst(%arg5 : memref<64xi32, #tpu.memory_space<vmem>>)
      tpu.yield
    }) : () -> ()
    %dma_start3A_11 = arith.constant 0 : i32
    %dma_start3A_12 = arith.constant 0 : i32
    %dma_start3A_13 = tpu.memref_slice %arg2[%dma_start3A_11, %dma_start3A_12] : memref<2048x512xf32, #tpu.memory_space<hbm>> -> memref<2048x512xf32, #tpu.memory_space<hbm>>
    tpu.enqueue_indirect_dma source(%dma_start3A_13 : memref<2048x512xf32, #tpu.memory_space<hbm>>) target(%arg6 : memref<64x512xf32, #tpu.memory_space<vmem>>) offsets(%arg5 : memref<64xi32, #tpu.memory_space<vmem>>) semaphore(%arg7 : memref<!tpu.dma_semaphore, #tpu.memory_space<semaphore_mem>>)
    %dma_wait3A_14 = arith.constant 0 : i32
    %dma_wait3A_15 = arith.constant 0 : i32
    %dma_wait3A_16 = tpu.memref_slice %arg2[%dma_wait3A_14, %dma_wait3A_15] : memref<2048x512xf32, #tpu.memory_space<hbm>> -> memref<2048x512xf32, #tpu.memory_space<hbm>>
    tpu.wait_indirect_dma semaphore(%arg7 : memref<!tpu.dma_semaphore, #tpu.memory_space<semaphore_mem>>) src(%dma_wait3A_16 : memref<2048x512xf32, #tpu.memory_space<hbm>>) dst(%arg6 : memref<64x512xf32, #tpu.memory_space<vmem>>)
    "tpu.region"() ({
      %run_scoped3A = tpu.sem_alloc : memref<!tpu.dma_semaphore, #tpu.memory_space<semaphore_mem>>
      %dma_start3A_33 = arith.constant 0 : i32
      %dma_start3A_34 = tpu.memref_slice %arg4[%add3A_10, %dma_start3A_33] : memref<8192x512xf32, #tpu.memory_space<hbm>> -> memref<64x512xf32, #tpu.memory_space<hbm>>
      %dma_start3A_35 = arith.constant 0 : i32
      %dma_start3A_36 = tpu.memref_slice %arg4[%add3A_10, %dma_start3A_35] : memref<8192x512xf32, #tpu.memory_space<hbm>> -> memref<64x512xf32, #tpu.memory_space<hbm>>
      tpu.enqueue_dma source(%arg6 : memref<64x512xf32, #tpu.memory_space<vmem>>) target(%dma_start3A_36 : memref<64x512xf32, #tpu.memory_space<hbm>>) target_semaphore(%run_scoped3A : memref<!tpu.dma_semaphore, #tpu.memory_space<semaphore_mem>>)
      %dma_wait3A_37 = arith.constant 0 : i32
      %dma_wait3A_38 = tpu.memref_slice %arg4[%add3A_10, %dma_wait3A_37] : memref<8192x512xf32, #tpu.memory_space<hbm>> -> memref<64x512xf32, #tpu.memory_space<hbm>>
      %dma_wait3A_39 = arith.constant 0 : i32
      %dma_wait3A_40 = tpu.memref_slice %arg4[%add3A_10, %dma_wait3A_39] : memref<8192x512xf32, #tpu.memory_space<hbm>> -> memref<64x512xf32, #tpu.memory_space<hbm>>
      tpu.wait_dma2 semaphore(%run_scoped3A : memref<!tpu.dma_semaphore, #tpu.memory_space<semaphore_mem>>) src(%arg6 : memref<64x512xf32, #tpu.memory_space<vmem>>) dst(%dma_wait3A_40 : memref<64x512xf32, #tpu.memory_space<hbm>>)
      tpu.yield
    }) : () -> ()
    %add3A_17 = arith.constant 128 : i32
    %add3A_18 = arith.addi %mul3A_2, %add3A_17 : i32
    "tpu.region"() ({
      %run_scoped3A = tpu.sem_alloc : memref<!tpu.dma_semaphore, #tpu.memory_space<semaphore_mem>>
      %dma_start3A_33 = tpu.memref_slice %arg3[%add3A_18] : memref<8192xi32, #tpu.memory_space<hbm>> -> memref<64xi32, #tpu.memory_space<hbm>>
      %dma_start3A_34 = tpu.memref_slice %arg3[%add3A_18] : memref<8192xi32, #tpu.memory_space<hbm>> -> memref<64xi32, #tpu.memory_space<hbm>>
      tpu.enqueue_dma source(%dma_start3A_34 : memref<64xi32, #tpu.memory_space<hbm>>) target(%arg5 : memref<64xi32, #tpu.memory_space<vmem>>) target_semaphore(%run_scoped3A : memref<!tpu.dma_semaphore, #tpu.memory_space<semaphore_mem>>)
      %dma_wait3A_35 = tpu.memref_slice %arg3[%add3A_18] : memref<8192xi32, #tpu.memory_space<hbm>> -> memref<64xi32, #tpu.memory_space<hbm>>
      %dma_wait3A_36 = tpu.memref_slice %arg3[%add3A_18] : memref<8192xi32, #tpu.memory_space<hbm>> -> memref<64xi32, #tpu.memory_space<hbm>>
      tpu.wait_dma2 semaphore(%run_scoped3A : memref<!tpu.dma_semaphore, #tpu.memory_space<semaphore_mem>>) src(%dma_wait3A_36 : memref<64xi32, #tpu.memory_space<hbm>>) dst(%arg5 : memref<64xi32, #tpu.memory_space<vmem>>)
      tpu.yield
    }) : () -> ()
    %dma_start3A_19 = arith.constant 0 : i32
    %dma_start3A_20 = arith.constant 0 : i32
    %dma_start3A_21 = tpu.memref_slice %arg2[%dma_start3A_19, %dma_start3A_20] : memref<2048x512xf32, #tpu.memory_space<hbm>> -> memref<2048x512xf32, #tpu.memory_space<hbm>>
    tpu.enqueue_indirect_dma source(%dma_start3A_21 : memref<2048x512xf32, #tpu.memory_space<hbm>>) target(%arg6 : memref<64x512xf32, #tpu.memory_space<vmem>>) offsets(%arg5 : memref<64xi32, #tpu.memory_space<vmem>>) semaphore(%arg7 : memref<!tpu.dma_semaphore, #tpu.memory_space<semaphore_mem>>)
    %dma_wait3A_22 = arith.constant 0 : i32
    %dma_wait3A_23 = arith.constant 0 : i32
    %dma_wait3A_24 = tpu.memref_slice %arg2[%dma_wait3A_22, %dma_wait3A_23] : memref<2048x512xf32, #tpu.memory_space<hbm>> -> memref<2048x512xf32, #tpu.memory_space<hbm>>
    tpu.wait_indirect_dma semaphore(%arg7 : memref<!tpu.dma_semaphore, #tpu.memory_space<semaphore_mem>>) src(%dma_wait3A_24 : memref<2048x512xf32, #tpu.memory_space<hbm>>) dst(%arg6 : memref<64x512xf32, #tpu.memory_space<vmem>>)
    "tpu.region"() ({
      %run_scoped3A = tpu.sem_alloc : memref<!tpu.dma_semaphore, #tpu.memory_space<semaphore_mem>>
      %dma_start3A_33 = arith.constant 0 : i32
      %dma_start3A_34 = tpu.memref_slice %arg4[%add3A_18, %dma_start3A_33] : memref<8192x512xf32, #tpu.memory_space<hbm>> -> memref<64x512xf32, #tpu.memory_space<hbm>>
      %dma_start3A_35 = arith.constant 0 : i32
      %dma_start3A_36 = tpu.memref_slice %arg4[%add3A_18, %dma_start3A_35] : memref<8192x512xf32, #tpu.memory_space<hbm>> -> memref<64x512xf32, #tpu.memory_space<hbm>>
      tpu.enqueue_dma source(%arg6 : memref<64x512xf32, #tpu.memory_space<vmem>>) target(%dma_start3A_36 : memref<64x512xf32, #tpu.memory_space<hbm>>) target_semaphore(%run_scoped3A : memref<!tpu.dma_semaphore, #tpu.memory_space<semaphore_mem>>)
      %dma_wait3A_37 = arith.constant 0 : i32
      %dma_wait3A_38 = tpu.memref_slice %arg4[%add3A_18, %dma_wait3A_37] : memref<8192x512xf32, #tpu.memory_space<hbm>> -> memref<64x512xf32, #tpu.memory_space<hbm>>
      %dma_wait3A_39 = arith.constant 0 : i32
      %dma_wait3A_40 = tpu.memref_slice %arg4[%add3A_18, %dma_wait3A_39] : memref<8192x512xf32, #tpu.memory_space<hbm>> -> memref<64x512xf32, #tpu.memory_space<hbm>>
      tpu.wait_dma2 semaphore(%run_scoped3A : memref<!tpu.dma_semaphore, #tpu.memory_space<semaphore_mem>>) src(%arg6 : memref<64x512xf32, #tpu.memory_space<vmem>>) dst(%dma_wait3A_40 : memref<64x512xf32, #tpu.memory_space<hbm>>)
      tpu.yield
    }) : () -> ()
    %add3A_25 = arith.constant 192 : i32
    %add3A_26 = arith.addi %mul3A_2, %add3A_25 : i32
    "tpu.region"() ({
      %run_scoped3A = tpu.sem_alloc : memref<!tpu.dma_semaphore, #tpu.memory_space<semaphore_mem>>
      %dma_start3A_33 = tpu.memref_slice %arg3[%add3A_26] : memref<8192xi32, #tpu.memory_space<hbm>> -> memref<64xi32, #tpu.memory_space<hbm>>
      %dma_start3A_34 = tpu.memref_slice %arg3[%add3A_26] : memref<8192xi32, #tpu.memory_space<hbm>> -> memref<64xi32, #tpu.memory_space<hbm>>
      tpu.enqueue_dma source(%dma_start3A_34 : memref<64xi32, #tpu.memory_space<hbm>>) target(%arg5 : memref<64xi32, #tpu.memory_space<vmem>>) target_semaphore(%run_scoped3A : memref<!tpu.dma_semaphore, #tpu.memory_space<semaphore_mem>>)
      %dma_wait3A_35 = tpu.memref_slice %arg3[%add3A_26] : memref<8192xi32, #tpu.memory_space<hbm>> -> memref<64xi32, #tpu.memory_space<hbm>>
      %dma_wait3A_36 = tpu.memref_slice %arg3[%add3A_26] : memref<8192xi32, #tpu.memory_space<hbm>> -> memref<64xi32, #tpu.memory_space<hbm>>
      tpu.wait_dma2 semaphore(%run_scoped3A : memref<!tpu.dma_semaphore, #tpu.memory_space<semaphore_mem>>) src(%dma_wait3A_36 : memref<64xi32, #tpu.memory_space<hbm>>) dst(%arg5 : memref<64xi32, #tpu.memory_space<vmem>>)
      tpu.yield
    }) : () -> ()
    %dma_start3A_27 = arith.constant 0 : i32
    %dma_start3A_28 = arith.constant 0 : i32
    %dma_start3A_29 = tpu.memref_slice %arg2[%dma_start3A_27, %dma_start3A_28] : memref<2048x512xf32, #tpu.memory_space<hbm>> -> memref<2048x512xf32, #tpu.memory_space<hbm>>
    tpu.enqueue_indirect_dma source(%dma_start3A_29 : memref<2048x512xf32, #tpu.memory_space<hbm>>) target(%arg6 : memref<64x512xf32, #tpu.memory_space<vmem>>) offsets(%arg5 : memref<64xi32, #tpu.memory_space<vmem>>) semaphore(%arg7 : memref<!tpu.dma_semaphore, #tpu.memory_space<semaphore_mem>>)
    %dma_wait3A_30 = arith.constant 0 : i32
    %dma_wait3A_31 = arith.constant 0 : i32
    %dma_wait3A_32 = tpu.memref_slice %arg2[%dma_wait3A_30, %dma_wait3A_31] : memref<2048x512xf32, #tpu.memory_space<hbm>> -> memref<2048x512xf32, #tpu.memory_space<hbm>>
    tpu.wait_indirect_dma semaphore(%arg7 : memref<!tpu.dma_semaphore, #tpu.memory_space<semaphore_mem>>) src(%dma_wait3A_32 : memref<2048x512xf32, #tpu.memory_space<hbm>>) dst(%arg6 : memref<64x512xf32, #tpu.memory_space<vmem>>)
    "tpu.region"() ({
      %run_scoped3A = tpu.sem_alloc : memref<!tpu.dma_semaphore, #tpu.memory_space<semaphore_mem>>
      %dma_start3A_33 = arith.constant 0 : i32
      %dma_start3A_34 = tpu.memref_slice %arg4[%add3A_26, %dma_start3A_33] : memref<8192x512xf32, #tpu.memory_space<hbm>> -> memref<64x512xf32, #tpu.memory_space<hbm>>
      %dma_start3A_35 = arith.constant 0 : i32
      %dma_start3A_36 = tpu.memref_slice %arg4[%add3A_26, %dma_start3A_35] : memref<8192x512xf32, #tpu.memory_space<hbm>> -> memref<64x512xf32, #tpu.memory_space<hbm>>
      tpu.enqueue_dma source(%arg6 : memref<64x512xf32, #tpu.memory_space<vmem>>) target(%dma_start3A_36 : memref<64x512xf32, #tpu.memory_space<hbm>>) target_semaphore(%run_scoped3A : memref<!tpu.dma_semaphore, #tpu.memory_space<semaphore_mem>>)
      %dma_wait3A_37 = arith.constant 0 : i32
      %dma_wait3A_38 = tpu.memref_slice %arg4[%add3A_26, %dma_wait3A_37] : memref<8192x512xf32, #tpu.memory_space<hbm>> -> memref<64x512xf32, #tpu.memory_space<hbm>>
      %dma_wait3A_39 = arith.constant 0 : i32
      %dma_wait3A_40 = tpu.memref_slice %arg4[%add3A_26, %dma_wait3A_39] : memref<8192x512xf32, #tpu.memory_space<hbm>> -> memref<64x512xf32, #tpu.memory_space<hbm>>
      tpu.wait_dma2 semaphore(%run_scoped3A : memref<!tpu.dma_semaphore, #tpu.memory_space<semaphore_mem>>) src(%arg6 : memref<64x512xf32, #tpu.memory_space<vmem>>) dst(%dma_wait3A_40 : memref<64x512xf32, #tpu.memory_space<hbm>>)
      tpu.yield
    }) : () -> ()
    return
  }
}

module attributes {stable_mosaic.version = 14 : i64} {
  func.func @_tables_kernel(%arg0: i32, %arg1: memref<1x2048x256xf32, #tpu.memory_space<vmem>>, %arg2: memref<1x512x256xf32, #tpu.memory_space<vmem>>, %arg3: memref<1x2048x512xf32, #tpu.memory_space<vmem>>, %arg4: memref<1x1x2048xf32, #tpu.memory_space<vmem>>) attributes {dimension_semantics = [#tpu.dimension_semantics<arbitrary>], iteration_bounds = array<i64: 8>, scalar_prefetch = 0 : i64, scratch_operands = 0 : i64, tpu.core_type = #tpu.core_type<tc>, window_params = [{transform_indices = @transform_0, window_bounds = array<i64: 1, 2048, 256>}, {transform_indices = @transform_1, window_bounds = array<i64: 1, 512, 256>}, {transform_indices = @transform_2, window_bounds = array<i64: 1, 2048, 512>}, {transform_indices = @transform_3, window_bounds = array<i64: 1, 1, 2048>}]} {
    %get3A = arith.constant 0 : index
    %get3A_0 = arith.constant 0 : index
    %get3A_1 = arith.constant 0 : index
    %get3A_2 = vector.load %arg1[%get3A, %get3A_0, %get3A_1] : memref<1x2048x256xf32, #tpu.memory_space<vmem>>, vector<1x2048x256xf32>
    %get3A_3 = vector.shape_cast %get3A_2 : vector<1x2048x256xf32> to vector<2048x256xf32>
    %get3A_4 = arith.constant 0 : index
    %get3A_5 = arith.constant 0 : index
    %get3A_6 = arith.constant 0 : index
    %get3A_7 = vector.load %arg2[%get3A_4, %get3A_5, %get3A_6] : memref<1x512x256xf32, #tpu.memory_space<vmem>>, vector<1x512x256xf32>
    %get3A_8 = vector.shape_cast %get3A_7 : vector<1x512x256xf32> to vector<512x256xf32>
    %dot_general3A = arith.constant dense<0.000000e+00> : vector<2048x512xf32>
    %dot_general3A_9 = tpu.matmul %get3A_3, %get3A_8, %dot_general3A {dimension_numbers = #tpu.dot_dimension_numbers<[1], [1], [0], [0], [0, 0, 1, 0], [], []>, transpose_lhs_hint = false} : vector<2048x256xf32>, vector<512x256xf32>, vector<2048x512xf32> -> vector<2048x512xf32>
    %swap3A = arith.constant 0 : index
    %swap3A_10 = arith.constant 0 : index
    %swap3A_11 = arith.constant 0 : index
    %swap3A_12 = vector.load %arg3[%swap3A, %swap3A_10, %swap3A_11] : memref<1x2048x512xf32, #tpu.memory_space<vmem>>, vector<1x2048x512xf32>
    %swap3A_13 = vector.shape_cast %swap3A_12 : vector<1x2048x512xf32> to vector<2048x512xf32>
    %swap3A_14 = vector.shape_cast %dot_general3A_9 : vector<2048x512xf32> to vector<1x2048x512xf32>
    tpu.vector_store %arg3[%swap3A, %swap3A_10, %swap3A_11], %swap3A_14 {strides = array<i32>} : memref<1x2048x512xf32, #tpu.memory_space<vmem>>, vector<1x2048x512xf32>,
    %mul3A = arith.mulf %get3A_3, %get3A_3 : vector<2048x256xf32>
    %reduce_sum3A = arith.constant dense<0.000000e+00> : vector<2048xf32>
    %reduce_sum3A_15 = vector.multi_reduction <add>, %mul3A, %reduce_sum3A [1] : vector<2048x256xf32> to vector<2048xf32>
    %reshape3A = vector.shape_cast %reduce_sum3A_15 : vector<2048xf32> to vector<1x1x2048xf32>
    %swap3A_16 = arith.constant 0 : index
    %swap3A_17 = arith.constant 0 : index
    %swap3A_18 = arith.constant 0 : index
    %swap3A_19 = vector.load %arg4[%swap3A_16, %swap3A_17, %swap3A_18] : memref<1x1x2048xf32, #tpu.memory_space<vmem>>, vector<1x1x2048xf32>
    tpu.vector_store %arg4[%swap3A_16, %swap3A_17, %swap3A_18], %reshape3A {strides = array<i32>} : memref<1x1x2048xf32, #tpu.memory_space<vmem>>, vector<1x1x2048xf32>,
    return
  }
  func.func @transform_0(%arg0: i32) -> (i32, i32, i32) {
    %c0_i32 = arith.constant 0 : i32
    %c0_i32_0 = arith.constant 0 : i32
    %c0_i32_1 = arith.constant 0 : i32
    return %arg0, %c0_i32, %c0_i32_0 : i32, i32, i32
  }
  func.func @transform_1(%arg0: i32) -> (i32, i32, i32) {
    %c0_i32 = arith.constant 0 : i32
    %c0_i32_0 = arith.constant 0 : i32
    %c0_i32_1 = arith.constant 0 : i32
    return %arg0, %c0_i32, %c0_i32_0 : i32, i32, i32
  }
  func.func @transform_2(%arg0: i32) -> (i32, i32, i32) {
    %c0_i32 = arith.constant 0 : i32
    %c0_i32_0 = arith.constant 0 : i32
    %c0_i32_1 = arith.constant 0 : i32
    return %arg0, %c0_i32, %c0_i32_0 : i32, i32, i32
  }
  func.func @transform_3(%arg0: i32) -> (i32, i32, i32) {
    %c0_i32 = arith.constant 0 : i32
    %c0_i32_0 = arith.constant 0 : i32
    %c0_i32_1 = arith.constant 0 : i32
    return %arg0, %c0_i32, %c0_i32_0 : i32, i32, i32
  }
}

module attributes {stable_mosaic.version = 14 : i64} {
  func.func @body(%arg0: i32, %arg1: memref<256x512xf32, #tpu.memory_space<vmem>>, %arg2: memref<256x512xf32, #tpu.memory_space<vmem>>, %arg3: memref<2048x256xf32, #tpu.memory_space<vmem>>, %arg4: memref<1x2048xf32, #tpu.memory_space<vmem>>, %arg5: memref<1x256xi32, #tpu.memory_space<vmem>>) attributes {dimension_semantics = [#tpu.dimension_semantics<arbitrary>], iteration_bounds = array<i64: 32>, scalar_prefetch = 0 : i64, scratch_operands = 0 : i64, tpu.core_type = #tpu.core_type<tc>, window_params = [{transform_indices = @transform_0, window_bounds = array<i64: 256, 512>}, {pipeline_mode = #tpu.pipeline_mode<synchronous>, transform_indices = @transform_1, window_bounds = array<i64: 256, 512>}, {pipeline_mode = #tpu.pipeline_mode<synchronous>, transform_indices = @transform_2, window_bounds = array<i64: 2048, 256>}, {pipeline_mode = #tpu.pipeline_mode<synchronous>, transform_indices = @transform_3, window_bounds = array<i64: 1, 2048>}, {transform_indices = @transform_4, window_bounds = array<i64: 1, 256>}]} {
    %get3A = arith.constant 0 : index
    %get3A_0 = arith.constant 0 : index
    %get3A_1 = vector.load %arg1[%get3A, %get3A_0] : memref<256x512xf32, #tpu.memory_space<vmem>>, vector<256x512xf32>
    %get3A_2 = arith.constant 0 : index
    %get3A_3 = arith.constant 0 : index
    %get3A_4 = vector.load %arg2[%get3A_2, %get3A_3] : memref<256x512xf32, #tpu.memory_space<vmem>>, vector<256x512xf32>
    %dot_general3A = arith.constant dense<0.000000e+00> : vector<256x256xf32>
    %dot_general3A_5 = tpu.matmul %get3A_1, %get3A_4, %dot_general3A {dimension_numbers = #tpu.dot_dimension_numbers<[1], [1], [0], [0], [0, 0, 1, 0], [], []>, transpose_lhs_hint = false} : vector<256x512xf32>, vector<256x512xf32>, vector<256x256xf32> -> vector<256x256xf32>
    %mul3A = arith.mulf %dot_general3A_5, %dot_general3A_5 : vector<256x256xf32>
    %reduce_sum3A = arith.constant dense<0.000000e+00> : vector<256xf32>
    %reduce_sum3A_6 = vector.multi_reduction <add>, %mul3A, %reduce_sum3A [1] : vector<256x256xf32> to vector<256xf32>
    %broadcast_in_dim3A = vector.shape_cast %reduce_sum3A_6 : vector<256xf32> to vector<256x1xf32>
    %get3A_7 = arith.constant 0 : index
    %get3A_8 = arith.constant 0 : index
    %get3A_9 = vector.load %arg3[%get3A_7, %get3A_8] : memref<2048x256xf32, #tpu.memory_space<vmem>>, vector<2048x256xf32>
    %dot_general3A_10 = arith.constant dense<0.000000e+00> : vector<256x2048xf32>
    %dot_general3A_11 = tpu.matmul %dot_general3A_5, %get3A_9, %dot_general3A_10 {dimension_numbers = #tpu.dot_dimension_numbers<[1], [1], [0], [0], [0, 0, 1, 0], [], []>, transpose_lhs_hint = false} : vector<256x256xf32>, vector<2048x256xf32>, vector<256x2048xf32> -> vector<256x2048xf32>
    %sub3A = vector.broadcast %broadcast_in_dim3A : vector<256x1xf32> to vector<256x2048xf32>
    %sub3A_12 = arith.subf %sub3A, %dot_general3A_11 : vector<256x2048xf32>
    %get3A_13 = arith.constant 0 : index
    %get3A_14 = arith.constant 0 : index
    %get3A_15 = vector.load %arg4[%get3A_13, %get3A_14] : memref<1x2048xf32, #tpu.memory_space<vmem>>, vector<1x2048xf32>
    %add3A = vector.broadcast %get3A_15 : vector<1x2048xf32> to vector<256x2048xf32>
    %add3A_16 = arith.addf %sub3A_12, %add3A : vector<256x2048xf32>
    %bitcast_convert_type3A = tpu.bitcast %add3A_16 : vector<256x2048xf32> -> vector<256x2048xi32>
    %bitcast_convert_type3A_17 = tpu.bitcast %broadcast_in_dim3A : vector<256x1xf32> -> vector<256x1xi32>
    %iota3A = tpu.iota {dimensions = array<i32: 1>} : vector<256x2048xi32>
    %sub3A_18 = vector.broadcast %bitcast_convert_type3A_17 : vector<256x1xi32> to vector<256x2048xi32>
    %sub3A_19 = arith.subi %bitcast_convert_type3A, %sub3A_18 : vector<256x2048xi32>
    %mul3A_20 = arith.constant 2048 : i32
    %mul3A_21 = vector.broadcast %mul3A_20 : i32 to vector<256x2048xi32>
    %mul3A_22 = arith.muli %sub3A_19, %mul3A_21 : vector<256x2048xi32>
    %add3A_23 = arith.addi %mul3A_22, %iota3A : vector<256x2048xi32>
    %reduce_min3A = arith.constant dense<2147483647> : vector<256xi32>
    %reduce_min3A_24 = vector.multi_reduction <minsi>, %add3A_23, %reduce_min3A [1] : vector<256x2048xi32> to vector<256xi32>
    %broadcast_in_dim3A_25 = vector.shape_cast %reduce_min3A_24 : vector<256xi32> to vector<256x1xi32>
    %and3A = arith.constant 2047 : i32
    %and3A_26 = vector.broadcast %and3A : i32 to vector<256x1xi32>
    %and3A_27 = arith.andi %broadcast_in_dim3A_25, %and3A_26 : vector<256x1xi32>
    %reshape3A = vector.shape_cast %and3A_27 : vector<256x1xi32> to vector<1x256xi32>
    %swap3A = arith.constant 0 : index
    %swap3A_28 = arith.constant 0 : index
    %swap3A_29 = vector.load %arg5[%swap3A, %swap3A_28] : memref<1x256xi32, #tpu.memory_space<vmem>>, vector<1x256xi32>
    tpu.vector_store %arg5[%swap3A, %swap3A_28], %reshape3A {strides = array<i32>} : memref<1x256xi32, #tpu.memory_space<vmem>>, vector<1x256xi32>,
    return
  }
  func.func @transform_0(%arg0: i32) -> (i32, i32) {
    %c0_i32 = arith.constant 0 : i32
    %c0_i32_0 = arith.constant 0 : i32
    return %arg0, %c0_i32 : i32, i32
  }
  func.func @transform_1(%arg0: i32) -> (i32, i32) {
    %c0_i32 = arith.constant 0 : i32
    %c0_i32_0 = arith.constant 0 : i32
    %c0_i32_1 = arith.constant 0 : i32
    return %c0_i32, %c0_i32_0 : i32, i32
  }
  func.func @transform_2(%arg0: i32) -> (i32, i32) {
    %c0_i32 = arith.constant 0 : i32
    %c0_i32_0 = arith.constant 0 : i32
    %c0_i32_1 = arith.constant 0 : i32
    return %c0_i32, %c0_i32_0 : i32, i32
  }
  func.func @transform_3(%arg0: i32) -> (i32, i32) {
    %c0_i32 = arith.constant 0 : i32
    %c0_i32_0 = arith.constant 0 : i32
    %c0_i32_1 = arith.constant 0 : i32
    return %c0_i32, %c0_i32_0 : i32, i32
  }
  func.func @transform_4(%arg0: i32) -> (i32, i32) {
    %c0_i32 = arith.constant 0 : i32
    %c0_i32_0 = arith.constant 0 : i32
    return %c0_i32, %arg0 : i32, i32
  }
}

module attributes {stable_mosaic.version = 14 : i64} {
  func.func @body(%arg0: i32, %arg1: memref<256x512xf32, #tpu.memory_space<vmem>>, %arg2: memref<256x512xf32, #tpu.memory_space<vmem>>, %arg3: memref<256x512xf32, #tpu.memory_space<vmem>>, %arg4: memref<2048x256xf32, #tpu.memory_space<vmem>>, %arg5: memref<1x2048xf32, #tpu.memory_space<vmem>>, %arg6: memref<256x512xf32, #tpu.memory_space<vmem>>, %arg7: memref<1x256xi32, #tpu.memory_space<vmem>>) attributes {dimension_semantics = [#tpu.dimension_semantics<arbitrary>], iteration_bounds = array<i64: 32>, scalar_prefetch = 0 : i64, scratch_operands = 0 : i64, tpu.core_type = #tpu.core_type<tc>, window_params = [{transform_indices = @transform_0, window_bounds = array<i64: 256, 512>}, {transform_indices = @transform_1, window_bounds = array<i64: 256, 512>}, {pipeline_mode = #tpu.pipeline_mode<synchronous>, transform_indices = @transform_2, window_bounds = array<i64: 256, 512>}, {pipeline_mode = #tpu.pipeline_mode<synchronous>, transform_indices = @transform_3, window_bounds = array<i64: 2048, 256>}, {pipeline_mode = #tpu.pipeline_mode<synchronous>, transform_indices = @transform_4, window_bounds = array<i64: 1, 2048>}, {transform_indices = @transform_5, window_bounds = array<i64: 256, 512>}, {transform_indices = @transform_6, window_bounds = array<i64: 1, 256>}]} {
    %get3A = arith.constant 0 : index
    %get3A_0 = arith.constant 0 : index
    %get3A_1 = vector.load %arg1[%get3A, %get3A_0] : memref<256x512xf32, #tpu.memory_space<vmem>>, vector<256x512xf32>
    %get3A_2 = arith.constant 0 : index
    %get3A_3 = arith.constant 0 : index
    %get3A_4 = vector.load %arg2[%get3A_2, %get3A_3] : memref<256x512xf32, #tpu.memory_space<vmem>>, vector<256x512xf32>
    %sub3A = arith.subf %get3A_1, %get3A_4 : vector<256x512xf32>
    %swap3A = arith.constant 0 : index
    %swap3A_5 = arith.constant 0 : index
    %swap3A_6 = vector.load %arg6[%swap3A, %swap3A_5] : memref<256x512xf32, #tpu.memory_space<vmem>>, vector<256x512xf32>
    tpu.vector_store %arg6[%swap3A, %swap3A_5], %sub3A {strides = array<i32>} : memref<256x512xf32, #tpu.memory_space<vmem>>, vector<256x512xf32>,
    %get3A_7 = arith.constant 0 : index
    %get3A_8 = arith.constant 0 : index
    %get3A_9 = vector.load %arg3[%get3A_7, %get3A_8] : memref<256x512xf32, #tpu.memory_space<vmem>>, vector<256x512xf32>
    %dot_general3A = arith.constant dense<0.000000e+00> : vector<256x256xf32>
    %dot_general3A_10 = tpu.matmul %sub3A, %get3A_9, %dot_general3A {dimension_numbers = #tpu.dot_dimension_numbers<[1], [1], [0], [0], [0, 0, 1, 0], [], []>, transpose_lhs_hint = false} : vector<256x512xf32>, vector<256x512xf32>, vector<256x256xf32> -> vector<256x256xf32>
    %mul3A = arith.mulf %dot_general3A_10, %dot_general3A_10 : vector<256x256xf32>
    %reduce_sum3A = arith.constant dense<0.000000e+00> : vector<256xf32>
    %reduce_sum3A_11 = vector.multi_reduction <add>, %mul3A, %reduce_sum3A [1] : vector<256x256xf32> to vector<256xf32>
    %broadcast_in_dim3A = vector.shape_cast %reduce_sum3A_11 : vector<256xf32> to vector<256x1xf32>
    %get3A_12 = arith.constant 0 : index
    %get3A_13 = arith.constant 0 : index
    %get3A_14 = vector.load %arg4[%get3A_12, %get3A_13] : memref<2048x256xf32, #tpu.memory_space<vmem>>, vector<2048x256xf32>
    %dot_general3A_15 = arith.constant dense<0.000000e+00> : vector<256x2048xf32>
    %dot_general3A_16 = tpu.matmul %dot_general3A_10, %get3A_14, %dot_general3A_15 {dimension_numbers = #tpu.dot_dimension_numbers<[1], [1], [0], [0], [0, 0, 1, 0], [], []>, transpose_lhs_hint = false} : vector<256x256xf32>, vector<2048x256xf32>, vector<256x2048xf32> -> vector<256x2048xf32>
    %sub3A_17 = vector.broadcast %broadcast_in_dim3A : vector<256x1xf32> to vector<256x2048xf32>
    %sub3A_18 = arith.subf %sub3A_17, %dot_general3A_16 : vector<256x2048xf32>
    %get3A_19 = arith.constant 0 : index
    %get3A_20 = arith.constant 0 : index
    %get3A_21 = vector.load %arg5[%get3A_19, %get3A_20] : memref<1x2048xf32, #tpu.memory_space<vmem>>, vector<1x2048xf32>
    %add3A = vector.broadcast %get3A_21 : vector<1x2048xf32> to vector<256x2048xf32>
    %add3A_22 = arith.addf %sub3A_18, %add3A : vector<256x2048xf32>
    %bitcast_convert_type3A = tpu.bitcast %add3A_22 : vector<256x2048xf32> -> vector<256x2048xi32>
    %bitcast_convert_type3A_23 = tpu.bitcast %broadcast_in_dim3A : vector<256x1xf32> -> vector<256x1xi32>
    %iota3A = tpu.iota {dimensions = array<i32: 1>} : vector<256x2048xi32>
    %sub3A_24 = vector.broadcast %bitcast_convert_type3A_23 : vector<256x1xi32> to vector<256x2048xi32>
    %sub3A_25 = arith.subi %bitcast_convert_type3A, %sub3A_24 : vector<256x2048xi32>
    %mul3A_26 = arith.constant 2048 : i32
    %mul3A_27 = vector.broadcast %mul3A_26 : i32 to vector<256x2048xi32>
    %mul3A_28 = arith.muli %sub3A_25, %mul3A_27 : vector<256x2048xi32>
    %add3A_29 = arith.addi %mul3A_28, %iota3A : vector<256x2048xi32>
    %reduce_min3A = arith.constant dense<2147483647> : vector<256xi32>
    %reduce_min3A_30 = vector.multi_reduction <minsi>, %add3A_29, %reduce_min3A [1] : vector<256x2048xi32> to vector<256xi32>
    %broadcast_in_dim3A_31 = vector.shape_cast %reduce_min3A_30 : vector<256xi32> to vector<256x1xi32>
    %and3A = arith.constant 2047 : i32
    %and3A_32 = vector.broadcast %and3A : i32 to vector<256x1xi32>
    %and3A_33 = arith.andi %broadcast_in_dim3A_31, %and3A_32 : vector<256x1xi32>
    %reshape3A = vector.shape_cast %and3A_33 : vector<256x1xi32> to vector<1x256xi32>
    %swap3A_34 = arith.constant 0 : index
    %swap3A_35 = arith.constant 0 : index
    %swap3A_36 = vector.load %arg7[%swap3A_34, %swap3A_35] : memref<1x256xi32, #tpu.memory_space<vmem>>, vector<1x256xi32>
    tpu.vector_store %arg7[%swap3A_34, %swap3A_35], %reshape3A {strides = array<i32>} : memref<1x256xi32, #tpu.memory_space<vmem>>, vector<1x256xi32>,
    return
  }
  func.func @transform_0(%arg0: i32) -> (i32, i32) {
    %c0_i32 = arith.constant 0 : i32
    %c0_i32_0 = arith.constant 0 : i32
    return %arg0, %c0_i32 : i32, i32
  }
  func.func @transform_1(%arg0: i32) -> (i32, i32) {
    %c0_i32 = arith.constant 0 : i32
    %c0_i32_0 = arith.constant 0 : i32
    return %arg0, %c0_i32 : i32, i32
  }
  func.func @transform_2(%arg0: i32) -> (i32, i32) {
    %c0_i32 = arith.constant 0 : i32
    %c0_i32_0 = arith.constant 0 : i32
    %c0_i32_1 = arith.constant 0 : i32
    return %c0_i32, %c0_i32_0 : i32, i32
  }
  func.func @transform_3(%arg0: i32) -> (i32, i32) {
    %c0_i32 = arith.constant 0 : i32
    %c0_i32_0 = arith.constant 0 : i32
    %c0_i32_1 = arith.constant 0 : i32
    return %c0_i32, %c0_i32_0 : i32, i32
  }
  func.func @transform_4(%arg0: i32) -> (i32, i32) {
    %c0_i32 = arith.constant 0 : i32
    %c0_i32_0 = arith.constant 0 : i32
    %c0_i32_1 = arith.constant 0 : i32
    return %c0_i32, %c0_i32_0 : i32, i32
  }
  func.func @transform_5(%arg0: i32) -> (i32, i32) {
    %c0_i32 = arith.constant 0 : i32
    %c0_i32_0 = arith.constant 0 : i32
    return %arg0, %c0_i32 : i32, i32
  }
  func.func @transform_6(%arg0: i32) -> (i32, i32) {
    %c0_i32 = arith.constant 0 : i32
    %c0_i32_0 = arith.constant 0 : i32
    return %c0_i32, %arg0 : i32, i32
  }
}

module attributes {stable_mosaic.version = 14 : i64} {
  func.func @_final_kernel(%arg0: i32, %arg1: memref<256x512xf32, #tpu.memory_space<vmem>>, %arg2: memref<256x512xf32, #tpu.memory_space<vmem>>, %arg3: memref<256x512xf32, #tpu.memory_space<vmem>>, %arg4: memref<256x512xf32, #tpu.memory_space<vmem>>) attributes {dimension_semantics = [#tpu.dimension_semantics<arbitrary>], iteration_bounds = array<i64: 32>, scalar_prefetch = 0 : i64, scratch_operands = 0 : i64, tpu.core_type = #tpu.core_type<tc>, window_params = [{transform_indices = @transform_0, window_bounds = array<i64: 256, 512>}, {transform_indices = @transform_1, window_bounds = array<i64: 256, 512>}, {transform_indices = @transform_2, window_bounds = array<i64: 256, 512>}, {transform_indices = @transform_3, window_bounds = array<i64: 256, 512>}]} {
    %get3A = arith.constant 0 : index
    %get3A_0 = arith.constant 0 : index
    %get3A_1 = vector.load %arg1[%get3A, %get3A_0] : memref<256x512xf32, #tpu.memory_space<vmem>>, vector<256x512xf32>
    %get3A_2 = arith.constant 0 : index
    %get3A_3 = arith.constant 0 : index
    %get3A_4 = vector.load %arg2[%get3A_2, %get3A_3] : memref<256x512xf32, #tpu.memory_space<vmem>>, vector<256x512xf32>
    %get3A_5 = arith.constant 0 : index
    %get3A_6 = arith.constant 0 : index
    %get3A_7 = vector.load %arg3[%get3A_5, %get3A_6] : memref<256x512xf32, #tpu.memory_space<vmem>>, vector<256x512xf32>
    %sub3A = arith.subf %get3A_4, %get3A_7 : vector<256x512xf32>
    %sub3A_8 = arith.subf %get3A_1, %sub3A : vector<256x512xf32>
    %swap3A = arith.constant 0 : index
    %swap3A_9 = arith.constant 0 : index
    %swap3A_10 = vector.load %arg4[%swap3A, %swap3A_9] : memref<256x512xf32, #tpu.memory_space<vmem>>, vector<256x512xf32>
    tpu.vector_store %arg4[%swap3A, %swap3A_9], %sub3A_8 {strides = array<i32>} : memref<256x512xf32, #tpu.memory_space<vmem>>, vector<256x512xf32>,
    return
  }
  func.func @transform_0(%arg0: i32) -> (i32, i32) {
    %c0_i32 = arith.constant 0 : i32
    %c0_i32_0 = arith.constant 0 : i32
    return %arg0, %c0_i32 : i32, i32
  }
  func.func @transform_1(%arg0: i32) -> (i32, i32) {
    %c0_i32 = arith.constant 0 : i32
    %c0_i32_0 = arith.constant 0 : i32
    return %arg0, %c0_i32 : i32, i32
  }
  func.func @transform_2(%arg0: i32) -> (i32, i32) {
    %c0_i32 = arith.constant 0 : i32
    %c0_i32_0 = arith.constant 0 : i32
    return %arg0, %c0_i32 : i32, i32
  }
  func.func @transform_3(%arg0: i32) -> (i32, i32) {
    %c0_i32 = arith.constant 0 : i32
    %c0_i32_0 = arith.constant 0 : i32
    return %arg0, %c0_i32 : i32, i32
  }
}

</mosaic_0001>

<sc_bundles>
// kernel: kernel.20.cloned.1.call-start
scs
__scs_entry_jumppad:
0x0: {  	(pc) =	sbr.rel $0x88, $3  }
0x1: {  	(tag) =	ssettag $0x0;
	lr =	simm.s32 $0x1  }
0x2: {  	[smem:$0x3F9D] =	sst lr;
	_ =	strace $0xD0000000  }
0x3: {  	_ = 	snop  }
0x4: {  	_ = 	snop  }
0x5: {  	_ = 	snop  }
0x6: {  	_ = 	snop  }
0x7: {  	_ = 	snop  }
__scs_overlays_trampoline_lowered:
0x8: {  	[smem:$0x3FAC] =	sst s0  }
0x9: {  	[smem:$0x3FAD] =	sst s1  }
0xa: {  	[smem:$0x3FAE] =	sst s2  }
0xb: {  	[smem:$0x3FAF] =	sst s3  }
0xc: {  	[smem:$0x3FB0] =	sst s4  }
0xd: {  	[smem:$0x3FB1] =	sst s5  }
0xe: {  	[smem:$0x3FB2] =	sst s6  }
0xf: {  	[smem:$0x3FB3] =	sst s7  }
0x10: {  	[smem:$0x3FB4] =	sst s8  }
0x11: {  	[smem:$0x3FB5] =	sst s9;
	s0 =	simm.s32 @!p0 $0x0  }
0x12: {  	s1 =	sld [smem:$0x3F9B];
	s0 =	simm.s32 @p0 $0x1  }
0x13: {  	[smem:$0x3FB6] =	sst s0;
	s0 =	simm.s32 @!p1 $0x0  }
0x14: {  	s2 =	sld [smem:$0x3F9A];
	s0 =	simm.s32 @p1 $0x1  }
0x15: {  	[smem:$0x3FB7] =	sst s0;
	s0 =	simm.s32 @!p2 $0x0  }
0x16: {  	s3 =	sld [smem:$0x3FDB];
	s0 =	simm.s32 @p2 $0x1  }
0x17: {  	s4 =	simm.s32 $0x1BF5;
	[smem:$0x3FB9] =	sst s0  }
0x18: {  	s0 =	sld [smem:$0x3F9C];
	_ =	swait.ge [sflag:s4], $0x0  }
0x19: {  	s7 =	sld [smem:$0x3F9D]  }
0x1a: {  	s8 =	sadd.s32 $0xFFFFE003, lr  }
0x1b: {  	s9 =	sadd.s32 $0xFFFFFEF7, lr;
	s5 =	simm.s32 $0xFFFFFFFF;
	p2 =	slt.u32 s8, $0xFFFFF086  }
0x1c: {  	p1 =	slt.u32 s9, $0xF7A;
	s5 =	simm.s32 @!p2 $0x0  }
0x1d: {  	s5 =	simm.s32 @p1 $0x1;
	p0 =	seq.s32 s7, s2  }
0x1e: {  	s7 =	smul.u32 @!p0 $0xF7A, s2;
	p2 =	seq.s32 @!p0 s5, $0x0  }
0x1f: {  	s9 =	smul.u32 $0xF7A, s1;
	s8 =	simm.s32 @!p0 $0x1BF5;
	p2 =	por !p2, p0  }
0x20: {  	[sflag:s8] =	ssyncset.s32 @!p0 $0xFFFFF086;
	s6 =	sadd.s32 @!p0 s3, s7;
	s7 =	simm.s32 @!p0 $0x108  }
0x21: {  	s3 =	sadd.s32 s3, s9;
	s6 =	sadd.s32 @!p0 $0x88, s6;
	s7 =	simm.s32 @p2 $0x1082  }
0x22: {  	[simem:s7], [sflag:s8] =	dma.local @!p0 [hbm:s6], $0xF7A  }
0x23: {  	s9 =	sor.u32 $0xD0000000, s2;
	s6 =	simm.s32 $0x108;
	_ =	swait.ge @!p0 [sflag:s8], $0x0  }
0x24: {  	s3 =	sadd.s32 $0x88, s3;
	s6 =	simm.s32 @!p1 $0x1082;
	[sflag:s4] =	ssyncset.s32 $0xFFFFF086  }
0x25: {  	[simem:s6], [sflag:s4] =	dma.local [hbm:s3], $0xF7A  }
0x26: {  	[smem:$0x3F9D] =	sst s1;
	(tag) =	ssettag s2;
	_ =	strace s9  }
0x27: {  	s1 =	sld [smem:$0x3FAD]  }
0x28: {  	s2 =	sld [smem:$0x3FAE]  }
0x29: {  	s4 =	sld [smem:$0x3FB0]  }
0x2a: {  	p0 =	seq.s32 s5, $0x0;
	s5 =	sld [smem:$0x3FB1]  }
0x2b: {  	s6 =	sld [smem:$0x3FB2]  }
0x2c: {  	s7 =	sld [smem:$0x3FB3]  }
0x2d: {  	s3 =	simm.s32 $0x108;
	s8 =	sld [smem:$0x3FB4]  }
0x2e: {  	s3 =	simm.s32 @!p0 $0x1082;
	s9 =	sld [smem:$0x3FB5]  }
0x2f: {  	lr =	sadd.s32 s0, s3;
	s0 =	sld [smem:$0x3FAC]  }
0x30: {  	s3 =	sld [smem:$0x3FAF]  }
0x31: {  	[smem:$0x3FB8] =	sst s10  }
0x32: {  	s10 =	sld [smem:$0x3FB6];
	_ =	sdelay $0x3  }
0x33: {  	p0 =	seq.s32 s10, $0x1;
	s10 =	sld [smem:$0x3FB8];
	_ =	sdelay $0x3  }
0x34: {  	[smem:$0x3FB8] =	sst s10  }
0x35: {  	s10 =	sld [smem:$0x3FB7];
	_ =	sdelay $0x3  }
0x36: {  	p1 =	seq.s32 s10, $0x1;
	s10 =	sld [smem:$0x3FB8];
	_ =	sdelay $0x3  }
0x37: {  	[smem:$0x3FB8] =	sst s10  }
0x38: {  	s10 =	sld [smem:$0x3FB9]  }
0x39: {  	_ = 	snop;
	(pc) =	sbr.ind lr, $3  }
0x3a: {  	_ = 	snop  }
0x3b: {  	_ = 	snop  }
0x3c: {  	p2 =	seq.s32 s10, $0x1;
	s10 =	sld [smem:$0x3FB8]  }
0x3d: {  	_ =	shalt  }
0x3e: {  	_ =	shalt  }
0x3f: {  	_ =	shalt  }
0x40: {  	_ =	shalt  }
0x41: {  	_ =	shalt  }
0x42: {  	_ =	shalt  }
0x43: {  	_ =	shalt  }
0x44: {  	_ =	shalt  }
0x45: {  	_ =	shalt  }
0x46: {  	_ =	shalt  }
0x47: {  	_ =	shalt  }
0x48: {  	_ =	shalt  }
0x49: {  	_ =	shalt  }
0x4a: {  	_ =	shalt  }
0x4b: {  	_ =	shalt  }
0x4c: {  	_ =	shalt  }
0x4d: {  	_ =	shalt  }
0x4e: {  	_ =	shalt  }
0x4f: {  	_ =	shalt  }
0x50: {  	_ =	shalt  }
0x51: {  	_ =	shalt  }
0x52: {  	_ =	shalt  }
0x53: {  	_ =	shalt  }
0x54: {  	_ =	shalt  }
0x55: {  	_ =	shalt  }
0x56: {  	_ =	shalt  }
0x57: {  	_ =	shalt  }
0x58: {  	_ =	shalt  }
0x59: {  	_ =	shalt  }
0x5a: {  	_ =	shalt  }
0x5b: {  	_ =	shalt  }
0x5c: {  	_ =	shalt  }
0x5d: {  	_ =	shalt  }
0x5e: {  	_ =	shalt  }
0x5f: {  	_ =	shalt  }
0x60: {  	_ =	shalt  }
0x61: {  	_ =	shalt  }
0x62: {  	_ =	shalt  }
0x63: {  	_ =	shalt  }
0x64: {  	_ =	shalt  }
0x65: {  	_ =	shalt  }
0x66: {  	_ =	shalt  }
0x67: {  	_ =	shalt  }
0x68: {  	_ =	shalt  }
0x69: {  	_ =	shalt  }
0x6a: {  	_ =	shalt  }
0x6b: {  	_ =	shalt  }
0x6c: {  	_ =	shalt  }
0x6d: {  	_ =	shalt  }
0x6e: {  	_ =	shalt  }
0x6f: {  	_ =	shalt  }
0x70: {  	_ =	shalt  }
0x71: {  	_ =	shalt  }
0x72: {  	_ =	shalt  }
0x73: {  	_ =	shalt  }
0x74: {  	_ =	shalt  }
0x75: {  	_ =	shalt  }
0x76: {  	_ =	shalt  }
0x77: {  	_ =	shalt  }
0x78: {  	_ =	shalt  }
0x79: {  	_ =	shalt  }
0x7a: {  	_ =	shalt  }
0x7b: {  	_ =	shalt  }
0x7c: {  	_ =	shalt  }
0x7d: {  	_ =	shalt  }
0x7e: {  	_ =	shalt  }
0x7f: {  	_ =	shalt  }
0x80: {  	_ =	shalt  }
0x81: {  	_ =	shalt  }
0x82: {  	_ =	shalt  }
0x83: {  	_ =	shalt  }
0x84: {  	_ =	shalt  }
0x85: {  	_ =	shalt  }
0x86: {  	_ =	shalt  }
0x87: {  	_ =	shalt  }
.Lfunc_end0:
.L_simem_size_0:
called_computation_lowered:
.L_overlay_start_0:
0x88: {  	s2 =	sld [smem:$0x3FD9]  }
0x89: {  	s3 =	sld [smem:$0x3FFE];
	_ =	sdelay $0x1  }
0x8a: {  	s1 =	srdreg.scid  }
0x8b: {  	s0 =	sand.u32 $0x1, s1  }
0x8c: {  	s14 =	sshll.u32 s0, $0xA;
	s2 =	sadd.s32 s3, s2  }
0x8d: {  	s2 =	sadd.s32 s2, s14  }
0x8e: {  	[smem:$0x3FC4] =	sst s2  }
0x8f: {  	_ = 	snop  }
0x90: {  	s2 =	sld [smem:$0x3FD0];
	_ =	sdelay $0x2  }
0x91: {  	s15 =	simm.s32 $0xA;
	s4 =	simm.s32 $0x10  }
0x92: {  	[smem:s4], [sflag:s15] =	dma.local [hbm:s2], $0x1  }
0x93: {  	_ =	swait.eq [sflag:s15], $0x1  }
0x94: {  	[sflag:s15] =	ssyncset.done $0x0  }
0x95: {  	s16 =	sld [smem:$0x10];
	[sflag:s15] =	ssyncadd.s32 $0xFFFFFFFF  }
0x96: {  	s17 =	sld [smem:$0x11];
	(tm) =	ssettm $0x1  }
0x97: {  	s18 =	sld [smem:$0x3FFB];
	_ =	sdelay $0x3  }
0x98: {  	_ =	strace s18  }
0x99: {  	s4 =	sld [smem:$0x3FFC];
	_ =	sdelay $0x3  }
0x9a: {  	_ =	strace s4  }
0x9b: {  	s4 =	sld [smem:$0x3FFD];
	_ =	sdelay $0x3  }
0x9c: {  	_ =	strace s4  }
0x9d: {  	_ =	strace $0x8FFFFFFF  }
0x9e: {  	s19 =	sld [smem:$0x3FDB];
	_ =	sdelay $0x1  }
0x9f: {  	s5 =	simm.s32 $_scs_section_size  }
0xa0: {  	s6 =	simm.s32 $_size__tile_overlayer_lowered;
	s7 =	simm.s32 $_tile_overlayer_lowered  }
0xa1: {  	s22 =	simm.s32 $0x1BFF;
	s21 =	sshll.u32 s7, $0x1;
	s4 =	sadd.s32 s5, s19  }
0xa2: {  	s8 =	simm.s32 $0x0;
	s20 =	sshll.u32 s6, $0x1;
	s6 =	sadd.s32 s21, s4  }
0xa3: {  	[timem:s8], [sflag:s22] =	dma.local [hbm:s6], s20  }
0xa4: {  	_ =	swait.ge [sflag:s22], s20  }
0xa5: {  	s5 =	ssub.s32 $0x0, s20;
	[sflag:s22] =	ssyncset.done $0x0  }
0xa6: {  	[sflag:s22] =	ssyncadd.s32 s5;
	_ =	sdelay $0x1  }
0xa7: {  	s23 =	simm.s32 $0x1B8B  }
0xa8: {  	_ =	swait.ge [sflag:s23], $0x1  }
0xa9: {  	[sflag:s23] =	ssyncset.done $0x0  }
0xaa: {  	s25 =	simm.s32 $0x1B8E;
	s24 =	sld [smem:$0x3FFE];
	[sflag:s23] =	ssyncadd.s32 $0xFFFFFFFF  }
0xab: {  	s26 =	simm.s32 $execute0_lowered;
	[smem:$0x3FD2] =	sst s25  }
0xac: {  	s6 =	sshll.u32 s26, $0x1;
	_ =	strace $0x80000046;
	[dreg:$0x1] =	wrdreg $0xFFFFFFFF  }
0xad: {  	s28 =	simm.s32 $_size_execute0_lowered;
	s4 =	sadd.s32 s4, s6;
	[dreg:$0x0] =	wrdreg $0x0  }
0xae: {  	s6 =	sshll.u32 s28, $0x1;
	[dreg:$0x2] =	wrdreg s4  }
0xaf: {  	[dreg:$0x3] =	wrdreg s6  }
0xb0: {  	[dreg:$0x4] =	wrdreg $0xC0  }
0xb1: {  	_ =	task [dreg:s8], $0x5FFFF  }
0xb2: {  	[dreg:$0x1] =	wrdreg $0xFFFFFFFF  }
0xb3: {  	[dreg:$0x0] =	wrdreg $0x60  }
0xb4: {  	[dreg:$0x2] =	wrdreg s24  }
0xb5: {  	[dreg:$0x3] =	wrdreg s17  }
0xb6: {  	[dreg:$0x4] =	wrdreg s16  }
0xb7: {  	[dreg:$0x5] =	wrdreg $0x9  }
0xb8: {  	_ =	task.clear_ibuf [dreg:s8], $0x6FFFF;
	_ =	strace $0x90000046  }
0xb9: {  	s29 =	simm.s32 $0x9;
	_ =	strace $0x80000048  }
0xba: {  	_ =	swait.ge [sflag:s29], $0x1  }
0xbb: {  	[sflag:s29] =	ssyncadd.s32 $0xFFFFFFFF  }
0xbc: {  	_ =	strace $0x90000048  }
0xbd: {  	_ =	sfence  }
0xbe: {  	s30 =	sld [smem:$0x0];
	_ =	sdelay $0x2  }
0xbf: {  	s31 =	sshll.u32 s1, $0xD;
	s1 =	sshrl.u32 s1, $0x2  }
0xc0: {  	s3 =	sand.u32 $0x4000, s31;
	s1 =	sadd.s32 s1, s30  }
0xc1: {  	s0 =	sor.u32 s3, s0;
	s1 =	sshll.u32 s1, $0x11  }
0xc2: {  	s0 =	sor.u32 s1, s0  }
0xc3: {  	s0 =	sadd.s32 $0x8F2B, s0  }
0xc4: {  	[sflag:s0] =	ssyncadd.remote.s32 $0x1  }
0xc5: {  	_ =	sfence.sel $0xFFFF  }
0xc6: {  	[dreg:$0x0] =	wrdreg $0xFFFFFFFF;
	(pc) =	sbr.abs _section_cstart, $3  }
0xc7: {  	[dreg:$0x1] =	wrdreg $0xFFFFFFFF  }
0xc8: {  	_ =	task.clear_ibuf [dreg:s8], $0x2FFFF;
	_ =	strace $0x9FFFFFFF  }
0xc9: {  	(tm) =	ssettm $0x7FFFFFFF  }
tec
execute0_lowered:
.L_overlay_start_1:
0x0: {  	(tag) =	ssettag $0x1  }
0x1: {  	s4 =	rddreg [dreg:$0x0]  }
0x2: {  	s10 =	rddreg [dreg:$0x1]  }
0x3: {  	s11 =	rddreg [dreg:$0x2]  }
0x4: {  	s2 =	srdreg.scid;
	s1 =	stileid.u32  }
0x5: {  	s15 =	simm.s32 $0x880;
	s16 =	simm.s32 $0x1080;
	s17 =	simm.s32 $0x1880  }
0x6: {  	s18 =	simm.s32 $0x2080;
	s19 =	simm.s32 $0x2880;
	s20 =	simm.s32 $0x3080  }
0x7: {  	s28 =	simm.s32 $0x6880;
	s29 =	simm.s32 $0x7080;
	s30 =	simm.s32 $0x7880  }
0x8: {  	s31 =	simm.s32 $0x1;
	s3 =	sand.u32 $0x1, s2;
	s2 =	simm.s32 $0x0  }
0x9: {  	s5 =	sshll.u32 s1, $0x9;
	s6 =	sshll.u32 s3, $0x8;
	[smem:$0x7FF] =	sst s2  }
0xa: {  	s21 =	ssub.s32 $0x2, s3;
	s3 =	sadd.s32 $0x14EE00, s4;
	s4 =	sadd.s32 $0x14EF00, s4  }
0xb: {  	s9 =	sor.u32 s6, s5;
	_ =	strace $0x80000047;
	s7 =	sshrl.u32 s21, $0x1  }
0xc: {  	s6 =	sshrl.u32 s9, $0x3;
	s12 =	ssub.s32 s21, s7;
	s22 =	sshll.u32 s9, $0x6  }
0xd: {  	s23 =	sor.u32 $0x40, s9;
	s13 =	sor.u32 $0x80, s9;
	s14 =	sor.u32 $0xC0, s9  }
0xe: {  	s21 =	simm.s32 $0x3880;
	s6 =	sadd.s32 s10, s6;
	s5 =	sadd.s32 s11, s22  }
0xf: {  	s24 =	sshrl.u32 s23, $0x3;
	s8 =	sshll.u32 s23, $0x6;
	s25 =	sshrl.u32 s13, $0x3  }
0x10: {  	s13 =	sshll.u32 s13, $0x6;
	s26 =	sshrl.u32 s14, $0x3;
	s14 =	sshll.u32 s14, $0x6  }
0x11: {  	s12 =	smax.u32 s12, $0x1;
	s22 =	simm.s32 $0x4080;
	s23 =	simm.s32 $0x4880  }
0x12: {  	[dreg:$0x4] =	wrdreg s6;
	s6 =	sadd.s32 s10, s24;
	s7 =	sadd.s32 s11, s8  }
0x13: {  	v2 =	vlaneseq.u32;
	s8 =	sadd.s32 s10, s25;
	s9 =	sadd.s32 s11, s13;
	s10 =	sadd.s32 s10, s26  }
0x14: {  	vm0 =	vmmov $0xffff;
	v1 =	vshrl.u32 v2, $0x3;
	s11 =	sadd.s32 s11, s14;
	s13 =	simm.s32 $0x2;
	s14 =	simm.s32 $0x80  }
0x15: {  	v0 =	vand.u32 $0x7, v2;
	v2 =	vor.u32 $0x8, v2;
	v1 =	vmul.u32 $0x8, v1;
	s24 =	simm.s32 $0x5080;
	s25 =	simm.s32 $0x5880;
	s26 =	simm.s32 $0x6080  }
.LBB2_1:
0x16: {  	s0 =	rddreg [dreg:$0x4]  }
0x17: {  	[tilespmem:s2], [sflag:$0x2] =	stream.linear.gather [hbm4b:s0+s2], $0x40, $0x38;
	[tilespmem:$0x8080] =	vst v63  }
0x18: {  	_ =	swait.ge [sflag:s13], $0x40  }
0x19: {  	[sflag:s13] =	ssyncset.done $0x0  }
0x1a: {  	[sflag:s13] =	ssyncadd.s32 $0xFFFFFFC0  }
0x1b: {  	v3 =	vld [tilespmem:$0x0];
	_ =	sdelay $0x4  }
0x1c: {  	v4 =	vshll.u32 v3, $0x2  }
0x1d: {  	v3 =	vand.u32 $0x7, v3;
	v4 =	vand.u32 $0xFFFFFFE0, v4  }
0x1e: {  	v3 =	vor.u32 v3, v4  }
0x1f: {  	v4 =	vperm.xlane v3, v0;
	_ =	sdelay $0x1  }
0x20: {  	v4 =	vadd.s32 v1, v4;
	_ =	sdelay $0x1  }
0x21: {  	v3 =	vperm.xlane v3, v2;
	_ =	sdelay $0x1  }
0x22: {  	v3 =	vadd.s32 v1, v3  }
0x23: {  	[tilespmem:s14], [sflag:$0x1] =	stream.indirect_vreg.gather [hbm4b:s3+s2], $0x80, v4, vm0, $0xb8;
	[tilespmem:$0x8080] =	vst v63  }
0x24: {  	_ = 	snop  }
0x25: {  	[tilespmem:s15], [sflag:$0x1] =	stream.indirect_vreg.gather [hbm4b:s4+s2], $0x80, v4, vm0, $0xb8;
	[tilespmem:$0x8080] =	vst v63  }
0x26: {  	_ = 	snop  }
0x27: {  	[tilespmem:s16], [sflag:$0x1] =	stream.indirect_vreg.gather [hbm4b:s3+s2], $0x80, v3, vm0, $0xb8;
	[tilespmem:$0x8080] =	vst v63  }
0x28: {  	_ = 	snop  }
0x29: {  	[tilespmem:s17], [sflag:$0x1] =	stream.indirect_vreg.gather [hbm4b:s4+s2], $0x80, v3, vm0, $0xb8;
	[tilespmem:$0x8080] =	vst v63  }
0x2a: {  	v3 =	vld [tilespmem:$0x10];
	_ =	sdelay $0x4  }
0x2b: {  	v49 =	vshll.u32 v3, $0x2  }
0x2c: {  	v3 =	vand.u32 $0x7, v3;
	v4 =	vand.u32 $0xFFFFFFE0, v49  }
0x2d: {  	v3 =	vor.u32 v3, v4  }
0x2e: {  	v4 =	vperm.xlane v3, v0;
	_ =	sdelay $0x1  }
0x2f: {  	v4 =	vadd.s32 v1, v4;
	_ =	sdelay $0x1  }
0x30: {  	v3 =	vperm.xlane v3, v2;
	_ =	sdelay $0x1  }
0x31: {  	v3 =	vadd.s32 v1, v3  }
0x32: {  	[tilespmem:s18], [sflag:$0x1] =	stream.indirect_vreg.gather [hbm4b:s3+s2], $0x80, v4, vm0, $0xb8;
	[tilespmem:$0x8080] =	vst v63  }
0x33: {  	_ = 	snop  }
0x34: {  	[tilespmem:s19], [sflag:$0x1] =	stream.indirect_vreg.gather [hbm4b:s4+s2], $0x80, v4, vm0, $0xb8;
	[tilespmem:$0x8080] =	vst v63  }
0x35: {  	_ = 	snop  }
0x36: {  	[tilespmem:s20], [sflag:$0x1] =	stream.indirect_vreg.gather [hbm4b:s3+s2], $0x80, v3, vm0, $0xb8;
	[tilespmem:$0x8080] =	vst v63  }
0x37: {  	_ = 	snop  }
0x38: {  	[tilespmem:s21], [sflag:$0x1] =	stream.indirect_vreg.gather [hbm4b:s4+s2], $0x80, v3, vm0, $0xb8;
	[tilespmem:$0x8080] =	vst v63  }
0x39: {  	v3 =	vld [tilespmem:$0x20];
	_ =	sdelay $0x4  }
0x3a: {  	v50 =	vshll.u32 v3, $0x2  }
0x3b: {  	v3 =	vand.u32 $0x7, v3;
	v4 =	vand.u32 $0xFFFFFFE0, v50  }
0x3c: {  	v3 =	vor.u32 v3, v4  }
0x3d: {  	v4 =	vperm.xlane v3, v0;
	_ =	sdelay $0x1  }
0x3e: {  	v4 =	vadd.s32 v1, v4;
	_ =	sdelay $0x1  }
0x3f: {  	v3 =	vperm.xlane v3, v2;
	_ =	sdelay $0x1  }
0x40: {  	v3 =	vadd.s32 v1, v3  }
0x41: {  	[tilespmem:s22], [sflag:$0x1] =	stream.indirect_vreg.gather [hbm4b:s3+s2], $0x80, v4, vm0, $0xb8;
	[tilespmem:$0x8080] =	vst v63  }
0x42: {  	_ = 	snop  }
0x43: {  	[tilespmem:s23], [sflag:$0x1] =	stream.indirect_vreg.gather [hbm4b:s4+s2], $0x80, v4, vm0, $0xb8;
	[tilespmem:$0x8080] =	vst v63  }
0x44: {  	_ = 	snop  }
0x45: {  	[tilespmem:s24], [sflag:$0x1] =	stream.indirect_vreg.gather [hbm4b:s3+s2], $0x80, v3, vm0, $0xb8;
	[tilespmem:$0x8080] =	vst v63  }
0x46: {  	_ = 	snop  }
0x47: {  	[tilespmem:s25], [sflag:$0x1] =	stream.indirect_vreg.gather [hbm4b:s4+s2], $0x80, v3, vm0, $0xb8;
	[tilespmem:$0x8080] =	vst v63  }
0x48: {  	v3 =	vld [tilespmem:$0x30];
	_ =	sdelay $0x4  }
0x49: {  	v51 =	vshll.u32 v3, $0x2  }
0x4a: {  	v3 =	vand.u32 $0x7, v3;
	v4 =	vand.u32 $0xFFFFFFE0, v51  }
0x4b: {  	v3 =	vor.u32 v3, v4  }
0x4c: {  	v4 =	vperm.xlane v3, v0;
	_ =	sdelay $0x1  }
0x4d: {  	v4 =	vadd.s32 v1, v4;
	_ =	sdelay $0x1  }
0x4e: {  	v3 =	vperm.xlane v3, v2;
	_ =	sdelay $0x1  }
0x4f: {  	v3 =	vadd.s32 v1, v3  }
0x50: {  	[tilespmem:s26], [sflag:$0x1] =	stream.indirect_vreg.gather [hbm4b:s3+s2], $0x80, v4, vm0, $0xb8;
	[tilespmem:$0x8080] =	vst v63  }
0x51: {  	_ = 	snop  }
0x52: {  	[tilespmem:s28], [sflag:$0x1] =	stream.indirect_vreg.gather [hbm4b:s4+s2], $0x80, v4, vm0, $0xb8;
	[tilespmem:$0x8080] =	vst v63  }
0x53: {  	_ = 	snop  }
0x54: {  	[tilespmem:s29], [sflag:$0x1] =	stream.indirect_vreg.gather [hbm4b:s3+s2], $0x80, v3, vm0, $0xb8;
	[tilespmem:$0x8080] =	vst v63  }
0x55: {  	_ = 	snop  }
0x56: {  	[tilespmem:s30], [sflag:$0x1] =	stream.indirect_vreg.gather [hbm4b:s4+s2], $0x80, v3, vm0, $0xb8;
	[tilespmem:$0x8080] =	vst v63  }
0x57: {  	_ =	swait.ge [sflag:s31], $0x8000  }
0x58: {  	[sflag:s31] =	ssyncset.done $0x0  }
0x59: {  	[sflag:s31] =	ssyncadd.s32 $0xFFFF8000  }
0x5a: {  	[hbm4b:s5+s2] =	stream.linear.scatter [tilespmem:s14], [sflag:$0x2], $0x8000, $0x38;
	[tilespmem:$0x8080] =	vst v63  }
0x5b: {  	_ =	swait.ge [sflag:s13], $0x8000  }
0x5c: {  	[sflag:s13] =	ssyncset.done $0x0  }
0x5d: {  	[sflag:s13] =	ssyncadd.s32 $0xFFFF8000  }
0x5e: {  	[tilespmem:s2], [sflag:$0x2] =	stream.linear.gather [hbm4b:s6+s2], $0x40, $0x38;
	[tilespmem:$0x8080] =	vst v63  }
0x5f: {  	_ =	swait.ge [sflag:s13], $0x40  }
0x60: {  	[sflag:s13] =	ssyncset.done $0x0  }
0x61: {  	[sflag:s13] =	ssyncadd.s32 $0xFFFFFFC0  }
0x62: {  	v3 =	vld [tilespmem:$0x0];
	_ =	sdelay $0x4  }
0x63: {  	v52 =	vshll.u32 v3, $0x2  }
0x64: {  	v3 =	vand.u32 $0x7, v3;
	v4 =	vand.u32 $0xFFFFFFE0, v52  }
0x65: {  	v3 =	vor.u32 v3, v4  }
0x66: {  	v4 =	vperm.xlane v3, v0;
	_ =	sdelay $0x1  }
0x67: {  	v4 =	vadd.s32 v1, v4;
	_ =	sdelay $0x1  }
0x68: {  	v3 =	vperm.xlane v3, v2;
	_ =	sdelay $0x1  }
0x69: {  	v3 =	vadd.s32 v1, v3  }
0x6a: {  	[tilespmem:s14], [sflag:$0x1] =	stream.indirect_vreg.gather [hbm4b:s3+s2], $0x80, v4, vm0, $0xb8;
	[tilespmem:$0x8080] =	vst v63  }
0x6b: {  	_ = 	snop  }
0x6c: {  	[tilespmem:s15], [sflag:$0x1] =	stream.indirect_vreg.gather [hbm4b:s4+s2], $0x80, v4, vm0, $0xb8;
	[tilespmem:$0x8080] =	vst v63  }
0x6d: {  	_ = 	snop  }
0x6e: {  	[tilespmem:s16], [sflag:$0x1] =	stream.indirect_vreg.gather [hbm4b:s3+s2], $0x80, v3, vm0, $0xb8;
	[tilespmem:$0x8080] =	vst v63  }
0x6f: {  	_ = 	snop  }
0x70: {  	[tilespmem:s17], [sflag:$0x1] =	stream.indirect_vreg.gather [hbm4b:s4+s2], $0x80, v3, vm0, $0xb8;
	[tilespmem:$0x8080] =	vst v63  }
0x71: {  	v3 =	vld [tilespmem:$0x10];
	_ =	sdelay $0x4  }
0x72: {  	v53 =	vshll.u32 v3, $0x2  }
0x73: {  	v3 =	vand.u32 $0x7, v3;
	v4 =	vand.u32 $0xFFFFFFE0, v53  }
0x74: {  	v3 =	vor.u32 v3, v4  }
0x75: {  	v4 =	vperm.xlane v3, v0;
	_ =	sdelay $0x1  }
0x76: {  	v4 =	vadd.s32 v1, v4;
	_ =	sdelay $0x1  }
0x77: {  	v3 =	vperm.xlane v3, v2;
	_ =	sdelay $0x1  }
0x78: {  	v3 =	vadd.s32 v1, v3  }
0x79: {  	[tilespmem:s18], [sflag:$0x1] =	stream.indirect_vreg.gather [hbm4b:s3+s2], $0x80, v4, vm0, $0xb8;
	[tilespmem:$0x8080] =	vst v63  }
0x7a: {  	_ = 	snop  }
0x7b: {  	[tilespmem:s19], [sflag:$0x1] =	stream.indirect_vreg.gather [hbm4b:s4+s2], $0x80, v4, vm0, $0xb8;
	[tilespmem:$0x8080] =	vst v63  }
0x7c: {  	_ = 	snop  }
0x7d: {  	[tilespmem:s20], [sflag:$0x1] =	stream.indirect_vreg.gather [hbm4b:s3+s2], $0x80, v3, vm0, $0xb8;
	[tilespmem:$0x8080] =	vst v63  }
0x7e: {  	_ = 	snop  }
0x7f: {  	[tilespmem:s21], [sflag:$0x1] =	stream.indirect_vreg.gather [hbm4b:s4+s2], $0x80, v3, vm0, $0xb8;
	[tilespmem:$0x8080] =	vst v63  }
0x80: {  	v3 =	vld [tilespmem:$0x20];
	_ =	sdelay $0x4  }
0x81: {  	v54 =	vshll.u32 v3, $0x2  }
0x82: {  	v3 =	vand.u32 $0x7, v3;
	v4 =	vand.u32 $0xFFFFFFE0, v54  }
0x83: {  	v3 =	vor.u32 v3, v4  }
0x84: {  	v4 =	vperm.xlane v3, v0;
	_ =	sdelay $0x1  }
0x85: {  	v4 =	vadd.s32 v1, v4;
	_ =	sdelay $0x1  }
0x86: {  	v3 =	vperm.xlane v3, v2;
	_ =	sdelay $0x1  }
0x87: {  	v3 =	vadd.s32 v1, v3  }
0x88: {  	[tilespmem:s22], [sflag:$0x1] =	stream.indirect_vreg.gather [hbm4b:s3+s2], $0x80, v4, vm0, $0xb8;
	[tilespmem:$0x8080] =	vst v63  }
0x89: {  	_ = 	snop  }
0x8a: {  	[tilespmem:s23], [sflag:$0x1] =	stream.indirect_vreg.gather [hbm4b:s4+s2], $0x80, v4, vm0, $0xb8;
	[tilespmem:$0x8080] =	vst v63  }
0x8b: {  	_ = 	snop  }
0x8c: {  	[tilespmem:s24], [sflag:$0x1] =	stream.indirect_vreg.gather [hbm4b:s3+s2], $0x80, v3, vm0, $0xb8;
	[tilespmem:$0x8080] =	vst v63  }
0x8d: {  	_ = 	snop  }
0x8e: {  	[tilespmem:s25], [sflag:$0x1] =	stream.indirect_vreg.gather [hbm4b:s4+s2], $0x80, v3, vm0, $0xb8;
	[tilespmem:$0x8080] =	vst v63  }
0x8f: {  	v3 =	vld [tilespmem:$0x30];
	_ =	sdelay $0x4  }
0x90: {  	v55 =	vshll.u32 v3, $0x2  }
0x91: {  	v3 =	vand.u32 $0x7, v3;
	v4 =	vand.u32 $0xFFFFFFE0, v55  }
0x92: {  	v3 =	vor.u32 v3, v4  }
0x93: {  	v4 =	vperm.xlane v3, v0;
	_ =	sdelay $0x1  }
0x94: {  	v4 =	vadd.s32 v1, v4;
	_ =	sdelay $0x1  }
0x95: {  	v3 =	vperm.xlane v3, v2;
	_ =	sdelay $0x1  }
0x96: {  	v3 =	vadd.s32 v1, v3  }
0x97: {  	[tilespmem:s26], [sflag:$0x1] =	stream.indirect_vreg.gather [hbm4b:s3+s2], $0x80, v4, vm0, $0xb8;
	[tilespmem:$0x8080] =	vst v63  }
0x98: {  	_ = 	snop  }
0x99: {  	[tilespmem:s28], [sflag:$0x1] =	stream.indirect_vreg.gather [hbm4b:s4+s2], $0x80, v4, vm0, $0xb8;
	[tilespmem:$0x8080] =	vst v63  }
0x9a: {  	_ = 	snop  }
0x9b: {  	[tilespmem:s29], [sflag:$0x1] =	stream.indirect_vreg.gather [hbm4b:s3+s2], $0x80, v3, vm0, $0xb8;
	[tilespmem:$0x8080] =	vst v63  }
0x9c: {  	_ = 	snop  }
0x9d: {  	[tilespmem:s30], [sflag:$0x1] =	stream.indirect_vreg.gather [hbm4b:s4+s2], $0x80, v3, vm0, $0xb8;
	[tilespmem:$0x8080] =	vst v63  }
0x9e: {  	_ =	swait.ge [sflag:s31], $0x8000  }
0x9f: {  	[sflag:s31] =	ssyncset.done $0x0  }
0xa0: {  	[sflag:s31] =	ssyncadd.s32 $0xFFFF8000  }
0xa1: {  	[hbm4b:s7+s2] =	stream.linear.scatter [tilespmem:s14], [sflag:$0x2], $0x8000, $0x38;
	[tilespmem:$0x8080] =	vst v63  }
0xa2: {  	_ =	swait.ge [sflag:s13], $0x8000  }
0xa3: {  	[sflag:s13] =	ssyncset.done $0x0  }
0xa4: {  	[sflag:s13] =	ssyncadd.s32 $0xFFFF8000  }
0xa5: {  	[tilespmem:s2], [sflag:$0x2] =	stream.linear.gather [hbm4b:s8+s2], $0x40, $0x38;
	[tilespmem:$0x8080] =	vst v63  }
0xa6: {  	_ =	swait.ge [sflag:s13], $0x40  }
0xa7: {  	[sflag:s13] =	ssyncset.done $0x0  }
0xa8: {  	[sflag:s13] =	ssyncadd.s32 $0xFFFFFFC0  }
0xa9: {  	v3 =	vld [tilespmem:$0x0];
	_ =	sdelay $0x4  }
0xaa: {  	v56 =	vshll.u32 v3, $0x2  }
0xab: {  	v3 =	vand.u32 $0x7, v3;
	v4 =	vand.u32 $0xFFFFFFE0, v56  }
0xac: {  	v3 =	vor.u32 v3, v4  }
0xad: {  	v4 =	vperm.xlane v3, v0;
	_ =	sdelay $0x1  }
0xae: {  	v4 =	vadd.s32 v1, v4;
	_ =	sdelay $0x1  }
0xaf: {  	v3 =	vperm.xlane v3, v2;
	_ =	sdelay $0x1  }
0xb0: {  	v3 =	vadd.s32 v1, v3  }
0xb1: {  	[tilespmem:s14], [sflag:$0x1] =	stream.indirect_vreg.gather [hbm4b:s3+s2], $0x80, v4, vm0, $0xb8;
	[tilespmem:$0x8080] =	vst v63  }
0xb2: {  	_ = 	snop  }
0xb3: {  	[tilespmem:s15], [sflag:$0x1] =	stream.indirect_vreg.gather [hbm4b:s4+s2], $0x80, v4, vm0, $0xb8;
	[tilespmem:$0x8080] =	vst v63  }
0xb4: {  	_ = 	snop  }
0xb5: {  	[tilespmem:s16], [sflag:$0x1] =	stream.indirect_vreg.gather [hbm4b:s3+s2], $0x80, v3, vm0, $0xb8;
	[tilespmem:$0x8080] =	vst v63  }
0xb6: {  	_ = 	snop  }
0xb7: {  	[tilespmem:s17], [sflag:$0x1] =	stream.indirect_vreg.gather [hbm4b:s4+s2], $0x80, v3, vm0, $0xb8;
	[tilespmem:$0x8080] =	vst v63  }
0xb8: {  	v3 =	vld [tilespmem:$0x10];
	_ =	sdelay $0x4  }
0xb9: {  	v57 =	vshll.u32 v3, $0x2  }
0xba: {  	v3 =	vand.u32 $0x7, v3;
	v4 =	vand.u32 $0xFFFFFFE0, v57  }
0xbb: {  	v3 =	vor.u32 v3, v4  }
0xbc: {  	v4 =	vperm.xlane v3, v0;
	_ =	sdelay $0x1  }
0xbd: {  	v4 =	vadd.s32 v1, v4;
	_ =	sdelay $0x1  }
0xbe: {  	v3 =	vperm.xlane v3, v2;
	_ =	sdelay $0x1  }
0xbf: {  	v3 =	vadd.s32 v1, v3  }
0xc0: {  	[tilespmem:s18], [sflag:$0x1] =	stream.indirect_vreg.gather [hbm4b:s3+s2], $0x80, v4, vm0, $0xb8;
	[tilespmem:$0x8080] =	vst v63  }
0xc1: {  	_ = 	snop  }
0xc2: {  	[tilespmem:s19], [sflag:$0x1] =	stream.indirect_vreg.gather [hbm4b:s4+s2], $0x80, v4, vm0, $0xb8;
	[tilespmem:$0x8080] =	vst v63  }
0xc3: {  	_ = 	snop  }
0xc4: {  	[tilespmem:s20], [sflag:$0x1] =	stream.indirect_vreg.gather [hbm4b:s3+s2], $0x80, v3, vm0, $0xb8;
	[tilespmem:$0x8080] =	vst v63  }
0xc5: {  	_ = 	snop  }
0xc6: {  	[tilespmem:s21], [sflag:$0x1] =	stream.indirect_vreg.gather [hbm4b:s4+s2], $0x80, v3, vm0, $0xb8;
	[tilespmem:$0x8080] =	vst v63  }
0xc7: {  	v3 =	vld [tilespmem:$0x20];
	_ =	sdelay $0x4  }
0xc8: {  	v58 =	vshll.u32 v3, $0x2  }
0xc9: {  	v3 =	vand.u32 $0x7, v3;
	v4 =	vand.u32 $0xFFFFFFE0, v58  }
0xca: {  	v3 =	vor.u32 v3, v4  }
0xcb: {  	v4 =	vperm.xlane v3, v0;
	_ =	sdelay $0x1  }
0xcc: {  	v4 =	vadd.s32 v1, v4;
	_ =	sdelay $0x1  }
0xcd: {  	v3 =	vperm.xlane v3, v2;
	_ =	sdelay $0x1  }
0xce: {  	v3 =	vadd.s32 v1, v3  }
0xcf: {  	[tilespmem:s22], [sflag:$0x1] =	stream.indirect_vreg.gather [hbm4b:s3+s2], $0x80, v4, vm0, $0xb8;
	[tilespmem:$0x8080] =	vst v63  }
0xd0: {  	_ = 	snop  }
0xd1: {  	[tilespmem:s23], [sflag:$0x1] =	stream.indirect_vreg.gather [hbm4b:s4+s2], $0x80, v4, vm0, $0xb8;
	[tilespmem:$0x8080] =	vst v63  }
0xd2: {  	_ = 	snop  }
0xd3: {  	[tilespmem:s24], [sflag:$0x1] =	stream.indirect_vreg.gather [hbm4b:s3+s2], $0x80, v3, vm0, $0xb8;
	[tilespmem:$0x8080] =	vst v63  }
0xd4: {  	_ = 	snop  }
0xd5: {  	[tilespmem:s25], [sflag:$0x1] =	stream.indirect_vreg.gather [hbm4b:s4+s2], $0x80, v3, vm0, $0xb8;
	[tilespmem:$0x8080] =	vst v63  }
0xd6: {  	v3 =	vld [tilespmem:$0x30];
	_ =	sdelay $0x4  }
0xd7: {  	v59 =	vshll.u32 v3, $0x2  }
0xd8: {  	v3 =	vand.u32 $0x7, v3;
	v4 =	vand.u32 $0xFFFFFFE0, v59  }
0xd9: {  	v3 =	vor.u32 v3, v4  }
0xda: {  	v4 =	vperm.xlane v3, v0;
	_ =	sdelay $0x1  }
0xdb: {  	v4 =	vadd.s32 v1, v4;
	_ =	sdelay $0x1  }
0xdc: {  	v3 =	vperm.xlane v3, v2;
	_ =	sdelay $0x1  }
0xdd: {  	v3 =	vadd.s32 v1, v3  }
0xde: {  	[tilespmem:s26], [sflag:$0x1] =	stream.indirect_vreg.gather [hbm4b:s3+s2], $0x80, v4, vm0, $0xb8;
	[tilespmem:$0x8080] =	vst v63  }
0xdf: {  	_ = 	snop  }
0xe0: {  	[tilespmem:s28], [sflag:$0x1] =	stream.indirect_vreg.gather [hbm4b:s4+s2], $0x80, v4, vm0, $0xb8;
	[tilespmem:$0x8080] =	vst v63  }
0xe1: {  	_ = 	snop  }
0xe2: {  	[tilespmem:s29], [sflag:$0x1] =	stream.indirect_vreg.gather [hbm4b:s3+s2], $0x80, v3, vm0, $0xb8;
	[tilespmem:$0x8080] =	vst v63  }
0xe3: {  	_ = 	snop  }
0xe4: {  	[tilespmem:s30], [sflag:$0x1] =	stream.indirect_vreg.gather [hbm4b:s4+s2], $0x80, v3, vm0, $0xb8;
	[tilespmem:$0x8080] =	vst v63  }
0xe5: {  	_ =	swait.ge [sflag:s31], $0x8000  }
0xe6: {  	[sflag:s31] =	ssyncset.done $0x0  }
0xe7: {  	[sflag:s31] =	ssyncadd.s32 $0xFFFF8000  }
0xe8: {  	[hbm4b:s9+s2] =	stream.linear.scatter [tilespmem:s14], [sflag:$0x2], $0x8000, $0x38;
	[tilespmem:$0x8080] =	vst v63  }
0xe9: {  	_ =	swait.ge [sflag:s13], $0x8000  }
0xea: {  	[sflag:s13] =	ssyncset.done $0x0  }
0xeb: {  	[sflag:s13] =	ssyncadd.s32 $0xFFFF8000  }
0xec: {  	[tilespmem:s2], [sflag:$0x2] =	stream.linear.gather [hbm4b:s10+s2], $0x40, $0x38;
	[tilespmem:$0x8080] =	vst v63  }
0xed: {  	_ =	swait.ge [sflag:s13], $0x40  }
0xee: {  	[sflag:s13] =	ssyncset.done $0x0  }
0xef: {  	[sflag:s13] =	ssyncadd.s32 $0xFFFFFFC0  }
0xf0: {  	v3 =	vld [tilespmem:$0x0];
	_ =	sdelay $0x4  }
0xf1: {  	v60 =	vshll.u32 v3, $0x2  }
0xf2: {  	v3 =	vand.u32 $0x7, v3;
	v4 =	vand.u32 $0xFFFFFFE0, v60  }
0xf3: {  	v3 =	vor.u32 v3, v4  }
0xf4: {  	v4 =	vperm.xlane v3, v0;
	_ =	sdelay $0x1  }
0xf5: {  	v4 =	vadd.s32 v1, v4;
	_ =	sdelay $0x1  }
0xf6: {  	v3 =	vperm.xlane v3, v2;
	_ =	sdelay $0x1  }
0xf7: {  	v3 =	vadd.s32 v1, v3  }
0xf8: {  	[tilespmem:s14], [sflag:$0x1] =	stream.indirect_vreg.gather [hbm4b:s3+s2], $0x80, v4, vm0, $0xb8;
	[tilespmem:$0x8080] =	vst v63  }
0xf9: {  	_ = 	snop  }
0xfa: {  	[tilespmem:s15], [sflag:$0x1] =	stream.indirect_vreg.gather [hbm4b:s4+s2], $0x80, v4, vm0, $0xb8;
	[tilespmem:$0x8080] =	vst v63  }
0xfb: {  	_ = 	snop  }
0xfc: {  	[tilespmem:s16], [sflag:$0x1] =	stream.indirect_vreg.gather [hbm4b:s3+s2], $0x80, v3, vm0, $0xb8;
	[tilespmem:$0x8080] =	vst v63  }
0xfd: {  	_ = 	snop  }
0xfe: {  	[tilespmem:s17], [sflag:$0x1] =	stream.indirect_vreg.gather [hbm4b:s4+s2], $0x80, v3, vm0, $0xb8;
	[tilespmem:$0x8080] =	vst v63  }
0xff: {  	v3 =	vld [tilespmem:$0x10];
	_ =	sdelay $0x4  }
0x100: {  	v61 =	vshll.u32 v3, $0x2  }
0x101: {  	v3 =	vand.u32 $0x7, v3;
	v4 =	vand.u32 $0xFFFFFFE0, v61  }
0x102: {  	v3 =	vor.u32 v3, v4  }
0x103: {  	v4 =	vperm.xlane v3, v0;
	_ =	sdelay $0x1  }
0x104: {  	v4 =	vadd.s32 v1, v4;
	_ =	sdelay $0x1  }
0x105: {  	v3 =	vperm.xlane v3, v2;
	_ =	sdelay $0x1  }
0x106: {  	v3 =	vadd.s32 v1, v3  }
0x107: {  	[tilespmem:s18], [sflag:$0x1] =	stream.indirect_vreg.gather [hbm4b:s3+s2], $0x80, v4, vm0, $0xb8;
	[tilespmem:$0x8080] =	vst v63  }
0x108: {  	_ = 	snop  }
0x109: {  	[tilespmem:s19], [sflag:$0x1] =	stream.indirect_vreg.gather [hbm4b:s4+s2], $0x80, v4, vm0, $0xb8;
	[tilespmem:$0x8080] =	vst v63  }
0x10a: {  	_ = 	snop  }
0x10b: {  	[tilespmem:s20], [sflag:$0x1] =	stream.indirect_vreg.gather [hbm4b:s3+s2], $0x80, v3, vm0, $0xb8;
	[tilespmem:$0x8080] =	vst v63  }
0x10c: {  	_ = 	snop  }
0x10d: {  	[tilespmem:s21], [sflag:$0x1] =	stream.indirect_vreg.gather [hbm4b:s4+s2], $0x80, v3, vm0, $0xb8;
	[tilespmem:$0x8080] =	vst v63  }
0x10e: {  	v3 =	vld [tilespmem:$0x20];
	_ =	sdelay $0x4  }
0x10f: {  	v62 =	vshll.u32 v3, $0x2  }
0x110: {  	v3 =	vand.u32 $0x7, v3;
	v4 =	vand.u32 $0xFFFFFFE0, v62  }
0x111: {  	v3 =	vor.u32 v3, v4  }
0x112: {  	v4 =	vperm.xlane v3, v0;
	_ =	sdelay $0x1  }
0x113: {  	v4 =	vadd.s32 v1, v4;
	_ =	sdelay $0x1  }
0x114: {  	v3 =	vperm.xlane v3, v2;
	_ =	sdelay $0x1  }
0x115: {  	v3 =	vadd.s32 v1, v3  }
0x116: {  	[tilespmem:s22], [sflag:$0x1] =	stream.indirect_vreg.gather [hbm4b:s3+s2], $0x80, v4, vm0, $0xb8;
	[tilespmem:$0x8080] =	vst v63  }
0x117: {  	_ = 	snop  }
0x118: {  	[tilespmem:s23], [sflag:$0x1] =	stream.indirect_vreg.gather [hbm4b:s4+s2], $0x80, v4, vm0, $0xb8;
	[tilespmem:$0x8080] =	vst v63  }
0x119: {  	_ = 	snop  }
0x11a: {  	[tilespmem:s24], [sflag:$0x1] =	stream.indirect_vreg.gather [hbm4b:s3+s2], $0x80, v3, vm0, $0xb8;
	[tilespmem:$0x8080] =	vst v63  }
0x11b: {  	_ = 	snop  }
0x11c: {  	[tilespmem:s25], [sflag:$0x1] =	stream.indirect_vreg.gather [hbm4b:s4+s2], $0x80, v3, vm0, $0xb8;
	[tilespmem:$0x8080] =	vst v63  }
0x11d: {  	v3 =	vld [tilespmem:$0x30];
	_ =	sdelay $0x4  }
0x11e: {  	v63 =	vshll.u32 v3, $0x2  }
0x11f: {  	v3 =	vand.u32 $0x7, v3;
	v4 =	vand.u32 $0xFFFFFFE0, v63  }
0x120: {  	v3 =	vor.u32 v3, v4  }
0x121: {  	v4 =	vperm.xlane v3, v0;
	_ =	sdelay $0x1  }
0x122: {  	v4 =	vadd.s32 v1, v4;
	_ =	sdelay $0x1  }
0x123: {  	v3 =	vperm.xlane v3, v2;
	_ =	sdelay $0x1  }
0x124: {  	v3 =	vadd.s32 v1, v3  }
0x125: {  	[tilespmem:s26], [sflag:$0x1] =	stream.indirect_vreg.gather [hbm4b:s3+s2], $0x80, v4, vm0, $0xb8;
	[tilespmem:$0x8080] =	vst v63  }
0x126: {  	_ = 	snop  }
0x127: {  	[tilespmem:s28], [sflag:$0x1] =	stream.indirect_vreg.gather [hbm4b:s4+s2], $0x80, v4, vm0, $0xb8;
	[tilespmem:$0x8080] =	vst v63  }
0x128: {  	_ = 	snop  }
0x129: {  	[tilespmem:s29], [sflag:$0x1] =	stream.indirect_vreg.gather [hbm4b:s3+s2], $0x80, v3, vm0, $0xb8;
	[tilespmem:$0x8080] =	vst v63  }
0x12a: {  	_ = 	snop  }
0x12b: {  	[tilespmem:s30], [sflag:$0x1] =	stream.indirect_vreg.gather [hbm4b:s4+s2], $0x80, v3, vm0, $0xb8;
	[tilespmem:$0x8080] =	vst v63  }
0x12c: {  	_ =	swait.ge [sflag:s31], $0x8000  }
0x12d: {  	p0 =	sne.s32 s12, $0x1;
	[sflag:s31] =	ssyncset.done $0x0  }
.Ltmp0:
0x12e: {  	[sflag:s31] =	ssyncadd.s32 $0xFFFF8000;
	(pc) =	sbr.rel @p0 .LBB2_1-.Ltmp0, $4  }
0x12f: {  	[hbm4b:s11+s2] =	stream.linear.scatter [tilespmem:s14], [sflag:$0x2], $0x8000, $0x38;
	[tilespmem:$0x8080] =	vst v63  }
0x130: {  	_ =	swait.ge [sflag:s13], $0x8000  }
0x131: {  	[sflag:s13] =	ssyncset.done $0x0  }
0x132: {  	s12 =	sadd.s32 $0xFFFFFFFF, s12;
	[sflag:s13] =	ssyncadd.s32 $0xFFFF8000  }
0x133: {  	_ =	sfence.sel $0x180000  }
0x134: {  	[bflag:$0x0] =	sbarrier.arrive $0xFFFF  }
0x135: {  	_ =	strace $0x90000047  }
0x136: {  	[bflag:$0x2] =	sbarrier.arrive $0xFFFF  }
0x137: {  	p0 =	sne.s32 s1, $0x0;
	s0 =	rddreg [dreg:$0x3]  }
0x138: {  	s0 =	sadd.s32 @!p0 $0x100000, s0  }
0x139: {  	[sflag:s0] =	ssyncadd.tile.s32 @!p0 $0x1;
	_ =	shalt  }
.Lfunc_end2:
_tile_overlayer_lowered:
.L_overlay_start_2:
0x13a: {  	(tag) =	ssettag $0x2  }
0x13b: {  	s0 =	rddreg [dreg:$0x0];
	s2 =	stileid.u32  }
0x13c: {  	s1 =	rddreg [dreg:$0x1];
	p0 =	sne.s32 s2, $0x0  }
0x13d: {  	s3 =	rddreg [dreg:$0x2];
	[bflag:$0x3] =	sbarrier.arrive $0xFFFF;
	s2 =	simm.s32 @!p0 $0x1C02  }
0x13e: {  	[timem:s3], [sflag:s2] =	dma.local @!p0 [hbm:s0], s1  }
0x13f: {  	s0 =	simm.s32 @!p0 $0x2  }
0x140: {  	_ =	swait.ge @!p0 [sflag:s0], s1  }
0x141: {  	s1 =	ssub.s32 @!p0 $0x0, s1;
	[sflag:s0] =	ssyncset.done @!p0 $0x0  }
0x142: {  	[sflag:s0] =	ssyncadd.s32 @!p0 s1  }
0x143: {  	[bflag:$0x3] =	sbarrier.arrive $0xFFFF  }
0x144: {  	_ =	shalt  }

// kernel: kernel.23.cloned.1.call-start
scs
__scs_entry_jumppad:
0x0: {  	(pc) =	sbr.rel $0x88, $3  }
0x1: {  	(tag) =	ssettag $0x0;
	lr =	simm.s32 $0x1  }
0x2: {  	[smem:$0x3F9D] =	sst lr;
	_ =	strace $0xD0000000  }
0x3: {  	_ = 	snop  }
0x4: {  	_ = 	snop  }
0x5: {  	_ = 	snop  }
0x6: {  	_ = 	snop  }
0x7: {  	_ = 	snop  }
__scs_overlays_trampoline_lowered:
0x8: {  	[smem:$0x3FAC] =	sst s0  }
0x9: {  	[smem:$0x3FAD] =	sst s1  }
0xa: {  	[smem:$0x3FAE] =	sst s2  }
0xb: {  	[smem:$0x3FAF] =	sst s3  }
0xc: {  	[smem:$0x3FB0] =	sst s4  }
0xd: {  	[smem:$0x3FB1] =	sst s5  }
0xe: {  	[smem:$0x3FB2] =	sst s6  }
0xf: {  	[smem:$0x3FB3] =	sst s7  }
0x10: {  	[smem:$0x3FB4] =	sst s8  }
0x11: {  	[smem:$0x3FB5] =	sst s9;
	s0 =	simm.s32 @!p0 $0x0  }
0x12: {  	s1 =	sld [smem:$0x3F9B];
	s0 =	simm.s32 @p0 $0x1  }
0x13: {  	[smem:$0x3FB6] =	sst s0;
	s0 =	simm.s32 @!p1 $0x0  }
0x14: {  	s2 =	sld [smem:$0x3F9A];
	s0 =	simm.s32 @p1 $0x1  }
0x15: {  	[smem:$0x3FB7] =	sst s0;
	s0 =	simm.s32 @!p2 $0x0  }
0x16: {  	s3 =	sld [smem:$0x3FDB];
	s0 =	simm.s32 @p2 $0x1  }
0x17: {  	s4 =	simm.s32 $0x1BF5;
	[smem:$0x3FB9] =	sst s0  }
0x18: {  	s0 =	sld [smem:$0x3F9C];
	_ =	swait.ge [sflag:s4], $0x0  }
0x19: {  	s7 =	sld [smem:$0x3F9D]  }
0x1a: {  	s8 =	sadd.s32 $0xFFFFE003, lr  }
0x1b: {  	s9 =	sadd.s32 $0xFFFFFEF7, lr;
	s5 =	simm.s32 $0xFFFFFFFF;
	p2 =	slt.u32 s8, $0xFFFFF086  }
0x1c: {  	p1 =	slt.u32 s9, $0xF7A;
	s5 =	simm.s32 @!p2 $0x0  }
0x1d: {  	s5 =	simm.s32 @p1 $0x1;
	p0 =	seq.s32 s7, s2  }
0x1e: {  	s7 =	smul.u32 @!p0 $0xF7A, s2;
	p2 =	seq.s32 @!p0 s5, $0x0  }
0x1f: {  	s9 =	smul.u32 $0xF7A, s1;
	s8 =	simm.s32 @!p0 $0x1BF5;
	p2 =	por !p2, p0  }
0x20: {  	[sflag:s8] =	ssyncset.s32 @!p0 $0xFFFFF086;
	s6 =	sadd.s32 @!p0 s3, s7;
	s7 =	simm.s32 @!p0 $0x108  }
0x21: {  	s3 =	sadd.s32 s3, s9;
	s6 =	sadd.s32 @!p0 $0x88, s6;
	s7 =	simm.s32 @p2 $0x1082  }
0x22: {  	[simem:s7], [sflag:s8] =	dma.local @!p0 [hbm:s6], $0xF7A  }
0x23: {  	s9 =	sor.u32 $0xD0000000, s2;
	s6 =	simm.s32 $0x108;
	_ =	swait.ge @!p0 [sflag:s8], $0x0  }
0x24: {  	s3 =	sadd.s32 $0x88, s3;
	s6 =	simm.s32 @!p1 $0x1082;
	[sflag:s4] =	ssyncset.s32 $0xFFFFF086  }
0x25: {  	[simem:s6], [sflag:s4] =	dma.local [hbm:s3], $0xF7A  }
0x26: {  	[smem:$0x3F9D] =	sst s1;
	(tag) =	ssettag s2;
	_ =	strace s9  }
0x27: {  	s1 =	sld [smem:$0x3FAD]  }
0x28: {  	s2 =	sld [smem:$0x3FAE]  }
0x29: {  	s4 =	sld [smem:$0x3FB0]  }
0x2a: {  	p0 =	seq.s32 s5, $0x0;
	s5 =	sld [smem:$0x3FB1]  }
0x2b: {  	s6 =	sld [smem:$0x3FB2]  }
0x2c: {  	s7 =	sld [smem:$0x3FB3]  }
0x2d: {  	s3 =	simm.s32 $0x108;
	s8 =	sld [smem:$0x3FB4]  }
0x2e: {  	s3 =	simm.s32 @!p0 $0x1082;
	s9 =	sld [smem:$0x3FB5]  }
0x2f: {  	lr =	sadd.s32 s0, s3;
	s0 =	sld [smem:$0x3FAC]  }
0x30: {  	s3 =	sld [smem:$0x3FAF]  }
0x31: {  	[smem:$0x3FB8] =	sst s10  }
0x32: {  	s10 =	sld [smem:$0x3FB6];
	_ =	sdelay $0x3  }
0x33: {  	p0 =	seq.s32 s10, $0x1;
	s10 =	sld [smem:$0x3FB8];
	_ =	sdelay $0x3  }
0x34: {  	[smem:$0x3FB8] =	sst s10  }
0x35: {  	s10 =	sld [smem:$0x3FB7];
	_ =	sdelay $0x3  }
0x36: {  	p1 =	seq.s32 s10, $0x1;
	s10 =	sld [smem:$0x3FB8];
	_ =	sdelay $0x3  }
0x37: {  	[smem:$0x3FB8] =	sst s10  }
0x38: {  	s10 =	sld [smem:$0x3FB9]  }
0x39: {  	_ = 	snop;
	(pc) =	sbr.ind lr, $3  }
0x3a: {  	_ = 	snop  }
0x3b: {  	_ = 	snop  }
0x3c: {  	p2 =	seq.s32 s10, $0x1;
	s10 =	sld [smem:$0x3FB8]  }
0x3d: {  	_ =	shalt  }
0x3e: {  	_ =	shalt  }
0x3f: {  	_ =	shalt  }
0x40: {  	_ =	shalt  }
0x41: {  	_ =	shalt  }
0x42: {  	_ =	shalt  }
0x43: {  	_ =	shalt  }
0x44: {  	_ =	shalt  }
0x45: {  	_ =	shalt  }
0x46: {  	_ =	shalt  }
0x47: {  	_ =	shalt  }
0x48: {  	_ =	shalt  }
0x49: {  	_ =	shalt  }
0x4a: {  	_ =	shalt  }
0x4b: {  	_ =	shalt  }
0x4c: {  	_ =	shalt  }
0x4d: {  	_ =	shalt  }
0x4e: {  	_ =	shalt  }
0x4f: {  	_ =	shalt  }
0x50: {  	_ =	shalt  }
0x51: {  	_ =	shalt  }
0x52: {  	_ =	shalt  }
0x53: {  	_ =	shalt  }
0x54: {  	_ =	shalt  }
0x55: {  	_ =	shalt  }
0x56: {  	_ =	shalt  }
0x57: {  	_ =	shalt  }
0x58: {  	_ =	shalt  }
0x59: {  	_ =	shalt  }
0x5a: {  	_ =	shalt  }
0x5b: {  	_ =	shalt  }
0x5c: {  	_ =	shalt  }
0x5d: {  	_ =	shalt  }
0x5e: {  	_ =	shalt  }
0x5f: {  	_ =	shalt  }
0x60: {  	_ =	shalt  }
0x61: {  	_ =	shalt  }
0x62: {  	_ =	shalt  }
0x63: {  	_ =	shalt  }
0x64: {  	_ =	shalt  }
0x65: {  	_ =	shalt  }
0x66: {  	_ =	shalt  }
0x67: {  	_ =	shalt  }
0x68: {  	_ =	shalt  }
0x69: {  	_ =	shalt  }
0x6a: {  	_ =	shalt  }
0x6b: {  	_ =	shalt  }
0x6c: {  	_ =	shalt  }
0x6d: {  	_ =	shalt  }
0x6e: {  	_ =	shalt  }
0x6f: {  	_ =	shalt  }
0x70: {  	_ =	shalt  }
0x71: {  	_ =	shalt  }
0x72: {  	_ =	shalt  }
0x73: {  	_ =	shalt  }
0x74: {  	_ =	shalt  }
0x75: {  	_ =	shalt  }
0x76: {  	_ =	shalt  }
0x77: {  	_ =	shalt  }
0x78: {  	_ =	shalt  }
0x79: {  	_ =	shalt  }
0x7a: {  	_ =	shalt  }
0x7b: {  	_ =	shalt  }
0x7c: {  	_ =	shalt  }
0x7d: {  	_ =	shalt  }
0x7e: {  	_ =	shalt  }
0x7f: {  	_ =	shalt  }
0x80: {  	_ =	shalt  }
0x81: {  	_ =	shalt  }
0x82: {  	_ =	shalt  }
0x83: {  	_ =	shalt  }
0x84: {  	_ =	shalt  }
0x85: {  	_ =	shalt  }
0x86: {  	_ =	shalt  }
0x87: {  	_ =	shalt  }
.Lfunc_end0:
.L_simem_size_0:
called_computation.1_lowered:
.L_overlay_start_0:
0x88: {  	s2 =	sld [smem:$0x3FD9]  }
0x89: {  	s3 =	sld [smem:$0x3FFE];
	_ =	sdelay $0x1  }
0x8a: {  	s1 =	srdreg.scid  }
0x8b: {  	s0 =	sand.u32 $0x1, s1  }
0x8c: {  	s16 =	sshll.u32 s0, $0xA;
	s2 =	sadd.s32 s3, s2  }
0x8d: {  	s2 =	sadd.s32 s2, s16  }
0x8e: {  	[smem:$0x3FC4] =	sst s2  }
0x8f: {  	_ = 	snop  }
0x90: {  	(tm) =	ssettm $0x1  }
0x91: {  	s17 =	sld [smem:$0x3FFB];
	_ =	sdelay $0x3  }
0x92: {  	_ =	strace s17  }
0x93: {  	s2 =	sld [smem:$0x3FFC];
	_ =	sdelay $0x3  }
0x94: {  	_ =	strace s2  }
0x95: {  	s2 =	sld [smem:$0x3FFD];
	_ =	sdelay $0x3  }
0x96: {  	_ =	strace s2  }
0x97: {  	_ =	strace $0x8FFFFFFF  }
0x98: {  	s18 =	sld [smem:$0x3FDB];
	_ =	sdelay $0x1  }
0x99: {  	s19 =	simm.s32 $_scs_section_size  }
0x9a: {  	s4 =	simm.s32 $_size__tile_overlayer_lowered;
	s5 =	simm.s32 $_tile_overlayer_lowered  }
0x9b: {  	s22 =	simm.s32 $0x1BFF;
	s21 =	sshll.u32 s5, $0x1;
	s2 =	sadd.s32 s19, s18  }
0x9c: {  	s6 =	simm.s32 $0x0;
	s20 =	sshll.u32 s4, $0x1;
	s4 =	sadd.s32 s21, s2  }
0x9d: {  	[timem:s6], [sflag:s22] =	dma.local [hbm:s4], s20  }
0x9e: {  	_ =	swait.ge [sflag:s22], s20  }
0x9f: {  	s3 =	ssub.s32 $0x0, s20;
	[sflag:s22] =	ssyncset.done $0x0  }
0xa0: {  	[sflag:s22] =	ssyncadd.s32 s3;
	_ =	sdelay $0x1  }
0xa1: {  	s23 =	simm.s32 $0x1B8B  }
0xa2: {  	_ =	swait.ge [sflag:s23], $0x1  }
0xa3: {  	[sflag:s23] =	ssyncset.done $0x0  }
0xa4: {  	s25 =	simm.s32 $0x1B8E;
	s24 =	sld [smem:$0x3FFE];
	[sflag:s23] =	ssyncadd.s32 $0xFFFFFFFF  }
0xa5: {  	s26 =	simm.s32 $execute0_lowered;
	[smem:$0x3FD2] =	sst s25  }
0xa6: {  	s4 =	sshll.u32 s26, $0x1;
	_ =	strace $0x80000049;
	[dreg:$0x1] =	wrdreg $0xFFFFFFFF  }
0xa7: {  	s28 =	simm.s32 $_size_execute0_lowered;
	s2 =	sadd.s32 s2, s4;
	[dreg:$0x0] =	wrdreg $0x0  }
0xa8: {  	s4 =	sshll.u32 s28, $0x1;
	[dreg:$0x2] =	wrdreg s2  }
0xa9: {  	[dreg:$0x3] =	wrdreg s4  }
0xaa: {  	[dreg:$0x4] =	wrdreg $0xC0  }
0xab: {  	_ =	task [dreg:s6], $0x5FFFF  }
0xac: {  	[dreg:$0x1] =	wrdreg $0xFFFFFFFF  }
0xad: {  	[dreg:$0x0] =	wrdreg $0x60  }
0xae: {  	[dreg:$0x2] =	wrdreg s24  }
0xaf: {  	[dreg:$0x3] =	wrdreg $0x9  }
0xb0: {  	_ =	task.clear_ibuf [dreg:s6], $0x4FFFF;
	_ =	strace $0x90000049  }
0xb1: {  	s29 =	simm.s32 $0x9;
	_ =	strace $0x8000004B  }
0xb2: {  	_ =	swait.ge [sflag:s29], $0x1  }
0xb3: {  	[sflag:s29] =	ssyncadd.s32 $0xFFFFFFFF  }
0xb4: {  	_ =	strace $0x9000004B  }
0xb5: {  	_ =	sfence  }
0xb6: {  	s30 =	sld [smem:$0x0];
	_ =	sdelay $0x2  }
0xb7: {  	s31 =	sshll.u32 s1, $0xD;
	s1 =	sshrl.u32 s1, $0x2  }
0xb8: {  	s3 =	sand.u32 $0x4000, s31;
	s1 =	sadd.s32 s1, s30  }
0xb9: {  	s0 =	sor.u32 s3, s0;
	s1 =	sshll.u32 s1, $0x11  }
0xba: {  	s0 =	sor.u32 s1, s0  }
0xbb: {  	s0 =	sadd.s32 $0x8F2B, s0  }
0xbc: {  	[sflag:s0] =	ssyncadd.remote.s32 $0x1  }
0xbd: {  	_ =	sfence.sel $0xFFFF  }
0xbe: {  	[dreg:$0x0] =	wrdreg $0xFFFFFFFF;
	(pc) =	sbr.abs _section_cstart, $3  }
0xbf: {  	[dreg:$0x1] =	wrdreg $0xFFFFFFFF  }
0xc0: {  	_ =	task.clear_ibuf [dreg:s6], $0x2FFFF;
	_ =	strace $0x9FFFFFFF  }
0xc1: {  	(tm) =	ssettm $0x7FFFFFFF  }
tec
execute0_lowered:
.L_overlay_start_1:
0x0: {  	(tag) =	ssettag $0x1  }
0x1: {  	s4 =	rddreg [dreg:$0x0];
	s3 =	srdreg.scid  }
0x2: {  	s2 =	simm.s32 $0x0;
	s1 =	stileid.u32;
	s15 =	simm.s32 $0x880  }
0x3: {  	s16 =	simm.s32 $0x1080;
	s17 =	simm.s32 $0x1880;
	s18 =	simm.s32 $0x2080  }
0x4: {  	s19 =	simm.s32 $0x2880;
	s20 =	simm.s32 $0x3080;
	s28 =	simm.s32 $0x6880  }
0x5: {  	s29 =	simm.s32 $0x7080;
	s30 =	simm.s32 $0x7880;
	s31 =	simm.s32 $0x1  }
0x6: {  	s5 =	sand.u32 $0x1, s3;
	[smem:$0x7FF] =	sst s2;
	s6 =	sshll.u32 s1, $0x9  }
0x7: {  	s3 =	sadd.s32 $0x16EE00, s4;
	s10 =	sadd.s32 $0xAE00, s4;
	s11 =	sadd.s32 $0x4F400, s4  }
0x8: {  	s4 =	sadd.s32 $0x16EF00, s4;
	s7 =	sshll.u32 s5, $0x8;
	s5 =	ssub.s32 $0x2, s5  }
0x9: {  	_ =	strace $0x8000004A;
	s9 =	sor.u32 s7, s6;
	s21 =	sshrl.u32 s5, $0x1  }
0xa: {  	s6 =	sshrl.u32 s9, $0x3;
	s12 =	ssub.s32 s5, s21;
	s22 =	sshll.u32 s9, $0x6  }
0xb: {  	s23 =	sor.u32 $0x40, s9;
	s13 =	sor.u32 $0x80, s9;
	s14 =	sor.u32 $0xC0, s9  }
0xc: {  	s21 =	simm.s32 $0x3880;
	s6 =	sadd.s32 s10, s6;
	s5 =	sadd.s32 s11, s22  }
0xd: {  	s24 =	sshrl.u32 s23, $0x3;
	s8 =	sshll.u32 s23, $0x6;
	s25 =	sshrl.u32 s13, $0x3  }
0xe: {  	s13 =	sshll.u32 s13, $0x6;
	s26 =	sshrl.u32 s14, $0x3;
	s14 =	sshll.u32 s14, $0x6  }
0xf: {  	s12 =	smax.u32 s12, $0x1;
	s22 =	simm.s32 $0x4080;
	s23 =	simm.s32 $0x4880  }
0x10: {  	[dreg:$0x2] =	wrdreg s6;
	s6 =	sadd.s32 s10, s24;
	s7 =	sadd.s32 s11, s8  }
0x11: {  	v2 =	vlaneseq.u32;
	s8 =	sadd.s32 s10, s25;
	s9 =	sadd.s32 s11, s13;
	s10 =	sadd.s32 s10, s26  }
0x12: {  	vm0 =	vmmov $0xffff;
	v1 =	vshrl.u32 v2, $0x3;
	s11 =	sadd.s32 s11, s14;
	s13 =	simm.s32 $0x2;
	s14 =	simm.s32 $0x80  }
0x13: {  	v0 =	vand.u32 $0x7, v2;
	v2 =	vor.u32 $0x8, v2;
	v1 =	vmul.u32 $0x8, v1;
	s24 =	simm.s32 $0x5080;
	s25 =	simm.s32 $0x5880;
	s26 =	simm.s32 $0x6080  }
.LBB2_1:
0x14: {  	s0 =	rddreg [dreg:$0x2]  }
0x15: {  	[tilespmem:s2], [sflag:$0x2] =	stream.linear.gather [hbm4b:s0+s2], $0x40, $0x38;
	[tilespmem:$0x8080] =	vst v63  }
0x16: {  	_ =	swait.ge [sflag:s13], $0x40  }
0x17: {  	[sflag:s13] =	ssyncset.done $0x0  }
0x18: {  	[sflag:s13] =	ssyncadd.s32 $0xFFFFFFC0  }
0x19: {  	v3 =	vld [tilespmem:$0x0];
	_ =	sdelay $0x4  }
0x1a: {  	v4 =	vshll.u32 v3, $0x2  }
0x1b: {  	v3 =	vand.u32 $0x7, v3;
	v4 =	vand.u32 $0xFFFFFFE0, v4  }
0x1c: {  	v3 =	vor.u32 v3, v4  }
0x1d: {  	v4 =	vperm.xlane v3, v0;
	_ =	sdelay $0x1  }
0x1e: {  	v4 =	vadd.s32 v1, v4;
	_ =	sdelay $0x1  }
0x1f: {  	v3 =	vperm.xlane v3, v2;
	_ =	sdelay $0x1  }
0x20: {  	v3 =	vadd.s32 v1, v3  }
0x21: {  	[tilespmem:s14], [sflag:$0x1] =	stream.indirect_vreg.gather [hbm4b:s3+s2], $0x80, v4, vm0, $0xb8;
	[tilespmem:$0x8080] =	vst v63  }
0x22: {  	_ = 	snop  }
0x23: {  	[tilespmem:s15], [sflag:$0x1] =	stream.indirect_vreg.gather [hbm4b:s4+s2], $0x80, v4, vm0, $0xb8;
	[tilespmem:$0x8080] =	vst v63  }
0x24: {  	_ = 	snop  }
0x25: {  	[tilespmem:s16], [sflag:$0x1] =	stream.indirect_vreg.gather [hbm4b:s3+s2], $0x80, v3, vm0, $0xb8;
	[tilespmem:$0x8080] =	vst v63  }
0x26: {  	_ = 	snop  }
0x27: {  	[tilespmem:s17], [sflag:$0x1] =	stream.indirect_vreg.gather [hbm4b:s4+s2], $0x80, v3, vm0, $0xb8;
	[tilespmem:$0x8080] =	vst v63  }
0x28: {  	v3 =	vld [tilespmem:$0x10];
	_ =	sdelay $0x4  }
0x29: {  	v49 =	vshll.u32 v3, $0x2  }
0x2a: {  	v3 =	vand.u32 $0x7, v3;
	v4 =	vand.u32 $0xFFFFFFE0, v49  }
0x2b: {  	v3 =	vor.u32 v3, v4  }
0x2c: {  	v4 =	vperm.xlane v3, v0;
	_ =	sdelay $0x1  }
0x2d: {  	v4 =	vadd.s32 v1, v4;
	_ =	sdelay $0x1  }
0x2e: {  	v3 =	vperm.xlane v3, v2;
	_ =	sdelay $0x1  }
0x2f: {  	v3 =	vadd.s32 v1, v3  }
0x30: {  	[tilespmem:s18], [sflag:$0x1] =	stream.indirect_vreg.gather [hbm4b:s3+s2], $0x80, v4, vm0, $0xb8;
	[tilespmem:$0x8080] =	vst v63  }
0x31: {  	_ = 	snop  }
0x32: {  	[tilespmem:s19], [sflag:$0x1] =	stream.indirect_vreg.gather [hbm4b:s4+s2], $0x80, v4, vm0, $0xb8;
	[tilespmem:$0x8080] =	vst v63  }
0x33: {  	_ = 	snop  }
0x34: {  	[tilespmem:s20], [sflag:$0x1] =	stream.indirect_vreg.gather [hbm4b:s3+s2], $0x80, v3, vm0, $0xb8;
	[tilespmem:$0x8080] =	vst v63  }
0x35: {  	_ = 	snop  }
0x36: {  	[tilespmem:s21], [sflag:$0x1] =	stream.indirect_vreg.gather [hbm4b:s4+s2], $0x80, v3, vm0, $0xb8;
	[tilespmem:$0x8080] =	vst v63  }
0x37: {  	v3 =	vld [tilespmem:$0x20];
	_ =	sdelay $0x4  }
0x38: {  	v50 =	vshll.u32 v3, $0x2  }
0x39: {  	v3 =	vand.u32 $0x7, v3;
	v4 =	vand.u32 $0xFFFFFFE0, v50  }
0x3a: {  	v3 =	vor.u32 v3, v4  }
0x3b: {  	v4 =	vperm.xlane v3, v0;
	_ =	sdelay $0x1  }
0x3c: {  	v4 =	vadd.s32 v1, v4;
	_ =	sdelay $0x1  }
0x3d: {  	v3 =	vperm.xlane v3, v2;
	_ =	sdelay $0x1  }
0x3e: {  	v3 =	vadd.s32 v1, v3  }
0x3f: {  	[tilespmem:s22], [sflag:$0x1] =	stream.indirect_vreg.gather [hbm4b:s3+s2], $0x80, v4, vm0, $0xb8;
	[tilespmem:$0x8080] =	vst v63  }
0x40: {  	_ = 	snop  }
0x41: {  	[tilespmem:s23], [sflag:$0x1] =	stream.indirect_vreg.gather [hbm4b:s4+s2], $0x80, v4, vm0, $0xb8;
	[tilespmem:$0x8080] =	vst v63  }
0x42: {  	_ = 	snop  }
0x43: {  	[tilespmem:s24], [sflag:$0x1] =	stream.indirect_vreg.gather [hbm4b:s3+s2], $0x80, v3, vm0, $0xb8;
	[tilespmem:$0x8080] =	vst v63  }
0x44: {  	_ = 	snop  }
0x45: {  	[tilespmem:s25], [sflag:$0x1] =	stream.indirect_vreg.gather [hbm4b:s4+s2], $0x80, v3, vm0, $0xb8;
	[tilespmem:$0x8080] =	vst v63  }
0x46: {  	v3 =	vld [tilespmem:$0x30];
	_ =	sdelay $0x4  }
0x47: {  	v51 =	vshll.u32 v3, $0x2  }
0x48: {  	v3 =	vand.u32 $0x7, v3;
	v4 =	vand.u32 $0xFFFFFFE0, v51  }
0x49: {  	v3 =	vor.u32 v3, v4  }
0x4a: {  	v4 =	vperm.xlane v3, v0;
	_ =	sdelay $0x1  }
0x4b: {  	v4 =	vadd.s32 v1, v4;
	_ =	sdelay $0x1  }
0x4c: {  	v3 =	vperm.xlane v3, v2;
	_ =	sdelay $0x1  }
0x4d: {  	v3 =	vadd.s32 v1, v3  }
0x4e: {  	[tilespmem:s26], [sflag:$0x1] =	stream.indirect_vreg.gather [hbm4b:s3+s2], $0x80, v4, vm0, $0xb8;
	[tilespmem:$0x8080] =	vst v63  }
0x4f: {  	_ = 	snop  }
0x50: {  	[tilespmem:s28], [sflag:$0x1] =	stream.indirect_vreg.gather [hbm4b:s4+s2], $0x80, v4, vm0, $0xb8;
	[tilespmem:$0x8080] =	vst v63  }
0x51: {  	_ = 	snop  }
0x52: {  	[tilespmem:s29], [sflag:$0x1] =	stream.indirect_vreg.gather [hbm4b:s3+s2], $0x80, v3, vm0, $0xb8;
	[tilespmem:$0x8080] =	vst v63  }
0x53: {  	_ = 	snop  }
0x54: {  	[tilespmem:s30], [sflag:$0x1] =	stream.indirect_vreg.gather [hbm4b:s4+s2], $0x80, v3, vm0, $0xb8;
	[tilespmem:$0x8080] =	vst v63  }
0x55: {  	_ =	swait.ge [sflag:s31], $0x8000  }
0x56: {  	[sflag:s31] =	ssyncset.done $0x0  }
0x57: {  	[sflag:s31] =	ssyncadd.s32 $0xFFFF8000  }
0x58: {  	[hbm4b:s5+s2] =	stream.linear.scatter [tilespmem:s14], [sflag:$0x2], $0x8000, $0x38;
	[tilespmem:$0x8080] =	vst v63  }
0x59: {  	_ =	swait.ge [sflag:s13], $0x8000  }
0x5a: {  	[sflag:s13] =	ssyncset.done $0x0  }
0x5b: {  	[sflag:s13] =	ssyncadd.s32 $0xFFFF8000  }
0x5c: {  	[tilespmem:s2], [sflag:$0x2] =	stream.linear.gather [hbm4b:s6+s2], $0x40, $0x38;
	[tilespmem:$0x8080] =	vst v63  }
0x5d: {  	_ =	swait.ge [sflag:s13], $0x40  }
0x5e: {  	[sflag:s13] =	ssyncset.done $0x0  }
0x5f: {  	[sflag:s13] =	ssyncadd.s32 $0xFFFFFFC0  }
0x60: {  	v3 =	vld [tilespmem:$0x0];
	_ =	sdelay $0x4  }
0x61: {  	v52 =	vshll.u32 v3, $0x2  }
0x62: {  	v3 =	vand.u32 $0x7, v3;
	v4 =	vand.u32 $0xFFFFFFE0, v52  }
0x63: {  	v3 =	vor.u32 v3, v4  }
0x64: {  	v4 =	vperm.xlane v3, v0;
	_ =	sdelay $0x1  }
0x65: {  	v4 =	vadd.s32 v1, v4;
	_ =	sdelay $0x1  }
0x66: {  	v3 =	vperm.xlane v3, v2;
	_ =	sdelay $0x1  }
0x67: {  	v3 =	vadd.s32 v1, v3  }
0x68: {  	[tilespmem:s14], [sflag:$0x1] =	stream.indirect_vreg.gather [hbm4b:s3+s2], $0x80, v4, vm0, $0xb8;
	[tilespmem:$0x8080] =	vst v63  }
0x69: {  	_ = 	snop  }
0x6a: {  	[tilespmem:s15], [sflag:$0x1] =	stream.indirect_vreg.gather [hbm4b:s4+s2], $0x80, v4, vm0, $0xb8;
	[tilespmem:$0x8080] =	vst v63  }
0x6b: {  	_ = 	snop  }
0x6c: {  	[tilespmem:s16], [sflag:$0x1] =	stream.indirect_vreg.gather [hbm4b:s3+s2], $0x80, v3, vm0, $0xb8;
	[tilespmem:$0x8080] =	vst v63  }
0x6d: {  	_ = 	snop  }
0x6e: {  	[tilespmem:s17], [sflag:$0x1] =	stream.indirect_vreg.gather [hbm4b:s4+s2], $0x80, v3, vm0, $0xb8;
	[tilespmem:$0x8080] =	vst v63  }
0x6f: {  	v3 =	vld [tilespmem:$0x10];
	_ =	sdelay $0x4  }
0x70: {  	v53 =	vshll.u32 v3, $0x2  }
0x71: {  	v3 =	vand.u32 $0x7, v3;
	v4 =	vand.u32 $0xFFFFFFE0, v53  }
0x72: {  	v3 =	vor.u32 v3, v4  }
0x73: {  	v4 =	vperm.xlane v3, v0;
	_ =	sdelay $0x1  }
0x74: {  	v4 =	vadd.s32 v1, v4;
	_ =	sdelay $0x1  }
0x75: {  	v3 =	vperm.xlane v3, v2;
	_ =	sdelay $0x1  }
0x76: {  	v3 =	vadd.s32 v1, v3  }
0x77: {  	[tilespmem:s18], [sflag:$0x1] =	stream.indirect_vreg.gather [hbm4b:s3+s2], $0x80, v4, vm0, $0xb8;
	[tilespmem:$0x8080] =	vst v63  }
0x78: {  	_ = 	snop  }
0x79: {  	[tilespmem:s19], [sflag:$0x1] =	stream.indirect_vreg.gather [hbm4b:s4+s2], $0x80, v4, vm0, $0xb8;
	[tilespmem:$0x8080] =	vst v63  }
0x7a: {  	_ = 	snop  }
0x7b: {  	[tilespmem:s20], [sflag:$0x1] =	stream.indirect_vreg.gather [hbm4b:s3+s2], $0x80, v3, vm0, $0xb8;
	[tilespmem:$0x8080] =	vst v63  }
0x7c: {  	_ = 	snop  }
0x7d: {  	[tilespmem:s21], [sflag:$0x1] =	stream.indirect_vreg.gather [hbm4b:s4+s2], $0x80, v3, vm0, $0xb8;
	[tilespmem:$0x8080] =	vst v63  }
0x7e: {  	v3 =	vld [tilespmem:$0x20];
	_ =	sdelay $0x4  }
0x7f: {  	v54 =	vshll.u32 v3, $0x2  }
0x80: {  	v3 =	vand.u32 $0x7, v3;
	v4 =	vand.u32 $0xFFFFFFE0, v54  }
0x81: {  	v3 =	vor.u32 v3, v4  }
0x82: {  	v4 =	vperm.xlane v3, v0;
	_ =	sdelay $0x1  }
0x83: {  	v4 =	vadd.s32 v1, v4;
	_ =	sdelay $0x1  }
0x84: {  	v3 =	vperm.xlane v3, v2;
	_ =	sdelay $0x1  }
0x85: {  	v3 =	vadd.s32 v1, v3  }
0x86: {  	[tilespmem:s22], [sflag:$0x1] =	stream.indirect_vreg.gather [hbm4b:s3+s2], $0x80, v4, vm0, $0xb8;
	[tilespmem:$0x8080] =	vst v63  }
0x87: {  	_ = 	snop  }
0x88: {  	[tilespmem:s23], [sflag:$0x1] =	stream.indirect_vreg.gather [hbm4b:s4+s2], $0x80, v4, vm0, $0xb8;
	[tilespmem:$0x8080] =	vst v63  }
0x89: {  	_ = 	snop  }
0x8a: {  	[tilespmem:s24], [sflag:$0x1] =	stream.indirect_vreg.gather [hbm4b:s3+s2], $0x80, v3, vm0, $0xb8;
	[tilespmem:$0x8080] =	vst v63  }
0x8b: {  	_ = 	snop  }
0x8c: {  	[tilespmem:s25], [sflag:$0x1] =	stream.indirect_vreg.gather [hbm4b:s4+s2], $0x80, v3, vm0, $0xb8;
	[tilespmem:$0x8080] =	vst v63  }
0x8d: {  	v3 =	vld [tilespmem:$0x30];
	_ =	sdelay $0x4  }
0x8e: {  	v55 =	vshll.u32 v3, $0x2  }
0x8f: {  	v3 =	vand.u32 $0x7, v3;
	v4 =	vand.u32 $0xFFFFFFE0, v55  }
0x90: {  	v3 =	vor.u32 v3, v4  }
0x91: {  	v4 =	vperm.xlane v3, v0;
	_ =	sdelay $0x1  }
0x92: {  	v4 =	vadd.s32 v1, v4;
	_ =	sdelay $0x1  }
0x93: {  	v3 =	vperm.xlane v3, v2;
	_ =	sdelay $0x1  }
0x94: {  	v3 =	vadd.s32 v1, v3  }
0x95: {  	[tilespmem:s26], [sflag:$0x1] =	stream.indirect_vreg.gather [hbm4b:s3+s2], $0x80, v4, vm0, $0xb8;
	[tilespmem:$0x8080] =	vst v63  }
0x96: {  	_ = 	snop  }
0x97: {  	[tilespmem:s28], [sflag:$0x1] =	stream.indirect_vreg.gather [hbm4b:s4+s2], $0x80, v4, vm0, $0xb8;
	[tilespmem:$0x8080] =	vst v63  }
0x98: {  	_ = 	snop  }
0x99: {  	[tilespmem:s29], [sflag:$0x1] =	stream.indirect_vreg.gather [hbm4b:s3+s2], $0x80, v3, vm0, $0xb8;
	[tilespmem:$0x8080] =	vst v63  }
0x9a: {  	_ = 	snop  }
0x9b: {  	[tilespmem:s30], [sflag:$0x1] =	stream.indirect_vreg.gather [hbm4b:s4+s2], $0x80, v3, vm0, $0xb8;
	[tilespmem:$0x8080] =	vst v63  }
0x9c: {  	_ =	swait.ge [sflag:s31], $0x8000  }
0x9d: {  	[sflag:s31] =	ssyncset.done $0x0  }
0x9e: {  	[sflag:s31] =	ssyncadd.s32 $0xFFFF8000  }
0x9f: {  	[hbm4b:s7+s2] =	stream.linear.scatter [tilespmem:s14], [sflag:$0x2], $0x8000, $0x38;
	[tilespmem:$0x8080] =	vst v63  }
0xa0: {  	_ =	swait.ge [sflag:s13], $0x8000  }
0xa1: {  	[sflag:s13] =	ssyncset.done $0x0  }
0xa2: {  	[sflag:s13] =	ssyncadd.s32 $0xFFFF8000  }
0xa3: {  	[tilespmem:s2], [sflag:$0x2] =	stream.linear.gather [hbm4b:s8+s2], $0x40, $0x38;
	[tilespmem:$0x8080] =	vst v63  }
0xa4: {  	_ =	swait.ge [sflag:s13], $0x40  }
0xa5: {  	[sflag:s13] =	ssyncset.done $0x0  }
0xa6: {  	[sflag:s13] =	ssyncadd.s32 $0xFFFFFFC0  }
0xa7: {  	v3 =	vld [tilespmem:$0x0];
	_ =	sdelay $0x4  }
0xa8: {  	v56 =	vshll.u32 v3, $0x2  }
0xa9: {  	v3 =	vand.u32 $0x7, v3;
	v4 =	vand.u32 $0xFFFFFFE0, v56  }
0xaa: {  	v3 =	vor.u32 v3, v4  }
0xab: {  	v4 =	vperm.xlane v3, v0;
	_ =	sdelay $0x1  }
0xac: {  	v4 =	vadd.s32 v1, v4;
	_ =	sdelay $0x1  }
0xad: {  	v3 =	vperm.xlane v3, v2;
	_ =	sdelay $0x1  }
0xae: {  	v3 =	vadd.s32 v1, v3  }
0xaf: {  	[tilespmem:s14], [sflag:$0x1] =	stream.indirect_vreg.gather [hbm4b:s3+s2], $0x80, v4, vm0, $0xb8;
	[tilespmem:$0x8080] =	vst v63  }
0xb0: {  	_ = 	snop  }
0xb1: {  	[tilespmem:s15], [sflag:$0x1] =	stream.indirect_vreg.gather [hbm4b:s4+s2], $0x80, v4, vm0, $0xb8;
	[tilespmem:$0x8080] =	vst v63  }
0xb2: {  	_ = 	snop  }
0xb3: {  	[tilespmem:s16], [sflag:$0x1] =	stream.indirect_vreg.gather [hbm4b:s3+s2], $0x80, v3, vm0, $0xb8;
	[tilespmem:$0x8080] =	vst v63  }
0xb4: {  	_ = 	snop  }
0xb5: {  	[tilespmem:s17], [sflag:$0x1] =	stream.indirect_vreg.gather [hbm4b:s4+s2], $0x80, v3, vm0, $0xb8;
	[tilespmem:$0x8080] =	vst v63  }
0xb6: {  	v3 =	vld [tilespmem:$0x10];
	_ =	sdelay $0x4  }
0xb7: {  	v57 =	vshll.u32 v3, $0x2  }
0xb8: {  	v3 =	vand.u32 $0x7, v3;
	v4 =	vand.u32 $0xFFFFFFE0, v57  }
0xb9: {  	v3 =	vor.u32 v3, v4  }
0xba: {  	v4 =	vperm.xlane v3, v0;
	_ =	sdelay $0x1  }
0xbb: {  	v4 =	vadd.s32 v1, v4;
	_ =	sdelay $0x1  }
0xbc: {  	v3 =	vperm.xlane v3, v2;
	_ =	sdelay $0x1  }
0xbd: {  	v3 =	vadd.s32 v1, v3  }
0xbe: {  	[tilespmem:s18], [sflag:$0x1] =	stream.indirect_vreg.gather [hbm4b:s3+s2], $0x80, v4, vm0, $0xb8;
	[tilespmem:$0x8080] =	vst v63  }
0xbf: {  	_ = 	snop  }
0xc0: {  	[tilespmem:s19], [sflag:$0x1] =	stream.indirect_vreg.gather [hbm4b:s4+s2], $0x80, v4, vm0, $0xb8;
	[tilespmem:$0x8080] =	vst v63  }
0xc1: {  	_ = 	snop  }
0xc2: {  	[tilespmem:s20], [sflag:$0x1] =	stream.indirect_vreg.gather [hbm4b:s3+s2], $0x80, v3, vm0, $0xb8;
	[tilespmem:$0x8080] =	vst v63  }
0xc3: {  	_ = 	snop  }
0xc4: {  	[tilespmem:s21], [sflag:$0x1] =	stream.indirect_vreg.gather [hbm4b:s4+s2], $0x80, v3, vm0, $0xb8;
	[tilespmem:$0x8080] =	vst v63  }
0xc5: {  	v3 =	vld [tilespmem:$0x20];
	_ =	sdelay $0x4  }
0xc6: {  	v58 =	vshll.u32 v3, $0x2  }
0xc7: {  	v3 =	vand.u32 $0x7, v3;
	v4 =	vand.u32 $0xFFFFFFE0, v58  }
0xc8: {  	v3 =	vor.u32 v3, v4  }
0xc9: {  	v4 =	vperm.xlane v3, v0;
	_ =	sdelay $0x1  }
0xca: {  	v4 =	vadd.s32 v1, v4;
	_ =	sdelay $0x1  }
0xcb: {  	v3 =	vperm.xlane v3, v2;
	_ =	sdelay $0x1  }
0xcc: {  	v3 =	vadd.s32 v1, v3  }
0xcd: {  	[tilespmem:s22], [sflag:$0x1] =	stream.indirect_vreg.gather [hbm4b:s3+s2], $0x80, v4, vm0, $0xb8;
	[tilespmem:$0x8080] =	vst v63  }
0xce: {  	_ = 	snop  }
0xcf: {  	[tilespmem:s23], [sflag:$0x1] =	stream.indirect_vreg.gather [hbm4b:s4+s2], $0x80, v4, vm0, $0xb8;
	[tilespmem:$0x8080] =	vst v63  }
0xd0: {  	_ = 	snop  }
0xd1: {  	[tilespmem:s24], [sflag:$0x1] =	stream.indirect_vreg.gather [hbm4b:s3+s2], $0x80, v3, vm0, $0xb8;
	[tilespmem:$0x8080] =	vst v63  }
0xd2: {  	_ = 	snop  }
0xd3: {  	[tilespmem:s25], [sflag:$0x1] =	stream.indirect_vreg.gather [hbm4b:s4+s2], $0x80, v3, vm0, $0xb8;
	[tilespmem:$0x8080] =	vst v63  }
0xd4: {  	v3 =	vld [tilespmem:$0x30];
	_ =	sdelay $0x4  }
0xd5: {  	v59 =	vshll.u32 v3, $0x2  }
0xd6: {  	v3 =	vand.u32 $0x7, v3;
	v4 =	vand.u32 $0xFFFFFFE0, v59  }
0xd7: {  	v3 =	vor.u32 v3, v4  }
0xd8: {  	v4 =	vperm.xlane v3, v0;
	_ =	sdelay $0x1  }
0xd9: {  	v4 =	vadd.s32 v1, v4;
	_ =	sdelay $0x1  }
0xda: {  	v3 =	vperm.xlane v3, v2;
	_ =	sdelay $0x1  }
0xdb: {  	v3 =	vadd.s32 v1, v3  }
0xdc: {  	[tilespmem:s26], [sflag:$0x1] =	stream.indirect_vreg.gather [hbm4b:s3+s2], $0x80, v4, vm0, $0xb8;
	[tilespmem:$0x8080] =	vst v63  }
0xdd: {  	_ = 	snop  }
0xde: {  	[tilespmem:s28], [sflag:$0x1] =	stream.indirect_vreg.gather [hbm4b:s4+s2], $0x80, v4, vm0, $0xb8;
	[tilespmem:$0x8080] =	vst v63  }
0xdf: {  	_ = 	snop  }
0xe0: {  	[tilespmem:s29], [sflag:$0x1] =	stream.indirect_vreg.gather [hbm4b:s3+s2], $0x80, v3, vm0, $0xb8;
	[tilespmem:$0x8080] =	vst v63  }
0xe1: {  	_ = 	snop  }
0xe2: {  	[tilespmem:s30], [sflag:$0x1] =	stream.indirect_vreg.gather [hbm4b:s4+s2], $0x80, v3, vm0, $0xb8;
	[tilespmem:$0x8080] =	vst v63  }
0xe3: {  	_ =	swait.ge [sflag:s31], $0x8000  }
0xe4: {  	[sflag:s31] =	ssyncset.done $0x0  }
0xe5: {  	[sflag:s31] =	ssyncadd.s32 $0xFFFF8000  }
0xe6: {  	[hbm4b:s9+s2] =	stream.linear.scatter [tilespmem:s14], [sflag:$0x2], $0x8000, $0x38;
	[tilespmem:$0x8080] =	vst v63  }
0xe7: {  	_ =	swait.ge [sflag:s13], $0x8000  }
0xe8: {  	[sflag:s13] =	ssyncset.done $0x0  }
0xe9: {  	[sflag:s13] =	ssyncadd.s32 $0xFFFF8000  }
0xea: {  	[tilespmem:s2], [sflag:$0x2] =	stream.linear.gather [hbm4b:s10+s2], $0x40, $0x38;
	[tilespmem:$0x8080] =	vst v63  }
0xeb: {  	_ =	swait.ge [sflag:s13], $0x40  }
0xec: {  	[sflag:s13] =	ssyncset.done $0x0  }
0xed: {  	[sflag:s13] =	ssyncadd.s32 $0xFFFFFFC0  }
0xee: {  	v3 =	vld [tilespmem:$0x0];
	_ =	sdelay $0x4  }
0xef: {  	v60 =	vshll.u32 v3, $0x2  }
0xf0: {  	v3 =	vand.u32 $0x7, v3;
	v4 =	vand.u32 $0xFFFFFFE0, v60  }
0xf1: {  	v3 =	vor.u32 v3, v4  }
0xf2: {  	v4 =	vperm.xlane v3, v0;
	_ =	sdelay $0x1  }
0xf3: {  	v4 =	vadd.s32 v1, v4;
	_ =	sdelay $0x1  }
0xf4: {  	v3 =	vperm.xlane v3, v2;
	_ =	sdelay $0x1  }
0xf5: {  	v3 =	vadd.s32 v1, v3  }
0xf6: {  	[tilespmem:s14], [sflag:$0x1] =	stream.indirect_vreg.gather [hbm4b:s3+s2], $0x80, v4, vm0, $0xb8;
	[tilespmem:$0x8080] =	vst v63  }
0xf7: {  	_ = 	snop  }
0xf8: {  	[tilespmem:s15], [sflag:$0x1] =	stream.indirect_vreg.gather [hbm4b:s4+s2], $0x80, v4, vm0, $0xb8;
	[tilespmem:$0x8080] =	vst v63  }
0xf9: {  	_ = 	snop  }
0xfa: {  	[tilespmem:s16], [sflag:$0x1] =	stream.indirect_vreg.gather [hbm4b:s3+s2], $0x80, v3, vm0, $0xb8;
	[tilespmem:$0x8080] =	vst v63  }
0xfb: {  	_ = 	snop  }
0xfc: {  	[tilespmem:s17], [sflag:$0x1] =	stream.indirect_vreg.gather [hbm4b:s4+s2], $0x80, v3, vm0, $0xb8;
	[tilespmem:$0x8080] =	vst v63  }
0xfd: {  	v3 =	vld [tilespmem:$0x10];
	_ =	sdelay $0x4  }
0xfe: {  	v61 =	vshll.u32 v3, $0x2  }
0xff: {  	v3 =	vand.u32 $0x7, v3;
	v4 =	vand.u32 $0xFFFFFFE0, v61  }
0x100: {  	v3 =	vor.u32 v3, v4  }
0x101: {  	v4 =	vperm.xlane v3, v0;
	_ =	sdelay $0x1  }
0x102: {  	v4 =	vadd.s32 v1, v4;
	_ =	sdelay $0x1  }
0x103: {  	v3 =	vperm.xlane v3, v2;
	_ =	sdelay $0x1  }
0x104: {  	v3 =	vadd.s32 v1, v3  }
0x105: {  	[tilespmem:s18], [sflag:$0x1] =	stream.indirect_vreg.gather [hbm4b:s3+s2], $0x80, v4, vm0, $0xb8;
	[tilespmem:$0x8080] =	vst v63  }
0x106: {  	_ = 	snop  }
0x107: {  	[tilespmem:s19], [sflag:$0x1] =	stream.indirect_vreg.gather [hbm4b:s4+s2], $0x80, v4, vm0, $0xb8;
	[tilespmem:$0x8080] =	vst v63  }
0x108: {  	_ = 	snop  }
0x109: {  	[tilespmem:s20], [sflag:$0x1] =	stream.indirect_vreg.gather [hbm4b:s3+s2], $0x80, v3, vm0, $0xb8;
	[tilespmem:$0x8080] =	vst v63  }
0x10a: {  	_ = 	snop  }
0x10b: {  	[tilespmem:s21], [sflag:$0x1] =	stream.indirect_vreg.gather [hbm4b:s4+s2], $0x80, v3, vm0, $0xb8;
	[tilespmem:$0x8080] =	vst v63  }
0x10c: {  	v3 =	vld [tilespmem:$0x20];
	_ =	sdelay $0x4  }
0x10d: {  	v62 =	vshll.u32 v3, $0x2  }
0x10e: {  	v3 =	vand.u32 $0x7, v3;
	v4 =	vand.u32 $0xFFFFFFE0, v62  }
0x10f: {  	v3 =	vor.u32 v3, v4  }
0x110: {  	v4 =	vperm.xlane v3, v0;
	_ =	sdelay $0x1  }
0x111: {  	v4 =	vadd.s32 v1, v4;
	_ =	sdelay $0x1  }
0x112: {  	v3 =	vperm.xlane v3, v2;
	_ =	sdelay $0x1  }
0x113: {  	v3 =	vadd.s32 v1, v3  }
0x114: {  	[tilespmem:s22], [sflag:$0x1] =	stream.indirect_vreg.gather [hbm4b:s3+s2], $0x80, v4, vm0, $0xb8;
	[tilespmem:$0x8080] =	vst v63  }
0x115: {  	_ = 	snop  }
0x116: {  	[tilespmem:s23], [sflag:$0x1] =	stream.indirect_vreg.gather [hbm4b:s4+s2], $0x80, v4, vm0, $0xb8;
	[tilespmem:$0x8080] =	vst v63  }
0x117: {  	_ = 	snop  }
0x118: {  	[tilespmem:s24], [sflag:$0x1] =	stream.indirect_vreg.gather [hbm4b:s3+s2], $0x80, v3, vm0, $0xb8;
	[tilespmem:$0x8080] =	vst v63  }
0x119: {  	_ = 	snop  }
0x11a: {  	[tilespmem:s25], [sflag:$0x1] =	stream.indirect_vreg.gather [hbm4b:s4+s2], $0x80, v3, vm0, $0xb8;
	[tilespmem:$0x8080] =	vst v63  }
0x11b: {  	v3 =	vld [tilespmem:$0x30];
	_ =	sdelay $0x4  }
0x11c: {  	v63 =	vshll.u32 v3, $0x2  }
0x11d: {  	v3 =	vand.u32 $0x7, v3;
	v4 =	vand.u32 $0xFFFFFFE0, v63  }
0x11e: {  	v3 =	vor.u32 v3, v4  }
0x11f: {  	v4 =	vperm.xlane v3, v0;
	_ =	sdelay $0x1  }
0x120: {  	v4 =	vadd.s32 v1, v4;
	_ =	sdelay $0x1  }
0x121: {  	v3 =	vperm.xlane v3, v2;
	_ =	sdelay $0x1  }
0x122: {  	v3 =	vadd.s32 v1, v3  }
0x123: {  	[tilespmem:s26], [sflag:$0x1] =	stream.indirect_vreg.gather [hbm4b:s3+s2], $0x80, v4, vm0, $0xb8;
	[tilespmem:$0x8080] =	vst v63  }
0x124: {  	_ = 	snop  }
0x125: {  	[tilespmem:s28], [sflag:$0x1] =	stream.indirect_vreg.gather [hbm4b:s4+s2], $0x80, v4, vm0, $0xb8;
	[tilespmem:$0x8080] =	vst v63  }
0x126: {  	_ = 	snop  }
0x127: {  	[tilespmem:s29], [sflag:$0x1] =	stream.indirect_vreg.gather [hbm4b:s3+s2], $0x80, v3, vm0, $0xb8;
	[tilespmem:$0x8080] =	vst v63  }
0x128: {  	_ = 	snop  }
0x129: {  	[tilespmem:s30], [sflag:$0x1] =	stream.indirect_vreg.gather [hbm4b:s4+s2], $0x80, v3, vm0, $0xb8;
	[tilespmem:$0x8080] =	vst v63  }
0x12a: {  	_ =	swait.ge [sflag:s31], $0x8000  }
0x12b: {  	p0 =	sne.s32 s12, $0x1;
	[sflag:s31] =	ssyncset.done $0x0  }
.Ltmp0:
0x12c: {  	[sflag:s31] =	ssyncadd.s32 $0xFFFF8000;
	(pc) =	sbr.rel @p0 .LBB2_1-.Ltmp0, $4  }
0x12d: {  	[hbm4b:s11+s2] =	stream.linear.scatter [tilespmem:s14], [sflag:$0x2], $0x8000, $0x38;
	[tilespmem:$0x8080] =	vst v63  }
0x12e: {  	_ =	swait.ge [sflag:s13], $0x8000  }
0x12f: {  	[sflag:s13] =	ssyncset.done $0x0  }
0x130: {  	s12 =	sadd.s32 $0xFFFFFFFF, s12;
	[sflag:s13] =	ssyncadd.s32 $0xFFFF8000  }
0x131: {  	_ =	sfence.sel $0x180000  }
0x132: {  	[bflag:$0x0] =	sbarrier.arrive $0xFFFF  }
0x133: {  	_ =	strace $0x9000004A  }
0x134: {  	[bflag:$0x2] =	sbarrier.arrive $0xFFFF  }
0x135: {  	p0 =	sne.s32 s1, $0x0;
	s0 =	rddreg [dreg:$0x1]  }
0x136: {  	s0 =	sadd.s32 @!p0 $0x100000, s0  }
0x137: {  	[sflag:s0] =	ssyncadd.tile.s32 @!p0 $0x1;
	_ =	shalt  }
.Lfunc_end2:
_tile_overlayer_lowered:
.L_overlay_start_2:
0x138: {  	(tag) =	ssettag $0x2  }
0x139: {  	s0 =	rddreg [dreg:$0x0];
	s2 =	stileid.u32  }
0x13a: {  	s1 =	rddreg [dreg:$0x1];
	p0 =	sne.s32 s2, $0x0  }
0x13b: {  	s3 =	rddreg [dreg:$0x2];
	[bflag:$0x3] =	sbarrier.arrive $0xFFFF;
	s2 =	simm.s32 @!p0 $0x1C02  }
0x13c: {  	[timem:s3], [sflag:s2] =	dma.local @!p0 [hbm:s0], s1  }
0x13d: {  	s0 =	simm.s32 @!p0 $0x2  }
0x13e: {  	_ =	swait.ge @!p0 [sflag:s0], s1  }
0x13f: {  	s1 =	ssub.s32 @!p0 $0x0, s1;
	[sflag:s0] =	ssyncset.done @!p0 $0x0  }
0x140: {  	[sflag:s0] =	ssyncadd.s32 @!p0 s1  }
0x141: {  	[bflag:$0x3] =	sbarrier.arrive $0xFFFF  }
0x142: {  	_ =	shalt  }

// kernel: kernel.26.cloned.1.call-start
scs
__scs_entry_jumppad:
0x0: {  	(pc) =	sbr.rel $0x88, $3  }
0x1: {  	(tag) =	ssettag $0x0;
	lr =	simm.s32 $0x1  }
0x2: {  	[smem:$0x3F9D] =	sst lr;
	_ =	strace $0xD0000000  }
0x3: {  	_ = 	snop  }
0x4: {  	_ = 	snop  }
0x5: {  	_ = 	snop  }
0x6: {  	_ = 	snop  }
0x7: {  	_ = 	snop  }
__scs_overlays_trampoline_lowered:
0x8: {  	[smem:$0x3FAC] =	sst s0  }
0x9: {  	[smem:$0x3FAD] =	sst s1  }
0xa: {  	[smem:$0x3FAE] =	sst s2  }
0xb: {  	[smem:$0x3FAF] =	sst s3  }
0xc: {  	[smem:$0x3FB0] =	sst s4  }
0xd: {  	[smem:$0x3FB1] =	sst s5  }
0xe: {  	[smem:$0x3FB2] =	sst s6  }
0xf: {  	[smem:$0x3FB3] =	sst s7  }
0x10: {  	[smem:$0x3FB4] =	sst s8  }
0x11: {  	[smem:$0x3FB5] =	sst s9;
	s0 =	simm.s32 @!p0 $0x0  }
0x12: {  	s1 =	sld [smem:$0x3F9B];
	s0 =	simm.s32 @p0 $0x1  }
0x13: {  	[smem:$0x3FB6] =	sst s0;
	s0 =	simm.s32 @!p1 $0x0  }
0x14: {  	s2 =	sld [smem:$0x3F9A];
	s0 =	simm.s32 @p1 $0x1  }
0x15: {  	[smem:$0x3FB7] =	sst s0;
	s0 =	simm.s32 @!p2 $0x0  }
0x16: {  	s3 =	sld [smem:$0x3FDB];
	s0 =	simm.s32 @p2 $0x1  }
0x17: {  	s4 =	simm.s32 $0x1BF5;
	[smem:$0x3FB9] =	sst s0  }
0x18: {  	s0 =	sld [smem:$0x3F9C];
	_ =	swait.ge [sflag:s4], $0x0  }
0x19: {  	s7 =	sld [smem:$0x3F9D]  }
0x1a: {  	s8 =	sadd.s32 $0xFFFFE003, lr  }
0x1b: {  	s9 =	sadd.s32 $0xFFFFFEF7, lr;
	s5 =	simm.s32 $0xFFFFFFFF;
	p2 =	slt.u32 s8, $0xFFFFF086  }
0x1c: {  	p1 =	slt.u32 s9, $0xF7A;
	s5 =	simm.s32 @!p2 $0x0  }
0x1d: {  	s5 =	simm.s32 @p1 $0x1;
	p0 =	seq.s32 s7, s2  }
0x1e: {  	s7 =	smul.u32 @!p0 $0xF7A, s2;
	p2 =	seq.s32 @!p0 s5, $0x0  }
0x1f: {  	s9 =	smul.u32 $0xF7A, s1;
	s8 =	simm.s32 @!p0 $0x1BF5;
	p2 =	por !p2, p0  }
0x20: {  	[sflag:s8] =	ssyncset.s32 @!p0 $0xFFFFF086;
	s6 =	sadd.s32 @!p0 s3, s7;
	s7 =	simm.s32 @!p0 $0x108  }
0x21: {  	s3 =	sadd.s32 s3, s9;
	s6 =	sadd.s32 @!p0 $0x88, s6;
	s7 =	simm.s32 @p2 $0x1082  }
0x22: {  	[simem:s7], [sflag:s8] =	dma.local @!p0 [hbm:s6], $0xF7A  }
0x23: {  	s9 =	sor.u32 $0xD0000000, s2;
	s6 =	simm.s32 $0x108;
	_ =	swait.ge @!p0 [sflag:s8], $0x0  }
0x24: {  	s3 =	sadd.s32 $0x88, s3;
	s6 =	simm.s32 @!p1 $0x1082;
	[sflag:s4] =	ssyncset.s32 $0xFFFFF086  }
0x25: {  	[simem:s6], [sflag:s4] =	dma.local [hbm:s3], $0xF7A  }
0x26: {  	[smem:$0x3F9D] =	sst s1;
	(tag) =	ssettag s2;
	_ =	strace s9  }
0x27: {  	s1 =	sld [smem:$0x3FAD]  }
0x28: {  	s2 =	sld [smem:$0x3FAE]  }
0x29: {  	s4 =	sld [smem:$0x3FB0]  }
0x2a: {  	p0 =	seq.s32 s5, $0x0;
	s5 =	sld [smem:$0x3FB1]  }
0x2b: {  	s6 =	sld [smem:$0x3FB2]  }
0x2c: {  	s7 =	sld [smem:$0x3FB3]  }
0x2d: {  	s3 =	simm.s32 $0x108;
	s8 =	sld [smem:$0x3FB4]  }
0x2e: {  	s3 =	simm.s32 @!p0 $0x1082;
	s9 =	sld [smem:$0x3FB5]  }
0x2f: {  	lr =	sadd.s32 s0, s3;
	s0 =	sld [smem:$0x3FAC]  }
0x30: {  	s3 =	sld [smem:$0x3FAF]  }
0x31: {  	[smem:$0x3FB8] =	sst s10  }
0x32: {  	s10 =	sld [smem:$0x3FB6];
	_ =	sdelay $0x3  }
0x33: {  	p0 =	seq.s32 s10, $0x1;
	s10 =	sld [smem:$0x3FB8];
	_ =	sdelay $0x3  }
0x34: {  	[smem:$0x3FB8] =	sst s10  }
0x35: {  	s10 =	sld [smem:$0x3FB7];
	_ =	sdelay $0x3  }
0x36: {  	p1 =	seq.s32 s10, $0x1;
	s10 =	sld [smem:$0x3FB8];
	_ =	sdelay $0x3  }
0x37: {  	[smem:$0x3FB8] =	sst s10  }
0x38: {  	s10 =	sld [smem:$0x3FB9]  }
0x39: {  	_ = 	snop;
	(pc) =	sbr.ind lr, $3  }
0x3a: {  	_ = 	snop  }
0x3b: {  	_ = 	snop  }
0x3c: {  	p2 =	seq.s32 s10, $0x1;
	s10 =	sld [smem:$0x3FB8]  }
0x3d: {  	_ =	shalt  }
0x3e: {  	_ =	shalt  }
0x3f: {  	_ =	shalt  }
0x40: {  	_ =	shalt  }
0x41: {  	_ =	shalt  }
0x42: {  	_ =	shalt  }
0x43: {  	_ =	shalt  }
0x44: {  	_ =	shalt  }
0x45: {  	_ =	shalt  }
0x46: {  	_ =	shalt  }
0x47: {  	_ =	shalt  }
0x48: {  	_ =	shalt  }
0x49: {  	_ =	shalt  }
0x4a: {  	_ =	shalt  }
0x4b: {  	_ =	shalt  }
0x4c: {  	_ =	shalt  }
0x4d: {  	_ =	shalt  }
0x4e: {  	_ =	shalt  }
0x4f: {  	_ =	shalt  }
0x50: {  	_ =	shalt  }
0x51: {  	_ =	shalt  }
0x52: {  	_ =	shalt  }
0x53: {  	_ =	shalt  }
0x54: {  	_ =	shalt  }
0x55: {  	_ =	shalt  }
0x56: {  	_ =	shalt  }
0x57: {  	_ =	shalt  }
0x58: {  	_ =	shalt  }
0x59: {  	_ =	shalt  }
0x5a: {  	_ =	shalt  }
0x5b: {  	_ =	shalt  }
0x5c: {  	_ =	shalt  }
0x5d: {  	_ =	shalt  }
0x5e: {  	_ =	shalt  }
0x5f: {  	_ =	shalt  }
0x60: {  	_ =	shalt  }
0x61: {  	_ =	shalt  }
0x62: {  	_ =	shalt  }
0x63: {  	_ =	shalt  }
0x64: {  	_ =	shalt  }
0x65: {  	_ =	shalt  }
0x66: {  	_ =	shalt  }
0x67: {  	_ =	shalt  }
0x68: {  	_ =	shalt  }
0x69: {  	_ =	shalt  }
0x6a: {  	_ =	shalt  }
0x6b: {  	_ =	shalt  }
0x6c: {  	_ =	shalt  }
0x6d: {  	_ =	shalt  }
0x6e: {  	_ =	shalt  }
0x6f: {  	_ =	shalt  }
0x70: {  	_ =	shalt  }
0x71: {  	_ =	shalt  }
0x72: {  	_ =	shalt  }
0x73: {  	_ =	shalt  }
0x74: {  	_ =	shalt  }
0x75: {  	_ =	shalt  }
0x76: {  	_ =	shalt  }
0x77: {  	_ =	shalt  }
0x78: {  	_ =	shalt  }
0x79: {  	_ =	shalt  }
0x7a: {  	_ =	shalt  }
0x7b: {  	_ =	shalt  }
0x7c: {  	_ =	shalt  }
0x7d: {  	_ =	shalt  }
0x7e: {  	_ =	shalt  }
0x7f: {  	_ =	shalt  }
0x80: {  	_ =	shalt  }
0x81: {  	_ =	shalt  }
0x82: {  	_ =	shalt  }
0x83: {  	_ =	shalt  }
0x84: {  	_ =	shalt  }
0x85: {  	_ =	shalt  }
0x86: {  	_ =	shalt  }
0x87: {  	_ =	shalt  }
.Lfunc_end0:
.L_simem_size_0:
called_computation.2_lowered:
.L_overlay_start_0:
0x88: {  	s2 =	sld [smem:$0x3FD9]  }
0x89: {  	s3 =	sld [smem:$0x3FFE];
	_ =	sdelay $0x1  }
0x8a: {  	s1 =	srdreg.scid  }
0x8b: {  	s0 =	sand.u32 $0x1, s1  }
0x8c: {  	s16 =	sshll.u32 s0, $0xA;
	s2 =	sadd.s32 s3, s2  }
0x8d: {  	s2 =	sadd.s32 s2, s16  }
0x8e: {  	[smem:$0x3FC4] =	sst s2  }
0x8f: {  	_ = 	snop  }
0x90: {  	(tm) =	ssettm $0x1  }
0x91: {  	s17 =	sld [smem:$0x3FFB];
	_ =	sdelay $0x3  }
0x92: {  	_ =	strace s17  }
0x93: {  	s2 =	sld [smem:$0x3FFC];
	_ =	sdelay $0x3  }
0x94: {  	_ =	strace s2  }
0x95: {  	s2 =	sld [smem:$0x3FFD];
	_ =	sdelay $0x3  }
0x96: {  	_ =	strace s2  }
0x97: {  	_ =	strace $0x8FFFFFFF  }
0x98: {  	s18 =	sld [smem:$0x3FDB];
	_ =	sdelay $0x1  }
0x99: {  	s19 =	simm.s32 $_scs_section_size  }
0x9a: {  	s4 =	simm.s32 $_size__tile_overlayer_lowered;
	s5 =	simm.s32 $_tile_overlayer_lowered  }
0x9b: {  	s22 =	simm.s32 $0x1BFF;
	s21 =	sshll.u32 s5, $0x1;
	s2 =	sadd.s32 s19, s18  }
0x9c: {  	s6 =	simm.s32 $0x0;
	s20 =	sshll.u32 s4, $0x1;
	s4 =	sadd.s32 s21, s2  }
0x9d: {  	[timem:s6], [sflag:s22] =	dma.local [hbm:s4], s20  }
0x9e: {  	_ =	swait.ge [sflag:s22], s20  }
0x9f: {  	s3 =	ssub.s32 $0x0, s20;
	[sflag:s22] =	ssyncset.done $0x0  }
0xa0: {  	[sflag:s22] =	ssyncadd.s32 s3;
	_ =	sdelay $0x1  }
0xa1: {  	s23 =	simm.s32 $0x1B8B  }
0xa2: {  	_ =	swait.ge [sflag:s23], $0x1  }
0xa3: {  	[sflag:s23] =	ssyncset.done $0x0  }
0xa4: {  	s25 =	simm.s32 $0x1B8E;
	s24 =	sld [smem:$0x3FFE];
	[sflag:s23] =	ssyncadd.s32 $0xFFFFFFFF  }
0xa5: {  	s26 =	simm.s32 $execute0_lowered;
	[smem:$0x3FD2] =	sst s25  }
0xa6: {  	s4 =	sshll.u32 s26, $0x1;
	_ =	strace $0x8000004C;
	[dreg:$0x1] =	wrdreg $0xFFFFFFFF  }
0xa7: {  	s28 =	simm.s32 $_size_execute0_lowered;
	s2 =	sadd.s32 s2, s4;
	[dreg:$0x0] =	wrdreg $0x0  }
0xa8: {  	s4 =	sshll.u32 s28, $0x1;
	[dreg:$0x2] =	wrdreg s2  }
0xa9: {  	[dreg:$0x3] =	wrdreg s4  }
0xaa: {  	[dreg:$0x4] =	wrdreg $0xC0  }
0xab: {  	_ =	task [dreg:s6], $0x5FFFF  }
0xac: {  	[dreg:$0x1] =	wrdreg $0xFFFFFFFF  }
0xad: {  	[dreg:$0x0] =	wrdreg $0x60  }
0xae: {  	[dreg:$0x2] =	wrdreg s24  }
0xaf: {  	[dreg:$0x3] =	wrdreg $0x9  }
0xb0: {  	_ =	task.clear_ibuf [dreg:s6], $0x4FFFF;
	_ =	strace $0x9000004C  }
0xb1: {  	s29 =	simm.s32 $0x9;
	_ =	strace $0x8000004E  }
0xb2: {  	_ =	swait.ge [sflag:s29], $0x1  }
0xb3: {  	[sflag:s29] =	ssyncadd.s32 $0xFFFFFFFF  }
0xb4: {  	_ =	strace $0x9000004E  }
0xb5: {  	_ =	sfence  }
0xb6: {  	s30 =	sld [smem:$0x0];
	_ =	sdelay $0x2  }
0xb7: {  	s31 =	sshll.u32 s1, $0xD;
	s1 =	sshrl.u32 s1, $0x2  }
0xb8: {  	s3 =	sand.u32 $0x4000, s31;
	s1 =	sadd.s32 s1, s30  }
0xb9: {  	s0 =	sor.u32 s3, s0;
	s1 =	sshll.u32 s1, $0x11  }
0xba: {  	s0 =	sor.u32 s1, s0  }
0xbb: {  	s0 =	sadd.s32 $0x8F2B, s0  }
0xbc: {  	[sflag:s0] =	ssyncadd.remote.s32 $0x1  }
0xbd: {  	_ =	sfence.sel $0xFFFF  }
0xbe: {  	[dreg:$0x0] =	wrdreg $0xFFFFFFFF;
	(pc) =	sbr.abs _section_cstart, $3  }
0xbf: {  	[dreg:$0x1] =	wrdreg $0xFFFFFFFF  }
0xc0: {  	_ =	task.clear_ibuf [dreg:s6], $0x2FFFF;
	_ =	strace $0x9FFFFFFF  }
0xc1: {  	(tm) =	ssettm $0x7FFFFFFF  }
tec
execute0_lowered:
.L_overlay_start_1:
0x0: {  	(tag) =	ssettag $0x1  }
0x1: {  	s4 =	rddreg [dreg:$0x0];
	s3 =	srdreg.scid  }
0x2: {  	s2 =	simm.s32 $0x0;
	s1 =	stileid.u32;
	s15 =	simm.s32 $0x880  }
0x3: {  	s16 =	simm.s32 $0x1080;
	s17 =	simm.s32 $0x1880;
	s18 =	simm.s32 $0x2080  }
0x4: {  	s19 =	simm.s32 $0x2880;
	s20 =	simm.s32 $0x3080;
	s28 =	simm.s32 $0x6880  }
0x5: {  	s29 =	simm.s32 $0x7080;
	s30 =	simm.s32 $0x7880;
	s31 =	simm.s32 $0x1  }
0x6: {  	s5 =	sand.u32 $0x1, s3;
	[smem:$0x7FF] =	sst s2;
	s6 =	sshll.u32 s1, $0x9  }
0x7: {  	s3 =	sadd.s32 $0x18EE00, s4;
	s10 =	sadd.s32 $0xB200, s4;
	s11 =	sadd.s32 $0x4F400, s4  }
0x8: {  	s4 =	sadd.s32 $0x18EF00, s4;
	s7 =	sshll.u32 s5, $0x8;
	s5 =	ssub.s32 $0x2, s5  }
0x9: {  	_ =	strace $0x8000004D;
	s9 =	sor.u32 s7, s6;
	s21 =	sshrl.u32 s5, $0x1  }
0xa: {  	s6 =	sshrl.u32 s9, $0x3;
	s12 =	ssub.s32 s5, s21;
	s22 =	sshll.u32 s9, $0x6  }
0xb: {  	s23 =	sor.u32 $0x40, s9;
	s13 =	sor.u32 $0x80, s9;
	s14 =	sor.u32 $0xC0, s9  }
0xc: {  	s21 =	simm.s32 $0x3880;
	s6 =	sadd.s32 s10, s6;
	s5 =	sadd.s32 s11, s22  }
0xd: {  	s24 =	sshrl.u32 s23, $0x3;
	s8 =	sshll.u32 s23, $0x6;
	s25 =	sshrl.u32 s13, $0x3  }
0xe: {  	s13 =	sshll.u32 s13, $0x6;
	s26 =	sshrl.u32 s14, $0x3;
	s14 =	sshll.u32 s14, $0x6  }
0xf: {  	s12 =	smax.u32 s12, $0x1;
	s22 =	simm.s32 $0x4080;
	s23 =	simm.s32 $0x4880  }
0x10: {  	[dreg:$0x2] =	wrdreg s6;
	s6 =	sadd.s32 s10, s24;
	s7 =	sadd.s32 s11, s8  }
0x11: {  	v2 =	vlaneseq.u32;
	s8 =	sadd.s32 s10, s25;
	s9 =	sadd.s32 s11, s13;
	s10 =	sadd.s32 s10, s26  }
0x12: {  	vm0 =	vmmov $0xffff;
	v1 =	vshrl.u32 v2, $0x3;
	s11 =	sadd.s32 s11, s14;
	s13 =	simm.s32 $0x2;
	s14 =	simm.s32 $0x80  }
0x13: {  	v0 =	vand.u32 $0x7, v2;
	v2 =	vor.u32 $0x8, v2;
	v1 =	vmul.u32 $0x8, v1;
	s24 =	simm.s32 $0x5080;
	s25 =	simm.s32 $0x5880;
	s26 =	simm.s32 $0x6080  }
.LBB2_1:
0x14: {  	s0 =	rddreg [dreg:$0x2]  }
0x15: {  	[tilespmem:s2], [sflag:$0x2] =	stream.linear.gather [hbm4b:s0+s2], $0x40, $0x38;
	[tilespmem:$0x8080] =	vst v63  }
0x16: {  	_ =	swait.ge [sflag:s13], $0x40  }
0x17: {  	[sflag:s13] =	ssyncset.done $0x0  }
0x18: {  	[sflag:s13] =	ssyncadd.s32 $0xFFFFFFC0  }
0x19: {  	v3 =	vld [tilespmem:$0x0];
	_ =	sdelay $0x4  }
0x1a: {  	v4 =	vshll.u32 v3, $0x2  }
0x1b: {  	v3 =	vand.u32 $0x7, v3;
	v4 =	vand.u32 $0xFFFFFFE0, v4  }
0x1c: {  	v3 =	vor.u32 v3, v4  }
0x1d: {  	v4 =	vperm.xlane v3, v0;
	_ =	sdelay $0x1  }
0x1e: {  	v4 =	vadd.s32 v1, v4;
	_ =	sdelay $0x1  }
0x1f: {  	v3 =	vperm.xlane v3, v2;
	_ =	sdelay $0x1  }
0x20: {  	v3 =	vadd.s32 v1, v3  }
0x21: {  	[tilespmem:s14], [sflag:$0x1] =	stream.indirect_vreg.gather [hbm4b:s3+s2], $0x80, v4, vm0, $0xb8;
	[tilespmem:$0x8080] =	vst v63  }
0x22: {  	_ = 	snop  }
0x23: {  	[tilespmem:s15], [sflag:$0x1] =	stream.indirect_vreg.gather [hbm4b:s4+s2], $0x80, v4, vm0, $0xb8;
	[tilespmem:$0x8080] =	vst v63  }
0x24: {  	_ = 	snop  }
0x25: {  	[tilespmem:s16], [sflag:$0x1] =	stream.indirect_vreg.gather [hbm4b:s3+s2], $0x80, v3, vm0, $0xb8;
	[tilespmem:$0x8080] =	vst v63  }
0x26: {  	_ = 	snop  }
0x27: {  	[tilespmem:s17], [sflag:$0x1] =	stream.indirect_vreg.gather [hbm4b:s4+s2], $0x80, v3, vm0, $0xb8;
	[tilespmem:$0x8080] =	vst v63  }
0x28: {  	v3 =	vld [tilespmem:$0x10];
	_ =	sdelay $0x4  }
0x29: {  	v49 =	vshll.u32 v3, $0x2  }
0x2a: {  	v3 =	vand.u32 $0x7, v3;
	v4 =	vand.u32 $0xFFFFFFE0, v49  }
0x2b: {  	v3 =	vor.u32 v3, v4  }
0x2c: {  	v4 =	vperm.xlane v3, v0;
	_ =	sdelay $0x1  }
0x2d: {  	v4 =	vadd.s32 v1, v4;
	_ =	sdelay $0x1  }
0x2e: {  	v3 =	vperm.xlane v3, v2;
	_ =	sdelay $0x1  }
0x2f: {  	v3 =	vadd.s32 v1, v3  }
0x30: {  	[tilespmem:s18], [sflag:$0x1] =	stream.indirect_vreg.gather [hbm4b:s3+s2], $0x80, v4, vm0, $0xb8;
	[tilespmem:$0x8080] =	vst v63  }
0x31: {  	_ = 	snop  }
0x32: {  	[tilespmem:s19], [sflag:$0x1] =	stream.indirect_vreg.gather [hbm4b:s4+s2], $0x80, v4, vm0, $0xb8;
	[tilespmem:$0x8080] =	vst v63  }
0x33: {  	_ = 	snop  }
0x34: {  	[tilespmem:s20], [sflag:$0x1] =	stream.indirect_vreg.gather [hbm4b:s3+s2], $0x80, v3, vm0, $0xb8;
	[tilespmem:$0x8080] =	vst v63  }
0x35: {  	_ = 	snop  }
0x36: {  	[tilespmem:s21], [sflag:$0x1] =	stream.indirect_vreg.gather [hbm4b:s4+s2], $0x80, v3, vm0, $0xb8;
	[tilespmem:$0x8080] =	vst v63  }
0x37: {  	v3 =	vld [tilespmem:$0x20];
	_ =	sdelay $0x4  }
0x38: {  	v50 =	vshll.u32 v3, $0x2  }
0x39: {  	v3 =	vand.u32 $0x7, v3;
	v4 =	vand.u32 $0xFFFFFFE0, v50  }
0x3a: {  	v3 =	vor.u32 v3, v4  }
0x3b: {  	v4 =	vperm.xlane v3, v0;
	_ =	sdelay $0x1  }
0x3c: {  	v4 =	vadd.s32 v1, v4;
	_ =	sdelay $0x1  }
0x3d: {  	v3 =	vperm.xlane v3, v2;
	_ =	sdelay $0x1  }
0x3e: {  	v3 =	vadd.s32 v1, v3  }
0x3f: {  	[tilespmem:s22], [sflag:$0x1] =	stream.indirect_vreg.gather [hbm4b:s3+s2], $0x80, v4, vm0, $0xb8;
	[tilespmem:$0x8080] =	vst v63  }
0x40: {  	_ = 	snop  }
0x41: {  	[tilespmem:s23], [sflag:$0x1] =	stream.indirect_vreg.gather [hbm4b:s4+s2], $0x80, v4, vm0, $0xb8;
	[tilespmem:$0x8080] =	vst v63  }
0x42: {  	_ = 	snop  }
0x43: {  	[tilespmem:s24], [sflag:$0x1] =	stream.indirect_vreg.gather [hbm4b:s3+s2], $0x80, v3, vm0, $0xb8;
	[tilespmem:$0x8080] =	vst v63  }
0x44: {  	_ = 	snop  }
0x45: {  	[tilespmem:s25], [sflag:$0x1] =	stream.indirect_vreg.gather [hbm4b:s4+s2], $0x80, v3, vm0, $0xb8;
	[tilespmem:$0x8080] =	vst v63  }
0x46: {  	v3 =	vld [tilespmem:$0x30];
	_ =	sdelay $0x4  }
0x47: {  	v51 =	vshll.u32 v3, $0x2  }
0x48: {  	v3 =	vand.u32 $0x7, v3;
	v4 =	vand.u32 $0xFFFFFFE0, v51  }
0x49: {  	v3 =	vor.u32 v3, v4  }
0x4a: {  	v4 =	vperm.xlane v3, v0;
	_ =	sdelay $0x1  }
0x4b: {  	v4 =	vadd.s32 v1, v4;
	_ =	sdelay $0x1  }
0x4c: {  	v3 =	vperm.xlane v3, v2;
	_ =	sdelay $0x1  }
0x4d: {  	v3 =	vadd.s32 v1, v3  }
0x4e: {  	[tilespmem:s26], [sflag:$0x1] =	stream.indirect_vreg.gather [hbm4b:s3+s2], $0x80, v4, vm0, $0xb8;
	[tilespmem:$0x8080] =	vst v63  }
0x4f: {  	_ = 	snop  }
0x50: {  	[tilespmem:s28], [sflag:$0x1] =	stream.indirect_vreg.gather [hbm4b:s4+s2], $0x80, v4, vm0, $0xb8;
	[tilespmem:$0x8080] =	vst v63  }
0x51: {  	_ = 	snop  }
0x52: {  	[tilespmem:s29], [sflag:$0x1] =	stream.indirect_vreg.gather [hbm4b:s3+s2], $0x80, v3, vm0, $0xb8;
	[tilespmem:$0x8080] =	vst v63  }
0x53: {  	_ = 	snop  }
0x54: {  	[tilespmem:s30], [sflag:$0x1] =	stream.indirect_vreg.gather [hbm4b:s4+s2], $0x80, v3, vm0, $0xb8;
	[tilespmem:$0x8080] =	vst v63  }
0x55: {  	_ =	swait.ge [sflag:s31], $0x8000  }
0x56: {  	[sflag:s31] =	ssyncset.done $0x0  }
0x57: {  	[sflag:s31] =	ssyncadd.s32 $0xFFFF8000  }
0x58: {  	[hbm4b:s5+s2] =	stream.linear.scatter [tilespmem:s14], [sflag:$0x2], $0x8000, $0x38;
	[tilespmem:$0x8080] =	vst v63  }
0x59: {  	_ =	swait.ge [sflag:s13], $0x8000  }
0x5a: {  	[sflag:s13] =	ssyncset.done $0x0  }
0x5b: {  	[sflag:s13] =	ssyncadd.s32 $0xFFFF8000  }
0x5c: {  	[tilespmem:s2], [sflag:$0x2] =	stream.linear.gather [hbm4b:s6+s2], $0x40, $0x38;
	[tilespmem:$0x8080] =	vst v63  }
0x5d: {  	_ =	swait.ge [sflag:s13], $0x40  }
0x5e: {  	[sflag:s13] =	ssyncset.done $0x0  }
0x5f: {  	[sflag:s13] =	ssyncadd.s32 $0xFFFFFFC0  }
0x60: {  	v3 =	vld [tilespmem:$0x0];
	_ =	sdelay $0x4  }
0x61: {  	v52 =	vshll.u32 v3, $0x2  }
0x62: {  	v3 =	vand.u32 $0x7, v3;
	v4 =	vand.u32 $0xFFFFFFE0, v52  }
0x63: {  	v3 =	vor.u32 v3, v4  }
0x64: {  	v4 =	vperm.xlane v3, v0;
	_ =	sdelay $0x1  }
0x65: {  	v4 =	vadd.s32 v1, v4;
	_ =	sdelay $0x1  }
0x66: {  	v3 =	vperm.xlane v3, v2;
	_ =	sdelay $0x1  }
0x67: {  	v3 =	vadd.s32 v1, v3  }
0x68: {  	[tilespmem:s14], [sflag:$0x1] =	stream.indirect_vreg.gather [hbm4b:s3+s2], $0x80, v4, vm0, $0xb8;
	[tilespmem:$0x8080] =	vst v63  }
0x69: {  	_ = 	snop  }
0x6a: {  	[tilespmem:s15], [sflag:$0x1] =	stream.indirect_vreg.gather [hbm4b:s4+s2], $0x80, v4, vm0, $0xb8;
	[tilespmem:$0x8080] =	vst v63  }
0x6b: {  	_ = 	snop  }
0x6c: {  	[tilespmem:s16], [sflag:$0x1] =	stream.indirect_vreg.gather [hbm4b:s3+s2], $0x80, v3, vm0, $0xb8;
	[tilespmem:$0x8080] =	vst v63  }
0x6d: {  	_ = 	snop  }
0x6e: {  	[tilespmem:s17], [sflag:$0x1] =	stream.indirect_vreg.gather [hbm4b:s4+s2], $0x80, v3, vm0, $0xb8;
	[tilespmem:$0x8080] =	vst v63  }
0x6f: {  	v3 =	vld [tilespmem:$0x10];
	_ =	sdelay $0x4  }
0x70: {  	v53 =	vshll.u32 v3, $0x2  }
0x71: {  	v3 =	vand.u32 $0x7, v3;
	v4 =	vand.u32 $0xFFFFFFE0, v53  }
0x72: {  	v3 =	vor.u32 v3, v4  }
0x73: {  	v4 =	vperm.xlane v3, v0;
	_ =	sdelay $0x1  }
0x74: {  	v4 =	vadd.s32 v1, v4;
	_ =	sdelay $0x1  }
0x75: {  	v3 =	vperm.xlane v3, v2;
	_ =	sdelay $0x1  }
0x76: {  	v3 =	vadd.s32 v1, v3  }
0x77: {  	[tilespmem:s18], [sflag:$0x1] =	stream.indirect_vreg.gather [hbm4b:s3+s2], $0x80, v4, vm0, $0xb8;
	[tilespmem:$0x8080] =	vst v63  }
0x78: {  	_ = 	snop  }
0x79: {  	[tilespmem:s19], [sflag:$0x1] =	stream.indirect_vreg.gather [hbm4b:s4+s2], $0x80, v4, vm0, $0xb8;
	[tilespmem:$0x8080] =	vst v63  }
0x7a: {  	_ = 	snop  }
0x7b: {  	[tilespmem:s20], [sflag:$0x1] =	stream.indirect_vreg.gather [hbm4b:s3+s2], $0x80, v3, vm0, $0xb8;
	[tilespmem:$0x8080] =	vst v63  }
0x7c: {  	_ = 	snop  }
0x7d: {  	[tilespmem:s21], [sflag:$0x1] =	stream.indirect_vreg.gather [hbm4b:s4+s2], $0x80, v3, vm0, $0xb8;
	[tilespmem:$0x8080] =	vst v63  }
0x7e: {  	v3 =	vld [tilespmem:$0x20];
	_ =	sdelay $0x4  }
0x7f: {  	v54 =	vshll.u32 v3, $0x2  }
0x80: {  	v3 =	vand.u32 $0x7, v3;
	v4 =	vand.u32 $0xFFFFFFE0, v54  }
0x81: {  	v3 =	vor.u32 v3, v4  }
0x82: {  	v4 =	vperm.xlane v3, v0;
	_ =	sdelay $0x1  }
0x83: {  	v4 =	vadd.s32 v1, v4;
	_ =	sdelay $0x1  }
0x84: {  	v3 =	vperm.xlane v3, v2;
	_ =	sdelay $0x1  }
0x85: {  	v3 =	vadd.s32 v1, v3  }
0x86: {  	[tilespmem:s22], [sflag:$0x1] =	stream.indirect_vreg.gather [hbm4b:s3+s2], $0x80, v4, vm0, $0xb8;
	[tilespmem:$0x8080] =	vst v63  }
0x87: {  	_ = 	snop  }
0x88: {  	[tilespmem:s23], [sflag:$0x1] =	stream.indirect_vreg.gather [hbm4b:s4+s2], $0x80, v4, vm0, $0xb8;
	[tilespmem:$0x8080] =	vst v63  }
0x89: {  	_ = 	snop  }
0x8a: {  	[tilespmem:s24], [sflag:$0x1] =	stream.indirect_vreg.gather [hbm4b:s3+s2], $0x80, v3, vm0, $0xb8;
	[tilespmem:$0x8080] =	vst v63  }
0x8b: {  	_ = 	snop  }
0x8c: {  	[tilespmem:s25], [sflag:$0x1] =	stream.indirect_vreg.gather [hbm4b:s4+s2], $0x80, v3, vm0, $0xb8;
	[tilespmem:$0x8080] =	vst v63  }
0x8d: {  	v3 =	vld [tilespmem:$0x30];
	_ =	sdelay $0x4  }
0x8e: {  	v55 =	vshll.u32 v3, $0x2  }
0x8f: {  	v3 =	vand.u32 $0x7, v3;
	v4 =	vand.u32 $0xFFFFFFE0, v55  }
0x90: {  	v3 =	vor.u32 v3, v4  }
0x91: {  	v4 =	vperm.xlane v3, v0;
	_ =	sdelay $0x1  }
0x92: {  	v4 =	vadd.s32 v1, v4;
	_ =	sdelay $0x1  }
0x93: {  	v3 =	vperm.xlane v3, v2;
	_ =	sdelay $0x1  }
0x94: {  	v3 =	vadd.s32 v1, v3  }
0x95: {  	[tilespmem:s26], [sflag:$0x1] =	stream.indirect_vreg.gather [hbm4b:s3+s2], $0x80, v4, vm0, $0xb8;
	[tilespmem:$0x8080] =	vst v63  }
0x96: {  	_ = 	snop  }
0x97: {  	[tilespmem:s28], [sflag:$0x1] =	stream.indirect_vreg.gather [hbm4b:s4+s2], $0x80, v4, vm0, $0xb8;
	[tilespmem:$0x8080] =	vst v63  }
0x98: {  	_ = 	snop  }
0x99: {  	[tilespmem:s29], [sflag:$0x1] =	stream.indirect_vreg.gather [hbm4b:s3+s2], $0x80, v3, vm0, $0xb8;
	[tilespmem:$0x8080] =	vst v63  }
0x9a: {  	_ = 	snop  }
0x9b: {  	[tilespmem:s30], [sflag:$0x1] =	stream.indirect_vreg.gather [hbm4b:s4+s2], $0x80, v3, vm0, $0xb8;
	[tilespmem:$0x8080] =	vst v63  }
0x9c: {  	_ =	swait.ge [sflag:s31], $0x8000  }
0x9d: {  	[sflag:s31] =	ssyncset.done $0x0  }
0x9e: {  	[sflag:s31] =	ssyncadd.s32 $0xFFFF8000  }
0x9f: {  	[hbm4b:s7+s2] =	stream.linear.scatter [tilespmem:s14], [sflag:$0x2], $0x8000, $0x38;
	[tilespmem:$0x8080] =	vst v63  }
0xa0: {  	_ =	swait.ge [sflag:s13], $0x8000  }
0xa1: {  	[sflag:s13] =	ssyncset.done $0x0  }
0xa2: {  	[sflag:s13] =	ssyncadd.s32 $0xFFFF8000  }
0xa3: {  	[tilespmem:s2], [sflag:$0x2] =	stream.linear.gather [hbm4b:s8+s2], $0x40, $0x38;
	[tilespmem:$0x8080] =	vst v63  }
0xa4: {  	_ =	swait.ge [sflag:s13], $0x40  }
0xa5: {  	[sflag:s13] =	ssyncset.done $0x0  }
0xa6: {  	[sflag:s13] =	ssyncadd.s32 $0xFFFFFFC0  }
0xa7: {  	v3 =	vld [tilespmem:$0x0];
	_ =	sdelay $0x4  }
0xa8: {  	v56 =	vshll.u32 v3, $0x2  }
0xa9: {  	v3 =	vand.u32 $0x7, v3;
	v4 =	vand.u32 $0xFFFFFFE0, v56  }
0xaa: {  	v3 =	vor.u32 v3, v4  }
0xab: {  	v4 =	vperm.xlane v3, v0;
	_ =	sdelay $0x1  }
0xac: {  	v4 =	vadd.s32 v1, v4;
	_ =	sdelay $0x1  }
0xad: {  	v3 =	vperm.xlane v3, v2;
	_ =	sdelay $0x1  }
0xae: {  	v3 =	vadd.s32 v1, v3  }
0xaf: {  	[tilespmem:s14], [sflag:$0x1] =	stream.indirect_vreg.gather [hbm4b:s3+s2], $0x80, v4, vm0, $0xb8;
	[tilespmem:$0x8080] =	vst v63  }
0xb0: {  	_ = 	snop  }
0xb1: {  	[tilespmem:s15], [sflag:$0x1] =	stream.indirect_vreg.gather [hbm4b:s4+s2], $0x80, v4, vm0, $0xb8;
	[tilespmem:$0x8080] =	vst v63  }
0xb2: {  	_ = 	snop  }
0xb3: {  	[tilespmem:s16], [sflag:$0x1] =	stream.indirect_vreg.gather [hbm4b:s3+s2], $0x80, v3, vm0, $0xb8;
	[tilespmem:$0x8080] =	vst v63  }
0xb4: {  	_ = 	snop  }
0xb5: {  	[tilespmem:s17], [sflag:$0x1] =	stream.indirect_vreg.gather [hbm4b:s4+s2], $0x80, v3, vm0, $0xb8;
	[tilespmem:$0x8080] =	vst v63  }
0xb6: {  	v3 =	vld [tilespmem:$0x10];
	_ =	sdelay $0x4  }
0xb7: {  	v57 =	vshll.u32 v3, $0x2  }
0xb8: {  	v3 =	vand.u32 $0x7, v3;
	v4 =	vand.u32 $0xFFFFFFE0, v57  }
0xb9: {  	v3 =	vor.u32 v3, v4  }
0xba: {  	v4 =	vperm.xlane v3, v0;
	_ =	sdelay $0x1  }
0xbb: {  	v4 =	vadd.s32 v1, v4;
	_ =	sdelay $0x1  }
0xbc: {  	v3 =	vperm.xlane v3, v2;
	_ =	sdelay $0x1  }
0xbd: {  	v3 =	vadd.s32 v1, v3  }
0xbe: {  	[tilespmem:s18], [sflag:$0x1] =	stream.indirect_vreg.gather [hbm4b:s3+s2], $0x80, v4, vm0, $0xb8;
	[tilespmem:$0x8080] =	vst v63  }
0xbf: {  	_ = 	snop  }
0xc0: {  	[tilespmem:s19], [sflag:$0x1] =	stream.indirect_vreg.gather [hbm4b:s4+s2], $0x80, v4, vm0, $0xb8;
	[tilespmem:$0x8080] =	vst v63  }
0xc1: {  	_ = 	snop  }
0xc2: {  	[tilespmem:s20], [sflag:$0x1] =	stream.indirect_vreg.gather [hbm4b:s3+s2], $0x80, v3, vm0, $0xb8;
	[tilespmem:$0x8080] =	vst v63  }
0xc3: {  	_ = 	snop  }
0xc4: {  	[tilespmem:s21], [sflag:$0x1] =	stream.indirect_vreg.gather [hbm4b:s4+s2], $0x80, v3, vm0, $0xb8;
	[tilespmem:$0x8080] =	vst v63  }
0xc5: {  	v3 =	vld [tilespmem:$0x20];
	_ =	sdelay $0x4  }
0xc6: {  	v58 =	vshll.u32 v3, $0x2  }
0xc7: {  	v3 =	vand.u32 $0x7, v3;
	v4 =	vand.u32 $0xFFFFFFE0, v58  }
0xc8: {  	v3 =	vor.u32 v3, v4  }
0xc9: {  	v4 =	vperm.xlane v3, v0;
	_ =	sdelay $0x1  }
0xca: {  	v4 =	vadd.s32 v1, v4;
	_ =	sdelay $0x1  }
0xcb: {  	v3 =	vperm.xlane v3, v2;
	_ =	sdelay $0x1  }
0xcc: {  	v3 =	vadd.s32 v1, v3  }
0xcd: {  	[tilespmem:s22], [sflag:$0x1] =	stream.indirect_vreg.gather [hbm4b:s3+s2], $0x80, v4, vm0, $0xb8;
	[tilespmem:$0x8080] =	vst v63  }
0xce: {  	_ = 	snop  }
0xcf: {  	[tilespmem:s23], [sflag:$0x1] =	stream.indirect_vreg.gather [hbm4b:s4+s2], $0x80, v4, vm0, $0xb8;
	[tilespmem:$0x8080] =	vst v63  }
0xd0: {  	_ = 	snop  }
0xd1: {  	[tilespmem:s24], [sflag:$0x1] =	stream.indirect_vreg.gather [hbm4b:s3+s2], $0x80, v3, vm0, $0xb8;
	[tilespmem:$0x8080] =	vst v63  }
0xd2: {  	_ = 	snop  }
0xd3: {  	[tilespmem:s25], [sflag:$0x1] =	stream.indirect_vreg.gather [hbm4b:s4+s2], $0x80, v3, vm0, $0xb8;
	[tilespmem:$0x8080] =	vst v63  }
0xd4: {  	v3 =	vld [tilespmem:$0x30];
	_ =	sdelay $0x4  }
0xd5: {  	v59 =	vshll.u32 v3, $0x2  }
0xd6: {  	v3 =	vand.u32 $0x7, v3;
	v4 =	vand.u32 $0xFFFFFFE0, v59  }
0xd7: {  	v3 =	vor.u32 v3, v4  }
0xd8: {  	v4 =	vperm.xlane v3, v0;
	_ =	sdelay $0x1  }
0xd9: {  	v4 =	vadd.s32 v1, v4;
	_ =	sdelay $0x1  }
0xda: {  	v3 =	vperm.xlane v3, v2;
	_ =	sdelay $0x1  }
0xdb: {  	v3 =	vadd.s32 v1, v3  }
0xdc: {  	[tilespmem:s26], [sflag:$0x1] =	stream.indirect_vreg.gather [hbm4b:s3+s2], $0x80, v4, vm0, $0xb8;
	[tilespmem:$0x8080] =	vst v63  }
0xdd: {  	_ = 	snop  }
0xde: {  	[tilespmem:s28], [sflag:$0x1] =	stream.indirect_vreg.gather [hbm4b:s4+s2], $0x80, v4, vm0, $0xb8;
	[tilespmem:$0x8080] =	vst v63  }
0xdf: {  	_ = 	snop  }
0xe0: {  	[tilespmem:s29], [sflag:$0x1] =	stream.indirect_vreg.gather [hbm4b:s3+s2], $0x80, v3, vm0, $0xb8;
	[tilespmem:$0x8080] =	vst v63  }
0xe1: {  	_ = 	snop  }
0xe2: {  	[tilespmem:s30], [sflag:$0x1] =	stream.indirect_vreg.gather [hbm4b:s4+s2], $0x80, v3, vm0, $0xb8;
	[tilespmem:$0x8080] =	vst v63  }
0xe3: {  	_ =	swait.ge [sflag:s31], $0x8000  }
0xe4: {  	[sflag:s31] =	ssyncset.done $0x0  }
0xe5: {  	[sflag:s31] =	ssyncadd.s32 $0xFFFF8000  }
0xe6: {  	[hbm4b:s9+s2] =	stream.linear.scatter [tilespmem:s14], [sflag:$0x2], $0x8000, $0x38;
	[tilespmem:$0x8080] =	vst v63  }
0xe7: {  	_ =	swait.ge [sflag:s13], $0x8000  }
0xe8: {  	[sflag:s13] =	ssyncset.done $0x0  }
0xe9: {  	[sflag:s13] =	ssyncadd.s32 $0xFFFF8000  }
0xea: {  	[tilespmem:s2], [sflag:$0x2] =	stream.linear.gather [hbm4b:s10+s2], $0x40, $0x38;
	[tilespmem:$0x8080] =	vst v63  }
0xeb: {  	_ =	swait.ge [sflag:s13], $0x40  }
0xec: {  	[sflag:s13] =	ssyncset.done $0x0  }
0xed: {  	[sflag:s13] =	ssyncadd.s32 $0xFFFFFFC0  }
0xee: {  	v3 =	vld [tilespmem:$0x0];
	_ =	sdelay $0x4  }
0xef: {  	v60 =	vshll.u32 v3, $0x2  }
0xf0: {  	v3 =	vand.u32 $0x7, v3;
	v4 =	vand.u32 $0xFFFFFFE0, v60  }
0xf1: {  	v3 =	vor.u32 v3, v4  }
0xf2: {  	v4 =	vperm.xlane v3, v0;
	_ =	sdelay $0x1  }
0xf3: {  	v4 =	vadd.s32 v1, v4;
	_ =	sdelay $0x1  }
0xf4: {  	v3 =	vperm.xlane v3, v2;
	_ =	sdelay $0x1  }
0xf5: {  	v3 =	vadd.s32 v1, v3  }
0xf6: {  	[tilespmem:s14], [sflag:$0x1] =	stream.indirect_vreg.gather [hbm4b:s3+s2], $0x80, v4, vm0, $0xb8;
	[tilespmem:$0x8080] =	vst v63  }
0xf7: {  	_ = 	snop  }
0xf8: {  	[tilespmem:s15], [sflag:$0x1] =	stream.indirect_vreg.gather [hbm4b:s4+s2], $0x80, v4, vm0, $0xb8;
	[tilespmem:$0x8080] =	vst v63  }
0xf9: {  	_ = 	snop  }
0xfa: {  	[tilespmem:s16], [sflag:$0x1] =	stream.indirect_vreg.gather [hbm4b:s3+s2], $0x80, v3, vm0, $0xb8;
	[tilespmem:$0x8080] =	vst v63  }
0xfb: {  	_ = 	snop  }
0xfc: {  	[tilespmem:s17], [sflag:$0x1] =	stream.indirect_vreg.gather [hbm4b:s4+s2], $0x80, v3, vm0, $0xb8;
	[tilespmem:$0x8080] =	vst v63  }
0xfd: {  	v3 =	vld [tilespmem:$0x10];
	_ =	sdelay $0x4  }
0xfe: {  	v61 =	vshll.u32 v3, $0x2  }
0xff: {  	v3 =	vand.u32 $0x7, v3;
	v4 =	vand.u32 $0xFFFFFFE0, v61  }
0x100: {  	v3 =	vor.u32 v3, v4  }
0x101: {  	v4 =	vperm.xlane v3, v0;
	_ =	sdelay $0x1  }
0x102: {  	v4 =	vadd.s32 v1, v4;
	_ =	sdelay $0x1  }
0x103: {  	v3 =	vperm.xlane v3, v2;
	_ =	sdelay $0x1  }
0x104: {  	v3 =	vadd.s32 v1, v3  }
0x105: {  	[tilespmem:s18], [sflag:$0x1] =	stream.indirect_vreg.gather [hbm4b:s3+s2], $0x80, v4, vm0, $0xb8;
	[tilespmem:$0x8080] =	vst v63  }
0x106: {  	_ = 	snop  }
0x107: {  	[tilespmem:s19], [sflag:$0x1] =	stream.indirect_vreg.gather [hbm4b:s4+s2], $0x80, v4, vm0, $0xb8;
	[tilespmem:$0x8080] =	vst v63  }
0x108: {  	_ = 	snop  }
0x109: {  	[tilespmem:s20], [sflag:$0x1] =	stream.indirect_vreg.gather [hbm4b:s3+s2], $0x80, v3, vm0, $0xb8;
	[tilespmem:$0x8080] =	vst v63  }
0x10a: {  	_ = 	snop  }
0x10b: {  	[tilespmem:s21], [sflag:$0x1] =	stream.indirect_vreg.gather [hbm4b:s4+s2], $0x80, v3, vm0, $0xb8;
	[tilespmem:$0x8080] =	vst v63  }
0x10c: {  	v3 =	vld [tilespmem:$0x20];
	_ =	sdelay $0x4  }
0x10d: {  	v62 =	vshll.u32 v3, $0x2  }
0x10e: {  	v3 =	vand.u32 $0x7, v3;
	v4 =	vand.u32 $0xFFFFFFE0, v62  }
0x10f: {  	v3 =	vor.u32 v3, v4  }
0x110: {  	v4 =	vperm.xlane v3, v0;
	_ =	sdelay $0x1  }
0x111: {  	v4 =	vadd.s32 v1, v4;
	_ =	sdelay $0x1  }
0x112: {  	v3 =	vperm.xlane v3, v2;
	_ =	sdelay $0x1  }
0x113: {  	v3 =	vadd.s32 v1, v3  }
0x114: {  	[tilespmem:s22], [sflag:$0x1] =	stream.indirect_vreg.gather [hbm4b:s3+s2], $0x80, v4, vm0, $0xb8;
	[tilespmem:$0x8080] =	vst v63  }
0x115: {  	_ = 	snop  }
0x116: {  	[tilespmem:s23], [sflag:$0x1] =	stream.indirect_vreg.gather [hbm4b:s4+s2], $0x80, v4, vm0, $0xb8;
	[tilespmem:$0x8080] =	vst v63  }
0x117: {  	_ = 	snop  }
0x118: {  	[tilespmem:s24], [sflag:$0x1] =	stream.indirect_vreg.gather [hbm4b:s3+s2], $0x80, v3, vm0, $0xb8;
	[tilespmem:$0x8080] =	vst v63  }
0x119: {  	_ = 	snop  }
0x11a: {  	[tilespmem:s25], [sflag:$0x1] =	stream.indirect_vreg.gather [hbm4b:s4+s2], $0x80, v3, vm0, $0xb8;
	[tilespmem:$0x8080] =	vst v63  }
0x11b: {  	v3 =	vld [tilespmem:$0x30];
	_ =	sdelay $0x4  }
0x11c: {  	v63 =	vshll.u32 v3, $0x2  }
0x11d: {  	v3 =	vand.u32 $0x7, v3;
	v4 =	vand.u32 $0xFFFFFFE0, v63  }
0x11e: {  	v3 =	vor.u32 v3, v4  }
0x11f: {  	v4 =	vperm.xlane v3, v0;
	_ =	sdelay $0x1  }
0x120: {  	v4 =	vadd.s32 v1, v4;
	_ =	sdelay $0x1  }
0x121: {  	v3 =	vperm.xlane v3, v2;
	_ =	sdelay $0x1  }
0x122: {  	v3 =	vadd.s32 v1, v3  }
0x123: {  	[tilespmem:s26], [sflag:$0x1] =	stream.indirect_vreg.gather [hbm4b:s3+s2], $0x80, v4, vm0, $0xb8;
	[tilespmem:$0x8080] =	vst v63  }
0x124: {  	_ = 	snop  }
0x125: {  	[tilespmem:s28], [sflag:$0x1] =	stream.indirect_vreg.gather [hbm4b:s4+s2], $0x80, v4, vm0, $0xb8;
	[tilespmem:$0x8080] =	vst v63  }
0x126: {  	_ = 	snop  }
0x127: {  	[tilespmem:s29], [sflag:$0x1] =	stream.indirect_vreg.gather [hbm4b:s3+s2], $0x80, v3, vm0, $0xb8;
	[tilespmem:$0x8080] =	vst v63  }
0x128: {  	_ = 	snop  }
0x129: {  	[tilespmem:s30], [sflag:$0x1] =	stream.indirect_vreg.gather [hbm4b:s4+s2], $0x80, v3, vm0, $0xb8;
	[tilespmem:$0x8080] =	vst v63  }
0x12a: {  	_ =	swait.ge [sflag:s31], $0x8000  }
0x12b: {  	p0 =	sne.s32 s12, $0x1;
	[sflag:s31] =	ssyncset.done $0x0  }
.Ltmp0:
0x12c: {  	[sflag:s31] =	ssyncadd.s32 $0xFFFF8000;
	(pc) =	sbr.rel @p0 .LBB2_1-.Ltmp0, $4  }
0x12d: {  	[hbm4b:s11+s2] =	stream.linear.scatter [tilespmem:s14], [sflag:$0x2], $0x8000, $0x38;
	[tilespmem:$0x8080] =	vst v63  }
0x12e: {  	_ =	swait.ge [sflag:s13], $0x8000  }
0x12f: {  	[sflag:s13] =	ssyncset.done $0x0  }
0x130: {  	s12 =	sadd.s32 $0xFFFFFFFF, s12;
	[sflag:s13] =	ssyncadd.s32 $0xFFFF8000  }
0x131: {  	_ =	sfence.sel $0x180000  }
0x132: {  	[bflag:$0x0] =	sbarrier.arrive $0xFFFF  }
0x133: {  	_ =	strace $0x9000004D  }
0x134: {  	[bflag:$0x2] =	sbarrier.arrive $0xFFFF  }
0x135: {  	p0 =	sne.s32 s1, $0x0;
	s0 =	rddreg [dreg:$0x1]  }
0x136: {  	s0 =	sadd.s32 @!p0 $0x100000, s0  }
0x137: {  	[sflag:s0] =	ssyncadd.tile.s32 @!p0 $0x1;
	_ =	shalt  }
.Lfunc_end2:
_tile_overlayer_lowered:
.L_overlay_start_2:
0x138: {  	(tag) =	ssettag $0x2  }
0x139: {  	s0 =	rddreg [dreg:$0x0];
	s2 =	stileid.u32  }
0x13a: {  	s1 =	rddreg [dreg:$0x1];
	p0 =	sne.s32 s2, $0x0  }
0x13b: {  	s3 =	rddreg [dreg:$0x2];
	[bflag:$0x3] =	sbarrier.arrive $0xFFFF;
	s2 =	simm.s32 @!p0 $0x1C02  }
0x13c: {  	[timem:s3], [sflag:s2] =	dma.local @!p0 [hbm:s0], s1  }
0x13d: {  	s0 =	simm.s32 @!p0 $0x2  }
0x13e: {  	_ =	swait.ge @!p0 [sflag:s0], s1  }
0x13f: {  	s1 =	ssub.s32 @!p0 $0x0, s1;
	[sflag:s0] =	ssyncset.done @!p0 $0x0  }
0x140: {  	[sflag:s0] =	ssyncadd.s32 @!p0 s1  }
0x141: {  	[bflag:$0x3] =	sbarrier.arrive $0xFFFF  }
0x142: {  	_ =	shalt  }

// kernel: kernel.29.cloned.1.call-start
scs
__scs_entry_jumppad:
0x0: {  	(pc) =	sbr.rel $0x88, $3  }
0x1: {  	(tag) =	ssettag $0x0;
	lr =	simm.s32 $0x1  }
0x2: {  	[smem:$0x3F9D] =	sst lr;
	_ =	strace $0xD0000000  }
0x3: {  	_ = 	snop  }
0x4: {  	_ = 	snop  }
0x5: {  	_ = 	snop  }
0x6: {  	_ = 	snop  }
0x7: {  	_ = 	snop  }
__scs_overlays_trampoline_lowered:
0x8: {  	[smem:$0x3FAC] =	sst s0  }
0x9: {  	[smem:$0x3FAD] =	sst s1  }
0xa: {  	[smem:$0x3FAE] =	sst s2  }
0xb: {  	[smem:$0x3FAF] =	sst s3  }
0xc: {  	[smem:$0x3FB0] =	sst s4  }
0xd: {  	[smem:$0x3FB1] =	sst s5  }
0xe: {  	[smem:$0x3FB2] =	sst s6  }
0xf: {  	[smem:$0x3FB3] =	sst s7  }
0x10: {  	[smem:$0x3FB4] =	sst s8  }
0x11: {  	[smem:$0x3FB5] =	sst s9;
	s0 =	simm.s32 @!p0 $0x0  }
0x12: {  	s1 =	sld [smem:$0x3F9B];
	s0 =	simm.s32 @p0 $0x1  }
0x13: {  	[smem:$0x3FB6] =	sst s0;
	s0 =	simm.s32 @!p1 $0x0  }
0x14: {  	s2 =	sld [smem:$0x3F9A];
	s0 =	simm.s32 @p1 $0x1  }
0x15: {  	[smem:$0x3FB7] =	sst s0;
	s0 =	simm.s32 @!p2 $0x0  }
0x16: {  	s3 =	sld [smem:$0x3FDB];
	s0 =	simm.s32 @p2 $0x1  }
0x17: {  	s4 =	simm.s32 $0x1BF5;
	[smem:$0x3FB9] =	sst s0  }
0x18: {  	s0 =	sld [smem:$0x3F9C];
	_ =	swait.ge [sflag:s4], $0x0  }
0x19: {  	s7 =	sld [smem:$0x3F9D]  }
0x1a: {  	s8 =	sadd.s32 $0xFFFFE003, lr  }
0x1b: {  	s9 =	sadd.s32 $0xFFFFFEF7, lr;
	s5 =	simm.s32 $0xFFFFFFFF;
	p2 =	slt.u32 s8, $0xFFFFF086  }
0x1c: {  	p1 =	slt.u32 s9, $0xF7A;
	s5 =	simm.s32 @!p2 $0x0  }
0x1d: {  	s5 =	simm.s32 @p1 $0x1;
	p0 =	seq.s32 s7, s2  }
0x1e: {  	s7 =	smul.u32 @!p0 $0xF7A, s2;
	p2 =	seq.s32 @!p0 s5, $0x0  }
0x1f: {  	s9 =	smul.u32 $0xF7A, s1;
	s8 =	simm.s32 @!p0 $0x1BF5;
	p2 =	por !p2, p0  }
0x20: {  	[sflag:s8] =	ssyncset.s32 @!p0 $0xFFFFF086;
	s6 =	sadd.s32 @!p0 s3, s7;
	s7 =	simm.s32 @!p0 $0x108  }
0x21: {  	s3 =	sadd.s32 s3, s9;
	s6 =	sadd.s32 @!p0 $0x88, s6;
	s7 =	simm.s32 @p2 $0x1082  }
0x22: {  	[simem:s7], [sflag:s8] =	dma.local @!p0 [hbm:s6], $0xF7A  }
0x23: {  	s9 =	sor.u32 $0xD0000000, s2;
	s6 =	simm.s32 $0x108;
	_ =	swait.ge @!p0 [sflag:s8], $0x0  }
0x24: {  	s3 =	sadd.s32 $0x88, s3;
	s6 =	simm.s32 @!p1 $0x1082;
	[sflag:s4] =	ssyncset.s32 $0xFFFFF086  }
0x25: {  	[simem:s6], [sflag:s4] =	dma.local [hbm:s3], $0xF7A  }
0x26: {  	[smem:$0x3F9D] =	sst s1;
	(tag) =	ssettag s2;
	_ =	strace s9  }
0x27: {  	s1 =	sld [smem:$0x3FAD]  }
0x28: {  	s2 =	sld [smem:$0x3FAE]  }
0x29: {  	s4 =	sld [smem:$0x3FB0]  }
0x2a: {  	p0 =	seq.s32 s5, $0x0;
	s5 =	sld [smem:$0x3FB1]  }
0x2b: {  	s6 =	sld [smem:$0x3FB2]  }
0x2c: {  	s7 =	sld [smem:$0x3FB3]  }
0x2d: {  	s3 =	simm.s32 $0x108;
	s8 =	sld [smem:$0x3FB4]  }
0x2e: {  	s3 =	simm.s32 @!p0 $0x1082;
	s9 =	sld [smem:$0x3FB5]  }
0x2f: {  	lr =	sadd.s32 s0, s3;
	s0 =	sld [smem:$0x3FAC]  }
0x30: {  	s3 =	sld [smem:$0x3FAF]  }
0x31: {  	[smem:$0x3FB8] =	sst s10  }
0x32: {  	s10 =	sld [smem:$0x3FB6];
	_ =	sdelay $0x3  }
0x33: {  	p0 =	seq.s32 s10, $0x1;
	s10 =	sld [smem:$0x3FB8];
	_ =	sdelay $0x3  }
0x34: {  	[smem:$0x3FB8] =	sst s10  }
0x35: {  	s10 =	sld [smem:$0x3FB7];
	_ =	sdelay $0x3  }
0x36: {  	p1 =	seq.s32 s10, $0x1;
	s10 =	sld [smem:$0x3FB8];
	_ =	sdelay $0x3  }
0x37: {  	[smem:$0x3FB8] =	sst s10  }
0x38: {  	s10 =	sld [smem:$0x3FB9]  }
0x39: {  	_ = 	snop;
	(pc) =	sbr.ind lr, $3  }
0x3a: {  	_ = 	snop  }
0x3b: {  	_ = 	snop  }
0x3c: {  	p2 =	seq.s32 s10, $0x1;
	s10 =	sld [smem:$0x3FB8]  }
0x3d: {  	_ =	shalt  }
0x3e: {  	_ =	shalt  }
0x3f: {  	_ =	shalt  }
0x40: {  	_ =	shalt  }
0x41: {  	_ =	shalt  }
0x42: {  	_ =	shalt  }
0x43: {  	_ =	shalt  }
0x44: {  	_ =	shalt  }
0x45: {  	_ =	shalt  }
0x46: {  	_ =	shalt  }
0x47: {  	_ =	shalt  }
0x48: {  	_ =	shalt  }
0x49: {  	_ =	shalt  }
0x4a: {  	_ =	shalt  }
0x4b: {  	_ =	shalt  }
0x4c: {  	_ =	shalt  }
0x4d: {  	_ =	shalt  }
0x4e: {  	_ =	shalt  }
0x4f: {  	_ =	shalt  }
0x50: {  	_ =	shalt  }
0x51: {  	_ =	shalt  }
0x52: {  	_ =	shalt  }
0x53: {  	_ =	shalt  }
0x54: {  	_ =	shalt  }
0x55: {  	_ =	shalt  }
0x56: {  	_ =	shalt  }
0x57: {  	_ =	shalt  }
0x58: {  	_ =	shalt  }
0x59: {  	_ =	shalt  }
0x5a: {  	_ =	shalt  }
0x5b: {  	_ =	shalt  }
0x5c: {  	_ =	shalt  }
0x5d: {  	_ =	shalt  }
0x5e: {  	_ =	shalt  }
0x5f: {  	_ =	shalt  }
0x60: {  	_ =	shalt  }
0x61: {  	_ =	shalt  }
0x62: {  	_ =	shalt  }
0x63: {  	_ =	shalt  }
0x64: {  	_ =	shalt  }
0x65: {  	_ =	shalt  }
0x66: {  	_ =	shalt  }
0x67: {  	_ =	shalt  }
0x68: {  	_ =	shalt  }
0x69: {  	_ =	shalt  }
0x6a: {  	_ =	shalt  }
0x6b: {  	_ =	shalt  }
0x6c: {  	_ =	shalt  }
0x6d: {  	_ =	shalt  }
0x6e: {  	_ =	shalt  }
0x6f: {  	_ =	shalt  }
0x70: {  	_ =	shalt  }
0x71: {  	_ =	shalt  }
0x72: {  	_ =	shalt  }
0x73: {  	_ =	shalt  }
0x74: {  	_ =	shalt  }
0x75: {  	_ =	shalt  }
0x76: {  	_ =	shalt  }
0x77: {  	_ =	shalt  }
0x78: {  	_ =	shalt  }
0x79: {  	_ =	shalt  }
0x7a: {  	_ =	shalt  }
0x7b: {  	_ =	shalt  }
0x7c: {  	_ =	shalt  }
0x7d: {  	_ =	shalt  }
0x7e: {  	_ =	shalt  }
0x7f: {  	_ =	shalt  }
0x80: {  	_ =	shalt  }
0x81: {  	_ =	shalt  }
0x82: {  	_ =	shalt  }
0x83: {  	_ =	shalt  }
0x84: {  	_ =	shalt  }
0x85: {  	_ =	shalt  }
0x86: {  	_ =	shalt  }
0x87: {  	_ =	shalt  }
.Lfunc_end0:
.L_simem_size_0:
called_computation.3_lowered:
.L_overlay_start_0:
0x88: {  	s2 =	sld [smem:$0x3FD9]  }
0x89: {  	s3 =	sld [smem:$0x3FFE];
	_ =	sdelay $0x1  }
0x8a: {  	s1 =	srdreg.scid  }
0x8b: {  	s0 =	sand.u32 $0x1, s1  }
0x8c: {  	s16 =	sshll.u32 s0, $0xA;
	s2 =	sadd.s32 s3, s2  }
0x8d: {  	s2 =	sadd.s32 s2, s16  }
0x8e: {  	[smem:$0x3FC4] =	sst s2  }
0x8f: {  	_ = 	snop  }
0x90: {  	(tm) =	ssettm $0x1  }
0x91: {  	s17 =	sld [smem:$0x3FFB];
	_ =	sdelay $0x3  }
0x92: {  	_ =	strace s17  }
0x93: {  	s2 =	sld [smem:$0x3FFC];
	_ =	sdelay $0x3  }
0x94: {  	_ =	strace s2  }
0x95: {  	s2 =	sld [smem:$0x3FFD];
	_ =	sdelay $0x3  }
0x96: {  	_ =	strace s2  }
0x97: {  	_ =	strace $0x8FFFFFFF  }
0x98: {  	s18 =	sld [smem:$0x3FDB];
	_ =	sdelay $0x1  }
0x99: {  	s19 =	simm.s32 $_scs_section_size  }
0x9a: {  	s4 =	simm.s32 $_size__tile_overlayer_lowered;
	s5 =	simm.s32 $_tile_overlayer_lowered  }
0x9b: {  	s22 =	simm.s32 $0x1BFF;
	s21 =	sshll.u32 s5, $0x1;
	s2 =	sadd.s32 s19, s18  }
0x9c: {  	s6 =	simm.s32 $0x0;
	s20 =	sshll.u32 s4, $0x1;
	s4 =	sadd.s32 s21, s2  }
0x9d: {  	[timem:s6], [sflag:s22] =	dma.local [hbm:s4], s20  }
0x9e: {  	_ =	swait.ge [sflag:s22], s20  }
0x9f: {  	s3 =	ssub.s32 $0x0, s20;
	[sflag:s22] =	ssyncset.done $0x0  }
0xa0: {  	[sflag:s22] =	ssyncadd.s32 s3;
	_ =	sdelay $0x1  }
0xa1: {  	s23 =	simm.s32 $0x1B8B  }
0xa2: {  	_ =	swait.ge [sflag:s23], $0x1  }
0xa3: {  	[sflag:s23] =	ssyncset.done $0x0  }
0xa4: {  	s25 =	simm.s32 $0x1B8E;
	s24 =	sld [smem:$0x3FFE];
	[sflag:s23] =	ssyncadd.s32 $0xFFFFFFFF  }
0xa5: {  	s26 =	simm.s32 $execute0_lowered;
	[smem:$0x3FD2] =	sst s25  }
0xa6: {  	s4 =	sshll.u32 s26, $0x1;
	_ =	strace $0x8000004F;
	[dreg:$0x1] =	wrdreg $0xFFFFFFFF  }
0xa7: {  	s28 =	simm.s32 $_size_execute0_lowered;
	s2 =	sadd.s32 s2, s4;
	[dreg:$0x0] =	wrdreg $0x0  }
0xa8: {  	s4 =	sshll.u32 s28, $0x1;
	[dreg:$0x2] =	wrdreg s2  }
0xa9: {  	[dreg:$0x3] =	wrdreg s4  }
0xaa: {  	[dreg:$0x4] =	wrdreg $0xC0  }
0xab: {  	_ =	task [dreg:s6], $0x5FFFF  }
0xac: {  	[dreg:$0x1] =	wrdreg $0xFFFFFFFF  }
0xad: {  	[dreg:$0x0] =	wrdreg $0x60  }
0xae: {  	[dreg:$0x2] =	wrdreg s24  }
0xaf: {  	[dreg:$0x3] =	wrdreg $0x9  }
0xb0: {  	_ =	task.clear_ibuf [dreg:s6], $0x4FFFF;
	_ =	strace $0x9000004F  }
0xb1: {  	s29 =	simm.s32 $0x9;
	_ =	strace $0x80000051  }
0xb2: {  	_ =	swait.ge [sflag:s29], $0x1  }
0xb3: {  	[sflag:s29] =	ssyncadd.s32 $0xFFFFFFFF  }
0xb4: {  	_ =	strace $0x90000051  }
0xb5: {  	_ =	sfence  }
0xb6: {  	s30 =	sld [smem:$0x0];
	_ =	sdelay $0x2  }
0xb7: {  	s31 =	sshll.u32 s1, $0xD;
	s1 =	sshrl.u32 s1, $0x2  }
0xb8: {  	s3 =	sand.u32 $0x4000, s31;
	s1 =	sadd.s32 s1, s30  }
0xb9: {  	s0 =	sor.u32 s3, s0;
	s1 =	sshll.u32 s1, $0x11  }
0xba: {  	s0 =	sor.u32 s1, s0  }
0xbb: {  	s0 =	sadd.s32 $0x8F2B, s0  }
0xbc: {  	[sflag:s0] =	ssyncadd.remote.s32 $0x1  }
0xbd: {  	_ =	sfence.sel $0xFFFF  }
0xbe: {  	[dreg:$0x0] =	wrdreg $0xFFFFFFFF;
	(pc) =	sbr.abs _section_cstart, $3  }
0xbf: {  	[dreg:$0x1] =	wrdreg $0xFFFFFFFF  }
0xc0: {  	_ =	task.clear_ibuf [dreg:s6], $0x2FFFF;
	_ =	strace $0x9FFFFFFF  }
0xc1: {  	(tm) =	ssettm $0x7FFFFFFF  }
tec
execute0_lowered:
.L_overlay_start_1:
0x0: {  	(tag) =	ssettag $0x1  }
0x1: {  	s4 =	rddreg [dreg:$0x0];
	s3 =	srdreg.scid  }
0x2: {  	s2 =	simm.s32 $0x0;
	s1 =	stileid.u32;
	s15 =	simm.s32 $0x880  }
0x3: {  	s16 =	simm.s32 $0x1080;
	s17 =	simm.s32 $0x1880;
	s18 =	simm.s32 $0x2080  }
0x4: {  	s19 =	simm.s32 $0x2880;
	s20 =	simm.s32 $0x3080;
	s28 =	simm.s32 $0x6880  }
0x5: {  	s29 =	simm.s32 $0x7080;
	s30 =	simm.s32 $0x7880;
	s31 =	simm.s32 $0x1  }
0x6: {  	s5 =	sand.u32 $0x1, s3;
	[smem:$0x7FF] =	sst s2;
	s6 =	sshll.u32 s1, $0x9  }
0x7: {  	s3 =	sadd.s32 $0x1AEE00, s4;
	s10 =	sadd.s32 $0xB600, s4;
	s11 =	sadd.s32 $0x4F400, s4  }
0x8: {  	s4 =	sadd.s32 $0x1AEF00, s4;
	s7 =	sshll.u32 s5, $0x8;
	s5 =	ssub.s32 $0x2, s5  }
0x9: {  	_ =	strace $0x80000050;
	s9 =	sor.u32 s7, s6;
	s21 =	sshrl.u32 s5, $0x1  }
0xa: {  	s6 =	sshrl.u32 s9, $0x3;
	s12 =	ssub.s32 s5, s21;
	s22 =	sshll.u32 s9, $0x6  }
0xb: {  	s23 =	sor.u32 $0x40, s9;
	s13 =	sor.u32 $0x80, s9;
	s14 =	sor.u32 $0xC0, s9  }
0xc: {  	s21 =	simm.s32 $0x3880;
	s6 =	sadd.s32 s10, s6;
	s5 =	sadd.s32 s11, s22  }
0xd: {  	s24 =	sshrl.u32 s23, $0x3;
	s8 =	sshll.u32 s23, $0x6;
	s25 =	sshrl.u32 s13, $0x3  }
0xe: {  	s13 =	sshll.u32 s13, $0x6;
	s26 =	sshrl.u32 s14, $0x3;
	s14 =	sshll.u32 s14, $0x6  }
0xf: {  	s12 =	smax.u32 s12, $0x1;
	s22 =	simm.s32 $0x4080;
	s23 =	simm.s32 $0x4880  }
0x10: {  	[dreg:$0x2] =	wrdreg s6;
	s6 =	sadd.s32 s10, s24;
	s7 =	sadd.s32 s11, s8  }
0x11: {  	v2 =	vlaneseq.u32;
	s8 =	sadd.s32 s10, s25;
	s9 =	sadd.s32 s11, s13;
	s10 =	sadd.s32 s10, s26  }
0x12: {  	vm0 =	vmmov $0xffff;
	v1 =	vshrl.u32 v2, $0x3;
	s11 =	sadd.s32 s11, s14;
	s13 =	simm.s32 $0x2;
	s14 =	simm.s32 $0x80  }
0x13: {  	v0 =	vand.u32 $0x7, v2;
	v2 =	vor.u32 $0x8, v2;
	v1 =	vmul.u32 $0x8, v1;
	s24 =	simm.s32 $0x5080;
	s25 =	simm.s32 $0x5880;
	s26 =	simm.s32 $0x6080  }
.LBB2_1:
0x14: {  	s0 =	rddreg [dreg:$0x2]  }
0x15: {  	[tilespmem:s2], [sflag:$0x2] =	stream.linear.gather [hbm4b:s0+s2], $0x40, $0x38;
	[tilespmem:$0x8080] =	vst v63  }
0x16: {  	_ =	swait.ge [sflag:s13], $0x40  }
0x17: {  	[sflag:s13] =	ssyncset.done $0x0  }
0x18: {  	[sflag:s13] =	ssyncadd.s32 $0xFFFFFFC0  }
0x19: {  	v3 =	vld [tilespmem:$0x0];
	_ =	sdelay $0x4  }
0x1a: {  	v4 =	vshll.u32 v3, $0x2  }
0x1b: {  	v3 =	vand.u32 $0x7, v3;
	v4 =	vand.u32 $0xFFFFFFE0, v4  }
0x1c: {  	v3 =	vor.u32 v3, v4  }
0x1d: {  	v4 =	vperm.xlane v3, v0;
	_ =	sdelay $0x1  }
0x1e: {  	v4 =	vadd.s32 v1, v4;
	_ =	sdelay $0x1  }
0x1f: {  	v3 =	vperm.xlane v3, v2;
	_ =	sdelay $0x1  }
0x20: {  	v3 =	vadd.s32 v1, v3  }
0x21: {  	[tilespmem:s14], [sflag:$0x1] =	stream.indirect_vreg.gather [hbm4b:s3+s2], $0x80, v4, vm0, $0xb8;
	[tilespmem:$0x8080] =	vst v63  }
0x22: {  	_ = 	snop  }
0x23: {  	[tilespmem:s15], [sflag:$0x1] =	stream.indirect_vreg.gather [hbm4b:s4+s2], $0x80, v4, vm0, $0xb8;
	[tilespmem:$0x8080] =	vst v63  }
0x24: {  	_ = 	snop  }
0x25: {  	[tilespmem:s16], [sflag:$0x1] =	stream.indirect_vreg.gather [hbm4b:s3+s2], $0x80, v3, vm0, $0xb8;
	[tilespmem:$0x8080] =	vst v63  }
0x26: {  	_ = 	snop  }
0x27: {  	[tilespmem:s17], [sflag:$0x1] =	stream.indirect_vreg.gather [hbm4b:s4+s2], $0x80, v3, vm0, $0xb8;
	[tilespmem:$0x8080] =	vst v63  }
0x28: {  	v3 =	vld [tilespmem:$0x10];
	_ =	sdelay $0x4  }
0x29: {  	v49 =	vshll.u32 v3, $0x2  }
0x2a: {  	v3 =	vand.u32 $0x7, v3;
	v4 =	vand.u32 $0xFFFFFFE0, v49  }
0x2b: {  	v3 =	vor.u32 v3, v4  }
0x2c: {  	v4 =	vperm.xlane v3, v0;
	_ =	sdelay $0x1  }
0x2d: {  	v4 =	vadd.s32 v1, v4;
	_ =	sdelay $0x1  }
0x2e: {  	v3 =	vperm.xlane v3, v2;
	_ =	sdelay $0x1  }
0x2f: {  	v3 =	vadd.s32 v1, v3  }
0x30: {  	[tilespmem:s18], [sflag:$0x1] =	stream.indirect_vreg.gather [hbm4b:s3+s2], $0x80, v4, vm0, $0xb8;
	[tilespmem:$0x8080] =	vst v63  }
0x31: {  	_ = 	snop  }
0x32: {  	[tilespmem:s19], [sflag:$0x1] =	stream.indirect_vreg.gather [hbm4b:s4+s2], $0x80, v4, vm0, $0xb8;
	[tilespmem:$0x8080] =	vst v63  }
0x33: {  	_ = 	snop  }
0x34: {  	[tilespmem:s20], [sflag:$0x1] =	stream.indirect_vreg.gather [hbm4b:s3+s2], $0x80, v3, vm0, $0xb8;
	[tilespmem:$0x8080] =	vst v63  }
0x35: {  	_ = 	snop  }
0x36: {  	[tilespmem:s21], [sflag:$0x1] =	stream.indirect_vreg.gather [hbm4b:s4+s2], $0x80, v3, vm0, $0xb8;
	[tilespmem:$0x8080] =	vst v63  }
0x37: {  	v3 =	vld [tilespmem:$0x20];
	_ =	sdelay $0x4  }
0x38: {  	v50 =	vshll.u32 v3, $0x2  }
0x39: {  	v3 =	vand.u32 $0x7, v3;
	v4 =	vand.u32 $0xFFFFFFE0, v50  }
0x3a: {  	v3 =	vor.u32 v3, v4  }
0x3b: {  	v4 =	vperm.xlane v3, v0;
	_ =	sdelay $0x1  }
0x3c: {  	v4 =	vadd.s32 v1, v4;
	_ =	sdelay $0x1  }
0x3d: {  	v3 =	vperm.xlane v3, v2;
	_ =	sdelay $0x1  }
0x3e: {  	v3 =	vadd.s32 v1, v3  }
0x3f: {  	[tilespmem:s22], [sflag:$0x1] =	stream.indirect_vreg.gather [hbm4b:s3+s2], $0x80, v4, vm0, $0xb8;
	[tilespmem:$0x8080] =	vst v63  }
0x40: {  	_ = 	snop  }
0x41: {  	[tilespmem:s23], [sflag:$0x1] =	stream.indirect_vreg.gather [hbm4b:s4+s2], $0x80, v4, vm0, $0xb8;
	[tilespmem:$0x8080] =	vst v63  }
0x42: {  	_ = 	snop  }
0x43: {  	[tilespmem:s24], [sflag:$0x1] =	stream.indirect_vreg.gather [hbm4b:s3+s2], $0x80, v3, vm0, $0xb8;
	[tilespmem:$0x8080] =	vst v63  }
0x44: {  	_ = 	snop  }
0x45: {  	[tilespmem:s25], [sflag:$0x1] =	stream.indirect_vreg.gather [hbm4b:s4+s2], $0x80, v3, vm0, $0xb8;
	[tilespmem:$0x8080] =	vst v63  }
0x46: {  	v3 =	vld [tilespmem:$0x30];
	_ =	sdelay $0x4  }
0x47: {  	v51 =	vshll.u32 v3, $0x2  }
0x48: {  	v3 =	vand.u32 $0x7, v3;
	v4 =	vand.u32 $0xFFFFFFE0, v51  }
0x49: {  	v3 =	vor.u32 v3, v4  }
0x4a: {  	v4 =	vperm.xlane v3, v0;
	_ =	sdelay $0x1  }
0x4b: {  	v4 =	vadd.s32 v1, v4;
	_ =	sdelay $0x1  }
0x4c: {  	v3 =	vperm.xlane v3, v2;
	_ =	sdelay $0x1  }
0x4d: {  	v3 =	vadd.s32 v1, v3  }
0x4e: {  	[tilespmem:s26], [sflag:$0x1] =	stream.indirect_vreg.gather [hbm4b:s3+s2], $0x80, v4, vm0, $0xb8;
	[tilespmem:$0x8080] =	vst v63  }
0x4f: {  	_ = 	snop  }
0x50: {  	[tilespmem:s28], [sflag:$0x1] =	stream.indirect_vreg.gather [hbm4b:s4+s2], $0x80, v4, vm0, $0xb8;
	[tilespmem:$0x8080] =	vst v63  }
0x51: {  	_ = 	snop  }
0x52: {  	[tilespmem:s29], [sflag:$0x1] =	stream.indirect_vreg.gather [hbm4b:s3+s2], $0x80, v3, vm0, $0xb8;
	[tilespmem:$0x8080] =	vst v63  }
0x53: {  	_ = 	snop  }
0x54: {  	[tilespmem:s30], [sflag:$0x1] =	stream.indirect_vreg.gather [hbm4b:s4+s2], $0x80, v3, vm0, $0xb8;
	[tilespmem:$0x8080] =	vst v63  }
0x55: {  	_ =	swait.ge [sflag:s31], $0x8000  }
0x56: {  	[sflag:s31] =	ssyncset.done $0x0  }
0x57: {  	[sflag:s31] =	ssyncadd.s32 $0xFFFF8000  }
0x58: {  	[hbm4b:s5+s2] =	stream.linear.scatter [tilespmem:s14], [sflag:$0x2], $0x8000, $0x38;
	[tilespmem:$0x8080] =	vst v63  }
0x59: {  	_ =	swait.ge [sflag:s13], $0x8000  }
0x5a: {  	[sflag:s13] =	ssyncset.done $0x0  }
0x5b: {  	[sflag:s13] =	ssyncadd.s32 $0xFFFF8000  }
0x5c: {  	[tilespmem:s2], [sflag:$0x2] =	stream.linear.gather [hbm4b:s6+s2], $0x40, $0x38;
	[tilespmem:$0x8080] =	vst v63  }
0x5d: {  	_ =	swait.ge [sflag:s13], $0x40  }
0x5e: {  	[sflag:s13] =	ssyncset.done $0x0  }
0x5f: {  	[sflag:s13] =	ssyncadd.s32 $0xFFFFFFC0  }
0x60: {  	v3 =	vld [tilespmem:$0x0];
	_ =	sdelay $0x4  }
0x61: {  	v52 =	vshll.u32 v3, $0x2  }
0x62: {  	v3 =	vand.u32 $0x7, v3;
	v4 =	vand.u32 $0xFFFFFFE0, v52  }
0x63: {  	v3 =	vor.u32 v3, v4  }
0x64: {  	v4 =	vperm.xlane v3, v0;
	_ =	sdelay $0x1  }
0x65: {  	v4 =	vadd.s32 v1, v4;
	_ =	sdelay $0x1  }
0x66: {  	v3 =	vperm.xlane v3, v2;
	_ =	sdelay $0x1  }
0x67: {  	v3 =	vadd.s32 v1, v3  }
0x68: {  	[tilespmem:s14], [sflag:$0x1] =	stream.indirect_vreg.gather [hbm4b:s3+s2], $0x80, v4, vm0, $0xb8;
	[tilespmem:$0x8080] =	vst v63  }
0x69: {  	_ = 	snop  }
0x6a: {  	[tilespmem:s15], [sflag:$0x1] =	stream.indirect_vreg.gather [hbm4b:s4+s2], $0x80, v4, vm0, $0xb8;
	[tilespmem:$0x8080] =	vst v63  }
0x6b: {  	_ = 	snop  }
0x6c: {  	[tilespmem:s16], [sflag:$0x1] =	stream.indirect_vreg.gather [hbm4b:s3+s2], $0x80, v3, vm0, $0xb8;
	[tilespmem:$0x8080] =	vst v63  }
0x6d: {  	_ = 	snop  }
0x6e: {  	[tilespmem:s17], [sflag:$0x1] =	stream.indirect_vreg.gather [hbm4b:s4+s2], $0x80, v3, vm0, $0xb8;
	[tilespmem:$0x8080] =	vst v63  }
0x6f: {  	v3 =	vld [tilespmem:$0x10];
	_ =	sdelay $0x4  }
0x70: {  	v53 =	vshll.u32 v3, $0x2  }
0x71: {  	v3 =	vand.u32 $0x7, v3;
	v4 =	vand.u32 $0xFFFFFFE0, v53  }
0x72: {  	v3 =	vor.u32 v3, v4  }
0x73: {  	v4 =	vperm.xlane v3, v0;
	_ =	sdelay $0x1  }
0x74: {  	v4 =	vadd.s32 v1, v4;
	_ =	sdelay $0x1  }
0x75: {  	v3 =	vperm.xlane v3, v2;
	_ =	sdelay $0x1  }
0x76: {  	v3 =	vadd.s32 v1, v3  }
0x77: {  	[tilespmem:s18], [sflag:$0x1] =	stream.indirect_vreg.gather [hbm4b:s3+s2], $0x80, v4, vm0, $0xb8;
	[tilespmem:$0x8080] =	vst v63  }
0x78: {  	_ = 	snop  }
0x79: {  	[tilespmem:s19], [sflag:$0x1] =	stream.indirect_vreg.gather [hbm4b:s4+s2], $0x80, v4, vm0, $0xb8;
	[tilespmem:$0x8080] =	vst v63  }
0x7a: {  	_ = 	snop  }
0x7b: {  	[tilespmem:s20], [sflag:$0x1] =	stream.indirect_vreg.gather [hbm4b:s3+s2], $0x80, v3, vm0, $0xb8;
	[tilespmem:$0x8080] =	vst v63  }
0x7c: {  	_ = 	snop  }
0x7d: {  	[tilespmem:s21], [sflag:$0x1] =	stream.indirect_vreg.gather [hbm4b:s4+s2], $0x80, v3, vm0, $0xb8;
	[tilespmem:$0x8080] =	vst v63  }
0x7e: {  	v3 =	vld [tilespmem:$0x20];
	_ =	sdelay $0x4  }
0x7f: {  	v54 =	vshll.u32 v3, $0x2  }
0x80: {  	v3 =	vand.u32 $0x7, v3;
	v4 =	vand.u32 $0xFFFFFFE0, v54  }
0x81: {  	v3 =	vor.u32 v3, v4  }
0x82: {  	v4 =	vperm.xlane v3, v0;
	_ =	sdelay $0x1  }
0x83: {  	v4 =	vadd.s32 v1, v4;
	_ =	sdelay $0x1  }
0x84: {  	v3 =	vperm.xlane v3, v2;
	_ =	sdelay $0x1  }
0x85: {  	v3 =	vadd.s32 v1, v3  }
0x86: {  	[tilespmem:s22], [sflag:$0x1] =	stream.indirect_vreg.gather [hbm4b:s3+s2], $0x80, v4, vm0, $0xb8;
	[tilespmem:$0x8080] =	vst v63  }
0x87: {  	_ = 	snop  }
0x88: {  	[tilespmem:s23], [sflag:$0x1] =	stream.indirect_vreg.gather [hbm4b:s4+s2], $0x80, v4, vm0, $0xb8;
	[tilespmem:$0x8080] =	vst v63  }
0x89: {  	_ = 	snop  }
0x8a: {  	[tilespmem:s24], [sflag:$0x1] =	stream.indirect_vreg.gather [hbm4b:s3+s2], $0x80, v3, vm0, $0xb8;
	[tilespmem:$0x8080] =	vst v63  }
0x8b: {  	_ = 	snop  }
0x8c: {  	[tilespmem:s25], [sflag:$0x1] =	stream.indirect_vreg.gather [hbm4b:s4+s2], $0x80, v3, vm0, $0xb8;
	[tilespmem:$0x8080] =	vst v63  }
0x8d: {  	v3 =	vld [tilespmem:$0x30];
	_ =	sdelay $0x4  }
0x8e: {  	v55 =	vshll.u32 v3, $0x2  }
0x8f: {  	v3 =	vand.u32 $0x7, v3;
	v4 =	vand.u32 $0xFFFFFFE0, v55  }
0x90: {  	v3 =	vor.u32 v3, v4  }
0x91: {  	v4 =	vperm.xlane v3, v0;
	_ =	sdelay $0x1  }
0x92: {  	v4 =	vadd.s32 v1, v4;
	_ =	sdelay $0x1  }
0x93: {  	v3 =	vperm.xlane v3, v2;
	_ =	sdelay $0x1  }
0x94: {  	v3 =	vadd.s32 v1, v3  }
0x95: {  	[tilespmem:s26], [sflag:$0x1] =	stream.indirect_vreg.gather [hbm4b:s3+s2], $0x80, v4, vm0, $0xb8;
	[tilespmem:$0x8080] =	vst v63  }
0x96: {  	_ = 	snop  }
0x97: {  	[tilespmem:s28], [sflag:$0x1] =	stream.indirect_vreg.gather [hbm4b:s4+s2], $0x80, v4, vm0, $0xb8;
	[tilespmem:$0x8080] =	vst v63  }
0x98: {  	_ = 	snop  }
0x99: {  	[tilespmem:s29], [sflag:$0x1] =	stream.indirect_vreg.gather [hbm4b:s3+s2], $0x80, v3, vm0, $0xb8;
	[tilespmem:$0x8080] =	vst v63  }
0x9a: {  	_ = 	snop  }
0x9b: {  	[tilespmem:s30], [sflag:$0x1] =	stream.indirect_vreg.gather [hbm4b:s4+s2], $0x80, v3, vm0, $0xb8;
	[tilespmem:$0x8080] =	vst v63  }
0x9c: {  	_ =	swait.ge [sflag:s31], $0x8000  }
0x9d: {  	[sflag:s31] =	ssyncset.done $0x0  }
0x9e: {  	[sflag:s31] =	ssyncadd.s32 $0xFFFF8000  }
0x9f: {  	[hbm4b:s7+s2] =	stream.linear.scatter [tilespmem:s14], [sflag:$0x2], $0x8000, $0x38;
	[tilespmem:$0x8080] =	vst v63  }
0xa0: {  	_ =	swait.ge [sflag:s13], $0x8000  }
0xa1: {  	[sflag:s13] =	ssyncset.done $0x0  }
0xa2: {  	[sflag:s13] =	ssyncadd.s32 $0xFFFF8000  }
0xa3: {  	[tilespmem:s2], [sflag:$0x2] =	stream.linear.gather [hbm4b:s8+s2], $0x40, $0x38;
	[tilespmem:$0x8080] =	vst v63  }
0xa4: {  	_ =	swait.ge [sflag:s13], $0x40  }
0xa5: {  	[sflag:s13] =	ssyncset.done $0x0  }
0xa6: {  	[sflag:s13] =	ssyncadd.s32 $0xFFFFFFC0  }
0xa7: {  	v3 =	vld [tilespmem:$0x0];
	_ =	sdelay $0x4  }
0xa8: {  	v56 =	vshll.u32 v3, $0x2  }
0xa9: {  	v3 =	vand.u32 $0x7, v3;
	v4 =	vand.u32 $0xFFFFFFE0, v56  }
0xaa: {  	v3 =	vor.u32 v3, v4  }
0xab: {  	v4 =	vperm.xlane v3, v0;
	_ =	sdelay $0x1  }
0xac: {  	v4 =	vadd.s32 v1, v4;
	_ =	sdelay $0x1  }
0xad: {  	v3 =	vperm.xlane v3, v2;
	_ =	sdelay $0x1  }
0xae: {  	v3 =	vadd.s32 v1, v3  }
0xaf: {  	[tilespmem:s14], [sflag:$0x1] =	stream.indirect_vreg.gather [hbm4b:s3+s2], $0x80, v4, vm0, $0xb8;
	[tilespmem:$0x8080] =	vst v63  }
0xb0: {  	_ = 	snop  }
0xb1: {  	[tilespmem:s15], [sflag:$0x1] =	stream.indirect_vreg.gather [hbm4b:s4+s2], $0x80, v4, vm0, $0xb8;
	[tilespmem:$0x8080] =	vst v63  }
0xb2: {  	_ = 	snop  }
0xb3: {  	[tilespmem:s16], [sflag:$0x1] =	stream.indirect_vreg.gather [hbm4b:s3+s2], $0x80, v3, vm0, $0xb8;
	[tilespmem:$0x8080] =	vst v63  }
0xb4: {  	_ = 	snop  }
0xb5: {  	[tilespmem:s17], [sflag:$0x1] =	stream.indirect_vreg.gather [hbm4b:s4+s2], $0x80, v3, vm0, $0xb8;
	[tilespmem:$0x8080] =	vst v63  }
0xb6: {  	v3 =	vld [tilespmem:$0x10];
	_ =	sdelay $0x4  }
0xb7: {  	v57 =	vshll.u32 v3, $0x2  }
0xb8: {  	v3 =	vand.u32 $0x7, v3;
	v4 =	vand.u32 $0xFFFFFFE0, v57  }
0xb9: {  	v3 =	vor.u32 v3, v4  }
0xba: {  	v4 =	vperm.xlane v3, v0;
	_ =	sdelay $0x1  }
0xbb: {  	v4 =	vadd.s32 v1, v4;
	_ =	sdelay $0x1  }
0xbc: {  	v3 =	vperm.xlane v3, v2;
	_ =	sdelay $0x1  }
0xbd: {  	v3 =	vadd.s32 v1, v3  }
0xbe: {  	[tilespmem:s18], [sflag:$0x1] =	stream.indirect_vreg.gather [hbm4b:s3+s2], $0x80, v4, vm0, $0xb8;
	[tilespmem:$0x8080] =	vst v63  }
0xbf: {  	_ = 	snop  }
0xc0: {  	[tilespmem:s19], [sflag:$0x1] =	stream.indirect_vreg.gather [hbm4b:s4+s2], $0x80, v4, vm0, $0xb8;
	[tilespmem:$0x8080] =	vst v63  }
0xc1: {  	_ = 	snop  }
0xc2: {  	[tilespmem:s20], [sflag:$0x1] =	stream.indirect_vreg.gather [hbm4b:s3+s2], $0x80, v3, vm0, $0xb8;
	[tilespmem:$0x8080] =	vst v63  }
0xc3: {  	_ = 	snop  }
0xc4: {  	[tilespmem:s21], [sflag:$0x1] =	stream.indirect_vreg.gather [hbm4b:s4+s2], $0x80, v3, vm0, $0xb8;
	[tilespmem:$0x8080] =	vst v63  }
0xc5: {  	v3 =	vld [tilespmem:$0x20];
	_ =	sdelay $0x4  }
0xc6: {  	v58 =	vshll.u32 v3, $0x2  }
0xc7: {  	v3 =	vand.u32 $0x7, v3;
	v4 =	vand.u32 $0xFFFFFFE0, v58  }
0xc8: {  	v3 =	vor.u32 v3, v4  }
0xc9: {  	v4 =	vperm.xlane v3, v0;
	_ =	sdelay $0x1  }
0xca: {  	v4 =	vadd.s32 v1, v4;
	_ =	sdelay $0x1  }
0xcb: {  	v3 =	vperm.xlane v3, v2;
	_ =	sdelay $0x1  }
0xcc: {  	v3 =	vadd.s32 v1, v3  }
0xcd: {  	[tilespmem:s22], [sflag:$0x1] =	stream.indirect_vreg.gather [hbm4b:s3+s2], $0x80, v4, vm0, $0xb8;
	[tilespmem:$0x8080] =	vst v63  }
0xce: {  	_ = 	snop  }
0xcf: {  	[tilespmem:s23], [sflag:$0x1] =	stream.indirect_vreg.gather [hbm4b:s4+s2], $0x80, v4, vm0, $0xb8;
	[tilespmem:$0x8080] =	vst v63  }
0xd0: {  	_ = 	snop  }
0xd1: {  	[tilespmem:s24], [sflag:$0x1] =	stream.indirect_vreg.gather [hbm4b:s3+s2], $0x80, v3, vm0, $0xb8;
	[tilespmem:$0x8080] =	vst v63  }
0xd2: {  	_ = 	snop  }
0xd3: {  	[tilespmem:s25], [sflag:$0x1] =	stream.indirect_vreg.gather [hbm4b:s4+s2], $0x80, v3, vm0, $0xb8;
	[tilespmem:$0x8080] =	vst v63  }
0xd4: {  	v3 =	vld [tilespmem:$0x30];
	_ =	sdelay $0x4  }
0xd5: {  	v59 =	vshll.u32 v3, $0x2  }
0xd6: {  	v3 =	vand.u32 $0x7, v3;
	v4 =	vand.u32 $0xFFFFFFE0, v59  }
0xd7: {  	v3 =	vor.u32 v3, v4  }
0xd8: {  	v4 =	vperm.xlane v3, v0;
	_ =	sdelay $0x1  }
0xd9: {  	v4 =	vadd.s32 v1, v4;
	_ =	sdelay $0x1  }
0xda: {  	v3 =	vperm.xlane v3, v2;
	_ =	sdelay $0x1  }
0xdb: {  	v3 =	vadd.s32 v1, v3  }
0xdc: {  	[tilespmem:s26], [sflag:$0x1] =	stream.indirect_vreg.gather [hbm4b:s3+s2], $0x80, v4, vm0, $0xb8;
	[tilespmem:$0x8080] =	vst v63  }
0xdd: {  	_ = 	snop  }
0xde: {  	[tilespmem:s28], [sflag:$0x1] =	stream.indirect_vreg.gather [hbm4b:s4+s2], $0x80, v4, vm0, $0xb8;
	[tilespmem:$0x8080] =	vst v63  }
0xdf: {  	_ = 	snop  }
0xe0: {  	[tilespmem:s29], [sflag:$0x1] =	stream.indirect_vreg.gather [hbm4b:s3+s2], $0x80, v3, vm0, $0xb8;
	[tilespmem:$0x8080] =	vst v63  }
0xe1: {  	_ = 	snop  }
0xe2: {  	[tilespmem:s30], [sflag:$0x1] =	stream.indirect_vreg.gather [hbm4b:s4+s2], $0x80, v3, vm0, $0xb8;
	[tilespmem:$0x8080] =	vst v63  }
0xe3: {  	_ =	swait.ge [sflag:s31], $0x8000  }
0xe4: {  	[sflag:s31] =	ssyncset.done $0x0  }
0xe5: {  	[sflag:s31] =	ssyncadd.s32 $0xFFFF8000  }
0xe6: {  	[hbm4b:s9+s2] =	stream.linear.scatter [tilespmem:s14], [sflag:$0x2], $0x8000, $0x38;
	[tilespmem:$0x8080] =	vst v63  }
0xe7: {  	_ =	swait.ge [sflag:s13], $0x8000  }
0xe8: {  	[sflag:s13] =	ssyncset.done $0x0  }
0xe9: {  	[sflag:s13] =	ssyncadd.s32 $0xFFFF8000  }
0xea: {  	[tilespmem:s2], [sflag:$0x2] =	stream.linear.gather [hbm4b:s10+s2], $0x40, $0x38;
	[tilespmem:$0x8080] =	vst v63  }
0xeb: {  	_ =	swait.ge [sflag:s13], $0x40  }
0xec: {  	[sflag:s13] =	ssyncset.done $0x0  }
0xed: {  	[sflag:s13] =	ssyncadd.s32 $0xFFFFFFC0  }
0xee: {  	v3 =	vld [tilespmem:$0x0];
	_ =	sdelay $0x4  }
0xef: {  	v60 =	vshll.u32 v3, $0x2  }
0xf0: {  	v3 =	vand.u32 $0x7, v3;
	v4 =	vand.u32 $0xFFFFFFE0, v60  }
0xf1: {  	v3 =	vor.u32 v3, v4  }
0xf2: {  	v4 =	vperm.xlane v3, v0;
	_ =	sdelay $0x1  }
0xf3: {  	v4 =	vadd.s32 v1, v4;
	_ =	sdelay $0x1  }
0xf4: {  	v3 =	vperm.xlane v3, v2;
	_ =	sdelay $0x1  }
0xf5: {  	v3 =	vadd.s32 v1, v3  }
0xf6: {  	[tilespmem:s14], [sflag:$0x1] =	stream.indirect_vreg.gather [hbm4b:s3+s2], $0x80, v4, vm0, $0xb8;
	[tilespmem:$0x8080] =	vst v63  }
0xf7: {  	_ = 	snop  }
0xf8: {  	[tilespmem:s15], [sflag:$0x1] =	stream.indirect_vreg.gather [hbm4b:s4+s2], $0x80, v4, vm0, $0xb8;
	[tilespmem:$0x8080] =	vst v63  }
0xf9: {  	_ = 	snop  }
0xfa: {  	[tilespmem:s16], [sflag:$0x1] =	stream.indirect_vreg.gather [hbm4b:s3+s2], $0x80, v3, vm0, $0xb8;
	[tilespmem:$0x8080] =	vst v63  }
0xfb: {  	_ = 	snop  }
0xfc: {  	[tilespmem:s17], [sflag:$0x1] =	stream.indirect_vreg.gather [hbm4b:s4+s2], $0x80, v3, vm0, $0xb8;
	[tilespmem:$0x8080] =	vst v63  }
0xfd: {  	v3 =	vld [tilespmem:$0x10];
	_ =	sdelay $0x4  }
0xfe: {  	v61 =	vshll.u32 v3, $0x2  }
0xff: {  	v3 =	vand.u32 $0x7, v3;
	v4 =	vand.u32 $0xFFFFFFE0, v61  }
0x100: {  	v3 =	vor.u32 v3, v4  }
0x101: {  	v4 =	vperm.xlane v3, v0;
	_ =	sdelay $0x1  }
0x102: {  	v4 =	vadd.s32 v1, v4;
	_ =	sdelay $0x1  }
0x103: {  	v3 =	vperm.xlane v3, v2;
	_ =	sdelay $0x1  }
0x104: {  	v3 =	vadd.s32 v1, v3  }
0x105: {  	[tilespmem:s18], [sflag:$0x1] =	stream.indirect_vreg.gather [hbm4b:s3+s2], $0x80, v4, vm0, $0xb8;
	[tilespmem:$0x8080] =	vst v63  }
0x106: {  	_ = 	snop  }
0x107: {  	[tilespmem:s19], [sflag:$0x1] =	stream.indirect_vreg.gather [hbm4b:s4+s2], $0x80, v4, vm0, $0xb8;
	[tilespmem:$0x8080] =	vst v63  }
0x108: {  	_ = 	snop  }
0x109: {  	[tilespmem:s20], [sflag:$0x1] =	stream.indirect_vreg.gather [hbm4b:s3+s2], $0x80, v3, vm0, $0xb8;
	[tilespmem:$0x8080] =	vst v63  }
0x10a: {  	_ = 	snop  }
0x10b: {  	[tilespmem:s21], [sflag:$0x1] =	stream.indirect_vreg.gather [hbm4b:s4+s2], $0x80, v3, vm0, $0xb8;
	[tilespmem:$0x8080] =	vst v63  }
0x10c: {  	v3 =	vld [tilespmem:$0x20];
	_ =	sdelay $0x4  }
0x10d: {  	v62 =	vshll.u32 v3, $0x2  }
0x10e: {  	v3 =	vand.u32 $0x7, v3;
	v4 =	vand.u32 $0xFFFFFFE0, v62  }
0x10f: {  	v3 =	vor.u32 v3, v4  }
0x110: {  	v4 =	vperm.xlane v3, v0;
	_ =	sdelay $0x1  }
0x111: {  	v4 =	vadd.s32 v1, v4;
	_ =	sdelay $0x1  }
0x112: {  	v3 =	vperm.xlane v3, v2;
	_ =	sdelay $0x1  }
0x113: {  	v3 =	vadd.s32 v1, v3  }
0x114: {  	[tilespmem:s22], [sflag:$0x1] =	stream.indirect_vreg.gather [hbm4b:s3+s2], $0x80, v4, vm0, $0xb8;
	[tilespmem:$0x8080] =	vst v63  }
0x115: {  	_ = 	snop  }
0x116: {  	[tilespmem:s23], [sflag:$0x1] =	stream.indirect_vreg.gather [hbm4b:s4+s2], $0x80, v4, vm0, $0xb8;
	[tilespmem:$0x8080] =	vst v63  }
0x117: {  	_ = 	snop  }
0x118: {  	[tilespmem:s24], [sflag:$0x1] =	stream.indirect_vreg.gather [hbm4b:s3+s2], $0x80, v3, vm0, $0xb8;
	[tilespmem:$0x8080] =	vst v63  }
0x119: {  	_ = 	snop  }
0x11a: {  	[tilespmem:s25], [sflag:$0x1] =	stream.indirect_vreg.gather [hbm4b:s4+s2], $0x80, v3, vm0, $0xb8;
	[tilespmem:$0x8080] =	vst v63  }
0x11b: {  	v3 =	vld [tilespmem:$0x30];
	_ =	sdelay $0x4  }
0x11c: {  	v63 =	vshll.u32 v3, $0x2  }
0x11d: {  	v3 =	vand.u32 $0x7, v3;
	v4 =	vand.u32 $0xFFFFFFE0, v63  }
0x11e: {  	v3 =	vor.u32 v3, v4  }
0x11f: {  	v4 =	vperm.xlane v3, v0;
	_ =	sdelay $0x1  }
0x120: {  	v4 =	vadd.s32 v1, v4;
	_ =	sdelay $0x1  }
0x121: {  	v3 =	vperm.xlane v3, v2;
	_ =	sdelay $0x1  }
0x122: {  	v3 =	vadd.s32 v1, v3  }
0x123: {  	[tilespmem:s26], [sflag:$0x1] =	stream.indirect_vreg.gather [hbm4b:s3+s2], $0x80, v4, vm0, $0xb8;
	[tilespmem:$0x8080] =	vst v63  }
0x124: {  	_ = 	snop  }
0x125: {  	[tilespmem:s28], [sflag:$0x1] =	stream.indirect_vreg.gather [hbm4b:s4+s2], $0x80, v4, vm0, $0xb8;
	[tilespmem:$0x8080] =	vst v63  }
0x126: {  	_ = 	snop  }
0x127: {  	[tilespmem:s29], [sflag:$0x1] =	stream.indirect_vreg.gather [hbm4b:s3+s2], $0x80, v3, vm0, $0xb8;
	[tilespmem:$0x8080] =	vst v63  }
0x128: {  	_ = 	snop  }
0x129: {  	[tilespmem:s30], [sflag:$0x1] =	stream.indirect_vreg.gather [hbm4b:s4+s2], $0x80, v3, vm0, $0xb8;
	[tilespmem:$0x8080] =	vst v63  }
0x12a: {  	_ =	swait.ge [sflag:s31], $0x8000  }
0x12b: {  	p0 =	sne.s32 s12, $0x1;
	[sflag:s31] =	ssyncset.done $0x0  }
.Ltmp0:
0x12c: {  	[sflag:s31] =	ssyncadd.s32 $0xFFFF8000;
	(pc) =	sbr.rel @p0 .LBB2_1-.Ltmp0, $4  }
0x12d: {  	[hbm4b:s11+s2] =	stream.linear.scatter [tilespmem:s14], [sflag:$0x2], $0x8000, $0x38;
	[tilespmem:$0x8080] =	vst v63  }
0x12e: {  	_ =	swait.ge [sflag:s13], $0x8000  }
0x12f: {  	[sflag:s13] =	ssyncset.done $0x0  }
0x130: {  	s12 =	sadd.s32 $0xFFFFFFFF, s12;
	[sflag:s13] =	ssyncadd.s32 $0xFFFF8000  }
0x131: {  	_ =	sfence.sel $0x180000  }
0x132: {  	[bflag:$0x0] =	sbarrier.arrive $0xFFFF  }
0x133: {  	_ =	strace $0x90000050  }
0x134: {  	[bflag:$0x2] =	sbarrier.arrive $0xFFFF  }
0x135: {  	p0 =	sne.s32 s1, $0x0;
	s0 =	rddreg [dreg:$0x1]  }
0x136: {  	s0 =	sadd.s32 @!p0 $0x100000, s0  }
0x137: {  	[sflag:s0] =	ssyncadd.tile.s32 @!p0 $0x1;
	_ =	shalt  }
.Lfunc_end2:
_tile_overlayer_lowered:
.L_overlay_start_2:
0x138: {  	(tag) =	ssettag $0x2  }
0x139: {  	s0 =	rddreg [dreg:$0x0];
	s2 =	stileid.u32  }
0x13a: {  	s1 =	rddreg [dreg:$0x1];
	p0 =	sne.s32 s2, $0x0  }
0x13b: {  	s3 =	rddreg [dreg:$0x2];
	[bflag:$0x3] =	sbarrier.arrive $0xFFFF;
	s2 =	simm.s32 @!p0 $0x1C02  }
0x13c: {  	[timem:s3], [sflag:s2] =	dma.local @!p0 [hbm:s0], s1  }
0x13d: {  	s0 =	simm.s32 @!p0 $0x2  }
0x13e: {  	_ =	swait.ge @!p0 [sflag:s0], s1  }
0x13f: {  	s1 =	ssub.s32 @!p0 $0x0, s1;
	[sflag:s0] =	ssyncset.done @!p0 $0x0  }
0x140: {  	[sflag:s0] =	ssyncadd.s32 @!p0 s1  }
0x141: {  	[bflag:$0x3] =	sbarrier.arrive $0xFFFF  }
0x142: {  	_ =	shalt  }

// kernel: kernel.32.cloned.1.call-start
scs
__scs_entry_jumppad:
0x0: {  	(pc) =	sbr.rel $0x88, $3  }
0x1: {  	(tag) =	ssettag $0x0;
	lr =	simm.s32 $0x1  }
0x2: {  	[smem:$0x3F9D] =	sst lr;
	_ =	strace $0xD0000000  }
0x3: {  	_ = 	snop  }
0x4: {  	_ = 	snop  }
0x5: {  	_ = 	snop  }
0x6: {  	_ = 	snop  }
0x7: {  	_ = 	snop  }
__scs_overlays_trampoline_lowered:
0x8: {  	[smem:$0x3FAC] =	sst s0  }
0x9: {  	[smem:$0x3FAD] =	sst s1  }
0xa: {  	[smem:$0x3FAE] =	sst s2  }
0xb: {  	[smem:$0x3FAF] =	sst s3  }
0xc: {  	[smem:$0x3FB0] =	sst s4  }
0xd: {  	[smem:$0x3FB1] =	sst s5  }
0xe: {  	[smem:$0x3FB2] =	sst s6  }
0xf: {  	[smem:$0x3FB3] =	sst s7  }
0x10: {  	[smem:$0x3FB4] =	sst s8  }
0x11: {  	[smem:$0x3FB5] =	sst s9;
	s0 =	simm.s32 @!p0 $0x0  }
0x12: {  	s1 =	sld [smem:$0x3F9B];
	s0 =	simm.s32 @p0 $0x1  }
0x13: {  	[smem:$0x3FB6] =	sst s0;
	s0 =	simm.s32 @!p1 $0x0  }
0x14: {  	s2 =	sld [smem:$0x3F9A];
	s0 =	simm.s32 @p1 $0x1  }
0x15: {  	[smem:$0x3FB7] =	sst s0;
	s0 =	simm.s32 @!p2 $0x0  }
0x16: {  	s3 =	sld [smem:$0x3FDB];
	s0 =	simm.s32 @p2 $0x1  }
0x17: {  	s4 =	simm.s32 $0x1BF5;
	[smem:$0x3FB9] =	sst s0  }
0x18: {  	s0 =	sld [smem:$0x3F9C];
	_ =	swait.ge [sflag:s4], $0x0  }
0x19: {  	s7 =	sld [smem:$0x3F9D]  }
0x1a: {  	s8 =	sadd.s32 $0xFFFFE003, lr  }
0x1b: {  	s9 =	sadd.s32 $0xFFFFFEF7, lr;
	s5 =	simm.s32 $0xFFFFFFFF;
	p2 =	slt.u32 s8, $0xFFFFF086  }
0x1c: {  	p1 =	slt.u32 s9, $0xF7A;
	s5 =	simm.s32 @!p2 $0x0  }
0x1d: {  	s5 =	simm.s32 @p1 $0x1;
	p0 =	seq.s32 s7, s2  }
0x1e: {  	s7 =	smul.u32 @!p0 $0xF7A, s2;
	p2 =	seq.s32 @!p0 s5, $0x0  }
0x1f: {  	s9 =	smul.u32 $0xF7A, s1;
	s8 =	simm.s32 @!p0 $0x1BF5;
	p2 =	por !p2, p0  }
0x20: {  	[sflag:s8] =	ssyncset.s32 @!p0 $0xFFFFF086;
	s6 =	sadd.s32 @!p0 s3, s7;
	s7 =	simm.s32 @!p0 $0x108  }
0x21: {  	s3 =	sadd.s32 s3, s9;
	s6 =	sadd.s32 @!p0 $0x88, s6;
	s7 =	simm.s32 @p2 $0x1082  }
0x22: {  	[simem:s7], [sflag:s8] =	dma.local @!p0 [hbm:s6], $0xF7A  }
0x23: {  	s9 =	sor.u32 $0xD0000000, s2;
	s6 =	simm.s32 $0x108;
	_ =	swait.ge @!p0 [sflag:s8], $0x0  }
0x24: {  	s3 =	sadd.s32 $0x88, s3;
	s6 =	simm.s32 @!p1 $0x1082;
	[sflag:s4] =	ssyncset.s32 $0xFFFFF086  }
0x25: {  	[simem:s6], [sflag:s4] =	dma.local [hbm:s3], $0xF7A  }
0x26: {  	[smem:$0x3F9D] =	sst s1;
	(tag) =	ssettag s2;
	_ =	strace s9  }
0x27: {  	s1 =	sld [smem:$0x3FAD]  }
0x28: {  	s2 =	sld [smem:$0x3FAE]  }
0x29: {  	s4 =	sld [smem:$0x3FB0]  }
0x2a: {  	p0 =	seq.s32 s5, $0x0;
	s5 =	sld [smem:$0x3FB1]  }
0x2b: {  	s6 =	sld [smem:$0x3FB2]  }
0x2c: {  	s7 =	sld [smem:$0x3FB3]  }
0x2d: {  	s3 =	simm.s32 $0x108;
	s8 =	sld [smem:$0x3FB4]  }
0x2e: {  	s3 =	simm.s32 @!p0 $0x1082;
	s9 =	sld [smem:$0x3FB5]  }
0x2f: {  	lr =	sadd.s32 s0, s3;
	s0 =	sld [smem:$0x3FAC]  }
0x30: {  	s3 =	sld [smem:$0x3FAF]  }
0x31: {  	[smem:$0x3FB8] =	sst s10  }
0x32: {  	s10 =	sld [smem:$0x3FB6];
	_ =	sdelay $0x3  }
0x33: {  	p0 =	seq.s32 s10, $0x1;
	s10 =	sld [smem:$0x3FB8];
	_ =	sdelay $0x3  }
0x34: {  	[smem:$0x3FB8] =	sst s10  }
0x35: {  	s10 =	sld [smem:$0x3FB7];
	_ =	sdelay $0x3  }
0x36: {  	p1 =	seq.s32 s10, $0x1;
	s10 =	sld [smem:$0x3FB8];
	_ =	sdelay $0x3  }
0x37: {  	[smem:$0x3FB8] =	sst s10  }
0x38: {  	s10 =	sld [smem:$0x3FB9]  }
0x39: {  	_ = 	snop;
	(pc) =	sbr.ind lr, $3  }
0x3a: {  	_ = 	snop  }
0x3b: {  	_ = 	snop  }
0x3c: {  	p2 =	seq.s32 s10, $0x1;
	s10 =	sld [smem:$0x3FB8]  }
0x3d: {  	_ =	shalt  }
0x3e: {  	_ =	shalt  }
0x3f: {  	_ =	shalt  }
0x40: {  	_ =	shalt  }
0x41: {  	_ =	shalt  }
0x42: {  	_ =	shalt  }
0x43: {  	_ =	shalt  }
0x44: {  	_ =	shalt  }
0x45: {  	_ =	shalt  }
0x46: {  	_ =	shalt  }
0x47: {  	_ =	shalt  }
0x48: {  	_ =	shalt  }
0x49: {  	_ =	shalt  }
0x4a: {  	_ =	shalt  }
0x4b: {  	_ =	shalt  }
0x4c: {  	_ =	shalt  }
0x4d: {  	_ =	shalt  }
0x4e: {  	_ =	shalt  }
0x4f: {  	_ =	shalt  }
0x50: {  	_ =	shalt  }
0x51: {  	_ =	shalt  }
0x52: {  	_ =	shalt  }
0x53: {  	_ =	shalt  }
0x54: {  	_ =	shalt  }
0x55: {  	_ =	shalt  }
0x56: {  	_ =	shalt  }
0x57: {  	_ =	shalt  }
0x58: {  	_ =	shalt  }
0x59: {  	_ =	shalt  }
0x5a: {  	_ =	shalt  }
0x5b: {  	_ =	shalt  }
0x5c: {  	_ =	shalt  }
0x5d: {  	_ =	shalt  }
0x5e: {  	_ =	shalt  }
0x5f: {  	_ =	shalt  }
0x60: {  	_ =	shalt  }
0x61: {  	_ =	shalt  }
0x62: {  	_ =	shalt  }
0x63: {  	_ =	shalt  }
0x64: {  	_ =	shalt  }
0x65: {  	_ =	shalt  }
0x66: {  	_ =	shalt  }
0x67: {  	_ =	shalt  }
0x68: {  	_ =	shalt  }
0x69: {  	_ =	shalt  }
0x6a: {  	_ =	shalt  }
0x6b: {  	_ =	shalt  }
0x6c: {  	_ =	shalt  }
0x6d: {  	_ =	shalt  }
0x6e: {  	_ =	shalt  }
0x6f: {  	_ =	shalt  }
0x70: {  	_ =	shalt  }
0x71: {  	_ =	shalt  }
0x72: {  	_ =	shalt  }
0x73: {  	_ =	shalt  }
0x74: {  	_ =	shalt  }
0x75: {  	_ =	shalt  }
0x76: {  	_ =	shalt  }
0x77: {  	_ =	shalt  }
0x78: {  	_ =	shalt  }
0x79: {  	_ =	shalt  }
0x7a: {  	_ =	shalt  }
0x7b: {  	_ =	shalt  }
0x7c: {  	_ =	shalt  }
0x7d: {  	_ =	shalt  }
0x7e: {  	_ =	shalt  }
0x7f: {  	_ =	shalt  }
0x80: {  	_ =	shalt  }
0x81: {  	_ =	shalt  }
0x82: {  	_ =	shalt  }
0x83: {  	_ =	shalt  }
0x84: {  	_ =	shalt  }
0x85: {  	_ =	shalt  }
0x86: {  	_ =	shalt  }
0x87: {  	_ =	shalt  }
.Lfunc_end0:
.L_simem_size_0:
called_computation.4_lowered:
.L_overlay_start_0:
0x88: {  	s2 =	sld [smem:$0x3FD9]  }
0x89: {  	s3 =	sld [smem:$0x3FFE];
	_ =	sdelay $0x1  }
0x8a: {  	s1 =	srdreg.scid  }
0x8b: {  	s0 =	sand.u32 $0x1, s1  }
0x8c: {  	s16 =	sshll.u32 s0, $0xA;
	s2 =	sadd.s32 s3, s2  }
0x8d: {  	s2 =	sadd.s32 s2, s16  }
0x8e: {  	[smem:$0x3FC4] =	sst s2  }
0x8f: {  	_ = 	snop  }
0x90: {  	(tm) =	ssettm $0x1  }
0x91: {  	s17 =	sld [smem:$0x3FFB];
	_ =	sdelay $0x3  }
0x92: {  	_ =	strace s17  }
0x93: {  	s2 =	sld [smem:$0x3FFC];
	_ =	sdelay $0x3  }
0x94: {  	_ =	strace s2  }
0x95: {  	s2 =	sld [smem:$0x3FFD];
	_ =	sdelay $0x3  }
0x96: {  	_ =	strace s2  }
0x97: {  	_ =	strace $0x8FFFFFFF  }
0x98: {  	s18 =	sld [smem:$0x3FDB];
	_ =	sdelay $0x1  }
0x99: {  	s19 =	simm.s32 $_scs_section_size  }
0x9a: {  	s4 =	simm.s32 $_size__tile_overlayer_lowered;
	s5 =	simm.s32 $_tile_overlayer_lowered  }
0x9b: {  	s22 =	simm.s32 $0x1BFF;
	s21 =	sshll.u32 s5, $0x1;
	s2 =	sadd.s32 s19, s18  }
0x9c: {  	s6 =	simm.s32 $0x0;
	s20 =	sshll.u32 s4, $0x1;
	s4 =	sadd.s32 s21, s2  }
0x9d: {  	[timem:s6], [sflag:s22] =	dma.local [hbm:s4], s20  }
0x9e: {  	_ =	swait.ge [sflag:s22], s20  }
0x9f: {  	s3 =	ssub.s32 $0x0, s20;
	[sflag:s22] =	ssyncset.done $0x0  }
0xa0: {  	[sflag:s22] =	ssyncadd.s32 s3;
	_ =	sdelay $0x1  }
0xa1: {  	s23 =	simm.s32 $0x1B8B  }
0xa2: {  	_ =	swait.ge [sflag:s23], $0x1  }
0xa3: {  	[sflag:s23] =	ssyncset.done $0x0  }
0xa4: {  	s25 =	simm.s32 $0x1B8E;
	s24 =	sld [smem:$0x3FFE];
	[sflag:s23] =	ssyncadd.s32 $0xFFFFFFFF  }
0xa5: {  	s26 =	simm.s32 $execute0_lowered;
	[smem:$0x3FD2] =	sst s25  }
0xa6: {  	s4 =	sshll.u32 s26, $0x1;
	_ =	strace $0x80000052;
	[dreg:$0x1] =	wrdreg $0xFFFFFFFF  }
0xa7: {  	s28 =	simm.s32 $_size_execute0_lowered;
	s2 =	sadd.s32 s2, s4;
	[dreg:$0x0] =	wrdreg $0x0  }
0xa8: {  	s4 =	sshll.u32 s28, $0x1;
	[dreg:$0x2] =	wrdreg s2  }
0xa9: {  	[dreg:$0x3] =	wrdreg s4  }
0xaa: {  	[dreg:$0x4] =	wrdreg $0xC0  }
0xab: {  	_ =	task [dreg:s6], $0x5FFFF  }
0xac: {  	[dreg:$0x1] =	wrdreg $0xFFFFFFFF  }
0xad: {  	[dreg:$0x0] =	wrdreg $0x60  }
0xae: {  	[dreg:$0x2] =	wrdreg s24  }
0xaf: {  	[dreg:$0x3] =	wrdreg $0x9  }
0xb0: {  	_ =	task.clear_ibuf [dreg:s6], $0x4FFFF;
	_ =	strace $0x90000052  }
0xb1: {  	s29 =	simm.s32 $0x9;
	_ =	strace $0x80000054  }
0xb2: {  	_ =	swait.ge [sflag:s29], $0x1  }
0xb3: {  	[sflag:s29] =	ssyncadd.s32 $0xFFFFFFFF  }
0xb4: {  	_ =	strace $0x90000054  }
0xb5: {  	_ =	sfence  }
0xb6: {  	s30 =	sld [smem:$0x0];
	_ =	sdelay $0x2  }
0xb7: {  	s31 =	sshll.u32 s1, $0xD;
	s1 =	sshrl.u32 s1, $0x2  }
0xb8: {  	s3 =	sand.u32 $0x4000, s31;
	s1 =	sadd.s32 s1, s30  }
0xb9: {  	s0 =	sor.u32 s3, s0;
	s1 =	sshll.u32 s1, $0x11  }
0xba: {  	s0 =	sor.u32 s1, s0  }
0xbb: {  	s0 =	sadd.s32 $0x8F2B, s0  }
0xbc: {  	[sflag:s0] =	ssyncadd.remote.s32 $0x1  }
0xbd: {  	_ =	sfence.sel $0xFFFF  }
0xbe: {  	[dreg:$0x0] =	wrdreg $0xFFFFFFFF;
	(pc) =	sbr.abs _section_cstart, $3  }
0xbf: {  	[dreg:$0x1] =	wrdreg $0xFFFFFFFF  }
0xc0: {  	_ =	task.clear_ibuf [dreg:s6], $0x2FFFF;
	_ =	strace $0x9FFFFFFF  }
0xc1: {  	(tm) =	ssettm $0x7FFFFFFF  }
tec
execute0_lowered:
.L_overlay_start_1:
0x0: {  	(tag) =	ssettag $0x1  }
0x1: {  	s4 =	rddreg [dreg:$0x0];
	s3 =	srdreg.scid  }
0x2: {  	s2 =	simm.s32 $0x0;
	s1 =	stileid.u32;
	s15 =	simm.s32 $0x880  }
0x3: {  	s16 =	simm.s32 $0x1080;
	s17 =	simm.s32 $0x1880;
	s18 =	simm.s32 $0x2080  }
0x4: {  	s19 =	simm.s32 $0x2880;
	s20 =	simm.s32 $0x3080;
	s28 =	simm.s32 $0x6880  }
0x5: {  	s29 =	simm.s32 $0x7080;
	s30 =	simm.s32 $0x7880;
	s31 =	simm.s32 $0x1  }
0x6: {  	s5 =	sand.u32 $0x1, s3;
	[smem:$0x7FF] =	sst s2;
	s6 =	sshll.u32 s1, $0x9  }
0x7: {  	s3 =	sadd.s32 $0x1CEE00, s4;
	s10 =	sadd.s32 $0xBA00, s4;
	s11 =	sadd.s32 $0x4F400, s4  }
0x8: {  	s4 =	sadd.s32 $0x1CEF00, s4;
	s7 =	sshll.u32 s5, $0x8;
	s5 =	ssub.s32 $0x2, s5  }
0x9: {  	_ =	strace $0x80000053;
	s9 =	sor.u32 s7, s6;
	s21 =	sshrl.u32 s5, $0x1  }
0xa: {  	s6 =	sshrl.u32 s9, $0x3;
	s12 =	ssub.s32 s5, s21;
	s22 =	sshll.u32 s9, $0x6  }
0xb: {  	s23 =	sor.u32 $0x40, s9;
	s13 =	sor.u32 $0x80, s9;
	s14 =	sor.u32 $0xC0, s9  }
0xc: {  	s21 =	simm.s32 $0x3880;
	s6 =	sadd.s32 s10, s6;
	s5 =	sadd.s32 s11, s22  }
0xd: {  	s24 =	sshrl.u32 s23, $0x3;
	s8 =	sshll.u32 s23, $0x6;
	s25 =	sshrl.u32 s13, $0x3  }
0xe: {  	s13 =	sshll.u32 s13, $0x6;
	s26 =	sshrl.u32 s14, $0x3;
	s14 =	sshll.u32 s14, $0x6  }
0xf: {  	s12 =	smax.u32 s12, $0x1;
	s22 =	simm.s32 $0x4080;
	s23 =	simm.s32 $0x4880  }
0x10: {  	[dreg:$0x2] =	wrdreg s6;
	s6 =	sadd.s32 s10, s24;
	s7 =	sadd.s32 s11, s8  }
0x11: {  	v2 =	vlaneseq.u32;
	s8 =	sadd.s32 s10, s25;
	s9 =	sadd.s32 s11, s13;
	s10 =	sadd.s32 s10, s26  }
0x12: {  	vm0 =	vmmov $0xffff;
	v1 =	vshrl.u32 v2, $0x3;
	s11 =	sadd.s32 s11, s14;
	s13 =	simm.s32 $0x2;
	s14 =	simm.s32 $0x80  }
0x13: {  	v0 =	vand.u32 $0x7, v2;
	v2 =	vor.u32 $0x8, v2;
	v1 =	vmul.u32 $0x8, v1;
	s24 =	simm.s32 $0x5080;
	s25 =	simm.s32 $0x5880;
	s26 =	simm.s32 $0x6080  }
.LBB2_1:
0x14: {  	s0 =	rddreg [dreg:$0x2]  }
0x15: {  	[tilespmem:s2], [sflag:$0x2] =	stream.linear.gather [hbm4b:s0+s2], $0x40, $0x38;
	[tilespmem:$0x8080] =	vst v63  }
0x16: {  	_ =	swait.ge [sflag:s13], $0x40  }
0x17: {  	[sflag:s13] =	ssyncset.done $0x0  }
0x18: {  	[sflag:s13] =	ssyncadd.s32 $0xFFFFFFC0  }
0x19: {  	v3 =	vld [tilespmem:$0x0];
	_ =	sdelay $0x4  }
0x1a: {  	v4 =	vshll.u32 v3, $0x2  }
0x1b: {  	v3 =	vand.u32 $0x7, v3;
	v4 =	vand.u32 $0xFFFFFFE0, v4  }
0x1c: {  	v3 =	vor.u32 v3, v4  }
0x1d: {  	v4 =	vperm.xlane v3, v0;
	_ =	sdelay $0x1  }
0x1e: {  	v4 =	vadd.s32 v1, v4;
	_ =	sdelay $0x1  }
0x1f: {  	v3 =	vperm.xlane v3, v2;
	_ =	sdelay $0x1  }
0x20: {  	v3 =	vadd.s32 v1, v3  }
0x21: {  	[tilespmem:s14], [sflag:$0x1] =	stream.indirect_vreg.gather [hbm4b:s3+s2], $0x80, v4, vm0, $0xb8;
	[tilespmem:$0x8080] =	vst v63  }
0x22: {  	_ = 	snop  }
0x23: {  	[tilespmem:s15], [sflag:$0x1] =	stream.indirect_vreg.gather [hbm4b:s4+s2], $0x80, v4, vm0, $0xb8;
	[tilespmem:$0x8080] =	vst v63  }
0x24: {  	_ = 	snop  }
0x25: {  	[tilespmem:s16], [sflag:$0x1] =	stream.indirect_vreg.gather [hbm4b:s3+s2], $0x80, v3, vm0, $0xb8;
	[tilespmem:$0x8080] =	vst v63  }
0x26: {  	_ = 	snop  }
0x27: {  	[tilespmem:s17], [sflag:$0x1] =	stream.indirect_vreg.gather [hbm4b:s4+s2], $0x80, v3, vm0, $0xb8;
	[tilespmem:$0x8080] =	vst v63  }
0x28: {  	v3 =	vld [tilespmem:$0x10];
	_ =	sdelay $0x4  }
0x29: {  	v49 =	vshll.u32 v3, $0x2  }
0x2a: {  	v3 =	vand.u32 $0x7, v3;
	v4 =	vand.u32 $0xFFFFFFE0, v49  }
0x2b: {  	v3 =	vor.u32 v3, v4  }
0x2c: {  	v4 =	vperm.xlane v3, v0;
	_ =	sdelay $0x1  }
0x2d: {  	v4 =	vadd.s32 v1, v4;
	_ =	sdelay $0x1  }
0x2e: {  	v3 =	vperm.xlane v3, v2;
	_ =	sdelay $0x1  }
0x2f: {  	v3 =	vadd.s32 v1, v3  }
0x30: {  	[tilespmem:s18], [sflag:$0x1] =	stream.indirect_vreg.gather [hbm4b:s3+s2], $0x80, v4, vm0, $0xb8;
	[tilespmem:$0x8080] =	vst v63  }
0x31: {  	_ = 	snop  }
0x32: {  	[tilespmem:s19], [sflag:$0x1] =	stream.indirect_vreg.gather [hbm4b:s4+s2], $0x80, v4, vm0, $0xb8;
	[tilespmem:$0x8080] =	vst v63  }
0x33: {  	_ = 	snop  }
0x34: {  	[tilespmem:s20], [sflag:$0x1] =	stream.indirect_vreg.gather [hbm4b:s3+s2], $0x80, v3, vm0, $0xb8;
	[tilespmem:$0x8080] =	vst v63  }
0x35: {  	_ = 	snop  }
0x36: {  	[tilespmem:s21], [sflag:$0x1] =	stream.indirect_vreg.gather [hbm4b:s4+s2], $0x80, v3, vm0, $0xb8;
	[tilespmem:$0x8080] =	vst v63  }
0x37: {  	v3 =	vld [tilespmem:$0x20];
	_ =	sdelay $0x4  }
0x38: {  	v50 =	vshll.u32 v3, $0x2  }
0x39: {  	v3 =	vand.u32 $0x7, v3;
	v4 =	vand.u32 $0xFFFFFFE0, v50  }
0x3a: {  	v3 =	vor.u32 v3, v4  }
0x3b: {  	v4 =	vperm.xlane v3, v0;
	_ =	sdelay $0x1  }
0x3c: {  	v4 =	vadd.s32 v1, v4;
	_ =	sdelay $0x1  }
0x3d: {  	v3 =	vperm.xlane v3, v2;
	_ =	sdelay $0x1  }
0x3e: {  	v3 =	vadd.s32 v1, v3  }
0x3f: {  	[tilespmem:s22], [sflag:$0x1] =	stream.indirect_vreg.gather [hbm4b:s3+s2], $0x80, v4, vm0, $0xb8;
	[tilespmem:$0x8080] =	vst v63  }
0x40: {  	_ = 	snop  }
0x41: {  	[tilespmem:s23], [sflag:$0x1] =	stream.indirect_vreg.gather [hbm4b:s4+s2], $0x80, v4, vm0, $0xb8;
	[tilespmem:$0x8080] =	vst v63  }
0x42: {  	_ = 	snop  }
0x43: {  	[tilespmem:s24], [sflag:$0x1] =	stream.indirect_vreg.gather [hbm4b:s3+s2], $0x80, v3, vm0, $0xb8;
	[tilespmem:$0x8080] =	vst v63  }
0x44: {  	_ = 	snop  }
0x45: {  	[tilespmem:s25], [sflag:$0x1] =	stream.indirect_vreg.gather [hbm4b:s4+s2], $0x80, v3, vm0, $0xb8;
	[tilespmem:$0x8080] =	vst v63  }
0x46: {  	v3 =	vld [tilespmem:$0x30];
	_ =	sdelay $0x4  }
0x47: {  	v51 =	vshll.u32 v3, $0x2  }
0x48: {  	v3 =	vand.u32 $0x7, v3;
	v4 =	vand.u32 $0xFFFFFFE0, v51  }
0x49: {  	v3 =	vor.u32 v3, v4  }
0x4a: {  	v4 =	vperm.xlane v3, v0;
	_ =	sdelay $0x1  }
0x4b: {  	v4 =	vadd.s32 v1, v4;
	_ =	sdelay $0x1  }
0x4c: {  	v3 =	vperm.xlane v3, v2;
	_ =	sdelay $0x1  }
0x4d: {  	v3 =	vadd.s32 v1, v3  }
0x4e: {  	[tilespmem:s26], [sflag:$0x1] =	stream.indirect_vreg.gather [hbm4b:s3+s2], $0x80, v4, vm0, $0xb8;
	[tilespmem:$0x8080] =	vst v63  }
0x4f: {  	_ = 	snop  }
0x50: {  	[tilespmem:s28], [sflag:$0x1] =	stream.indirect_vreg.gather [hbm4b:s4+s2], $0x80, v4, vm0, $0xb8;
	[tilespmem:$0x8080] =	vst v63  }
0x51: {  	_ = 	snop  }
0x52: {  	[tilespmem:s29], [sflag:$0x1] =	stream.indirect_vreg.gather [hbm4b:s3+s2], $0x80, v3, vm0, $0xb8;
	[tilespmem:$0x8080] =	vst v63  }
0x53: {  	_ = 	snop  }
0x54: {  	[tilespmem:s30], [sflag:$0x1] =	stream.indirect_vreg.gather [hbm4b:s4+s2], $0x80, v3, vm0, $0xb8;
	[tilespmem:$0x8080] =	vst v63  }
0x55: {  	_ =	swait.ge [sflag:s31], $0x8000  }
0x56: {  	[sflag:s31] =	ssyncset.done $0x0  }
0x57: {  	[sflag:s31] =	ssyncadd.s32 $0xFFFF8000  }
0x58: {  	[hbm4b:s5+s2] =	stream.linear.scatter [tilespmem:s14], [sflag:$0x2], $0x8000, $0x38;
	[tilespmem:$0x8080] =	vst v63  }
0x59: {  	_ =	swait.ge [sflag:s13], $0x8000  }
0x5a: {  	[sflag:s13] =	ssyncset.done $0x0  }
0x5b: {  	[sflag:s13] =	ssyncadd.s32 $0xFFFF8000  }
0x5c: {  	[tilespmem:s2], [sflag:$0x2] =	stream.linear.gather [hbm4b:s6+s2], $0x40, $0x38;
	[tilespmem:$0x8080] =	vst v63  }
0x5d: {  	_ =	swait.ge [sflag:s13], $0x40  }
0x5e: {  	[sflag:s13] =	ssyncset.done $0x0  }
0x5f: {  	[sflag:s13] =	ssyncadd.s32 $0xFFFFFFC0  }
0x60: {  	v3 =	vld [tilespmem:$0x0];
	_ =	sdelay $0x4  }
0x61: {  	v52 =	vshll.u32 v3, $0x2  }
0x62: {  	v3 =	vand.u32 $0x7, v3;
	v4 =	vand.u32 $0xFFFFFFE0, v52  }
0x63: {  	v3 =	vor.u32 v3, v4  }
0x64: {  	v4 =	vperm.xlane v3, v0;
	_ =	sdelay $0x1  }
0x65: {  	v4 =	vadd.s32 v1, v4;
	_ =	sdelay $0x1  }
0x66: {  	v3 =	vperm.xlane v3, v2;
	_ =	sdelay $0x1  }
0x67: {  	v3 =	vadd.s32 v1, v3  }
0x68: {  	[tilespmem:s14], [sflag:$0x1] =	stream.indirect_vreg.gather [hbm4b:s3+s2], $0x80, v4, vm0, $0xb8;
	[tilespmem:$0x8080] =	vst v63  }
0x69: {  	_ = 	snop  }
0x6a: {  	[tilespmem:s15], [sflag:$0x1] =	stream.indirect_vreg.gather [hbm4b:s4+s2], $0x80, v4, vm0, $0xb8;
	[tilespmem:$0x8080] =	vst v63  }
0x6b: {  	_ = 	snop  }
0x6c: {  	[tilespmem:s16], [sflag:$0x1] =	stream.indirect_vreg.gather [hbm4b:s3+s2], $0x80, v3, vm0, $0xb8;
	[tilespmem:$0x8080] =	vst v63  }
0x6d: {  	_ = 	snop  }
0x6e: {  	[tilespmem:s17], [sflag:$0x1] =	stream.indirect_vreg.gather [hbm4b:s4+s2], $0x80, v3, vm0, $0xb8;
	[tilespmem:$0x8080] =	vst v63  }
0x6f: {  	v3 =	vld [tilespmem:$0x10];
	_ =	sdelay $0x4  }
0x70: {  	v53 =	vshll.u32 v3, $0x2  }
0x71: {  	v3 =	vand.u32 $0x7, v3;
	v4 =	vand.u32 $0xFFFFFFE0, v53  }
0x72: {  	v3 =	vor.u32 v3, v4  }
0x73: {  	v4 =	vperm.xlane v3, v0;
	_ =	sdelay $0x1  }
0x74: {  	v4 =	vadd.s32 v1, v4;
	_ =	sdelay $0x1  }
0x75: {  	v3 =	vperm.xlane v3, v2;
	_ =	sdelay $0x1  }
0x76: {  	v3 =	vadd.s32 v1, v3  }
0x77: {  	[tilespmem:s18], [sflag:$0x1] =	stream.indirect_vreg.gather [hbm4b:s3+s2], $0x80, v4, vm0, $0xb8;
	[tilespmem:$0x8080] =	vst v63  }
0x78: {  	_ = 	snop  }
0x79: {  	[tilespmem:s19], [sflag:$0x1] =	stream.indirect_vreg.gather [hbm4b:s4+s2], $0x80, v4, vm0, $0xb8;
	[tilespmem:$0x8080] =	vst v63  }
0x7a: {  	_ = 	snop  }
0x7b: {  	[tilespmem:s20], [sflag:$0x1] =	stream.indirect_vreg.gather [hbm4b:s3+s2], $0x80, v3, vm0, $0xb8;
	[tilespmem:$0x8080] =	vst v63  }
0x7c: {  	_ = 	snop  }
0x7d: {  	[tilespmem:s21], [sflag:$0x1] =	stream.indirect_vreg.gather [hbm4b:s4+s2], $0x80, v3, vm0, $0xb8;
	[tilespmem:$0x8080] =	vst v63  }
0x7e: {  	v3 =	vld [tilespmem:$0x20];
	_ =	sdelay $0x4  }
0x7f: {  	v54 =	vshll.u32 v3, $0x2  }
0x80: {  	v3 =	vand.u32 $0x7, v3;
	v4 =	vand.u32 $0xFFFFFFE0, v54  }
0x81: {  	v3 =	vor.u32 v3, v4  }
0x82: {  	v4 =	vperm.xlane v3, v0;
	_ =	sdelay $0x1  }
0x83: {  	v4 =	vadd.s32 v1, v4;
	_ =	sdelay $0x1  }
0x84: {  	v3 =	vperm.xlane v3, v2;
	_ =	sdelay $0x1  }
0x85: {  	v3 =	vadd.s32 v1, v3  }
0x86: {  	[tilespmem:s22], [sflag:$0x1] =	stream.indirect_vreg.gather [hbm4b:s3+s2], $0x80, v4, vm0, $0xb8;
	[tilespmem:$0x8080] =	vst v63  }
0x87: {  	_ = 	snop  }
0x88: {  	[tilespmem:s23], [sflag:$0x1] =	stream.indirect_vreg.gather [hbm4b:s4+s2], $0x80, v4, vm0, $0xb8;
	[tilespmem:$0x8080] =	vst v63  }
0x89: {  	_ = 	snop  }
0x8a: {  	[tilespmem:s24], [sflag:$0x1] =	stream.indirect_vreg.gather [hbm4b:s3+s2], $0x80, v3, vm0, $0xb8;
	[tilespmem:$0x8080] =	vst v63  }
0x8b: {  	_ = 	snop  }
0x8c: {  	[tilespmem:s25], [sflag:$0x1] =	stream.indirect_vreg.gather [hbm4b:s4+s2], $0x80, v3, vm0, $0xb8;
	[tilespmem:$0x8080] =	vst v63  }
0x8d: {  	v3 =	vld [tilespmem:$0x30];
	_ =	sdelay $0x4  }
0x8e: {  	v55 =	vshll.u32 v3, $0x2  }
0x8f: {  	v3 =	vand.u32 $0x7, v3;
	v4 =	vand.u32 $0xFFFFFFE0, v55  }
0x90: {  	v3 =	vor.u32 v3, v4  }
0x91: {  	v4 =	vperm.xlane v3, v0;
	_ =	sdelay $0x1  }
0x92: {  	v4 =	vadd.s32 v1, v4;
	_ =	sdelay $0x1  }
0x93: {  	v3 =	vperm.xlane v3, v2;
	_ =	sdelay $0x1  }
0x94: {  	v3 =	vadd.s32 v1, v3  }
0x95: {  	[tilespmem:s26], [sflag:$0x1] =	stream.indirect_vreg.gather [hbm4b:s3+s2], $0x80, v4, vm0, $0xb8;
	[tilespmem:$0x8080] =	vst v63  }
0x96: {  	_ = 	snop  }
0x97: {  	[tilespmem:s28], [sflag:$0x1] =	stream.indirect_vreg.gather [hbm4b:s4+s2], $0x80, v4, vm0, $0xb8;
	[tilespmem:$0x8080] =	vst v63  }
0x98: {  	_ = 	snop  }
0x99: {  	[tilespmem:s29], [sflag:$0x1] =	stream.indirect_vreg.gather [hbm4b:s3+s2], $0x80, v3, vm0, $0xb8;
	[tilespmem:$0x8080] =	vst v63  }
0x9a: {  	_ = 	snop  }
0x9b: {  	[tilespmem:s30], [sflag:$0x1] =	stream.indirect_vreg.gather [hbm4b:s4+s2], $0x80, v3, vm0, $0xb8;
	[tilespmem:$0x8080] =	vst v63  }
0x9c: {  	_ =	swait.ge [sflag:s31], $0x8000  }
0x9d: {  	[sflag:s31] =	ssyncset.done $0x0  }
0x9e: {  	[sflag:s31] =	ssyncadd.s32 $0xFFFF8000  }
0x9f: {  	[hbm4b:s7+s2] =	stream.linear.scatter [tilespmem:s14], [sflag:$0x2], $0x8000, $0x38;
	[tilespmem:$0x8080] =	vst v63  }
0xa0: {  	_ =	swait.ge [sflag:s13], $0x8000  }
0xa1: {  	[sflag:s13] =	ssyncset.done $0x0  }
0xa2: {  	[sflag:s13] =	ssyncadd.s32 $0xFFFF8000  }
0xa3: {  	[tilespmem:s2], [sflag:$0x2] =	stream.linear.gather [hbm4b:s8+s2], $0x40, $0x38;
	[tilespmem:$0x8080] =	vst v63  }
0xa4: {  	_ =	swait.ge [sflag:s13], $0x40  }
0xa5: {  	[sflag:s13] =	ssyncset.done $0x0  }
0xa6: {  	[sflag:s13] =	ssyncadd.s32 $0xFFFFFFC0  }
0xa7: {  	v3 =	vld [tilespmem:$0x0];
	_ =	sdelay $0x4  }
0xa8: {  	v56 =	vshll.u32 v3, $0x2  }
0xa9: {  	v3 =	vand.u32 $0x7, v3;
	v4 =	vand.u32 $0xFFFFFFE0, v56  }
0xaa: {  	v3 =	vor.u32 v3, v4  }
0xab: {  	v4 =	vperm.xlane v3, v0;
	_ =	sdelay $0x1  }
0xac: {  	v4 =	vadd.s32 v1, v4;
	_ =	sdelay $0x1  }
0xad: {  	v3 =	vperm.xlane v3, v2;
	_ =	sdelay $0x1  }
0xae: {  	v3 =	vadd.s32 v1, v3  }
0xaf: {  	[tilespmem:s14], [sflag:$0x1] =	stream.indirect_vreg.gather [hbm4b:s3+s2], $0x80, v4, vm0, $0xb8;
	[tilespmem:$0x8080] =	vst v63  }
0xb0: {  	_ = 	snop  }
0xb1: {  	[tilespmem:s15], [sflag:$0x1] =	stream.indirect_vreg.gather [hbm4b:s4+s2], $0x80, v4, vm0, $0xb8;
	[tilespmem:$0x8080] =	vst v63  }
0xb2: {  	_ = 	snop  }
0xb3: {  	[tilespmem:s16], [sflag:$0x1] =	stream.indirect_vreg.gather [hbm4b:s3+s2], $0x80, v3, vm0, $0xb8;
	[tilespmem:$0x8080] =	vst v63  }
0xb4: {  	_ = 	snop  }
0xb5: {  	[tilespmem:s17], [sflag:$0x1] =	stream.indirect_vreg.gather [hbm4b:s4+s2], $0x80, v3, vm0, $0xb8;
	[tilespmem:$0x8080] =	vst v63  }
0xb6: {  	v3 =	vld [tilespmem:$0x10];
	_ =	sdelay $0x4  }
0xb7: {  	v57 =	vshll.u32 v3, $0x2  }
0xb8: {  	v3 =	vand.u32 $0x7, v3;
	v4 =	vand.u32 $0xFFFFFFE0, v57  }
0xb9: {  	v3 =	vor.u32 v3, v4  }
0xba: {  	v4 =	vperm.xlane v3, v0;
	_ =	sdelay $0x1  }
0xbb: {  	v4 =	vadd.s32 v1, v4;
	_ =	sdelay $0x1  }
0xbc: {  	v3 =	vperm.xlane v3, v2;
	_ =	sdelay $0x1  }
0xbd: {  	v3 =	vadd.s32 v1, v3  }
0xbe: {  	[tilespmem:s18], [sflag:$0x1] =	stream.indirect_vreg.gather [hbm4b:s3+s2], $0x80, v4, vm0, $0xb8;
	[tilespmem:$0x8080] =	vst v63  }
0xbf: {  	_ = 	snop  }
0xc0: {  	[tilespmem:s19], [sflag:$0x1] =	stream.indirect_vreg.gather [hbm4b:s4+s2], $0x80, v4, vm0, $0xb8;
	[tilespmem:$0x8080] =	vst v63  }
0xc1: {  	_ = 	snop  }
0xc2: {  	[tilespmem:s20], [sflag:$0x1] =	stream.indirect_vreg.gather [hbm4b:s3+s2], $0x80, v3, vm0, $0xb8;
	[tilespmem:$0x8080] =	vst v63  }
0xc3: {  	_ = 	snop  }
0xc4: {  	[tilespmem:s21], [sflag:$0x1] =	stream.indirect_vreg.gather [hbm4b:s4+s2], $0x80, v3, vm0, $0xb8;
	[tilespmem:$0x8080] =	vst v63  }
0xc5: {  	v3 =	vld [tilespmem:$0x20];
	_ =	sdelay $0x4  }
0xc6: {  	v58 =	vshll.u32 v3, $0x2  }
0xc7: {  	v3 =	vand.u32 $0x7, v3;
	v4 =	vand.u32 $0xFFFFFFE0, v58  }
0xc8: {  	v3 =	vor.u32 v3, v4  }
0xc9: {  	v4 =	vperm.xlane v3, v0;
	_ =	sdelay $0x1  }
0xca: {  	v4 =	vadd.s32 v1, v4;
	_ =	sdelay $0x1  }
0xcb: {  	v3 =	vperm.xlane v3, v2;
	_ =	sdelay $0x1  }
0xcc: {  	v3 =	vadd.s32 v1, v3  }
0xcd: {  	[tilespmem:s22], [sflag:$0x1] =	stream.indirect_vreg.gather [hbm4b:s3+s2], $0x80, v4, vm0, $0xb8;
	[tilespmem:$0x8080] =	vst v63  }
0xce: {  	_ = 	snop  }
0xcf: {  	[tilespmem:s23], [sflag:$0x1] =	stream.indirect_vreg.gather [hbm4b:s4+s2], $0x80, v4, vm0, $0xb8;
	[tilespmem:$0x8080] =	vst v63  }
0xd0: {  	_ = 	snop  }
0xd1: {  	[tilespmem:s24], [sflag:$0x1] =	stream.indirect_vreg.gather [hbm4b:s3+s2], $0x80, v3, vm0, $0xb8;
	[tilespmem:$0x8080] =	vst v63  }
0xd2: {  	_ = 	snop  }
0xd3: {  	[tilespmem:s25], [sflag:$0x1] =	stream.indirect_vreg.gather [hbm4b:s4+s2], $0x80, v3, vm0, $0xb8;
	[tilespmem:$0x8080] =	vst v63  }
0xd4: {  	v3 =	vld [tilespmem:$0x30];
	_ =	sdelay $0x4  }
0xd5: {  	v59 =	vshll.u32 v3, $0x2  }
0xd6: {  	v3 =	vand.u32 $0x7, v3;
	v4 =	vand.u32 $0xFFFFFFE0, v59  }
0xd7: {  	v3 =	vor.u32 v3, v4  }
0xd8: {  	v4 =	vperm.xlane v3, v0;
	_ =	sdelay $0x1  }
0xd9: {  	v4 =	vadd.s32 v1, v4;
	_ =	sdelay $0x1  }
0xda: {  	v3 =	vperm.xlane v3, v2;
	_ =	sdelay $0x1  }
0xdb: {  	v3 =	vadd.s32 v1, v3  }
0xdc: {  	[tilespmem:s26], [sflag:$0x1] =	stream.indirect_vreg.gather [hbm4b:s3+s2], $0x80, v4, vm0, $0xb8;
	[tilespmem:$0x8080] =	vst v63  }
0xdd: {  	_ = 	snop  }
0xde: {  	[tilespmem:s28], [sflag:$0x1] =	stream.indirect_vreg.gather [hbm4b:s4+s2], $0x80, v4, vm0, $0xb8;
	[tilespmem:$0x8080] =	vst v63  }
0xdf: {  	_ = 	snop  }
0xe0: {  	[tilespmem:s29], [sflag:$0x1] =	stream.indirect_vreg.gather [hbm4b:s3+s2], $0x80, v3, vm0, $0xb8;
	[tilespmem:$0x8080] =	vst v63  }
0xe1: {  	_ = 	snop  }
0xe2: {  	[tilespmem:s30], [sflag:$0x1] =	stream.indirect_vreg.gather [hbm4b:s4+s2], $0x80, v3, vm0, $0xb8;
	[tilespmem:$0x8080] =	vst v63  }
0xe3: {  	_ =	swait.ge [sflag:s31], $0x8000  }
0xe4: {  	[sflag:s31] =	ssyncset.done $0x0  }
0xe5: {  	[sflag:s31] =	ssyncadd.s32 $0xFFFF8000  }
0xe6: {  	[hbm4b:s9+s2] =	stream.linear.scatter [tilespmem:s14], [sflag:$0x2], $0x8000, $0x38;
	[tilespmem:$0x8080] =	vst v63  }
0xe7: {  	_ =	swait.ge [sflag:s13], $0x8000  }
0xe8: {  	[sflag:s13] =	ssyncset.done $0x0  }
0xe9: {  	[sflag:s13] =	ssyncadd.s32 $0xFFFF8000  }
0xea: {  	[tilespmem:s2], [sflag:$0x2] =	stream.linear.gather [hbm4b:s10+s2], $0x40, $0x38;
	[tilespmem:$0x8080] =	vst v63  }
0xeb: {  	_ =	swait.ge [sflag:s13], $0x40  }
0xec: {  	[sflag:s13] =	ssyncset.done $0x0  }
0xed: {  	[sflag:s13] =	ssyncadd.s32 $0xFFFFFFC0  }
0xee: {  	v3 =	vld [tilespmem:$0x0];
	_ =	sdelay $0x4  }
0xef: {  	v60 =	vshll.u32 v3, $0x2  }
0xf0: {  	v3 =	vand.u32 $0x7, v3;
	v4 =	vand.u32 $0xFFFFFFE0, v60  }
0xf1: {  	v3 =	vor.u32 v3, v4  }
0xf2: {  	v4 =	vperm.xlane v3, v0;
	_ =	sdelay $0x1  }
0xf3: {  	v4 =	vadd.s32 v1, v4;
	_ =	sdelay $0x1  }
0xf4: {  	v3 =	vperm.xlane v3, v2;
	_ =	sdelay $0x1  }
0xf5: {  	v3 =	vadd.s32 v1, v3  }
0xf6: {  	[tilespmem:s14], [sflag:$0x1] =	stream.indirect_vreg.gather [hbm4b:s3+s2], $0x80, v4, vm0, $0xb8;
	[tilespmem:$0x8080] =	vst v63  }
0xf7: {  	_ = 	snop  }
0xf8: {  	[tilespmem:s15], [sflag:$0x1] =	stream.indirect_vreg.gather [hbm4b:s4+s2], $0x80, v4, vm0, $0xb8;
	[tilespmem:$0x8080] =	vst v63  }
0xf9: {  	_ = 	snop  }
0xfa: {  	[tilespmem:s16], [sflag:$0x1] =	stream.indirect_vreg.gather [hbm4b:s3+s2], $0x80, v3, vm0, $0xb8;
	[tilespmem:$0x8080] =	vst v63  }
0xfb: {  	_ = 	snop  }
0xfc: {  	[tilespmem:s17], [sflag:$0x1] =	stream.indirect_vreg.gather [hbm4b:s4+s2], $0x80, v3, vm0, $0xb8;
	[tilespmem:$0x8080] =	vst v63  }
0xfd: {  	v3 =	vld [tilespmem:$0x10];
	_ =	sdelay $0x4  }
0xfe: {  	v61 =	vshll.u32 v3, $0x2  }
0xff: {  	v3 =	vand.u32 $0x7, v3;
	v4 =	vand.u32 $0xFFFFFFE0, v61  }
0x100: {  	v3 =	vor.u32 v3, v4  }
0x101: {  	v4 =	vperm.xlane v3, v0;
	_ =	sdelay $0x1  }
0x102: {  	v4 =	vadd.s32 v1, v4;
	_ =	sdelay $0x1  }
0x103: {  	v3 =	vperm.xlane v3, v2;
	_ =	sdelay $0x1  }
0x104: {  	v3 =	vadd.s32 v1, v3  }
0x105: {  	[tilespmem:s18], [sflag:$0x1] =	stream.indirect_vreg.gather [hbm4b:s3+s2], $0x80, v4, vm0, $0xb8;
	[tilespmem:$0x8080] =	vst v63  }
0x106: {  	_ = 	snop  }
0x107: {  	[tilespmem:s19], [sflag:$0x1] =	stream.indirect_vreg.gather [hbm4b:s4+s2], $0x80, v4, vm0, $0xb8;
	[tilespmem:$0x8080] =	vst v63  }
0x108: {  	_ = 	snop  }
0x109: {  	[tilespmem:s20], [sflag:$0x1] =	stream.indirect_vreg.gather [hbm4b:s3+s2], $0x80, v3, vm0, $0xb8;
	[tilespmem:$0x8080] =	vst v63  }
0x10a: {  	_ = 	snop  }
0x10b: {  	[tilespmem:s21], [sflag:$0x1] =	stream.indirect_vreg.gather [hbm4b:s4+s2], $0x80, v3, vm0, $0xb8;
	[tilespmem:$0x8080] =	vst v63  }
0x10c: {  	v3 =	vld [tilespmem:$0x20];
	_ =	sdelay $0x4  }
0x10d: {  	v62 =	vshll.u32 v3, $0x2  }
0x10e: {  	v3 =	vand.u32 $0x7, v3;
	v4 =	vand.u32 $0xFFFFFFE0, v62  }
0x10f: {  	v3 =	vor.u32 v3, v4  }
0x110: {  	v4 =	vperm.xlane v3, v0;
	_ =	sdelay $0x1  }
0x111: {  	v4 =	vadd.s32 v1, v4;
	_ =	sdelay $0x1  }
0x112: {  	v3 =	vperm.xlane v3, v2;
	_ =	sdelay $0x1  }
0x113: {  	v3 =	vadd.s32 v1, v3  }
0x114: {  	[tilespmem:s22], [sflag:$0x1] =	stream.indirect_vreg.gather [hbm4b:s3+s2], $0x80, v4, vm0, $0xb8;
	[tilespmem:$0x8080] =	vst v63  }
0x115: {  	_ = 	snop  }
0x116: {  	[tilespmem:s23], [sflag:$0x1] =	stream.indirect_vreg.gather [hbm4b:s4+s2], $0x80, v4, vm0, $0xb8;
	[tilespmem:$0x8080] =	vst v63  }
0x117: {  	_ = 	snop  }
0x118: {  	[tilespmem:s24], [sflag:$0x1] =	stream.indirect_vreg.gather [hbm4b:s3+s2], $0x80, v3, vm0, $0xb8;
	[tilespmem:$0x8080] =	vst v63  }
0x119: {  	_ = 	snop  }
0x11a: {  	[tilespmem:s25], [sflag:$0x1] =	stream.indirect_vreg.gather [hbm4b:s4+s2], $0x80, v3, vm0, $0xb8;
	[tilespmem:$0x8080] =	vst v63  }
0x11b: {  	v3 =	vld [tilespmem:$0x30];
	_ =	sdelay $0x4  }
0x11c: {  	v63 =	vshll.u32 v3, $0x2  }
0x11d: {  	v3 =	vand.u32 $0x7, v3;
	v4 =	vand.u32 $0xFFFFFFE0, v63  }
0x11e: {  	v3 =	vor.u32 v3, v4  }
0x11f: {  	v4 =	vperm.xlane v3, v0;
	_ =	sdelay $0x1  }
0x120: {  	v4 =	vadd.s32 v1, v4;
	_ =	sdelay $0x1  }
0x121: {  	v3 =	vperm.xlane v3, v2;
	_ =	sdelay $0x1  }
0x122: {  	v3 =	vadd.s32 v1, v3  }
0x123: {  	[tilespmem:s26], [sflag:$0x1] =	stream.indirect_vreg.gather [hbm4b:s3+s2], $0x80, v4, vm0, $0xb8;
	[tilespmem:$0x8080] =	vst v63  }
0x124: {  	_ = 	snop  }
0x125: {  	[tilespmem:s28], [sflag:$0x1] =	stream.indirect_vreg.gather [hbm4b:s4+s2], $0x80, v4, vm0, $0xb8;
	[tilespmem:$0x8080] =	vst v63  }
0x126: {  	_ = 	snop  }
0x127: {  	[tilespmem:s29], [sflag:$0x1] =	stream.indirect_vreg.gather [hbm4b:s3+s2], $0x80, v3, vm0, $0xb8;
	[tilespmem:$0x8080] =	vst v63  }
0x128: {  	_ = 	snop  }
0x129: {  	[tilespmem:s30], [sflag:$0x1] =	stream.indirect_vreg.gather [hbm4b:s4+s2], $0x80, v3, vm0, $0xb8;
	[tilespmem:$0x8080] =	vst v63  }
0x12a: {  	_ =	swait.ge [sflag:s31], $0x8000  }
0x12b: {  	p0 =	sne.s32 s12, $0x1;
	[sflag:s31] =	ssyncset.done $0x0  }
.Ltmp0:
0x12c: {  	[sflag:s31] =	ssyncadd.s32 $0xFFFF8000;
	(pc) =	sbr.rel @p0 .LBB2_1-.Ltmp0, $4  }
0x12d: {  	[hbm4b:s11+s2] =	stream.linear.scatter [tilespmem:s14], [sflag:$0x2], $0x8000, $0x38;
	[tilespmem:$0x8080] =	vst v63  }
0x12e: {  	_ =	swait.ge [sflag:s13], $0x8000  }
0x12f: {  	[sflag:s13] =	ssyncset.done $0x0  }
0x130: {  	s12 =	sadd.s32 $0xFFFFFFFF, s12;
	[sflag:s13] =	ssyncadd.s32 $0xFFFF8000  }
0x131: {  	_ =	sfence.sel $0x180000  }
0x132: {  	[bflag:$0x0] =	sbarrier.arrive $0xFFFF  }
0x133: {  	_ =	strace $0x90000053  }
0x134: {  	[bflag:$0x2] =	sbarrier.arrive $0xFFFF  }
0x135: {  	p0 =	sne.s32 s1, $0x0;
	s0 =	rddreg [dreg:$0x1]  }
0x136: {  	s0 =	sadd.s32 @!p0 $0x100000, s0  }
0x137: {  	[sflag:s0] =	ssyncadd.tile.s32 @!p0 $0x1;
	_ =	shalt  }
.Lfunc_end2:
_tile_overlayer_lowered:
.L_overlay_start_2:
0x138: {  	(tag) =	ssettag $0x2  }
0x139: {  	s0 =	rddreg [dreg:$0x0];
	s2 =	stileid.u32  }
0x13a: {  	s1 =	rddreg [dreg:$0x1];
	p0 =	sne.s32 s2, $0x0  }
0x13b: {  	s3 =	rddreg [dreg:$0x2];
	[bflag:$0x3] =	sbarrier.arrive $0xFFFF;
	s2 =	simm.s32 @!p0 $0x1C02  }
0x13c: {  	[timem:s3], [sflag:s2] =	dma.local @!p0 [hbm:s0], s1  }
0x13d: {  	s0 =	simm.s32 @!p0 $0x2  }
0x13e: {  	_ =	swait.ge @!p0 [sflag:s0], s1  }
0x13f: {  	s1 =	ssub.s32 @!p0 $0x0, s1;
	[sflag:s0] =	ssyncset.done @!p0 $0x0  }
0x140: {  	[sflag:s0] =	ssyncadd.s32 @!p0 s1  }
0x141: {  	[bflag:$0x3] =	sbarrier.arrive $0xFFFF  }
0x142: {  	_ =	shalt  }

// kernel: kernel.35.cloned.1.call-start
scs
__scs_entry_jumppad:
0x0: {  	(pc) =	sbr.rel $0x88, $3  }
0x1: {  	(tag) =	ssettag $0x0;
	lr =	simm.s32 $0x1  }
0x2: {  	[smem:$0x3F9D] =	sst lr;
	_ =	strace $0xD0000000  }
0x3: {  	_ = 	snop  }
0x4: {  	_ = 	snop  }
0x5: {  	_ = 	snop  }
0x6: {  	_ = 	snop  }
0x7: {  	_ = 	snop  }
__scs_overlays_trampoline_lowered:
0x8: {  	[smem:$0x3FAC] =	sst s0  }
0x9: {  	[smem:$0x3FAD] =	sst s1  }
0xa: {  	[smem:$0x3FAE] =	sst s2  }
0xb: {  	[smem:$0x3FAF] =	sst s3  }
0xc: {  	[smem:$0x3FB0] =	sst s4  }
0xd: {  	[smem:$0x3FB1] =	sst s5  }
0xe: {  	[smem:$0x3FB2] =	sst s6  }
0xf: {  	[smem:$0x3FB3] =	sst s7  }
0x10: {  	[smem:$0x3FB4] =	sst s8  }
0x11: {  	[smem:$0x3FB5] =	sst s9;
	s0 =	simm.s32 @!p0 $0x0  }
0x12: {  	s1 =	sld [smem:$0x3F9B];
	s0 =	simm.s32 @p0 $0x1  }
0x13: {  	[smem:$0x3FB6] =	sst s0;
	s0 =	simm.s32 @!p1 $0x0  }
0x14: {  	s2 =	sld [smem:$0x3F9A];
	s0 =	simm.s32 @p1 $0x1  }
0x15: {  	[smem:$0x3FB7] =	sst s0;
	s0 =	simm.s32 @!p2 $0x0  }
0x16: {  	s3 =	sld [smem:$0x3FDB];
	s0 =	simm.s32 @p2 $0x1  }
0x17: {  	s4 =	simm.s32 $0x1BF5;
	[smem:$0x3FB9] =	sst s0  }
0x18: {  	s0 =	sld [smem:$0x3F9C];
	_ =	swait.ge [sflag:s4], $0x0  }
0x19: {  	s7 =	sld [smem:$0x3F9D]  }
0x1a: {  	s8 =	sadd.s32 $0xFFFFE003, lr  }
0x1b: {  	s9 =	sadd.s32 $0xFFFFFEF7, lr;
	s5 =	simm.s32 $0xFFFFFFFF;
	p2 =	slt.u32 s8, $0xFFFFF086  }
0x1c: {  	p1 =	slt.u32 s9, $0xF7A;
	s5 =	simm.s32 @!p2 $0x0  }
0x1d: {  	s5 =	simm.s32 @p1 $0x1;
	p0 =	seq.s32 s7, s2  }
0x1e: {  	s7 =	smul.u32 @!p0 $0xF7A, s2;
	p2 =	seq.s32 @!p0 s5, $0x0  }
0x1f: {  	s9 =	smul.u32 $0xF7A, s1;
	s8 =	simm.s32 @!p0 $0x1BF5;
	p2 =	por !p2, p0  }
0x20: {  	[sflag:s8] =	ssyncset.s32 @!p0 $0xFFFFF086;
	s6 =	sadd.s32 @!p0 s3, s7;
	s7 =	simm.s32 @!p0 $0x108  }
0x21: {  	s3 =	sadd.s32 s3, s9;
	s6 =	sadd.s32 @!p0 $0x88, s6;
	s7 =	simm.s32 @p2 $0x1082  }
0x22: {  	[simem:s7], [sflag:s8] =	dma.local @!p0 [hbm:s6], $0xF7A  }
0x23: {  	s9 =	sor.u32 $0xD0000000, s2;
	s6 =	simm.s32 $0x108;
	_ =	swait.ge @!p0 [sflag:s8], $0x0  }
0x24: {  	s3 =	sadd.s32 $0x88, s3;
	s6 =	simm.s32 @!p1 $0x1082;
	[sflag:s4] =	ssyncset.s32 $0xFFFFF086  }
0x25: {  	[simem:s6], [sflag:s4] =	dma.local [hbm:s3], $0xF7A  }
0x26: {  	[smem:$0x3F9D] =	sst s1;
	(tag) =	ssettag s2;
	_ =	strace s9  }
0x27: {  	s1 =	sld [smem:$0x3FAD]  }
0x28: {  	s2 =	sld [smem:$0x3FAE]  }
0x29: {  	s4 =	sld [smem:$0x3FB0]  }
0x2a: {  	p0 =	seq.s32 s5, $0x0;
	s5 =	sld [smem:$0x3FB1]  }
0x2b: {  	s6 =	sld [smem:$0x3FB2]  }
0x2c: {  	s7 =	sld [smem:$0x3FB3]  }
0x2d: {  	s3 =	simm.s32 $0x108;
	s8 =	sld [smem:$0x3FB4]  }
0x2e: {  	s3 =	simm.s32 @!p0 $0x1082;
	s9 =	sld [smem:$0x3FB5]  }
0x2f: {  	lr =	sadd.s32 s0, s3;
	s0 =	sld [smem:$0x3FAC]  }
0x30: {  	s3 =	sld [smem:$0x3FAF]  }
0x31: {  	[smem:$0x3FB8] =	sst s10  }
0x32: {  	s10 =	sld [smem:$0x3FB6];
	_ =	sdelay $0x3  }
0x33: {  	p0 =	seq.s32 s10, $0x1;
	s10 =	sld [smem:$0x3FB8];
	_ =	sdelay $0x3  }
0x34: {  	[smem:$0x3FB8] =	sst s10  }
0x35: {  	s10 =	sld [smem:$0x3FB7];
	_ =	sdelay $0x3  }
0x36: {  	p1 =	seq.s32 s10, $0x1;
	s10 =	sld [smem:$0x3FB8];
	_ =	sdelay $0x3  }
0x37: {  	[smem:$0x3FB8] =	sst s10  }
0x38: {  	s10 =	sld [smem:$0x3FB9]  }
0x39: {  	_ = 	snop;
	(pc) =	sbr.ind lr, $3  }
0x3a: {  	_ = 	snop  }
0x3b: {  	_ = 	snop  }
0x3c: {  	p2 =	seq.s32 s10, $0x1;
	s10 =	sld [smem:$0x3FB8]  }
0x3d: {  	_ =	shalt  }
0x3e: {  	_ =	shalt  }
0x3f: {  	_ =	shalt  }
0x40: {  	_ =	shalt  }
0x41: {  	_ =	shalt  }
0x42: {  	_ =	shalt  }
0x43: {  	_ =	shalt  }
0x44: {  	_ =	shalt  }
0x45: {  	_ =	shalt  }
0x46: {  	_ =	shalt  }
0x47: {  	_ =	shalt  }
0x48: {  	_ =	shalt  }
0x49: {  	_ =	shalt  }
0x4a: {  	_ =	shalt  }
0x4b: {  	_ =	shalt  }
0x4c: {  	_ =	shalt  }
0x4d: {  	_ =	shalt  }
0x4e: {  	_ =	shalt  }
0x4f: {  	_ =	shalt  }
0x50: {  	_ =	shalt  }
0x51: {  	_ =	shalt  }
0x52: {  	_ =	shalt  }
0x53: {  	_ =	shalt  }
0x54: {  	_ =	shalt  }
0x55: {  	_ =	shalt  }
0x56: {  	_ =	shalt  }
0x57: {  	_ =	shalt  }
0x58: {  	_ =	shalt  }
0x59: {  	_ =	shalt  }
0x5a: {  	_ =	shalt  }
0x5b: {  	_ =	shalt  }
0x5c: {  	_ =	shalt  }
0x5d: {  	_ =	shalt  }
0x5e: {  	_ =	shalt  }
0x5f: {  	_ =	shalt  }
0x60: {  	_ =	shalt  }
0x61: {  	_ =	shalt  }
0x62: {  	_ =	shalt  }
0x63: {  	_ =	shalt  }
0x64: {  	_ =	shalt  }
0x65: {  	_ =	shalt  }
0x66: {  	_ =	shalt  }
0x67: {  	_ =	shalt  }
0x68: {  	_ =	shalt  }
0x69: {  	_ =	shalt  }
0x6a: {  	_ =	shalt  }
0x6b: {  	_ =	shalt  }
0x6c: {  	_ =	shalt  }
0x6d: {  	_ =	shalt  }
0x6e: {  	_ =	shalt  }
0x6f: {  	_ =	shalt  }
0x70: {  	_ =	shalt  }
0x71: {  	_ =	shalt  }
0x72: {  	_ =	shalt  }
0x73: {  	_ =	shalt  }
0x74: {  	_ =	shalt  }
0x75: {  	_ =	shalt  }
0x76: {  	_ =	shalt  }
0x77: {  	_ =	shalt  }
0x78: {  	_ =	shalt  }
0x79: {  	_ =	shalt  }
0x7a: {  	_ =	shalt  }
0x7b: {  	_ =	shalt  }
0x7c: {  	_ =	shalt  }
0x7d: {  	_ =	shalt  }
0x7e: {  	_ =	shalt  }
0x7f: {  	_ =	shalt  }
0x80: {  	_ =	shalt  }
0x81: {  	_ =	shalt  }
0x82: {  	_ =	shalt  }
0x83: {  	_ =	shalt  }
0x84: {  	_ =	shalt  }
0x85: {  	_ =	shalt  }
0x86: {  	_ =	shalt  }
0x87: {  	_ =	shalt  }
.Lfunc_end0:
.L_simem_size_0:
called_computation.5_lowered:
.L_overlay_start_0:
0x88: {  	s2 =	sld [smem:$0x3FD9]  }
0x89: {  	s3 =	sld [smem:$0x3FFE];
	_ =	sdelay $0x1  }
0x8a: {  	s1 =	srdreg.scid  }
0x8b: {  	s0 =	sand.u32 $0x1, s1  }
0x8c: {  	s16 =	sshll.u32 s0, $0xA;
	s2 =	sadd.s32 s3, s2  }
0x8d: {  	s2 =	sadd.s32 s2, s16  }
0x8e: {  	[smem:$0x3FC4] =	sst s2  }
0x8f: {  	_ = 	snop  }
0x90: {  	(tm) =	ssettm $0x1  }
0x91: {  	s17 =	sld [smem:$0x3FFB];
	_ =	sdelay $0x3  }
0x92: {  	_ =	strace s17  }
0x93: {  	s2 =	sld [smem:$0x3FFC];
	_ =	sdelay $0x3  }
0x94: {  	_ =	strace s2  }
0x95: {  	s2 =	sld [smem:$0x3FFD];
	_ =	sdelay $0x3  }
0x96: {  	_ =	strace s2  }
0x97: {  	_ =	strace $0x8FFFFFFF  }
0x98: {  	s18 =	sld [smem:$0x3FDB];
	_ =	sdelay $0x1  }
0x99: {  	s19 =	simm.s32 $_scs_section_size  }
0x9a: {  	s4 =	simm.s32 $_size__tile_overlayer_lowered;
	s5 =	simm.s32 $_tile_overlayer_lowered  }
0x9b: {  	s22 =	simm.s32 $0x1BFF;
	s21 =	sshll.u32 s5, $0x1;
	s2 =	sadd.s32 s19, s18  }
0x9c: {  	s6 =	simm.s32 $0x0;
	s20 =	sshll.u32 s4, $0x1;
	s4 =	sadd.s32 s21, s2  }
0x9d: {  	[timem:s6], [sflag:s22] =	dma.local [hbm:s4], s20  }
0x9e: {  	_ =	swait.ge [sflag:s22], s20  }
0x9f: {  	s3 =	ssub.s32 $0x0, s20;
	[sflag:s22] =	ssyncset.done $0x0  }
0xa0: {  	[sflag:s22] =	ssyncadd.s32 s3;
	_ =	sdelay $0x1  }
0xa1: {  	s23 =	simm.s32 $0x1B8B  }
0xa2: {  	_ =	swait.ge [sflag:s23], $0x1  }
0xa3: {  	[sflag:s23] =	ssyncset.done $0x0  }
0xa4: {  	s25 =	simm.s32 $0x1B8E;
	s24 =	sld [smem:$0x3FFE];
	[sflag:s23] =	ssyncadd.s32 $0xFFFFFFFF  }
0xa5: {  	s26 =	simm.s32 $execute0_lowered;
	[smem:$0x3FD2] =	sst s25  }
0xa6: {  	s4 =	sshll.u32 s26, $0x1;
	_ =	strace $0x80000055;
	[dreg:$0x1] =	wrdreg $0xFFFFFFFF  }
0xa7: {  	s28 =	simm.s32 $_size_execute0_lowered;
	s2 =	sadd.s32 s2, s4;
	[dreg:$0x0] =	wrdreg $0x0  }
0xa8: {  	s4 =	sshll.u32 s28, $0x1;
	[dreg:$0x2] =	wrdreg s2  }
0xa9: {  	[dreg:$0x3] =	wrdreg s4  }
0xaa: {  	[dreg:$0x4] =	wrdreg $0xC0  }
0xab: {  	_ =	task [dreg:s6], $0x5FFFF  }
0xac: {  	[dreg:$0x1] =	wrdreg $0xFFFFFFFF  }
0xad: {  	[dreg:$0x0] =	wrdreg $0x60  }
0xae: {  	[dreg:$0x2] =	wrdreg s24  }
0xaf: {  	[dreg:$0x3] =	wrdreg $0x9  }
0xb0: {  	_ =	task.clear_ibuf [dreg:s6], $0x4FFFF;
	_ =	strace $0x90000055  }
0xb1: {  	s29 =	simm.s32 $0x9;
	_ =	strace $0x80000057  }
0xb2: {  	_ =	swait.ge [sflag:s29], $0x1  }
0xb3: {  	[sflag:s29] =	ssyncadd.s32 $0xFFFFFFFF  }
0xb4: {  	_ =	strace $0x90000057  }
0xb5: {  	_ =	sfence  }
0xb6: {  	s30 =	sld [smem:$0x0];
	_ =	sdelay $0x2  }
0xb7: {  	s31 =	sshll.u32 s1, $0xD;
	s1 =	sshrl.u32 s1, $0x2  }
0xb8: {  	s3 =	sand.u32 $0x4000, s31;
	s1 =	sadd.s32 s1, s30  }
0xb9: {  	s0 =	sor.u32 s3, s0;
	s1 =	sshll.u32 s1, $0x11  }
0xba: {  	s0 =	sor.u32 s1, s0  }
0xbb: {  	s0 =	sadd.s32 $0x8F2B, s0  }
0xbc: {  	[sflag:s0] =	ssyncadd.remote.s32 $0x1  }
0xbd: {  	_ =	sfence.sel $0xFFFF  }
0xbe: {  	[dreg:$0x0] =	wrdreg $0xFFFFFFFF;
	(pc) =	sbr.abs _section_cstart, $3  }
0xbf: {  	[dreg:$0x1] =	wrdreg $0xFFFFFFFF  }
0xc0: {  	_ =	task.clear_ibuf [dreg:s6], $0x2FFFF;
	_ =	strace $0x9FFFFFFF  }
0xc1: {  	(tm) =	ssettm $0x7FFFFFFF  }
tec
execute0_lowered:
.L_overlay_start_1:
0x0: {  	(tag) =	ssettag $0x1  }
0x1: {  	s4 =	rddreg [dreg:$0x0];
	s3 =	srdreg.scid  }
0x2: {  	s2 =	simm.s32 $0x0;
	s1 =	stileid.u32;
	s15 =	simm.s32 $0x880  }
0x3: {  	s16 =	simm.s32 $0x1080;
	s17 =	simm.s32 $0x1880;
	s18 =	simm.s32 $0x2080  }
0x4: {  	s19 =	simm.s32 $0x2880;
	s20 =	simm.s32 $0x3080;
	s28 =	simm.s32 $0x6880  }
0x5: {  	s29 =	simm.s32 $0x7080;
	s30 =	simm.s32 $0x7880;
	s31 =	simm.s32 $0x1  }
0x6: {  	s5 =	sand.u32 $0x1, s3;
	[smem:$0x7FF] =	sst s2;
	s6 =	sshll.u32 s1, $0x9  }
0x7: {  	s3 =	sadd.s32 $0x1EEE00, s4;
	s10 =	sadd.s32 $0xBE00, s4;
	s11 =	sadd.s32 $0x4F400, s4  }
0x8: {  	s4 =	sadd.s32 $0x1EEF00, s4;
	s7 =	sshll.u32 s5, $0x8;
	s5 =	ssub.s32 $0x2, s5  }
0x9: {  	_ =	strace $0x80000056;
	s9 =	sor.u32 s7, s6;
	s21 =	sshrl.u32 s5, $0x1  }
0xa: {  	s6 =	sshrl.u32 s9, $0x3;
	s12 =	ssub.s32 s5, s21;
	s22 =	sshll.u32 s9, $0x6  }
0xb: {  	s23 =	sor.u32 $0x40, s9;
	s13 =	sor.u32 $0x80, s9;
	s14 =	sor.u32 $0xC0, s9  }
0xc: {  	s21 =	simm.s32 $0x3880;
	s6 =	sadd.s32 s10, s6;
	s5 =	sadd.s32 s11, s22  }
0xd: {  	s24 =	sshrl.u32 s23, $0x3;
	s8 =	sshll.u32 s23, $0x6;
	s25 =	sshrl.u32 s13, $0x3  }
0xe: {  	s13 =	sshll.u32 s13, $0x6;
	s26 =	sshrl.u32 s14, $0x3;
	s14 =	sshll.u32 s14, $0x6  }
0xf: {  	s12 =	smax.u32 s12, $0x1;
	s22 =	simm.s32 $0x4080;
	s23 =	simm.s32 $0x4880  }
0x10: {  	[dreg:$0x2] =	wrdreg s6;
	s6 =	sadd.s32 s10, s24;
	s7 =	sadd.s32 s11, s8  }
0x11: {  	v2 =	vlaneseq.u32;
	s8 =	sadd.s32 s10, s25;
	s9 =	sadd.s32 s11, s13;
	s10 =	sadd.s32 s10, s26  }
0x12: {  	vm0 =	vmmov $0xffff;
	v1 =	vshrl.u32 v2, $0x3;
	s11 =	sadd.s32 s11, s14;
	s13 =	simm.s32 $0x2;
	s14 =	simm.s32 $0x80  }
0x13: {  	v0 =	vand.u32 $0x7, v2;
	v2 =	vor.u32 $0x8, v2;
	v1 =	vmul.u32 $0x8, v1;
	s24 =	simm.s32 $0x5080;
	s25 =	simm.s32 $0x5880;
	s26 =	simm.s32 $0x6080  }
.LBB2_1:
0x14: {  	s0 =	rddreg [dreg:$0x2]  }
0x15: {  	[tilespmem:s2], [sflag:$0x2] =	stream.linear.gather [hbm4b:s0+s2], $0x40, $0x38;
	[tilespmem:$0x8080] =	vst v63  }
0x16: {  	_ =	swait.ge [sflag:s13], $0x40  }
0x17: {  	[sflag:s13] =	ssyncset.done $0x0  }
0x18: {  	[sflag:s13] =	ssyncadd.s32 $0xFFFFFFC0  }
0x19: {  	v3 =	vld [tilespmem:$0x0];
	_ =	sdelay $0x4  }
0x1a: {  	v4 =	vshll.u32 v3, $0x2  }
0x1b: {  	v3 =	vand.u32 $0x7, v3;
	v4 =	vand.u32 $0xFFFFFFE0, v4  }
0x1c: {  	v3 =	vor.u32 v3, v4  }
0x1d: {  	v4 =	vperm.xlane v3, v0;
	_ =	sdelay $0x1  }
0x1e: {  	v4 =	vadd.s32 v1, v4;
	_ =	sdelay $0x1  }
0x1f: {  	v3 =	vperm.xlane v3, v2;
	_ =	sdelay $0x1  }
0x20: {  	v3 =	vadd.s32 v1, v3  }
0x21: {  	[tilespmem:s14], [sflag:$0x1] =	stream.indirect_vreg.gather [hbm4b:s3+s2], $0x80, v4, vm0, $0xb8;
	[tilespmem:$0x8080] =	vst v63  }
0x22: {  	_ = 	snop  }
0x23: {  	[tilespmem:s15], [sflag:$0x1] =	stream.indirect_vreg.gather [hbm4b:s4+s2], $0x80, v4, vm0, $0xb8;
	[tilespmem:$0x8080] =	vst v63  }
0x24: {  	_ = 	snop  }
0x25: {  	[tilespmem:s16], [sflag:$0x1] =	stream.indirect_vreg.gather [hbm4b:s3+s2], $0x80, v3, vm0, $0xb8;
	[tilespmem:$0x8080] =	vst v63  }
0x26: {  	_ = 	snop  }
0x27: {  	[tilespmem:s17], [sflag:$0x1] =	stream.indirect_vreg.gather [hbm4b:s4+s2], $0x80, v3, vm0, $0xb8;
	[tilespmem:$0x8080] =	vst v63  }
0x28: {  	v3 =	vld [tilespmem:$0x10];
	_ =	sdelay $0x4  }
0x29: {  	v49 =	vshll.u32 v3, $0x2  }
0x2a: {  	v3 =	vand.u32 $0x7, v3;
	v4 =	vand.u32 $0xFFFFFFE0, v49  }
0x2b: {  	v3 =	vor.u32 v3, v4  }
0x2c: {  	v4 =	vperm.xlane v3, v0;
	_ =	sdelay $0x1  }
0x2d: {  	v4 =	vadd.s32 v1, v4;
	_ =	sdelay $0x1  }
0x2e: {  	v3 =	vperm.xlane v3, v2;
	_ =	sdelay $0x1  }
0x2f: {  	v3 =	vadd.s32 v1, v3  }
0x30: {  	[tilespmem:s18], [sflag:$0x1] =	stream.indirect_vreg.gather [hbm4b:s3+s2], $0x80, v4, vm0, $0xb8;
	[tilespmem:$0x8080] =	vst v63  }
0x31: {  	_ = 	snop  }
0x32: {  	[tilespmem:s19], [sflag:$0x1] =	stream.indirect_vreg.gather [hbm4b:s4+s2], $0x80, v4, vm0, $0xb8;
	[tilespmem:$0x8080] =	vst v63  }
0x33: {  	_ = 	snop  }
0x34: {  	[tilespmem:s20], [sflag:$0x1] =	stream.indirect_vreg.gather [hbm4b:s3+s2], $0x80, v3, vm0, $0xb8;
	[tilespmem:$0x8080] =	vst v63  }
0x35: {  	_ = 	snop  }
0x36: {  	[tilespmem:s21], [sflag:$0x1] =	stream.indirect_vreg.gather [hbm4b:s4+s2], $0x80, v3, vm0, $0xb8;
	[tilespmem:$0x8080] =	vst v63  }
0x37: {  	v3 =	vld [tilespmem:$0x20];
	_ =	sdelay $0x4  }
0x38: {  	v50 =	vshll.u32 v3, $0x2  }
0x39: {  	v3 =	vand.u32 $0x7, v3;
	v4 =	vand.u32 $0xFFFFFFE0, v50  }
0x3a: {  	v3 =	vor.u32 v3, v4  }
0x3b: {  	v4 =	vperm.xlane v3, v0;
	_ =	sdelay $0x1  }
0x3c: {  	v4 =	vadd.s32 v1, v4;
	_ =	sdelay $0x1  }
0x3d: {  	v3 =	vperm.xlane v3, v2;
	_ =	sdelay $0x1  }
0x3e: {  	v3 =	vadd.s32 v1, v3  }
0x3f: {  	[tilespmem:s22], [sflag:$0x1] =	stream.indirect_vreg.gather [hbm4b:s3+s2], $0x80, v4, vm0, $0xb8;
	[tilespmem:$0x8080] =	vst v63  }
0x40: {  	_ = 	snop  }
0x41: {  	[tilespmem:s23], [sflag:$0x1] =	stream.indirect_vreg.gather [hbm4b:s4+s2], $0x80, v4, vm0, $0xb8;
	[tilespmem:$0x8080] =	vst v63  }
0x42: {  	_ = 	snop  }
0x43: {  	[tilespmem:s24], [sflag:$0x1] =	stream.indirect_vreg.gather [hbm4b:s3+s2], $0x80, v3, vm0, $0xb8;
	[tilespmem:$0x8080] =	vst v63  }
0x44: {  	_ = 	snop  }
0x45: {  	[tilespmem:s25], [sflag:$0x1] =	stream.indirect_vreg.gather [hbm4b:s4+s2], $0x80, v3, vm0, $0xb8;
	[tilespmem:$0x8080] =	vst v63  }
0x46: {  	v3 =	vld [tilespmem:$0x30];
	_ =	sdelay $0x4  }
0x47: {  	v51 =	vshll.u32 v3, $0x2  }
0x48: {  	v3 =	vand.u32 $0x7, v3;
	v4 =	vand.u32 $0xFFFFFFE0, v51  }
0x49: {  	v3 =	vor.u32 v3, v4  }
0x4a: {  	v4 =	vperm.xlane v3, v0;
	_ =	sdelay $0x1  }
0x4b: {  	v4 =	vadd.s32 v1, v4;
	_ =	sdelay $0x1  }
0x4c: {  	v3 =	vperm.xlane v3, v2;
	_ =	sdelay $0x1  }
0x4d: {  	v3 =	vadd.s32 v1, v3  }
0x4e: {  	[tilespmem:s26], [sflag:$0x1] =	stream.indirect_vreg.gather [hbm4b:s3+s2], $0x80, v4, vm0, $0xb8;
	[tilespmem:$0x8080] =	vst v63  }
0x4f: {  	_ = 	snop  }
0x50: {  	[tilespmem:s28], [sflag:$0x1] =	stream.indirect_vreg.gather [hbm4b:s4+s2], $0x80, v4, vm0, $0xb8;
	[tilespmem:$0x8080] =	vst v63  }
0x51: {  	_ = 	snop  }
0x52: {  	[tilespmem:s29], [sflag:$0x1] =	stream.indirect_vreg.gather [hbm4b:s3+s2], $0x80, v3, vm0, $0xb8;
	[tilespmem:$0x8080] =	vst v63  }
0x53: {  	_ = 	snop  }
0x54: {  	[tilespmem:s30], [sflag:$0x1] =	stream.indirect_vreg.gather [hbm4b:s4+s2], $0x80, v3, vm0, $0xb8;
	[tilespmem:$0x8080] =	vst v63  }
0x55: {  	_ =	swait.ge [sflag:s31], $0x8000  }
0x56: {  	[sflag:s31] =	ssyncset.done $0x0  }
0x57: {  	[sflag:s31] =	ssyncadd.s32 $0xFFFF8000  }
0x58: {  	[hbm4b:s5+s2] =	stream.linear.scatter [tilespmem:s14], [sflag:$0x2], $0x8000, $0x38;
	[tilespmem:$0x8080] =	vst v63  }
0x59: {  	_ =	swait.ge [sflag:s13], $0x8000  }
0x5a: {  	[sflag:s13] =	ssyncset.done $0x0  }
0x5b: {  	[sflag:s13] =	ssyncadd.s32 $0xFFFF8000  }
0x5c: {  	[tilespmem:s2], [sflag:$0x2] =	stream.linear.gather [hbm4b:s6+s2], $0x40, $0x38;
	[tilespmem:$0x8080] =	vst v63  }
0x5d: {  	_ =	swait.ge [sflag:s13], $0x40  }
0x5e: {  	[sflag:s13] =	ssyncset.done $0x0  }
0x5f: {  	[sflag:s13] =	ssyncadd.s32 $0xFFFFFFC0  }
0x60: {  	v3 =	vld [tilespmem:$0x0];
	_ =	sdelay $0x4  }
0x61: {  	v52 =	vshll.u32 v3, $0x2  }
0x62: {  	v3 =	vand.u32 $0x7, v3;
	v4 =	vand.u32 $0xFFFFFFE0, v52  }
0x63: {  	v3 =	vor.u32 v3, v4  }
0x64: {  	v4 =	vperm.xlane v3, v0;
	_ =	sdelay $0x1  }
0x65: {  	v4 =	vadd.s32 v1, v4;
	_ =	sdelay $0x1  }
0x66: {  	v3 =	vperm.xlane v3, v2;
	_ =	sdelay $0x1  }
0x67: {  	v3 =	vadd.s32 v1, v3  }
0x68: {  	[tilespmem:s14], [sflag:$0x1] =	stream.indirect_vreg.gather [hbm4b:s3+s2], $0x80, v4, vm0, $0xb8;
	[tilespmem:$0x8080] =	vst v63  }
0x69: {  	_ = 	snop  }
0x6a: {  	[tilespmem:s15], [sflag:$0x1] =	stream.indirect_vreg.gather [hbm4b:s4+s2], $0x80, v4, vm0, $0xb8;
	[tilespmem:$0x8080] =	vst v63  }
0x6b: {  	_ = 	snop  }
0x6c: {  	[tilespmem:s16], [sflag:$0x1] =	stream.indirect_vreg.gather [hbm4b:s3+s2], $0x80, v3, vm0, $0xb8;
	[tilespmem:$0x8080] =	vst v63  }
0x6d: {  	_ = 	snop  }
0x6e: {  	[tilespmem:s17], [sflag:$0x1] =	stream.indirect_vreg.gather [hbm4b:s4+s2], $0x80, v3, vm0, $0xb8;
	[tilespmem:$0x8080] =	vst v63  }
0x6f: {  	v3 =	vld [tilespmem:$0x10];
	_ =	sdelay $0x4  }
0x70: {  	v53 =	vshll.u32 v3, $0x2  }
0x71: {  	v3 =	vand.u32 $0x7, v3;
	v4 =	vand.u32 $0xFFFFFFE0, v53  }
0x72: {  	v3 =	vor.u32 v3, v4  }
0x73: {  	v4 =	vperm.xlane v3, v0;
	_ =	sdelay $0x1  }
0x74: {  	v4 =	vadd.s32 v1, v4;
	_ =	sdelay $0x1  }
0x75: {  	v3 =	vperm.xlane v3, v2;
	_ =	sdelay $0x1  }
0x76: {  	v3 =	vadd.s32 v1, v3  }
0x77: {  	[tilespmem:s18], [sflag:$0x1] =	stream.indirect_vreg.gather [hbm4b:s3+s2], $0x80, v4, vm0, $0xb8;
	[tilespmem:$0x8080] =	vst v63  }
0x78: {  	_ = 	snop  }
0x79: {  	[tilespmem:s19], [sflag:$0x1] =	stream.indirect_vreg.gather [hbm4b:s4+s2], $0x80, v4, vm0, $0xb8;
	[tilespmem:$0x8080] =	vst v63  }
0x7a: {  	_ = 	snop  }
0x7b: {  	[tilespmem:s20], [sflag:$0x1] =	stream.indirect_vreg.gather [hbm4b:s3+s2], $0x80, v3, vm0, $0xb8;
	[tilespmem:$0x8080] =	vst v63  }
0x7c: {  	_ = 	snop  }
0x7d: {  	[tilespmem:s21], [sflag:$0x1] =	stream.indirect_vreg.gather [hbm4b:s4+s2], $0x80, v3, vm0, $0xb8;
	[tilespmem:$0x8080] =	vst v63  }
0x7e: {  	v3 =	vld [tilespmem:$0x20];
	_ =	sdelay $0x4  }
0x7f: {  	v54 =	vshll.u32 v3, $0x2  }
0x80: {  	v3 =	vand.u32 $0x7, v3;
	v4 =	vand.u32 $0xFFFFFFE0, v54  }
0x81: {  	v3 =	vor.u32 v3, v4  }
0x82: {  	v4 =	vperm.xlane v3, v0;
	_ =	sdelay $0x1  }
0x83: {  	v4 =	vadd.s32 v1, v4;
	_ =	sdelay $0x1  }
0x84: {  	v3 =	vperm.xlane v3, v2;
	_ =	sdelay $0x1  }
0x85: {  	v3 =	vadd.s32 v1, v3  }
0x86: {  	[tilespmem:s22], [sflag:$0x1] =	stream.indirect_vreg.gather [hbm4b:s3+s2], $0x80, v4, vm0, $0xb8;
	[tilespmem:$0x8080] =	vst v63  }
0x87: {  	_ = 	snop  }
0x88: {  	[tilespmem:s23], [sflag:$0x1] =	stream.indirect_vreg.gather [hbm4b:s4+s2], $0x80, v4, vm0, $0xb8;
	[tilespmem:$0x8080] =	vst v63  }
0x89: {  	_ = 	snop  }
0x8a: {  	[tilespmem:s24], [sflag:$0x1] =	stream.indirect_vreg.gather [hbm4b:s3+s2], $0x80, v3, vm0, $0xb8;
	[tilespmem:$0x8080] =	vst v63  }
0x8b: {  	_ = 	snop  }
0x8c: {  	[tilespmem:s25], [sflag:$0x1] =	stream.indirect_vreg.gather [hbm4b:s4+s2], $0x80, v3, vm0, $0xb8;
	[tilespmem:$0x8080] =	vst v63  }
0x8d: {  	v3 =	vld [tilespmem:$0x30];
	_ =	sdelay $0x4  }
0x8e: {  	v55 =	vshll.u32 v3, $0x2  }
0x8f: {  	v3 =	vand.u32 $0x7, v3;
	v4 =	vand.u32 $0xFFFFFFE0, v55  }
0x90: {  	v3 =	vor.u32 v3, v4  }
0x91: {  	v4 =	vperm.xlane v3, v0;
	_ =	sdelay $0x1  }
0x92: {  	v4 =	vadd.s32 v1, v4;
	_ =	sdelay $0x1  }
0x93: {  	v3 =	vperm.xlane v3, v2;
	_ =	sdelay $0x1  }
0x94: {  	v3 =	vadd.s32 v1, v3  }
0x95: {  	[tilespmem:s26], [sflag:$0x1] =	stream.indirect_vreg.gather [hbm4b:s3+s2], $0x80, v4, vm0, $0xb8;
	[tilespmem:$0x8080] =	vst v63  }
0x96: {  	_ = 	snop  }
0x97: {  	[tilespmem:s28], [sflag:$0x1] =	stream.indirect_vreg.gather [hbm4b:s4+s2], $0x80, v4, vm0, $0xb8;
	[tilespmem:$0x8080] =	vst v63  }
0x98: {  	_ = 	snop  }
0x99: {  	[tilespmem:s29], [sflag:$0x1] =	stream.indirect_vreg.gather [hbm4b:s3+s2], $0x80, v3, vm0, $0xb8;
	[tilespmem:$0x8080] =	vst v63  }
0x9a: {  	_ = 	snop  }
0x9b: {  	[tilespmem:s30], [sflag:$0x1] =	stream.indirect_vreg.gather [hbm4b:s4+s2], $0x80, v3, vm0, $0xb8;
	[tilespmem:$0x8080] =	vst v63  }
0x9c: {  	_ =	swait.ge [sflag:s31], $0x8000  }
0x9d: {  	[sflag:s31] =	ssyncset.done $0x0  }
0x9e: {  	[sflag:s31] =	ssyncadd.s32 $0xFFFF8000  }
0x9f: {  	[hbm4b:s7+s2] =	stream.linear.scatter [tilespmem:s14], [sflag:$0x2], $0x8000, $0x38;
	[tilespmem:$0x8080] =	vst v63  }
0xa0: {  	_ =	swait.ge [sflag:s13], $0x8000  }
0xa1: {  	[sflag:s13] =	ssyncset.done $0x0  }
0xa2: {  	[sflag:s13] =	ssyncadd.s32 $0xFFFF8000  }
0xa3: {  	[tilespmem:s2], [sflag:$0x2] =	stream.linear.gather [hbm4b:s8+s2], $0x40, $0x38;
	[tilespmem:$0x8080] =	vst v63  }
0xa4: {  	_ =	swait.ge [sflag:s13], $0x40  }
0xa5: {  	[sflag:s13] =	ssyncset.done $0x0  }
0xa6: {  	[sflag:s13] =	ssyncadd.s32 $0xFFFFFFC0  }
0xa7: {  	v3 =	vld [tilespmem:$0x0];
	_ =	sdelay $0x4  }
0xa8: {  	v56 =	vshll.u32 v3, $0x2  }
0xa9: {  	v3 =	vand.u32 $0x7, v3;
	v4 =	vand.u32 $0xFFFFFFE0, v56  }
0xaa: {  	v3 =	vor.u32 v3, v4  }
0xab: {  	v4 =	vperm.xlane v3, v0;
	_ =	sdelay $0x1  }
0xac: {  	v4 =	vadd.s32 v1, v4;
	_ =	sdelay $0x1  }
0xad: {  	v3 =	vperm.xlane v3, v2;
	_ =	sdelay $0x1  }
0xae: {  	v3 =	vadd.s32 v1, v3  }
0xaf: {  	[tilespmem:s14], [sflag:$0x1] =	stream.indirect_vreg.gather [hbm4b:s3+s2], $0x80, v4, vm0, $0xb8;
	[tilespmem:$0x8080] =	vst v63  }
0xb0: {  	_ = 	snop  }
0xb1: {  	[tilespmem:s15], [sflag:$0x1] =	stream.indirect_vreg.gather [hbm4b:s4+s2], $0x80, v4, vm0, $0xb8;
	[tilespmem:$0x8080] =	vst v63  }
0xb2: {  	_ = 	snop  }
0xb3: {  	[tilespmem:s16], [sflag:$0x1] =	stream.indirect_vreg.gather [hbm4b:s3+s2], $0x80, v3, vm0, $0xb8;
	[tilespmem:$0x8080] =	vst v63  }
0xb4: {  	_ = 	snop  }
0xb5: {  	[tilespmem:s17], [sflag:$0x1] =	stream.indirect_vreg.gather [hbm4b:s4+s2], $0x80, v3, vm0, $0xb8;
	[tilespmem:$0x8080] =	vst v63  }
0xb6: {  	v3 =	vld [tilespmem:$0x10];
	_ =	sdelay $0x4  }
0xb7: {  	v57 =	vshll.u32 v3, $0x2  }
0xb8: {  	v3 =	vand.u32 $0x7, v3;
	v4 =	vand.u32 $0xFFFFFFE0, v57  }
0xb9: {  	v3 =	vor.u32 v3, v4  }
0xba: {  	v4 =	vperm.xlane v3, v0;
	_ =	sdelay $0x1  }
0xbb: {  	v4 =	vadd.s32 v1, v4;
	_ =	sdelay $0x1  }
0xbc: {  	v3 =	vperm.xlane v3, v2;
	_ =	sdelay $0x1  }
0xbd: {  	v3 =	vadd.s32 v1, v3  }
0xbe: {  	[tilespmem:s18], [sflag:$0x1] =	stream.indirect_vreg.gather [hbm4b:s3+s2], $0x80, v4, vm0, $0xb8;
	[tilespmem:$0x8080] =	vst v63  }
0xbf: {  	_ = 	snop  }
0xc0: {  	[tilespmem:s19], [sflag:$0x1] =	stream.indirect_vreg.gather [hbm4b:s4+s2], $0x80, v4, vm0, $0xb8;
	[tilespmem:$0x8080] =	vst v63  }
0xc1: {  	_ = 	snop  }
0xc2: {  	[tilespmem:s20], [sflag:$0x1] =	stream.indirect_vreg.gather [hbm4b:s3+s2], $0x80, v3, vm0, $0xb8;
	[tilespmem:$0x8080] =	vst v63  }
0xc3: {  	_ = 	snop  }
0xc4: {  	[tilespmem:s21], [sflag:$0x1] =	stream.indirect_vreg.gather [hbm4b:s4+s2], $0x80, v3, vm0, $0xb8;
	[tilespmem:$0x8080] =	vst v63  }
0xc5: {  	v3 =	vld [tilespmem:$0x20];
	_ =	sdelay $0x4  }
0xc6: {  	v58 =	vshll.u32 v3, $0x2  }
0xc7: {  	v3 =	vand.u32 $0x7, v3;
	v4 =	vand.u32 $0xFFFFFFE0, v58  }
0xc8: {  	v3 =	vor.u32 v3, v4  }
0xc9: {  	v4 =	vperm.xlane v3, v0;
	_ =	sdelay $0x1  }
0xca: {  	v4 =	vadd.s32 v1, v4;
	_ =	sdelay $0x1  }
0xcb: {  	v3 =	vperm.xlane v3, v2;
	_ =	sdelay $0x1  }
0xcc: {  	v3 =	vadd.s32 v1, v3  }
0xcd: {  	[tilespmem:s22], [sflag:$0x1] =	stream.indirect_vreg.gather [hbm4b:s3+s2], $0x80, v4, vm0, $0xb8;
	[tilespmem:$0x8080] =	vst v63  }
0xce: {  	_ = 	snop  }
0xcf: {  	[tilespmem:s23], [sflag:$0x1] =	stream.indirect_vreg.gather [hbm4b:s4+s2], $0x80, v4, vm0, $0xb8;
	[tilespmem:$0x8080] =	vst v63  }
0xd0: {  	_ = 	snop  }
0xd1: {  	[tilespmem:s24], [sflag:$0x1] =	stream.indirect_vreg.gather [hbm4b:s3+s2], $0x80, v3, vm0, $0xb8;
	[tilespmem:$0x8080] =	vst v63  }
0xd2: {  	_ = 	snop  }
0xd3: {  	[tilespmem:s25], [sflag:$0x1] =	stream.indirect_vreg.gather [hbm4b:s4+s2], $0x80, v3, vm0, $0xb8;
	[tilespmem:$0x8080] =	vst v63  }
0xd4: {  	v3 =	vld [tilespmem:$0x30];
	_ =	sdelay $0x4  }
0xd5: {  	v59 =	vshll.u32 v3, $0x2  }
0xd6: {  	v3 =	vand.u32 $0x7, v3;
	v4 =	vand.u32 $0xFFFFFFE0, v59  }
0xd7: {  	v3 =	vor.u32 v3, v4  }
0xd8: {  	v4 =	vperm.xlane v3, v0;
	_ =	sdelay $0x1  }
0xd9: {  	v4 =	vadd.s32 v1, v4;
	_ =	sdelay $0x1  }
0xda: {  	v3 =	vperm.xlane v3, v2;
	_ =	sdelay $0x1  }
0xdb: {  	v3 =	vadd.s32 v1, v3  }
0xdc: {  	[tilespmem:s26], [sflag:$0x1] =	stream.indirect_vreg.gather [hbm4b:s3+s2], $0x80, v4, vm0, $0xb8;
	[tilespmem:$0x8080] =	vst v63  }
0xdd: {  	_ = 	snop  }
0xde: {  	[tilespmem:s28], [sflag:$0x1] =	stream.indirect_vreg.gather [hbm4b:s4+s2], $0x80, v4, vm0, $0xb8;
	[tilespmem:$0x8080] =	vst v63  }
0xdf: {  	_ = 	snop  }
0xe0: {  	[tilespmem:s29], [sflag:$0x1] =	stream.indirect_vreg.gather [hbm4b:s3+s2], $0x80, v3, vm0, $0xb8;
	[tilespmem:$0x8080] =	vst v63  }
0xe1: {  	_ = 	snop  }
0xe2: {  	[tilespmem:s30], [sflag:$0x1] =	stream.indirect_vreg.gather [hbm4b:s4+s2], $0x80, v3, vm0, $0xb8;
	[tilespmem:$0x8080] =	vst v63  }
0xe3: {  	_ =	swait.ge [sflag:s31], $0x8000  }
0xe4: {  	[sflag:s31] =	ssyncset.done $0x0  }
0xe5: {  	[sflag:s31] =	ssyncadd.s32 $0xFFFF8000  }
0xe6: {  	[hbm4b:s9+s2] =	stream.linear.scatter [tilespmem:s14], [sflag:$0x2], $0x8000, $0x38;
	[tilespmem:$0x8080] =	vst v63  }
0xe7: {  	_ =	swait.ge [sflag:s13], $0x8000  }
0xe8: {  	[sflag:s13] =	ssyncset.done $0x0  }
0xe9: {  	[sflag:s13] =	ssyncadd.s32 $0xFFFF8000  }
0xea: {  	[tilespmem:s2], [sflag:$0x2] =	stream.linear.gather [hbm4b:s10+s2], $0x40, $0x38;
	[tilespmem:$0x8080] =	vst v63  }
0xeb: {  	_ =	swait.ge [sflag:s13], $0x40  }
0xec: {  	[sflag:s13] =	ssyncset.done $0x0  }
0xed: {  	[sflag:s13] =	ssyncadd.s32 $0xFFFFFFC0  }
0xee: {  	v3 =	vld [tilespmem:$0x0];
	_ =	sdelay $0x4  }
0xef: {  	v60 =	vshll.u32 v3, $0x2  }
0xf0: {  	v3 =	vand.u32 $0x7, v3;
	v4 =	vand.u32 $0xFFFFFFE0, v60  }
0xf1: {  	v3 =	vor.u32 v3, v4  }
0xf2: {  	v4 =	vperm.xlane v3, v0;
	_ =	sdelay $0x1  }
0xf3: {  	v4 =	vadd.s32 v1, v4;
	_ =	sdelay $0x1  }
0xf4: {  	v3 =	vperm.xlane v3, v2;
	_ =	sdelay $0x1  }
0xf5: {  	v3 =	vadd.s32 v1, v3  }
0xf6: {  	[tilespmem:s14], [sflag:$0x1] =	stream.indirect_vreg.gather [hbm4b:s3+s2], $0x80, v4, vm0, $0xb8;
	[tilespmem:$0x8080] =	vst v63  }
0xf7: {  	_ = 	snop  }
0xf8: {  	[tilespmem:s15], [sflag:$0x1] =	stream.indirect_vreg.gather [hbm4b:s4+s2], $0x80, v4, vm0, $0xb8;
	[tilespmem:$0x8080] =	vst v63  }
0xf9: {  	_ = 	snop  }
0xfa: {  	[tilespmem:s16], [sflag:$0x1] =	stream.indirect_vreg.gather [hbm4b:s3+s2], $0x80, v3, vm0, $0xb8;
	[tilespmem:$0x8080] =	vst v63  }
0xfb: {  	_ = 	snop  }
0xfc: {  	[tilespmem:s17], [sflag:$0x1] =	stream.indirect_vreg.gather [hbm4b:s4+s2], $0x80, v3, vm0, $0xb8;
	[tilespmem:$0x8080] =	vst v63  }
0xfd: {  	v3 =	vld [tilespmem:$0x10];
	_ =	sdelay $0x4  }
0xfe: {  	v61 =	vshll.u32 v3, $0x2  }
0xff: {  	v3 =	vand.u32 $0x7, v3;
	v4 =	vand.u32 $0xFFFFFFE0, v61  }
0x100: {  	v3 =	vor.u32 v3, v4  }
0x101: {  	v4 =	vperm.xlane v3, v0;
	_ =	sdelay $0x1  }
0x102: {  	v4 =	vadd.s32 v1, v4;
	_ =	sdelay $0x1  }
0x103: {  	v3 =	vperm.xlane v3, v2;
	_ =	sdelay $0x1  }
0x104: {  	v3 =	vadd.s32 v1, v3  }
0x105: {  	[tilespmem:s18], [sflag:$0x1] =	stream.indirect_vreg.gather [hbm4b:s3+s2], $0x80, v4, vm0, $0xb8;
	[tilespmem:$0x8080] =	vst v63  }
0x106: {  	_ = 	snop  }
0x107: {  	[tilespmem:s19], [sflag:$0x1] =	stream.indirect_vreg.gather [hbm4b:s4+s2], $0x80, v4, vm0, $0xb8;
	[tilespmem:$0x8080] =	vst v63  }
0x108: {  	_ = 	snop  }
0x109: {  	[tilespmem:s20], [sflag:$0x1] =	stream.indirect_vreg.gather [hbm4b:s3+s2], $0x80, v3, vm0, $0xb8;
	[tilespmem:$0x8080] =	vst v63  }
0x10a: {  	_ = 	snop  }
0x10b: {  	[tilespmem:s21], [sflag:$0x1] =	stream.indirect_vreg.gather [hbm4b:s4+s2], $0x80, v3, vm0, $0xb8;
	[tilespmem:$0x8080] =	vst v63  }
0x10c: {  	v3 =	vld [tilespmem:$0x20];
	_ =	sdelay $0x4  }
0x10d: {  	v62 =	vshll.u32 v3, $0x2  }
0x10e: {  	v3 =	vand.u32 $0x7, v3;
	v4 =	vand.u32 $0xFFFFFFE0, v62  }
0x10f: {  	v3 =	vor.u32 v3, v4  }
0x110: {  	v4 =	vperm.xlane v3, v0;
	_ =	sdelay $0x1  }
0x111: {  	v4 =	vadd.s32 v1, v4;
	_ =	sdelay $0x1  }
0x112: {  	v3 =	vperm.xlane v3, v2;
	_ =	sdelay $0x1  }
0x113: {  	v3 =	vadd.s32 v1, v3  }
0x114: {  	[tilespmem:s22], [sflag:$0x1] =	stream.indirect_vreg.gather [hbm4b:s3+s2], $0x80, v4, vm0, $0xb8;
	[tilespmem:$0x8080] =	vst v63  }
0x115: {  	_ = 	snop  }
0x116: {  	[tilespmem:s23], [sflag:$0x1] =	stream.indirect_vreg.gather [hbm4b:s4+s2], $0x80, v4, vm0, $0xb8;
	[tilespmem:$0x8080] =	vst v63  }
0x117: {  	_ = 	snop  }
0x118: {  	[tilespmem:s24], [sflag:$0x1] =	stream.indirect_vreg.gather [hbm4b:s3+s2], $0x80, v3, vm0, $0xb8;
	[tilespmem:$0x8080] =	vst v63  }
0x119: {  	_ = 	snop  }
0x11a: {  	[tilespmem:s25], [sflag:$0x1] =	stream.indirect_vreg.gather [hbm4b:s4+s2], $0x80, v3, vm0, $0xb8;
	[tilespmem:$0x8080] =	vst v63  }
0x11b: {  	v3 =	vld [tilespmem:$0x30];
	_ =	sdelay $0x4  }
0x11c: {  	v63 =	vshll.u32 v3, $0x2  }
0x11d: {  	v3 =	vand.u32 $0x7, v3;
	v4 =	vand.u32 $0xFFFFFFE0, v63  }
0x11e: {  	v3 =	vor.u32 v3, v4  }
0x11f: {  	v4 =	vperm.xlane v3, v0;
	_ =	sdelay $0x1  }
0x120: {  	v4 =	vadd.s32 v1, v4;
	_ =	sdelay $0x1  }
0x121: {  	v3 =	vperm.xlane v3, v2;
	_ =	sdelay $0x1  }
0x122: {  	v3 =	vadd.s32 v1, v3  }
0x123: {  	[tilespmem:s26], [sflag:$0x1] =	stream.indirect_vreg.gather [hbm4b:s3+s2], $0x80, v4, vm0, $0xb8;
	[tilespmem:$0x8080] =	vst v63  }
0x124: {  	_ = 	snop  }
0x125: {  	[tilespmem:s28], [sflag:$0x1] =	stream.indirect_vreg.gather [hbm4b:s4+s2], $0x80, v4, vm0, $0xb8;
	[tilespmem:$0x8080] =	vst v63  }
0x126: {  	_ = 	snop  }
0x127: {  	[tilespmem:s29], [sflag:$0x1] =	stream.indirect_vreg.gather [hbm4b:s3+s2], $0x80, v3, vm0, $0xb8;
	[tilespmem:$0x8080] =	vst v63  }
0x128: {  	_ = 	snop  }
0x129: {  	[tilespmem:s30], [sflag:$0x1] =	stream.indirect_vreg.gather [hbm4b:s4+s2], $0x80, v3, vm0, $0xb8;
	[tilespmem:$0x8080] =	vst v63  }
0x12a: {  	_ =	swait.ge [sflag:s31], $0x8000  }
0x12b: {  	p0 =	sne.s32 s12, $0x1;
	[sflag:s31] =	ssyncset.done $0x0  }
.Ltmp0:
0x12c: {  	[sflag:s31] =	ssyncadd.s32 $0xFFFF8000;
	(pc) =	sbr.rel @p0 .LBB2_1-.Ltmp0, $4  }
0x12d: {  	[hbm4b:s11+s2] =	stream.linear.scatter [tilespmem:s14], [sflag:$0x2], $0x8000, $0x38;
	[tilespmem:$0x8080] =	vst v63  }
0x12e: {  	_ =	swait.ge [sflag:s13], $0x8000  }
0x12f: {  	[sflag:s13] =	ssyncset.done $0x0  }
0x130: {  	s12 =	sadd.s32 $0xFFFFFFFF, s12;
	[sflag:s13] =	ssyncadd.s32 $0xFFFF8000  }
0x131: {  	_ =	sfence.sel $0x180000  }
0x132: {  	[bflag:$0x0] =	sbarrier.arrive $0xFFFF  }
0x133: {  	_ =	strace $0x90000056  }
0x134: {  	[bflag:$0x2] =	sbarrier.arrive $0xFFFF  }
0x135: {  	p0 =	sne.s32 s1, $0x0;
	s0 =	rddreg [dreg:$0x1]  }
0x136: {  	s0 =	sadd.s32 @!p0 $0x100000, s0  }
0x137: {  	[sflag:s0] =	ssyncadd.tile.s32 @!p0 $0x1;
	_ =	shalt  }
.Lfunc_end2:
_tile_overlayer_lowered:
.L_overlay_start_2:
0x138: {  	(tag) =	ssettag $0x2  }
0x139: {  	s0 =	rddreg [dreg:$0x0];
	s2 =	stileid.u32  }
0x13a: {  	s1 =	rddreg [dreg:$0x1];
	p0 =	sne.s32 s2, $0x0  }
0x13b: {  	s3 =	rddreg [dreg:$0x2];
	[bflag:$0x3] =	sbarrier.arrive $0xFFFF;
	s2 =	simm.s32 @!p0 $0x1C02  }
0x13c: {  	[timem:s3], [sflag:s2] =	dma.local @!p0 [hbm:s0], s1  }
0x13d: {  	s0 =	simm.s32 @!p0 $0x2  }
0x13e: {  	_ =	swait.ge @!p0 [sflag:s0], s1  }
0x13f: {  	s1 =	ssub.s32 @!p0 $0x0, s1;
	[sflag:s0] =	ssyncset.done @!p0 $0x0  }
0x140: {  	[sflag:s0] =	ssyncadd.s32 @!p0 s1  }
0x141: {  	[bflag:$0x3] =	sbarrier.arrive $0xFFFF  }
0x142: {  	_ =	shalt  }

// kernel: kernel.38.cloned.1.call-start
scs
__scs_entry_jumppad:
0x0: {  	(pc) =	sbr.rel $0x88, $3  }
0x1: {  	(tag) =	ssettag $0x0;
	lr =	simm.s32 $0x1  }
0x2: {  	[smem:$0x3F9D] =	sst lr;
	_ =	strace $0xD0000000  }
0x3: {  	_ = 	snop  }
0x4: {  	_ = 	snop  }
0x5: {  	_ = 	snop  }
0x6: {  	_ = 	snop  }
0x7: {  	_ = 	snop  }
__scs_overlays_trampoline_lowered:
0x8: {  	[smem:$0x3FAC] =	sst s0  }
0x9: {  	[smem:$0x3FAD] =	sst s1  }
0xa: {  	[smem:$0x3FAE] =	sst s2  }
0xb: {  	[smem:$0x3FAF] =	sst s3  }
0xc: {  	[smem:$0x3FB0] =	sst s4  }
0xd: {  	[smem:$0x3FB1] =	sst s5  }
0xe: {  	[smem:$0x3FB2] =	sst s6  }
0xf: {  	[smem:$0x3FB3] =	sst s7  }
0x10: {  	[smem:$0x3FB4] =	sst s8  }
0x11: {  	[smem:$0x3FB5] =	sst s9;
	s0 =	simm.s32 @!p0 $0x0  }
0x12: {  	s1 =	sld [smem:$0x3F9B];
	s0 =	simm.s32 @p0 $0x1  }
0x13: {  	[smem:$0x3FB6] =	sst s0;
	s0 =	simm.s32 @!p1 $0x0  }
0x14: {  	s2 =	sld [smem:$0x3F9A];
	s0 =	simm.s32 @p1 $0x1  }
0x15: {  	[smem:$0x3FB7] =	sst s0;
	s0 =	simm.s32 @!p2 $0x0  }
0x16: {  	s3 =	sld [smem:$0x3FDB];
	s0 =	simm.s32 @p2 $0x1  }
0x17: {  	s4 =	simm.s32 $0x1BF5;
	[smem:$0x3FB9] =	sst s0  }
0x18: {  	s0 =	sld [smem:$0x3F9C];
	_ =	swait.ge [sflag:s4], $0x0  }
0x19: {  	s7 =	sld [smem:$0x3F9D]  }
0x1a: {  	s8 =	sadd.s32 $0xFFFFE003, lr  }
0x1b: {  	s9 =	sadd.s32 $0xFFFFFEF7, lr;
	s5 =	simm.s32 $0xFFFFFFFF;
	p2 =	slt.u32 s8, $0xFFFFF086  }
0x1c: {  	p1 =	slt.u32 s9, $0xF7A;
	s5 =	simm.s32 @!p2 $0x0  }
0x1d: {  	s5 =	simm.s32 @p1 $0x1;
	p0 =	seq.s32 s7, s2  }
0x1e: {  	s7 =	smul.u32 @!p0 $0xF7A, s2;
	p2 =	seq.s32 @!p0 s5, $0x0  }
0x1f: {  	s9 =	smul.u32 $0xF7A, s1;
	s8 =	simm.s32 @!p0 $0x1BF5;
	p2 =	por !p2, p0  }
0x20: {  	[sflag:s8] =	ssyncset.s32 @!p0 $0xFFFFF086;
	s6 =	sadd.s32 @!p0 s3, s7;
	s7 =	simm.s32 @!p0 $0x108  }
0x21: {  	s3 =	sadd.s32 s3, s9;
	s6 =	sadd.s32 @!p0 $0x88, s6;
	s7 =	simm.s32 @p2 $0x1082  }
0x22: {  	[simem:s7], [sflag:s8] =	dma.local @!p0 [hbm:s6], $0xF7A  }
0x23: {  	s9 =	sor.u32 $0xD0000000, s2;
	s6 =	simm.s32 $0x108;
	_ =	swait.ge @!p0 [sflag:s8], $0x0  }
0x24: {  	s3 =	sadd.s32 $0x88, s3;
	s6 =	simm.s32 @!p1 $0x1082;
	[sflag:s4] =	ssyncset.s32 $0xFFFFF086  }
0x25: {  	[simem:s6], [sflag:s4] =	dma.local [hbm:s3], $0xF7A  }
0x26: {  	[smem:$0x3F9D] =	sst s1;
	(tag) =	ssettag s2;
	_ =	strace s9  }
0x27: {  	s1 =	sld [smem:$0x3FAD]  }
0x28: {  	s2 =	sld [smem:$0x3FAE]  }
0x29: {  	s4 =	sld [smem:$0x3FB0]  }
0x2a: {  	p0 =	seq.s32 s5, $0x0;
	s5 =	sld [smem:$0x3FB1]  }
0x2b: {  	s6 =	sld [smem:$0x3FB2]  }
0x2c: {  	s7 =	sld [smem:$0x3FB3]  }
0x2d: {  	s3 =	simm.s32 $0x108;
	s8 =	sld [smem:$0x3FB4]  }
0x2e: {  	s3 =	simm.s32 @!p0 $0x1082;
	s9 =	sld [smem:$0x3FB5]  }
0x2f: {  	lr =	sadd.s32 s0, s3;
	s0 =	sld [smem:$0x3FAC]  }
0x30: {  	s3 =	sld [smem:$0x3FAF]  }
0x31: {  	[smem:$0x3FB8] =	sst s10  }
0x32: {  	s10 =	sld [smem:$0x3FB6];
	_ =	sdelay $0x3  }
0x33: {  	p0 =	seq.s32 s10, $0x1;
	s10 =	sld [smem:$0x3FB8];
	_ =	sdelay $0x3  }
0x34: {  	[smem:$0x3FB8] =	sst s10  }
0x35: {  	s10 =	sld [smem:$0x3FB7];
	_ =	sdelay $0x3  }
0x36: {  	p1 =	seq.s32 s10, $0x1;
	s10 =	sld [smem:$0x3FB8];
	_ =	sdelay $0x3  }
0x37: {  	[smem:$0x3FB8] =	sst s10  }
0x38: {  	s10 =	sld [smem:$0x3FB9]  }
0x39: {  	_ = 	snop;
	(pc) =	sbr.ind lr, $3  }
0x3a: {  	_ = 	snop  }
0x3b: {  	_ = 	snop  }
0x3c: {  	p2 =	seq.s32 s10, $0x1;
	s10 =	sld [smem:$0x3FB8]  }
0x3d: {  	_ =	shalt  }
0x3e: {  	_ =	shalt  }
0x3f: {  	_ =	shalt  }
0x40: {  	_ =	shalt  }
0x41: {  	_ =	shalt  }
0x42: {  	_ =	shalt  }
0x43: {  	_ =	shalt  }
0x44: {  	_ =	shalt  }
0x45: {  	_ =	shalt  }
0x46: {  	_ =	shalt  }
0x47: {  	_ =	shalt  }
0x48: {  	_ =	shalt  }
0x49: {  	_ =	shalt  }
0x4a: {  	_ =	shalt  }
0x4b: {  	_ =	shalt  }
0x4c: {  	_ =	shalt  }
0x4d: {  	_ =	shalt  }
0x4e: {  	_ =	shalt  }
0x4f: {  	_ =	shalt  }
0x50: {  	_ =	shalt  }
0x51: {  	_ =	shalt  }
0x52: {  	_ =	shalt  }
0x53: {  	_ =	shalt  }
0x54: {  	_ =	shalt  }
0x55: {  	_ =	shalt  }
0x56: {  	_ =	shalt  }
0x57: {  	_ =	shalt  }
0x58: {  	_ =	shalt  }
0x59: {  	_ =	shalt  }
0x5a: {  	_ =	shalt  }
0x5b: {  	_ =	shalt  }
0x5c: {  	_ =	shalt  }
0x5d: {  	_ =	shalt  }
0x5e: {  	_ =	shalt  }
0x5f: {  	_ =	shalt  }
0x60: {  	_ =	shalt  }
0x61: {  	_ =	shalt  }
0x62: {  	_ =	shalt  }
0x63: {  	_ =	shalt  }
0x64: {  	_ =	shalt  }
0x65: {  	_ =	shalt  }
0x66: {  	_ =	shalt  }
0x67: {  	_ =	shalt  }
0x68: {  	_ =	shalt  }
0x69: {  	_ =	shalt  }
0x6a: {  	_ =	shalt  }
0x6b: {  	_ =	shalt  }
0x6c: {  	_ =	shalt  }
0x6d: {  	_ =	shalt  }
0x6e: {  	_ =	shalt  }
0x6f: {  	_ =	shalt  }
0x70: {  	_ =	shalt  }
0x71: {  	_ =	shalt  }
0x72: {  	_ =	shalt  }
0x73: {  	_ =	shalt  }
0x74: {  	_ =	shalt  }
0x75: {  	_ =	shalt  }
0x76: {  	_ =	shalt  }
0x77: {  	_ =	shalt  }
0x78: {  	_ =	shalt  }
0x79: {  	_ =	shalt  }
0x7a: {  	_ =	shalt  }
0x7b: {  	_ =	shalt  }
0x7c: {  	_ =	shalt  }
0x7d: {  	_ =	shalt  }
0x7e: {  	_ =	shalt  }
0x7f: {  	_ =	shalt  }
0x80: {  	_ =	shalt  }
0x81: {  	_ =	shalt  }
0x82: {  	_ =	shalt  }
0x83: {  	_ =	shalt  }
0x84: {  	_ =	shalt  }
0x85: {  	_ =	shalt  }
0x86: {  	_ =	shalt  }
0x87: {  	_ =	shalt  }
.Lfunc_end0:
.L_simem_size_0:
called_computation.6_lowered:
.L_overlay_start_0:
0x88: {  	s2 =	sld [smem:$0x3FD9]  }
0x89: {  	s3 =	sld [smem:$0x3FFE];
	_ =	sdelay $0x1  }
0x8a: {  	s1 =	srdreg.scid  }
0x8b: {  	s0 =	sand.u32 $0x1, s1  }
0x8c: {  	s16 =	sshll.u32 s0, $0xA;
	s2 =	sadd.s32 s3, s2  }
0x8d: {  	s2 =	sadd.s32 s2, s16  }
0x8e: {  	[smem:$0x3FC4] =	sst s2  }
0x8f: {  	_ = 	snop  }
0x90: {  	(tm) =	ssettm $0x1  }
0x91: {  	s17 =	sld [smem:$0x3FFB];
	_ =	sdelay $0x3  }
0x92: {  	_ =	strace s17  }
0x93: {  	s2 =	sld [smem:$0x3FFC];
	_ =	sdelay $0x3  }
0x94: {  	_ =	strace s2  }
0x95: {  	s2 =	sld [smem:$0x3FFD];
	_ =	sdelay $0x3  }
0x96: {  	_ =	strace s2  }
0x97: {  	_ =	strace $0x8FFFFFFF  }
0x98: {  	s18 =	sld [smem:$0x3FDB];
	_ =	sdelay $0x1  }
0x99: {  	s19 =	simm.s32 $_scs_section_size  }
0x9a: {  	s4 =	simm.s32 $_size__tile_overlayer_lowered;
	s5 =	simm.s32 $_tile_overlayer_lowered  }
0x9b: {  	s22 =	simm.s32 $0x1BFF;
	s21 =	sshll.u32 s5, $0x1;
	s2 =	sadd.s32 s19, s18  }
0x9c: {  	s6 =	simm.s32 $0x0;
	s20 =	sshll.u32 s4, $0x1;
	s4 =	sadd.s32 s21, s2  }
0x9d: {  	[timem:s6], [sflag:s22] =	dma.local [hbm:s4], s20  }
0x9e: {  	_ =	swait.ge [sflag:s22], s20  }
0x9f: {  	s3 =	ssub.s32 $0x0, s20;
	[sflag:s22] =	ssyncset.done $0x0  }
0xa0: {  	[sflag:s22] =	ssyncadd.s32 s3;
	_ =	sdelay $0x1  }
0xa1: {  	s23 =	simm.s32 $0x1B8B  }
0xa2: {  	_ =	swait.ge [sflag:s23], $0x1  }
0xa3: {  	[sflag:s23] =	ssyncset.done $0x0  }
0xa4: {  	s25 =	simm.s32 $0x1B8E;
	s24 =	sld [smem:$0x3FFE];
	[sflag:s23] =	ssyncadd.s32 $0xFFFFFFFF  }
0xa5: {  	s26 =	simm.s32 $execute0_lowered;
	[smem:$0x3FD2] =	sst s25  }
0xa6: {  	s4 =	sshll.u32 s26, $0x1;
	_ =	strace $0x80000058;
	[dreg:$0x1] =	wrdreg $0xFFFFFFFF  }
0xa7: {  	s28 =	simm.s32 $_size_execute0_lowered;
	s2 =	sadd.s32 s2, s4;
	[dreg:$0x0] =	wrdreg $0x0  }
0xa8: {  	s4 =	sshll.u32 s28, $0x1;
	[dreg:$0x2] =	wrdreg s2  }
0xa9: {  	[dreg:$0x3] =	wrdreg s4  }
0xaa: {  	[dreg:$0x4] =	wrdreg $0xC0  }
0xab: {  	_ =	task [dreg:s6], $0x5FFFF  }
0xac: {  	[dreg:$0x1] =	wrdreg $0xFFFFFFFF  }
0xad: {  	[dreg:$0x0] =	wrdreg $0x60  }
0xae: {  	[dreg:$0x2] =	wrdreg s24  }
0xaf: {  	[dreg:$0x3] =	wrdreg $0x9  }
0xb0: {  	_ =	task.clear_ibuf [dreg:s6], $0x4FFFF;
	_ =	strace $0x90000058  }
0xb1: {  	s29 =	simm.s32 $0x9;
	_ =	strace $0x8000005A  }
0xb2: {  	_ =	swait.ge [sflag:s29], $0x1  }
0xb3: {  	[sflag:s29] =	ssyncadd.s32 $0xFFFFFFFF  }
0xb4: {  	_ =	strace $0x9000005A  }
0xb5: {  	_ =	sfence  }
0xb6: {  	s30 =	sld [smem:$0x0];
	_ =	sdelay $0x2  }
0xb7: {  	s31 =	sshll.u32 s1, $0xD;
	s1 =	sshrl.u32 s1, $0x2  }
0xb8: {  	s3 =	sand.u32 $0x4000, s31;
	s1 =	sadd.s32 s1, s30  }
0xb9: {  	s0 =	sor.u32 s3, s0;
	s1 =	sshll.u32 s1, $0x11  }
0xba: {  	s0 =	sor.u32 s1, s0  }
0xbb: {  	s0 =	sadd.s32 $0x8F2B, s0  }
0xbc: {  	[sflag:s0] =	ssyncadd.remote.s32 $0x1  }
0xbd: {  	_ =	sfence.sel $0xFFFF  }
0xbe: {  	[dreg:$0x0] =	wrdreg $0xFFFFFFFF;
	(pc) =	sbr.abs _section_cstart, $3  }
0xbf: {  	[dreg:$0x1] =	wrdreg $0xFFFFFFFF  }
0xc0: {  	_ =	task.clear_ibuf [dreg:s6], $0x2FFFF;
	_ =	strace $0x9FFFFFFF  }
0xc1: {  	(tm) =	ssettm $0x7FFFFFFF  }
tec
execute0_lowered:
.L_overlay_start_1:
0x0: {  	(tag) =	ssettag $0x1  }
0x1: {  	s4 =	rddreg [dreg:$0x0];
	s3 =	srdreg.scid  }
0x2: {  	s2 =	simm.s32 $0x0;
	s1 =	stileid.u32;
	s15 =	simm.s32 $0x880  }
0x3: {  	s16 =	simm.s32 $0x1080;
	s17 =	simm.s32 $0x1880;
	s18 =	simm.s32 $0x2080  }
0x4: {  	s19 =	simm.s32 $0x2880;
	s20 =	simm.s32 $0x3080;
	s28 =	simm.s32 $0x6880  }
0x5: {  	s29 =	simm.s32 $0x7080;
	s30 =	simm.s32 $0x7880;
	s31 =	simm.s32 $0x1  }
0x6: {  	s5 =	sand.u32 $0x1, s3;
	[smem:$0x7FF] =	sst s2;
	s6 =	sshll.u32 s1, $0x9  }
0x7: {  	s3 =	sadd.s32 $0x20EE00, s4;
	s10 =	sadd.s32 $0xC200, s4;
	s11 =	sadd.s32 $0x4F400, s4  }
0x8: {  	s4 =	sadd.s32 $0x20EF00, s4;
	s7 =	sshll.u32 s5, $0x8;
	s5 =	ssub.s32 $0x2, s5  }
0x9: {  	_ =	strace $0x80000059;
	s9 =	sor.u32 s7, s6;
	s21 =	sshrl.u32 s5, $0x1  }
0xa: {  	s6 =	sshrl.u32 s9, $0x3;
	s12 =	ssub.s32 s5, s21;
	s22 =	sshll.u32 s9, $0x6  }
0xb: {  	s23 =	sor.u32 $0x40, s9;
	s13 =	sor.u32 $0x80, s9;
	s14 =	sor.u32 $0xC0, s9  }
0xc: {  	s21 =	simm.s32 $0x3880;
	s6 =	sadd.s32 s10, s6;
	s5 =	sadd.s32 s11, s22  }
0xd: {  	s24 =	sshrl.u32 s23, $0x3;
	s8 =	sshll.u32 s23, $0x6;
	s25 =	sshrl.u32 s13, $0x3  }
0xe: {  	s13 =	sshll.u32 s13, $0x6;
	s26 =	sshrl.u32 s14, $0x3;
	s14 =	sshll.u32 s14, $0x6  }
0xf: {  	s12 =	smax.u32 s12, $0x1;
	s22 =	simm.s32 $0x4080;
	s23 =	simm.s32 $0x4880  }
0x10: {  	[dreg:$0x2] =	wrdreg s6;
	s6 =	sadd.s32 s10, s24;
	s7 =	sadd.s32 s11, s8  }
0x11: {  	v2 =	vlaneseq.u32;
	s8 =	sadd.s32 s10, s25;
	s9 =	sadd.s32 s11, s13;
	s10 =	sadd.s32 s10, s26  }
0x12: {  	vm0 =	vmmov $0xffff;
	v1 =	vshrl.u32 v2, $0x3;
	s11 =	sadd.s32 s11, s14;
	s13 =	simm.s32 $0x2;
	s14 =	simm.s32 $0x80  }
0x13: {  	v0 =	vand.u32 $0x7, v2;
	v2 =	vor.u32 $0x8, v2;
	v1 =	vmul.u32 $0x8, v1;
	s24 =	simm.s32 $0x5080;
	s25 =	simm.s32 $0x5880;
	s26 =	simm.s32 $0x6080  }
.LBB2_1:
0x14: {  	s0 =	rddreg [dreg:$0x2]  }
0x15: {  	[tilespmem:s2], [sflag:$0x2] =	stream.linear.gather [hbm4b:s0+s2], $0x40, $0x38;
	[tilespmem:$0x8080] =	vst v63  }
0x16: {  	_ =	swait.ge [sflag:s13], $0x40  }
0x17: {  	[sflag:s13] =	ssyncset.done $0x0  }
0x18: {  	[sflag:s13] =	ssyncadd.s32 $0xFFFFFFC0  }
0x19: {  	v3 =	vld [tilespmem:$0x0];
	_ =	sdelay $0x4  }
0x1a: {  	v4 =	vshll.u32 v3, $0x2  }
0x1b: {  	v3 =	vand.u32 $0x7, v3;
	v4 =	vand.u32 $0xFFFFFFE0, v4  }
0x1c: {  	v3 =	vor.u32 v3, v4  }
0x1d: {  	v4 =	vperm.xlane v3, v0;
	_ =	sdelay $0x1  }
0x1e: {  	v4 =	vadd.s32 v1, v4;
	_ =	sdelay $0x1  }
0x1f: {  	v3 =	vperm.xlane v3, v2;
	_ =	sdelay $0x1  }
0x20: {  	v3 =	vadd.s32 v1, v3  }
0x21: {  	[tilespmem:s14], [sflag:$0x1] =	stream.indirect_vreg.gather [hbm4b:s3+s2], $0x80, v4, vm0, $0xb8;
	[tilespmem:$0x8080] =	vst v63  }
0x22: {  	_ = 	snop  }
0x23: {  	[tilespmem:s15], [sflag:$0x1] =	stream.indirect_vreg.gather [hbm4b:s4+s2], $0x80, v4, vm0, $0xb8;
	[tilespmem:$0x8080] =	vst v63  }
0x24: {  	_ = 	snop  }
0x25: {  	[tilespmem:s16], [sflag:$0x1] =	stream.indirect_vreg.gather [hbm4b:s3+s2], $0x80, v3, vm0, $0xb8;
	[tilespmem:$0x8080] =	vst v63  }
0x26: {  	_ = 	snop  }
0x27: {  	[tilespmem:s17], [sflag:$0x1] =	stream.indirect_vreg.gather [hbm4b:s4+s2], $0x80, v3, vm0, $0xb8;
	[tilespmem:$0x8080] =	vst v63  }
0x28: {  	v3 =	vld [tilespmem:$0x10];
	_ =	sdelay $0x4  }
0x29: {  	v49 =	vshll.u32 v3, $0x2  }
0x2a: {  	v3 =	vand.u32 $0x7, v3;
	v4 =	vand.u32 $0xFFFFFFE0, v49  }
0x2b: {  	v3 =	vor.u32 v3, v4  }
0x2c: {  	v4 =	vperm.xlane v3, v0;
	_ =	sdelay $0x1  }
0x2d: {  	v4 =	vadd.s32 v1, v4;
	_ =	sdelay $0x1  }
0x2e: {  	v3 =	vperm.xlane v3, v2;
	_ =	sdelay $0x1  }
0x2f: {  	v3 =	vadd.s32 v1, v3  }
0x30: {  	[tilespmem:s18], [sflag:$0x1] =	stream.indirect_vreg.gather [hbm4b:s3+s2], $0x80, v4, vm0, $0xb8;
	[tilespmem:$0x8080] =	vst v63  }
0x31: {  	_ = 	snop  }
0x32: {  	[tilespmem:s19], [sflag:$0x1] =	stream.indirect_vreg.gather [hbm4b:s4+s2], $0x80, v4, vm0, $0xb8;
	[tilespmem:$0x8080] =	vst v63  }
0x33: {  	_ = 	snop  }
0x34: {  	[tilespmem:s20], [sflag:$0x1] =	stream.indirect_vreg.gather [hbm4b:s3+s2], $0x80, v3, vm0, $0xb8;
	[tilespmem:$0x8080] =	vst v63  }
0x35: {  	_ = 	snop  }
0x36: {  	[tilespmem:s21], [sflag:$0x1] =	stream.indirect_vreg.gather [hbm4b:s4+s2], $0x80, v3, vm0, $0xb8;
	[tilespmem:$0x8080] =	vst v63  }
0x37: {  	v3 =	vld [tilespmem:$0x20];
	_ =	sdelay $0x4  }
0x38: {  	v50 =	vshll.u32 v3, $0x2  }
0x39: {  	v3 =	vand.u32 $0x7, v3;
	v4 =	vand.u32 $0xFFFFFFE0, v50  }
0x3a: {  	v3 =	vor.u32 v3, v4  }
0x3b: {  	v4 =	vperm.xlane v3, v0;
	_ =	sdelay $0x1  }
0x3c: {  	v4 =	vadd.s32 v1, v4;
	_ =	sdelay $0x1  }
0x3d: {  	v3 =	vperm.xlane v3, v2;
	_ =	sdelay $0x1  }
0x3e: {  	v3 =	vadd.s32 v1, v3  }
0x3f: {  	[tilespmem:s22], [sflag:$0x1] =	stream.indirect_vreg.gather [hbm4b:s3+s2], $0x80, v4, vm0, $0xb8;
	[tilespmem:$0x8080] =	vst v63  }
0x40: {  	_ = 	snop  }
0x41: {  	[tilespmem:s23], [sflag:$0x1] =	stream.indirect_vreg.gather [hbm4b:s4+s2], $0x80, v4, vm0, $0xb8;
	[tilespmem:$0x8080] =	vst v63  }
0x42: {  	_ = 	snop  }
0x43: {  	[tilespmem:s24], [sflag:$0x1] =	stream.indirect_vreg.gather [hbm4b:s3+s2], $0x80, v3, vm0, $0xb8;
	[tilespmem:$0x8080] =	vst v63  }
0x44: {  	_ = 	snop  }
0x45: {  	[tilespmem:s25], [sflag:$0x1] =	stream.indirect_vreg.gather [hbm4b:s4+s2], $0x80, v3, vm0, $0xb8;
	[tilespmem:$0x8080] =	vst v63  }
0x46: {  	v3 =	vld [tilespmem:$0x30];
	_ =	sdelay $0x4  }
0x47: {  	v51 =	vshll.u32 v3, $0x2  }
0x48: {  	v3 =	vand.u32 $0x7, v3;
	v4 =	vand.u32 $0xFFFFFFE0, v51  }
0x49: {  	v3 =	vor.u32 v3, v4  }
0x4a: {  	v4 =	vperm.xlane v3, v0;
	_ =	sdelay $0x1  }
0x4b: {  	v4 =	vadd.s32 v1, v4;
	_ =	sdelay $0x1  }
0x4c: {  	v3 =	vperm.xlane v3, v2;
	_ =	sdelay $0x1  }
0x4d: {  	v3 =	vadd.s32 v1, v3  }
0x4e: {  	[tilespmem:s26], [sflag:$0x1] =	stream.indirect_vreg.gather [hbm4b:s3+s2], $0x80, v4, vm0, $0xb8;
	[tilespmem:$0x8080] =	vst v63  }
0x4f: {  	_ = 	snop  }
0x50: {  	[tilespmem:s28], [sflag:$0x1] =	stream.indirect_vreg.gather [hbm4b:s4+s2], $0x80, v4, vm0, $0xb8;
	[tilespmem:$0x8080] =	vst v63  }
0x51: {  	_ = 	snop  }
0x52: {  	[tilespmem:s29], [sflag:$0x1] =	stream.indirect_vreg.gather [hbm4b:s3+s2], $0x80, v3, vm0, $0xb8;
	[tilespmem:$0x8080] =	vst v63  }
0x53: {  	_ = 	snop  }
0x54: {  	[tilespmem:s30], [sflag:$0x1] =	stream.indirect_vreg.gather [hbm4b:s4+s2], $0x80, v3, vm0, $0xb8;
	[tilespmem:$0x8080] =	vst v63  }
0x55: {  	_ =	swait.ge [sflag:s31], $0x8000  }
0x56: {  	[sflag:s31] =	ssyncset.done $0x0  }
0x57: {  	[sflag:s31] =	ssyncadd.s32 $0xFFFF8000  }
0x58: {  	[hbm4b:s5+s2] =	stream.linear.scatter [tilespmem:s14], [sflag:$0x2], $0x8000, $0x38;
	[tilespmem:$0x8080] =	vst v63  }
0x59: {  	_ =	swait.ge [sflag:s13], $0x8000  }
0x5a: {  	[sflag:s13] =	ssyncset.done $0x0  }
0x5b: {  	[sflag:s13] =	ssyncadd.s32 $0xFFFF8000  }
0x5c: {  	[tilespmem:s2], [sflag:$0x2] =	stream.linear.gather [hbm4b:s6+s2], $0x40, $0x38;
	[tilespmem:$0x8080] =	vst v63  }
0x5d: {  	_ =	swait.ge [sflag:s13], $0x40  }
0x5e: {  	[sflag:s13] =	ssyncset.done $0x0  }
0x5f: {  	[sflag:s13] =	ssyncadd.s32 $0xFFFFFFC0  }
0x60: {  	v3 =	vld [tilespmem:$0x0];
	_ =	sdelay $0x4  }
0x61: {  	v52 =	vshll.u32 v3, $0x2  }
0x62: {  	v3 =	vand.u32 $0x7, v3;
	v4 =	vand.u32 $0xFFFFFFE0, v52  }
0x63: {  	v3 =	vor.u32 v3, v4  }
0x64: {  	v4 =	vperm.xlane v3, v0;
	_ =	sdelay $0x1  }
0x65: {  	v4 =	vadd.s32 v1, v4;
	_ =	sdelay $0x1  }
0x66: {  	v3 =	vperm.xlane v3, v2;
	_ =	sdelay $0x1  }
0x67: {  	v3 =	vadd.s32 v1, v3  }
0x68: {  	[tilespmem:s14], [sflag:$0x1] =	stream.indirect_vreg.gather [hbm4b:s3+s2], $0x80, v4, vm0, $0xb8;
	[tilespmem:$0x8080] =	vst v63  }
0x69: {  	_ = 	snop  }
0x6a: {  	[tilespmem:s15], [sflag:$0x1] =	stream.indirect_vreg.gather [hbm4b:s4+s2], $0x80, v4, vm0, $0xb8;
	[tilespmem:$0x8080] =	vst v63  }
0x6b: {  	_ = 	snop  }
0x6c: {  	[tilespmem:s16], [sflag:$0x1] =	stream.indirect_vreg.gather [hbm4b:s3+s2], $0x80, v3, vm0, $0xb8;
	[tilespmem:$0x8080] =	vst v63  }
0x6d: {  	_ = 	snop  }
0x6e: {  	[tilespmem:s17], [sflag:$0x1] =	stream.indirect_vreg.gather [hbm4b:s4+s2], $0x80, v3, vm0, $0xb8;
	[tilespmem:$0x8080] =	vst v63  }
0x6f: {  	v3 =	vld [tilespmem:$0x10];
	_ =	sdelay $0x4  }
0x70: {  	v53 =	vshll.u32 v3, $0x2  }
0x71: {  	v3 =	vand.u32 $0x7, v3;
	v4 =	vand.u32 $0xFFFFFFE0, v53  }
0x72: {  	v3 =	vor.u32 v3, v4  }
0x73: {  	v4 =	vperm.xlane v3, v0;
	_ =	sdelay $0x1  }
0x74: {  	v4 =	vadd.s32 v1, v4;
	_ =	sdelay $0x1  }
0x75: {  	v3 =	vperm.xlane v3, v2;
	_ =	sdelay $0x1  }
0x76: {  	v3 =	vadd.s32 v1, v3  }
0x77: {  	[tilespmem:s18], [sflag:$0x1] =	stream.indirect_vreg.gather [hbm4b:s3+s2], $0x80, v4, vm0, $0xb8;
	[tilespmem:$0x8080] =	vst v63  }
0x78: {  	_ = 	snop  }
0x79: {  	[tilespmem:s19], [sflag:$0x1] =	stream.indirect_vreg.gather [hbm4b:s4+s2], $0x80, v4, vm0, $0xb8;
	[tilespmem:$0x8080] =	vst v63  }
0x7a: {  	_ = 	snop  }
0x7b: {  	[tilespmem:s20], [sflag:$0x1] =	stream.indirect_vreg.gather [hbm4b:s3+s2], $0x80, v3, vm0, $0xb8;
	[tilespmem:$0x8080] =	vst v63  }
0x7c: {  	_ = 	snop  }
0x7d: {  	[tilespmem:s21], [sflag:$0x1] =	stream.indirect_vreg.gather [hbm4b:s4+s2], $0x80, v3, vm0, $0xb8;
	[tilespmem:$0x8080] =	vst v63  }
0x7e: {  	v3 =	vld [tilespmem:$0x20];
	_ =	sdelay $0x4  }
0x7f: {  	v54 =	vshll.u32 v3, $0x2  }
0x80: {  	v3 =	vand.u32 $0x7, v3;
	v4 =	vand.u32 $0xFFFFFFE0, v54  }
0x81: {  	v3 =	vor.u32 v3, v4  }
0x82: {  	v4 =	vperm.xlane v3, v0;
	_ =	sdelay $0x1  }
0x83: {  	v4 =	vadd.s32 v1, v4;
	_ =	sdelay $0x1  }
0x84: {  	v3 =	vperm.xlane v3, v2;
	_ =	sdelay $0x1  }
0x85: {  	v3 =	vadd.s32 v1, v3  }
0x86: {  	[tilespmem:s22], [sflag:$0x1] =	stream.indirect_vreg.gather [hbm4b:s3+s2], $0x80, v4, vm0, $0xb8;
	[tilespmem:$0x8080] =	vst v63  }
0x87: {  	_ = 	snop  }
0x88: {  	[tilespmem:s23], [sflag:$0x1] =	stream.indirect_vreg.gather [hbm4b:s4+s2], $0x80, v4, vm0, $0xb8;
	[tilespmem:$0x8080] =	vst v63  }
0x89: {  	_ = 	snop  }
0x8a: {  	[tilespmem:s24], [sflag:$0x1] =	stream.indirect_vreg.gather [hbm4b:s3+s2], $0x80, v3, vm0, $0xb8;
	[tilespmem:$0x8080] =	vst v63  }
0x8b: {  	_ = 	snop  }
0x8c: {  	[tilespmem:s25], [sflag:$0x1] =	stream.indirect_vreg.gather [hbm4b:s4+s2], $0x80, v3, vm0, $0xb8;
	[tilespmem:$0x8080] =	vst v63  }
0x8d: {  	v3 =	vld [tilespmem:$0x30];
	_ =	sdelay $0x4  }
0x8e: {  	v55 =	vshll.u32 v3, $0x2  }
0x8f: {  	v3 =	vand.u32 $0x7, v3;
	v4 =	vand.u32 $0xFFFFFFE0, v55  }
0x90: {  	v3 =	vor.u32 v3, v4  }
0x91: {  	v4 =	vperm.xlane v3, v0;
	_ =	sdelay $0x1  }
0x92: {  	v4 =	vadd.s32 v1, v4;
	_ =	sdelay $0x1  }
0x93: {  	v3 =	vperm.xlane v3, v2;
	_ =	sdelay $0x1  }
0x94: {  	v3 =	vadd.s32 v1, v3  }
0x95: {  	[tilespmem:s26], [sflag:$0x1] =	stream.indirect_vreg.gather [hbm4b:s3+s2], $0x80, v4, vm0, $0xb8;
	[tilespmem:$0x8080] =	vst v63  }
0x96: {  	_ = 	snop  }
0x97: {  	[tilespmem:s28], [sflag:$0x1] =	stream.indirect_vreg.gather [hbm4b:s4+s2], $0x80, v4, vm0, $0xb8;
	[tilespmem:$0x8080] =	vst v63  }
0x98: {  	_ = 	snop  }
0x99: {  	[tilespmem:s29], [sflag:$0x1] =	stream.indirect_vreg.gather [hbm4b:s3+s2], $0x80, v3, vm0, $0xb8;
	[tilespmem:$0x8080] =	vst v63  }
0x9a: {  	_ = 	snop  }
0x9b: {  	[tilespmem:s30], [sflag:$0x1] =	stream.indirect_vreg.gather [hbm4b:s4+s2], $0x80, v3, vm0, $0xb8;
	[tilespmem:$0x8080] =	vst v63  }
0x9c: {  	_ =	swait.ge [sflag:s31], $0x8000  }
0x9d: {  	[sflag:s31] =	ssyncset.done $0x0  }
0x9e: {  	[sflag:s31] =	ssyncadd.s32 $0xFFFF8000  }
0x9f: {  	[hbm4b:s7+s2] =	stream.linear.scatter [tilespmem:s14], [sflag:$0x2], $0x8000, $0x38;
	[tilespmem:$0x8080] =	vst v63  }
0xa0: {  	_ =	swait.ge [sflag:s13], $0x8000  }
0xa1: {  	[sflag:s13] =	ssyncset.done $0x0  }
0xa2: {  	[sflag:s13] =	ssyncadd.s32 $0xFFFF8000  }
0xa3: {  	[tilespmem:s2], [sflag:$0x2] =	stream.linear.gather [hbm4b:s8+s2], $0x40, $0x38;
	[tilespmem:$0x8080] =	vst v63  }
0xa4: {  	_ =	swait.ge [sflag:s13], $0x40  }
0xa5: {  	[sflag:s13] =	ssyncset.done $0x0  }
0xa6: {  	[sflag:s13] =	ssyncadd.s32 $0xFFFFFFC0  }
0xa7: {  	v3 =	vld [tilespmem:$0x0];
	_ =	sdelay $0x4  }
0xa8: {  	v56 =	vshll.u32 v3, $0x2  }
0xa9: {  	v3 =	vand.u32 $0x7, v3;
	v4 =	vand.u32 $0xFFFFFFE0, v56  }
0xaa: {  	v3 =	vor.u32 v3, v4  }
0xab: {  	v4 =	vperm.xlane v3, v0;
	_ =	sdelay $0x1  }
0xac: {  	v4 =	vadd.s32 v1, v4;
	_ =	sdelay $0x1  }
0xad: {  	v3 =	vperm.xlane v3, v2;
	_ =	sdelay $0x1  }
0xae: {  	v3 =	vadd.s32 v1, v3  }
0xaf: {  	[tilespmem:s14], [sflag:$0x1] =	stream.indirect_vreg.gather [hbm4b:s3+s2], $0x80, v4, vm0, $0xb8;
	[tilespmem:$0x8080] =	vst v63  }
0xb0: {  	_ = 	snop  }
0xb1: {  	[tilespmem:s15], [sflag:$0x1] =	stream.indirect_vreg.gather [hbm4b:s4+s2], $0x80, v4, vm0, $0xb8;
	[tilespmem:$0x8080] =	vst v63  }
0xb2: {  	_ = 	snop  }
0xb3: {  	[tilespmem:s16], [sflag:$0x1] =	stream.indirect_vreg.gather [hbm4b:s3+s2], $0x80, v3, vm0, $0xb8;
	[tilespmem:$0x8080] =	vst v63  }
0xb4: {  	_ = 	snop  }
0xb5: {  	[tilespmem:s17], [sflag:$0x1] =	stream.indirect_vreg.gather [hbm4b:s4+s2], $0x80, v3, vm0, $0xb8;
	[tilespmem:$0x8080] =	vst v63  }
0xb6: {  	v3 =	vld [tilespmem:$0x10];
	_ =	sdelay $0x4  }
0xb7: {  	v57 =	vshll.u32 v3, $0x2  }
0xb8: {  	v3 =	vand.u32 $0x7, v3;
	v4 =	vand.u32 $0xFFFFFFE0, v57  }
0xb9: {  	v3 =	vor.u32 v3, v4  }
0xba: {  	v4 =	vperm.xlane v3, v0;
	_ =	sdelay $0x1  }
0xbb: {  	v4 =	vadd.s32 v1, v4;
	_ =	sdelay $0x1  }
0xbc: {  	v3 =	vperm.xlane v3, v2;
	_ =	sdelay $0x1  }
0xbd: {  	v3 =	vadd.s32 v1, v3  }
0xbe: {  	[tilespmem:s18], [sflag:$0x1] =	stream.indirect_vreg.gather [hbm4b:s3+s2], $0x80, v4, vm0, $0xb8;
	[tilespmem:$0x8080] =	vst v63  }
0xbf: {  	_ = 	snop  }
0xc0: {  	[tilespmem:s19], [sflag:$0x1] =	stream.indirect_vreg.gather [hbm4b:s4+s2], $0x80, v4, vm0, $0xb8;
	[tilespmem:$0x8080] =	vst v63  }
0xc1: {  	_ = 	snop  }
0xc2: {  	[tilespmem:s20], [sflag:$0x1] =	stream.indirect_vreg.gather [hbm4b:s3+s2], $0x80, v3, vm0, $0xb8;
	[tilespmem:$0x8080] =	vst v63  }
0xc3: {  	_ = 	snop  }
0xc4: {  	[tilespmem:s21], [sflag:$0x1] =	stream.indirect_vreg.gather [hbm4b:s4+s2], $0x80, v3, vm0, $0xb8;
	[tilespmem:$0x8080] =	vst v63  }
0xc5: {  	v3 =	vld [tilespmem:$0x20];
	_ =	sdelay $0x4  }
0xc6: {  	v58 =	vshll.u32 v3, $0x2  }
0xc7: {  	v3 =	vand.u32 $0x7, v3;
	v4 =	vand.u32 $0xFFFFFFE0, v58  }
0xc8: {  	v3 =	vor.u32 v3, v4  }
0xc9: {  	v4 =	vperm.xlane v3, v0;
	_ =	sdelay $0x1  }
0xca: {  	v4 =	vadd.s32 v1, v4;
	_ =	sdelay $0x1  }
0xcb: {  	v3 =	vperm.xlane v3, v2;
	_ =	sdelay $0x1  }
0xcc: {  	v3 =	vadd.s32 v1, v3  }
0xcd: {  	[tilespmem:s22], [sflag:$0x1] =	stream.indirect_vreg.gather [hbm4b:s3+s2], $0x80, v4, vm0, $0xb8;
	[tilespmem:$0x8080] =	vst v63  }
0xce: {  	_ = 	snop  }
0xcf: {  	[tilespmem:s23], [sflag:$0x1] =	stream.indirect_vreg.gather [hbm4b:s4+s2], $0x80, v4, vm0, $0xb8;
	[tilespmem:$0x8080] =	vst v63  }
0xd0: {  	_ = 	snop  }
0xd1: {  	[tilespmem:s24], [sflag:$0x1] =	stream.indirect_vreg.gather [hbm4b:s3+s2], $0x80, v3, vm0, $0xb8;
	[tilespmem:$0x8080] =	vst v63  }
0xd2: {  	_ = 	snop  }
0xd3: {  	[tilespmem:s25], [sflag:$0x1] =	stream.indirect_vreg.gather [hbm4b:s4+s2], $0x80, v3, vm0, $0xb8;
	[tilespmem:$0x8080] =	vst v63  }
0xd4: {  	v3 =	vld [tilespmem:$0x30];
	_ =	sdelay $0x4  }
0xd5: {  	v59 =	vshll.u32 v3, $0x2  }
0xd6: {  	v3 =	vand.u32 $0x7, v3;
	v4 =	vand.u32 $0xFFFFFFE0, v59  }
0xd7: {  	v3 =	vor.u32 v3, v4  }
0xd8: {  	v4 =	vperm.xlane v3, v0;
	_ =	sdelay $0x1  }
0xd9: {  	v4 =	vadd.s32 v1, v4;
	_ =	sdelay $0x1  }
0xda: {  	v3 =	vperm.xlane v3, v2;
	_ =	sdelay $0x1  }
0xdb: {  	v3 =	vadd.s32 v1, v3  }
0xdc: {  	[tilespmem:s26], [sflag:$0x1] =	stream.indirect_vreg.gather [hbm4b:s3+s2], $0x80, v4, vm0, $0xb8;
	[tilespmem:$0x8080] =	vst v63  }
0xdd: {  	_ = 	snop  }
0xde: {  	[tilespmem:s28], [sflag:$0x1] =	stream.indirect_vreg.gather [hbm4b:s4+s2], $0x80, v4, vm0, $0xb8;
	[tilespmem:$0x8080] =	vst v63  }
0xdf: {  	_ = 	snop  }
0xe0: {  	[tilespmem:s29], [sflag:$0x1] =	stream.indirect_vreg.gather [hbm4b:s3+s2], $0x80, v3, vm0, $0xb8;
	[tilespmem:$0x8080] =	vst v63  }
0xe1: {  	_ = 	snop  }
0xe2: {  	[tilespmem:s30], [sflag:$0x1] =	stream.indirect_vreg.gather [hbm4b:s4+s2], $0x80, v3, vm0, $0xb8;
	[tilespmem:$0x8080] =	vst v63  }
0xe3: {  	_ =	swait.ge [sflag:s31], $0x8000  }
0xe4: {  	[sflag:s31] =	ssyncset.done $0x0  }
0xe5: {  	[sflag:s31] =	ssyncadd.s32 $0xFFFF8000  }
0xe6: {  	[hbm4b:s9+s2] =	stream.linear.scatter [tilespmem:s14], [sflag:$0x2], $0x8000, $0x38;
	[tilespmem:$0x8080] =	vst v63  }
0xe7: {  	_ =	swait.ge [sflag:s13], $0x8000  }
0xe8: {  	[sflag:s13] =	ssyncset.done $0x0  }
0xe9: {  	[sflag:s13] =	ssyncadd.s32 $0xFFFF8000  }
0xea: {  	[tilespmem:s2], [sflag:$0x2] =	stream.linear.gather [hbm4b:s10+s2], $0x40, $0x38;
	[tilespmem:$0x8080] =	vst v63  }
0xeb: {  	_ =	swait.ge [sflag:s13], $0x40  }
0xec: {  	[sflag:s13] =	ssyncset.done $0x0  }
0xed: {  	[sflag:s13] =	ssyncadd.s32 $0xFFFFFFC0  }
0xee: {  	v3 =	vld [tilespmem:$0x0];
	_ =	sdelay $0x4  }
0xef: {  	v60 =	vshll.u32 v3, $0x2  }
0xf0: {  	v3 =	vand.u32 $0x7, v3;
	v4 =	vand.u32 $0xFFFFFFE0, v60  }
0xf1: {  	v3 =	vor.u32 v3, v4  }
0xf2: {  	v4 =	vperm.xlane v3, v0;
	_ =	sdelay $0x1  }
0xf3: {  	v4 =	vadd.s32 v1, v4;
	_ =	sdelay $0x1  }
0xf4: {  	v3 =	vperm.xlane v3, v2;
	_ =	sdelay $0x1  }
0xf5: {  	v3 =	vadd.s32 v1, v3  }
0xf6: {  	[tilespmem:s14], [sflag:$0x1] =	stream.indirect_vreg.gather [hbm4b:s3+s2], $0x80, v4, vm0, $0xb8;
	[tilespmem:$0x8080] =	vst v63  }
0xf7: {  	_ = 	snop  }
0xf8: {  	[tilespmem:s15], [sflag:$0x1] =	stream.indirect_vreg.gather [hbm4b:s4+s2], $0x80, v4, vm0, $0xb8;
	[tilespmem:$0x8080] =	vst v63  }
0xf9: {  	_ = 	snop  }
0xfa: {  	[tilespmem:s16], [sflag:$0x1] =	stream.indirect_vreg.gather [hbm4b:s3+s2], $0x80, v3, vm0, $0xb8;
	[tilespmem:$0x8080] =	vst v63  }
0xfb: {  	_ = 	snop  }
0xfc: {  	[tilespmem:s17], [sflag:$0x1] =	stream.indirect_vreg.gather [hbm4b:s4+s2], $0x80, v3, vm0, $0xb8;
	[tilespmem:$0x8080] =	vst v63  }
0xfd: {  	v3 =	vld [tilespmem:$0x10];
	_ =	sdelay $0x4  }
0xfe: {  	v61 =	vshll.u32 v3, $0x2  }
0xff: {  	v3 =	vand.u32 $0x7, v3;
	v4 =	vand.u32 $0xFFFFFFE0, v61  }
0x100: {  	v3 =	vor.u32 v3, v4  }
0x101: {  	v4 =	vperm.xlane v3, v0;
	_ =	sdelay $0x1  }
0x102: {  	v4 =	vadd.s32 v1, v4;
	_ =	sdelay $0x1  }
0x103: {  	v3 =	vperm.xlane v3, v2;
	_ =	sdelay $0x1  }
0x104: {  	v3 =	vadd.s32 v1, v3  }
0x105: {  	[tilespmem:s18], [sflag:$0x1] =	stream.indirect_vreg.gather [hbm4b:s3+s2], $0x80, v4, vm0, $0xb8;
	[tilespmem:$0x8080] =	vst v63  }
0x106: {  	_ = 	snop  }
0x107: {  	[tilespmem:s19], [sflag:$0x1] =	stream.indirect_vreg.gather [hbm4b:s4+s2], $0x80, v4, vm0, $0xb8;
	[tilespmem:$0x8080] =	vst v63  }
0x108: {  	_ = 	snop  }
0x109: {  	[tilespmem:s20], [sflag:$0x1] =	stream.indirect_vreg.gather [hbm4b:s3+s2], $0x80, v3, vm0, $0xb8;
	[tilespmem:$0x8080] =	vst v63  }
0x10a: {  	_ = 	snop  }
0x10b: {  	[tilespmem:s21], [sflag:$0x1] =	stream.indirect_vreg.gather [hbm4b:s4+s2], $0x80, v3, vm0, $0xb8;
	[tilespmem:$0x8080] =	vst v63  }
0x10c: {  	v3 =	vld [tilespmem:$0x20];
	_ =	sdelay $0x4  }
0x10d: {  	v62 =	vshll.u32 v3, $0x2  }
0x10e: {  	v3 =	vand.u32 $0x7, v3;
	v4 =	vand.u32 $0xFFFFFFE0, v62  }
0x10f: {  	v3 =	vor.u32 v3, v4  }
0x110: {  	v4 =	vperm.xlane v3, v0;
	_ =	sdelay $0x1  }
0x111: {  	v4 =	vadd.s32 v1, v4;
	_ =	sdelay $0x1  }
0x112: {  	v3 =	vperm.xlane v3, v2;
	_ =	sdelay $0x1  }
0x113: {  	v3 =	vadd.s32 v1, v3  }
0x114: {  	[tilespmem:s22], [sflag:$0x1] =	stream.indirect_vreg.gather [hbm4b:s3+s2], $0x80, v4, vm0, $0xb8;
	[tilespmem:$0x8080] =	vst v63  }
0x115: {  	_ = 	snop  }
0x116: {  	[tilespmem:s23], [sflag:$0x1] =	stream.indirect_vreg.gather [hbm4b:s4+s2], $0x80, v4, vm0, $0xb8;
	[tilespmem:$0x8080] =	vst v63  }
0x117: {  	_ = 	snop  }
0x118: {  	[tilespmem:s24], [sflag:$0x1] =	stream.indirect_vreg.gather [hbm4b:s3+s2], $0x80, v3, vm0, $0xb8;
	[tilespmem:$0x8080] =	vst v63  }
0x119: {  	_ = 	snop  }
0x11a: {  	[tilespmem:s25], [sflag:$0x1] =	stream.indirect_vreg.gather [hbm4b:s4+s2], $0x80, v3, vm0, $0xb8;
	[tilespmem:$0x8080] =	vst v63  }
0x11b: {  	v3 =	vld [tilespmem:$0x30];
	_ =	sdelay $0x4  }
0x11c: {  	v63 =	vshll.u32 v3, $0x2  }
0x11d: {  	v3 =	vand.u32 $0x7, v3;
	v4 =	vand.u32 $0xFFFFFFE0, v63  }
0x11e: {  	v3 =	vor.u32 v3, v4  }
0x11f: {  	v4 =	vperm.xlane v3, v0;
	_ =	sdelay $0x1  }
0x120: {  	v4 =	vadd.s32 v1, v4;
	_ =	sdelay $0x1  }
0x121: {  	v3 =	vperm.xlane v3, v2;
	_ =	sdelay $0x1  }
0x122: {  	v3 =	vadd.s32 v1, v3  }
0x123: {  	[tilespmem:s26], [sflag:$0x1] =	stream.indirect_vreg.gather [hbm4b:s3+s2], $0x80, v4, vm0, $0xb8;
	[tilespmem:$0x8080] =	vst v63  }
0x124: {  	_ = 	snop  }
0x125: {  	[tilespmem:s28], [sflag:$0x1] =	stream.indirect_vreg.gather [hbm4b:s4+s2], $0x80, v4, vm0, $0xb8;
	[tilespmem:$0x8080] =	vst v63  }
0x126: {  	_ = 	snop  }
0x127: {  	[tilespmem:s29], [sflag:$0x1] =	stream.indirect_vreg.gather [hbm4b:s3+s2], $0x80, v3, vm0, $0xb8;
	[tilespmem:$0x8080] =	vst v63  }
0x128: {  	_ = 	snop  }
0x129: {  	[tilespmem:s30], [sflag:$0x1] =	stream.indirect_vreg.gather [hbm4b:s4+s2], $0x80, v3, vm0, $0xb8;
	[tilespmem:$0x8080] =	vst v63  }
0x12a: {  	_ =	swait.ge [sflag:s31], $0x8000  }
0x12b: {  	p0 =	sne.s32 s12, $0x1;
	[sflag:s31] =	ssyncset.done $0x0  }
.Ltmp0:
0x12c: {  	[sflag:s31] =	ssyncadd.s32 $0xFFFF8000;
	(pc) =	sbr.rel @p0 .LBB2_1-.Ltmp0, $4  }
0x12d: {  	[hbm4b:s11+s2] =	stream.linear.scatter [tilespmem:s14], [sflag:$0x2], $0x8000, $0x38;
	[tilespmem:$0x8080] =	vst v63  }
0x12e: {  	_ =	swait.ge [sflag:s13], $0x8000  }
0x12f: {  	[sflag:s13] =	ssyncset.done $0x0  }
0x130: {  	s12 =	sadd.s32 $0xFFFFFFFF, s12;
	[sflag:s13] =	ssyncadd.s32 $0xFFFF8000  }
0x131: {  	_ =	sfence.sel $0x180000  }
0x132: {  	[bflag:$0x0] =	sbarrier.arrive $0xFFFF  }
0x133: {  	_ =	strace $0x90000059  }
0x134: {  	[bflag:$0x2] =	sbarrier.arrive $0xFFFF  }
0x135: {  	p0 =	sne.s32 s1, $0x0;
	s0 =	rddreg [dreg:$0x1]  }
0x136: {  	s0 =	sadd.s32 @!p0 $0x100000, s0  }
0x137: {  	[sflag:s0] =	ssyncadd.tile.s32 @!p0 $0x1;
	_ =	shalt  }
.Lfunc_end2:
_tile_overlayer_lowered:
.L_overlay_start_2:
0x138: {  	(tag) =	ssettag $0x2  }
0x139: {  	s0 =	rddreg [dreg:$0x0];
	s2 =	stileid.u32  }
0x13a: {  	s1 =	rddreg [dreg:$0x1];
	p0 =	sne.s32 s2, $0x0  }
0x13b: {  	s3 =	rddreg [dreg:$0x2];
	[bflag:$0x3] =	sbarrier.arrive $0xFFFF;
	s2 =	simm.s32 @!p0 $0x1C02  }
0x13c: {  	[timem:s3], [sflag:s2] =	dma.local @!p0 [hbm:s0], s1  }
0x13d: {  	s0 =	simm.s32 @!p0 $0x2  }
0x13e: {  	_ =	swait.ge @!p0 [sflag:s0], s1  }
0x13f: {  	s1 =	ssub.s32 @!p0 $0x0, s1;
	[sflag:s0] =	ssyncset.done @!p0 $0x0  }
0x140: {  	[sflag:s0] =	ssyncadd.s32 @!p0 s1  }
0x141: {  	[bflag:$0x3] =	sbarrier.arrive $0xFFFF  }
0x142: {  	_ =	shalt  }

// kernel: kernel.41.cloned.1.call-start
scs
__scs_entry_jumppad:
0x0: {  	(pc) =	sbr.rel $0x88, $3  }
0x1: {  	(tag) =	ssettag $0x0;
	lr =	simm.s32 $0x1  }
0x2: {  	[smem:$0x3F9D] =	sst lr;
	_ =	strace $0xD0000000  }
0x3: {  	_ = 	snop  }
0x4: {  	_ = 	snop  }
0x5: {  	_ = 	snop  }
0x6: {  	_ = 	snop  }
0x7: {  	_ = 	snop  }
__scs_overlays_trampoline_lowered:
0x8: {  	[smem:$0x3FAC] =	sst s0  }
0x9: {  	[smem:$0x3FAD] =	sst s1  }
0xa: {  	[smem:$0x3FAE] =	sst s2  }
0xb: {  	[smem:$0x3FAF] =	sst s3  }
0xc: {  	[smem:$0x3FB0] =	sst s4  }
0xd: {  	[smem:$0x3FB1] =	sst s5  }
0xe: {  	[smem:$0x3FB2] =	sst s6  }
0xf: {  	[smem:$0x3FB3] =	sst s7  }
0x10: {  	[smem:$0x3FB4] =	sst s8  }
0x11: {  	[smem:$0x3FB5] =	sst s9;
	s0 =	simm.s32 @!p0 $0x0  }
0x12: {  	s1 =	sld [smem:$0x3F9B];
	s0 =	simm.s32 @p0 $0x1  }
0x13: {  	[smem:$0x3FB6] =	sst s0;
	s0 =	simm.s32 @!p1 $0x0  }
0x14: {  	s2 =	sld [smem:$0x3F9A];
	s0 =	simm.s32 @p1 $0x1  }
0x15: {  	[smem:$0x3FB7] =	sst s0;
	s0 =	simm.s32 @!p2 $0x0  }
0x16: {  	s3 =	sld [smem:$0x3FDB];
	s0 =	simm.s32 @p2 $0x1  }
0x17: {  	s4 =	simm.s32 $0x1BF5;
	[smem:$0x3FB9] =	sst s0  }
0x18: {  	s0 =	sld [smem:$0x3F9C];
	_ =	swait.ge [sflag:s4], $0x0  }
0x19: {  	s7 =	sld [smem:$0x3F9D]  }
0x1a: {  	s8 =	sadd.s32 $0xFFFFE003, lr  }
0x1b: {  	s9 =	sadd.s32 $0xFFFFFEF7, lr;
	s5 =	simm.s32 $0xFFFFFFFF;
	p2 =	slt.u32 s8, $0xFFFFF086  }
0x1c: {  	p1 =	slt.u32 s9, $0xF7A;
	s5 =	simm.s32 @!p2 $0x0  }
0x1d: {  	s5 =	simm.s32 @p1 $0x1;
	p0 =	seq.s32 s7, s2  }
0x1e: {  	s7 =	smul.u32 @!p0 $0xF7A, s2;
	p2 =	seq.s32 @!p0 s5, $0x0  }
0x1f: {  	s9 =	smul.u32 $0xF7A, s1;
	s8 =	simm.s32 @!p0 $0x1BF5;
	p2 =	por !p2, p0  }
0x20: {  	[sflag:s8] =	ssyncset.s32 @!p0 $0xFFFFF086;
	s6 =	sadd.s32 @!p0 s3, s7;
	s7 =	simm.s32 @!p0 $0x108  }
0x21: {  	s3 =	sadd.s32 s3, s9;
	s6 =	sadd.s32 @!p0 $0x88, s6;
	s7 =	simm.s32 @p2 $0x1082  }
0x22: {  	[simem:s7], [sflag:s8] =	dma.local @!p0 [hbm:s6], $0xF7A  }
0x23: {  	s9 =	sor.u32 $0xD0000000, s2;
	s6 =	simm.s32 $0x108;
	_ =	swait.ge @!p0 [sflag:s8], $0x0  }
0x24: {  	s3 =	sadd.s32 $0x88, s3;
	s6 =	simm.s32 @!p1 $0x1082;
	[sflag:s4] =	ssyncset.s32 $0xFFFFF086  }
0x25: {  	[simem:s6], [sflag:s4] =	dma.local [hbm:s3], $0xF7A  }
0x26: {  	[smem:$0x3F9D] =	sst s1;
	(tag) =	ssettag s2;
	_ =	strace s9  }
0x27: {  	s1 =	sld [smem:$0x3FAD]  }
0x28: {  	s2 =	sld [smem:$0x3FAE]  }
0x29: {  	s4 =	sld [smem:$0x3FB0]  }
0x2a: {  	p0 =	seq.s32 s5, $0x0;
	s5 =	sld [smem:$0x3FB1]  }
0x2b: {  	s6 =	sld [smem:$0x3FB2]  }
0x2c: {  	s7 =	sld [smem:$0x3FB3]  }
0x2d: {  	s3 =	simm.s32 $0x108;
	s8 =	sld [smem:$0x3FB4]  }
0x2e: {  	s3 =	simm.s32 @!p0 $0x1082;
	s9 =	sld [smem:$0x3FB5]  }
0x2f: {  	lr =	sadd.s32 s0, s3;
	s0 =	sld [smem:$0x3FAC]  }
0x30: {  	s3 =	sld [smem:$0x3FAF]  }
0x31: {  	[smem:$0x3FB8] =	sst s10  }
0x32: {  	s10 =	sld [smem:$0x3FB6];
	_ =	sdelay $0x3  }
0x33: {  	p0 =	seq.s32 s10, $0x1;
	s10 =	sld [smem:$0x3FB8];
	_ =	sdelay $0x3  }
0x34: {  	[smem:$0x3FB8] =	sst s10  }
0x35: {  	s10 =	sld [smem:$0x3FB7];
	_ =	sdelay $0x3  }
0x36: {  	p1 =	seq.s32 s10, $0x1;
	s10 =	sld [smem:$0x3FB8];
	_ =	sdelay $0x3  }
0x37: {  	[smem:$0x3FB8] =	sst s10  }
0x38: {  	s10 =	sld [smem:$0x3FB9]  }
0x39: {  	_ = 	snop;
	(pc) =	sbr.ind lr, $3  }
0x3a: {  	_ = 	snop  }
0x3b: {  	_ = 	snop  }
0x3c: {  	p2 =	seq.s32 s10, $0x1;
	s10 =	sld [smem:$0x3FB8]  }
0x3d: {  	_ =	shalt  }
0x3e: {  	_ =	shalt  }
0x3f: {  	_ =	shalt  }
0x40: {  	_ =	shalt  }
0x41: {  	_ =	shalt  }
0x42: {  	_ =	shalt  }
0x43: {  	_ =	shalt  }
0x44: {  	_ =	shalt  }
0x45: {  	_ =	shalt  }
0x46: {  	_ =	shalt  }
0x47: {  	_ =	shalt  }
0x48: {  	_ =	shalt  }
0x49: {  	_ =	shalt  }
0x4a: {  	_ =	shalt  }
0x4b: {  	_ =	shalt  }
0x4c: {  	_ =	shalt  }
0x4d: {  	_ =	shalt  }
0x4e: {  	_ =	shalt  }
0x4f: {  	_ =	shalt  }
0x50: {  	_ =	shalt  }
0x51: {  	_ =	shalt  }
0x52: {  	_ =	shalt  }
0x53: {  	_ =	shalt  }
0x54: {  	_ =	shalt  }
0x55: {  	_ =	shalt  }
0x56: {  	_ =	shalt  }
0x57: {  	_ =	shalt  }
0x58: {  	_ =	shalt  }
0x59: {  	_ =	shalt  }
0x5a: {  	_ =	shalt  }
0x5b: {  	_ =	shalt  }
0x5c: {  	_ =	shalt  }
0x5d: {  	_ =	shalt  }
0x5e: {  	_ =	shalt  }
0x5f: {  	_ =	shalt  }
0x60: {  	_ =	shalt  }
0x61: {  	_ =	shalt  }
0x62: {  	_ =	shalt  }
0x63: {  	_ =	shalt  }
0x64: {  	_ =	shalt  }
0x65: {  	_ =	shalt  }
0x66: {  	_ =	shalt  }
0x67: {  	_ =	shalt  }
0x68: {  	_ =	shalt  }
0x69: {  	_ =	shalt  }
0x6a: {  	_ =	shalt  }
0x6b: {  	_ =	shalt  }
0x6c: {  	_ =	shalt  }
0x6d: {  	_ =	shalt  }
0x6e: {  	_ =	shalt  }
0x6f: {  	_ =	shalt  }
0x70: {  	_ =	shalt  }
0x71: {  	_ =	shalt  }
0x72: {  	_ =	shalt  }
0x73: {  	_ =	shalt  }
0x74: {  	_ =	shalt  }
0x75: {  	_ =	shalt  }
0x76: {  	_ =	shalt  }
0x77: {  	_ =	shalt  }
0x78: {  	_ =	shalt  }
0x79: {  	_ =	shalt  }
0x7a: {  	_ =	shalt  }
0x7b: {  	_ =	shalt  }
0x7c: {  	_ =	shalt  }
0x7d: {  	_ =	shalt  }
0x7e: {  	_ =	shalt  }
0x7f: {  	_ =	shalt  }
0x80: {  	_ =	shalt  }
0x81: {  	_ =	shalt  }
0x82: {  	_ =	shalt  }
0x83: {  	_ =	shalt  }
0x84: {  	_ =	shalt  }
0x85: {  	_ =	shalt  }
0x86: {  	_ =	shalt  }
0x87: {  	_ =	shalt  }
.Lfunc_end0:
.L_simem_size_0:
called_computation.7_lowered:
.L_overlay_start_0:
0x88: {  	s2 =	sld [smem:$0x3FD9]  }
0x89: {  	s3 =	sld [smem:$0x3FFE];
	_ =	sdelay $0x1  }
0x8a: {  	s1 =	srdreg.scid  }
0x8b: {  	s0 =	sand.u32 $0x1, s1  }
0x8c: {  	s14 =	sshll.u32 s0, $0xA;
	s2 =	sadd.s32 s3, s2  }
0x8d: {  	s2 =	sadd.s32 s2, s14  }
0x8e: {  	[smem:$0x3FC4] =	sst s2  }
0x8f: {  	_ = 	snop  }
0x90: {  	s2 =	sld [smem:$0x3FD0];
	_ =	sdelay $0x2  }
0x91: {  	s15 =	simm.s32 $0xA;
	s4 =	simm.s32 $0x10  }
0x92: {  	[smem:s4], [sflag:s15] =	dma.local [hbm:s2], $0x1  }
0x93: {  	_ =	swait.eq [sflag:s15], $0x1  }
0x94: {  	[sflag:s15] =	ssyncset.done $0x0  }
0x95: {  	[sflag:s15] =	ssyncadd.s32 $0xFFFFFFFF  }
0x96: {  	s16 =	sld [smem:$0x10];
	(tm) =	ssettm $0x1  }
0x97: {  	s17 =	sld [smem:$0x3FFB];
	_ =	sdelay $0x3  }
0x98: {  	_ =	strace s17  }
0x99: {  	s3 =	sld [smem:$0x3FFC];
	_ =	sdelay $0x3  }
0x9a: {  	_ =	strace s3  }
0x9b: {  	s3 =	sld [smem:$0x3FFD];
	_ =	sdelay $0x3  }
0x9c: {  	_ =	strace s3  }
0x9d: {  	_ =	strace $0x8FFFFFFF  }
0x9e: {  	s18 =	sld [smem:$0x3FDB];
	_ =	sdelay $0x1  }
0x9f: {  	s19 =	simm.s32 $_scs_section_size  }
0xa0: {  	s5 =	simm.s32 $_size__tile_overlayer_lowered;
	s6 =	simm.s32 $_tile_overlayer_lowered  }
0xa1: {  	s22 =	simm.s32 $0x1BFF;
	s21 =	sshll.u32 s6, $0x1;
	s3 =	sadd.s32 s19, s18  }
0xa2: {  	s7 =	simm.s32 $0x0;
	s20 =	sshll.u32 s5, $0x1;
	s5 =	sadd.s32 s21, s3  }
0xa3: {  	[timem:s7], [sflag:s22] =	dma.local [hbm:s5], s20  }
0xa4: {  	_ =	swait.ge [sflag:s22], s20  }
0xa5: {  	s4 =	ssub.s32 $0x0, s20;
	[sflag:s22] =	ssyncset.done $0x0  }
0xa6: {  	[sflag:s22] =	ssyncadd.s32 s4;
	_ =	sdelay $0x1  }
0xa7: {  	s23 =	simm.s32 $0x1B8B  }
0xa8: {  	_ =	swait.ge [sflag:s23], $0x1  }
0xa9: {  	[sflag:s23] =	ssyncset.done $0x0  }
0xaa: {  	s25 =	simm.s32 $0x1B8E;
	s24 =	sld [smem:$0x3FFE];
	[sflag:s23] =	ssyncadd.s32 $0xFFFFFFFF  }
0xab: {  	s26 =	simm.s32 $execute0_lowered;
	[smem:$0x3FD2] =	sst s25  }
0xac: {  	s5 =	sshll.u32 s26, $0x1;
	_ =	strace $0x8000005B;
	[dreg:$0x1] =	wrdreg $0xFFFFFFFF  }
0xad: {  	s28 =	simm.s32 $_size_execute0_lowered;
	s3 =	sadd.s32 s3, s5;
	[dreg:$0x0] =	wrdreg $0x0  }
0xae: {  	s5 =	sshll.u32 s28, $0x1;
	[dreg:$0x2] =	wrdreg s3  }
0xaf: {  	[dreg:$0x3] =	wrdreg s5  }
0xb0: {  	[dreg:$0x4] =	wrdreg $0xC0  }
0xb1: {  	_ =	task [dreg:s7], $0x5FFFF  }
0xb2: {  	[dreg:$0x1] =	wrdreg $0xFFFFFFFF  }
0xb3: {  	[dreg:$0x0] =	wrdreg $0x60  }
0xb4: {  	[dreg:$0x2] =	wrdreg s24  }
0xb5: {  	[dreg:$0x3] =	wrdreg s16  }
0xb6: {  	[dreg:$0x4] =	wrdreg $0x9  }
0xb7: {  	_ =	task.clear_ibuf [dreg:s7], $0x5FFFF;
	_ =	strace $0x9000005B  }
0xb8: {  	s29 =	simm.s32 $0x9;
	_ =	strace $0x8000005D  }
0xb9: {  	_ =	swait.ge [sflag:s29], $0x1  }
0xba: {  	[sflag:s29] =	ssyncadd.s32 $0xFFFFFFFF  }
0xbb: {  	_ =	strace $0x9000005D  }
0xbc: {  	_ =	sfence  }
0xbd: {  	s30 =	sld [smem:$0x0];
	_ =	sdelay $0x2  }
0xbe: {  	s31 =	sshll.u32 s1, $0xD;
	s1 =	sshrl.u32 s1, $0x2  }
0xbf: {  	s3 =	sand.u32 $0x4000, s31;
	s1 =	sadd.s32 s1, s30  }
0xc0: {  	s0 =	sor.u32 s3, s0;
	s1 =	sshll.u32 s1, $0x11  }
0xc1: {  	s0 =	sor.u32 s1, s0  }
0xc2: {  	s0 =	sadd.s32 $0x8F2B, s0  }
0xc3: {  	[sflag:s0] =	ssyncadd.remote.s32 $0x1  }
0xc4: {  	_ =	sfence.sel $0xFFFF  }
0xc5: {  	[dreg:$0x0] =	wrdreg $0xFFFFFFFF;
	(pc) =	sbr.abs _section_cstart, $3  }
0xc6: {  	[dreg:$0x1] =	wrdreg $0xFFFFFFFF  }
0xc7: {  	_ =	task.clear_ibuf [dreg:s7], $0x2FFFF;
	_ =	strace $0x9FFFFFFF  }
0xc8: {  	(tm) =	ssettm $0x7FFFFFFF  }
0xc9: {  	_ =	shalt  }
tec
execute0_lowered:
.L_overlay_start_1:
0x0: {  	(tag) =	ssettag $0x1  }
0x1: {  	s4 =	rddreg [dreg:$0x0]  }
0x2: {  	s10 =	rddreg [dreg:$0x1]  }
0x3: {  	s3 =	srdreg.scid;
	s2 =	simm.s32 $0x0;
	s1 =	stileid.u32  }
0x4: {  	s15 =	simm.s32 $0x880;
	s16 =	simm.s32 $0x1080;
	s17 =	simm.s32 $0x1880  }
0x5: {  	s18 =	simm.s32 $0x2080;
	s19 =	simm.s32 $0x2880;
	s20 =	simm.s32 $0x3080  }
0x6: {  	s28 =	simm.s32 $0x6880;
	s29 =	simm.s32 $0x7080;
	s30 =	simm.s32 $0x7880  }
0x7: {  	s31 =	simm.s32 $0x1;
	s5 =	sand.u32 $0x1, s3;
	[smem:$0x7FF] =	sst s2  }
0x8: {  	s21 =	sshll.u32 s1, $0x9;
	s3 =	sadd.s32 $0x22EE00, s4;
	s11 =	sadd.s32 $0x8C600, s4  }
0x9: {  	s4 =	sadd.s32 $0x22EF00, s4;
	s6 =	sshll.u32 s5, $0x8;
	s5 =	ssub.s32 $0x2, s5  }
0xa: {  	_ =	strace $0x8000005C;
	s9 =	sor.u32 s6, s21;
	s7 =	sshrl.u32 s5, $0x1  }
0xb: {  	s21 =	simm.s32 $0x3880;
	s6 =	sshrl.u32 s9, $0x3;
	s12 =	ssub.s32 s5, s7  }
0xc: {  	s22 =	sshll.u32 s9, $0x6;
	s23 =	sor.u32 $0x40, s9;
	s13 =	sor.u32 $0x80, s9  }
0xd: {  	s14 =	sor.u32 $0xC0, s9;
	s6 =	sadd.s32 s10, s6;
	s5 =	sadd.s32 s11, s22  }
0xe: {  	s24 =	sshrl.u32 s23, $0x3;
	s8 =	sshll.u32 s23, $0x6;
	s25 =	sshrl.u32 s13, $0x3  }
0xf: {  	s13 =	sshll.u32 s13, $0x6;
	s26 =	sshrl.u32 s14, $0x3;
	s14 =	sshll.u32 s14, $0x6  }
0x10: {  	s12 =	smax.u32 s12, $0x1;
	s22 =	simm.s32 $0x4080;
	s23 =	simm.s32 $0x4880  }
0x11: {  	[dreg:$0x3] =	wrdreg s6;
	s6 =	sadd.s32 s10, s24;
	s7 =	sadd.s32 s11, s8  }
0x12: {  	v2 =	vlaneseq.u32;
	s8 =	sadd.s32 s10, s25;
	s9 =	sadd.s32 s11, s13;
	s10 =	sadd.s32 s10, s26  }
0x13: {  	vm0 =	vmmov $0xffff;
	v1 =	vshrl.u32 v2, $0x3;
	s11 =	sadd.s32 s11, s14;
	s13 =	simm.s32 $0x2;
	s14 =	simm.s32 $0x80  }
0x14: {  	v0 =	vand.u32 $0x7, v2;
	v2 =	vor.u32 $0x8, v2;
	v1 =	vmul.u32 $0x8, v1;
	s24 =	simm.s32 $0x5080;
	s25 =	simm.s32 $0x5880;
	s26 =	simm.s32 $0x6080  }
.LBB2_1:
0x15: {  	s0 =	rddreg [dreg:$0x3]  }
0x16: {  	[tilespmem:s2], [sflag:$0x2] =	stream.linear.gather [hbm4b:s0+s2], $0x40, $0x38;
	[tilespmem:$0x8080] =	vst v63  }
0x17: {  	_ =	swait.ge [sflag:s13], $0x40  }
0x18: {  	[sflag:s13] =	ssyncset.done $0x0  }
0x19: {  	[sflag:s13] =	ssyncadd.s32 $0xFFFFFFC0  }
0x1a: {  	v3 =	vld [tilespmem:$0x0];
	_ =	sdelay $0x4  }
0x1b: {  	v4 =	vshll.u32 v3, $0x2  }
0x1c: {  	v3 =	vand.u32 $0x7, v3;
	v4 =	vand.u32 $0xFFFFFFE0, v4  }
0x1d: {  	v3 =	vor.u32 v3, v4  }
0x1e: {  	v4 =	vperm.xlane v3, v0;
	_ =	sdelay $0x1  }
0x1f: {  	v4 =	vadd.s32 v1, v4;
	_ =	sdelay $0x1  }
0x20: {  	v3 =	vperm.xlane v3, v2;
	_ =	sdelay $0x1  }
0x21: {  	v3 =	vadd.s32 v1, v3  }
0x22: {  	[tilespmem:s14], [sflag:$0x1] =	stream.indirect_vreg.gather [hbm4b:s3+s2], $0x80, v4, vm0, $0xb8;
	[tilespmem:$0x8080] =	vst v63  }
0x23: {  	_ = 	snop  }
0x24: {  	[tilespmem:s15], [sflag:$0x1] =	stream.indirect_vreg.gather [hbm4b:s4+s2], $0x80, v4, vm0, $0xb8;
	[tilespmem:$0x8080] =	vst v63  }
0x25: {  	_ = 	snop  }
0x26: {  	[tilespmem:s16], [sflag:$0x1] =	stream.indirect_vreg.gather [hbm4b:s3+s2], $0x80, v3, vm0, $0xb8;
	[tilespmem:$0x8080] =	vst v63  }
0x27: {  	_ = 	snop  }
0x28: {  	[tilespmem:s17], [sflag:$0x1] =	stream.indirect_vreg.gather [hbm4b:s4+s2], $0x80, v3, vm0, $0xb8;
	[tilespmem:$0x8080] =	vst v63  }
0x29: {  	v3 =	vld [tilespmem:$0x10];
	_ =	sdelay $0x4  }
0x2a: {  	v49 =	vshll.u32 v3, $0x2  }
0x2b: {  	v3 =	vand.u32 $0x7, v3;
	v4 =	vand.u32 $0xFFFFFFE0, v49  }
0x2c: {  	v3 =	vor.u32 v3, v4  }
0x2d: {  	v4 =	vperm.xlane v3, v0;
	_ =	sdelay $0x1  }
0x2e: {  	v4 =	vadd.s32 v1, v4;
	_ =	sdelay $0x1  }
0x2f: {  	v3 =	vperm.xlane v3, v2;
	_ =	sdelay $0x1  }
0x30: {  	v3 =	vadd.s32 v1, v3  }
0x31: {  	[tilespmem:s18], [sflag:$0x1] =	stream.indirect_vreg.gather [hbm4b:s3+s2], $0x80, v4, vm0, $0xb8;
	[tilespmem:$0x8080] =	vst v63  }
0x32: {  	_ = 	snop  }
0x33: {  	[tilespmem:s19], [sflag:$0x1] =	stream.indirect_vreg.gather [hbm4b:s4+s2], $0x80, v4, vm0, $0xb8;
	[tilespmem:$0x8080] =	vst v63  }
0x34: {  	_ = 	snop  }
0x35: {  	[tilespmem:s20], [sflag:$0x1] =	stream.indirect_vreg.gather [hbm4b:s3+s2], $0x80, v3, vm0, $0xb8;
	[tilespmem:$0x8080] =	vst v63  }
0x36: {  	_ = 	snop  }
0x37: {  	[tilespmem:s21], [sflag:$0x1] =	stream.indirect_vreg.gather [hbm4b:s4+s2], $0x80, v3, vm0, $0xb8;
	[tilespmem:$0x8080] =	vst v63  }
0x38: {  	v3 =	vld [tilespmem:$0x20];
	_ =	sdelay $0x4  }
0x39: {  	v50 =	vshll.u32 v3, $0x2  }
0x3a: {  	v3 =	vand.u32 $0x7, v3;
	v4 =	vand.u32 $0xFFFFFFE0, v50  }
0x3b: {  	v3 =	vor.u32 v3, v4  }
0x3c: {  	v4 =	vperm.xlane v3, v0;
	_ =	sdelay $0x1  }
0x3d: {  	v4 =	vadd.s32 v1, v4;
	_ =	sdelay $0x1  }
0x3e: {  	v3 =	vperm.xlane v3, v2;
	_ =	sdelay $0x1  }
0x3f: {  	v3 =	vadd.s32 v1, v3  }
0x40: {  	[tilespmem:s22], [sflag:$0x1] =	stream.indirect_vreg.gather [hbm4b:s3+s2], $0x80, v4, vm0, $0xb8;
	[tilespmem:$0x8080] =	vst v63  }
0x41: {  	_ = 	snop  }
0x42: {  	[tilespmem:s23], [sflag:$0x1] =	stream.indirect_vreg.gather [hbm4b:s4+s2], $0x80, v4, vm0, $0xb8;
	[tilespmem:$0x8080] =	vst v63  }
0x43: {  	_ = 	snop  }
0x44: {  	[tilespmem:s24], [sflag:$0x1] =	stream.indirect_vreg.gather [hbm4b:s3+s2], $0x80, v3, vm0, $0xb8;
	[tilespmem:$0x8080] =	vst v63  }
0x45: {  	_ = 	snop  }
0x46: {  	[tilespmem:s25], [sflag:$0x1] =	stream.indirect_vreg.gather [hbm4b:s4+s2], $0x80, v3, vm0, $0xb8;
	[tilespmem:$0x8080] =	vst v63  }
0x47: {  	v3 =	vld [tilespmem:$0x30];
	_ =	sdelay $0x4  }
0x48: {  	v51 =	vshll.u32 v3, $0x2  }
0x49: {  	v3 =	vand.u32 $0x7, v3;
	v4 =	vand.u32 $0xFFFFFFE0, v51  }
0x4a: {  	v3 =	vor.u32 v3, v4  }
0x4b: {  	v4 =	vperm.xlane v3, v0;
	_ =	sdelay $0x1  }
0x4c: {  	v4 =	vadd.s32 v1, v4;
	_ =	sdelay $0x1  }
0x4d: {  	v3 =	vperm.xlane v3, v2;
	_ =	sdelay $0x1  }
0x4e: {  	v3 =	vadd.s32 v1, v3  }
0x4f: {  	[tilespmem:s26], [sflag:$0x1] =	stream.indirect_vreg.gather [hbm4b:s3+s2], $0x80, v4, vm0, $0xb8;
	[tilespmem:$0x8080] =	vst v63  }
0x50: {  	_ = 	snop  }
0x51: {  	[tilespmem:s28], [sflag:$0x1] =	stream.indirect_vreg.gather [hbm4b:s4+s2], $0x80, v4, vm0, $0xb8;
	[tilespmem:$0x8080] =	vst v63  }
0x52: {  	_ = 	snop  }
0x53: {  	[tilespmem:s29], [sflag:$0x1] =	stream.indirect_vreg.gather [hbm4b:s3+s2], $0x80, v3, vm0, $0xb8;
	[tilespmem:$0x8080] =	vst v63  }
0x54: {  	_ = 	snop  }
0x55: {  	[tilespmem:s30], [sflag:$0x1] =	stream.indirect_vreg.gather [hbm4b:s4+s2], $0x80, v3, vm0, $0xb8;
	[tilespmem:$0x8080] =	vst v63  }
0x56: {  	_ =	swait.ge [sflag:s31], $0x8000  }
0x57: {  	[sflag:s31] =	ssyncset.done $0x0  }
0x58: {  	[sflag:s31] =	ssyncadd.s32 $0xFFFF8000  }
0x59: {  	[hbm4b:s5+s2] =	stream.linear.scatter [tilespmem:s14], [sflag:$0x2], $0x8000, $0x38;
	[tilespmem:$0x8080] =	vst v63  }
0x5a: {  	_ =	swait.ge [sflag:s13], $0x8000  }
0x5b: {  	[sflag:s13] =	ssyncset.done $0x0  }
0x5c: {  	[sflag:s13] =	ssyncadd.s32 $0xFFFF8000  }
0x5d: {  	[tilespmem:s2], [sflag:$0x2] =	stream.linear.gather [hbm4b:s6+s2], $0x40, $0x38;
	[tilespmem:$0x8080] =	vst v63  }
0x5e: {  	_ =	swait.ge [sflag:s13], $0x40  }
0x5f: {  	[sflag:s13] =	ssyncset.done $0x0  }
0x60: {  	[sflag:s13] =	ssyncadd.s32 $0xFFFFFFC0  }
0x61: {  	v3 =	vld [tilespmem:$0x0];
	_ =	sdelay $0x4  }
0x62: {  	v52 =	vshll.u32 v3, $0x2  }
0x63: {  	v3 =	vand.u32 $0x7, v3;
	v4 =	vand.u32 $0xFFFFFFE0, v52  }
0x64: {  	v3 =	vor.u32 v3, v4  }
0x65: {  	v4 =	vperm.xlane v3, v0;
	_ =	sdelay $0x1  }
0x66: {  	v4 =	vadd.s32 v1, v4;
	_ =	sdelay $0x1  }
0x67: {  	v3 =	vperm.xlane v3, v2;
	_ =	sdelay $0x1  }
0x68: {  	v3 =	vadd.s32 v1, v3  }
0x69: {  	[tilespmem:s14], [sflag:$0x1] =	stream.indirect_vreg.gather [hbm4b:s3+s2], $0x80, v4, vm0, $0xb8;
	[tilespmem:$0x8080] =	vst v63  }
0x6a: {  	_ = 	snop  }
0x6b: {  	[tilespmem:s15], [sflag:$0x1] =	stream.indirect_vreg.gather [hbm4b:s4+s2], $0x80, v4, vm0, $0xb8;
	[tilespmem:$0x8080] =	vst v63  }
0x6c: {  	_ = 	snop  }
0x6d: {  	[tilespmem:s16], [sflag:$0x1] =	stream.indirect_vreg.gather [hbm4b:s3+s2], $0x80, v3, vm0, $0xb8;
	[tilespmem:$0x8080] =	vst v63  }
0x6e: {  	_ = 	snop  }
0x6f: {  	[tilespmem:s17], [sflag:$0x1] =	stream.indirect_vreg.gather [hbm4b:s4+s2], $0x80, v3, vm0, $0xb8;
	[tilespmem:$0x8080] =	vst v63  }
0x70: {  	v3 =	vld [tilespmem:$0x10];
	_ =	sdelay $0x4  }
0x71: {  	v53 =	vshll.u32 v3, $0x2  }
0x72: {  	v3 =	vand.u32 $0x7, v3;
	v4 =	vand.u32 $0xFFFFFFE0, v53  }
0x73: {  	v3 =	vor.u32 v3, v4  }
0x74: {  	v4 =	vperm.xlane v3, v0;
	_ =	sdelay $0x1  }
0x75: {  	v4 =	vadd.s32 v1, v4;
	_ =	sdelay $0x1  }
0x76: {  	v3 =	vperm.xlane v3, v2;
	_ =	sdelay $0x1  }
0x77: {  	v3 =	vadd.s32 v1, v3  }
0x78: {  	[tilespmem:s18], [sflag:$0x1] =	stream.indirect_vreg.gather [hbm4b:s3+s2], $0x80, v4, vm0, $0xb8;
	[tilespmem:$0x8080] =	vst v63  }
0x79: {  	_ = 	snop  }
0x7a: {  	[tilespmem:s19], [sflag:$0x1] =	stream.indirect_vreg.gather [hbm4b:s4+s2], $0x80, v4, vm0, $0xb8;
	[tilespmem:$0x8080] =	vst v63  }
0x7b: {  	_ = 	snop  }
0x7c: {  	[tilespmem:s20], [sflag:$0x1] =	stream.indirect_vreg.gather [hbm4b:s3+s2], $0x80, v3, vm0, $0xb8;
	[tilespmem:$0x8080] =	vst v63  }
0x7d: {  	_ = 	snop  }
0x7e: {  	[tilespmem:s21], [sflag:$0x1] =	stream.indirect_vreg.gather [hbm4b:s4+s2], $0x80, v3, vm0, $0xb8;
	[tilespmem:$0x8080] =	vst v63  }
0x7f: {  	v3 =	vld [tilespmem:$0x20];
	_ =	sdelay $0x4  }
0x80: {  	v54 =	vshll.u32 v3, $0x2  }
0x81: {  	v3 =	vand.u32 $0x7, v3;
	v4 =	vand.u32 $0xFFFFFFE0, v54  }
0x82: {  	v3 =	vor.u32 v3, v4  }
0x83: {  	v4 =	vperm.xlane v3, v0;
	_ =	sdelay $0x1  }
0x84: {  	v4 =	vadd.s32 v1, v4;
	_ =	sdelay $0x1  }
0x85: {  	v3 =	vperm.xlane v3, v2;
	_ =	sdelay $0x1  }
0x86: {  	v3 =	vadd.s32 v1, v3  }
0x87: {  	[tilespmem:s22], [sflag:$0x1] =	stream.indirect_vreg.gather [hbm4b:s3+s2], $0x80, v4, vm0, $0xb8;
	[tilespmem:$0x8080] =	vst v63  }
0x88: {  	_ = 	snop  }
0x89: {  	[tilespmem:s23], [sflag:$0x1] =	stream.indirect_vreg.gather [hbm4b:s4+s2], $0x80, v4, vm0, $0xb8;
	[tilespmem:$0x8080] =	vst v63  }
0x8a: {  	_ = 	snop  }
0x8b: {  	[tilespmem:s24], [sflag:$0x1] =	stream.indirect_vreg.gather [hbm4b:s3+s2], $0x80, v3, vm0, $0xb8;
	[tilespmem:$0x8080] =	vst v63  }
0x8c: {  	_ = 	snop  }
0x8d: {  	[tilespmem:s25], [sflag:$0x1] =	stream.indirect_vreg.gather [hbm4b:s4+s2], $0x80, v3, vm0, $0xb8;
	[tilespmem:$0x8080] =	vst v63  }
0x8e: {  	v3 =	vld [tilespmem:$0x30];
	_ =	sdelay $0x4  }
0x8f: {  	v55 =	vshll.u32 v3, $0x2  }
0x90: {  	v3 =	vand.u32 $0x7, v3;
	v4 =	vand.u32 $0xFFFFFFE0, v55  }
0x91: {  	v3 =	vor.u32 v3, v4  }
0x92: {  	v4 =	vperm.xlane v3, v0;
	_ =	sdelay $0x1  }
0x93: {  	v4 =	vadd.s32 v1, v4;
	_ =	sdelay $0x1  }
0x94: {  	v3 =	vperm.xlane v3, v2;
	_ =	sdelay $0x1  }
0x95: {  	v3 =	vadd.s32 v1, v3  }
0x96: {  	[tilespmem:s26], [sflag:$0x1] =	stream.indirect_vreg.gather [hbm4b:s3+s2], $0x80, v4, vm0, $0xb8;
	[tilespmem:$0x8080] =	vst v63  }
0x97: {  	_ = 	snop  }
0x98: {  	[tilespmem:s28], [sflag:$0x1] =	stream.indirect_vreg.gather [hbm4b:s4+s2], $0x80, v4, vm0, $0xb8;
	[tilespmem:$0x8080] =	vst v63  }
0x99: {  	_ = 	snop  }
0x9a: {  	[tilespmem:s29], [sflag:$0x1] =	stream.indirect_vreg.gather [hbm4b:s3+s2], $0x80, v3, vm0, $0xb8;
	[tilespmem:$0x8080] =	vst v63  }
0x9b: {  	_ = 	snop  }
0x9c: {  	[tilespmem:s30], [sflag:$0x1] =	stream.indirect_vreg.gather [hbm4b:s4+s2], $0x80, v3, vm0, $0xb8;
	[tilespmem:$0x8080] =	vst v63  }
0x9d: {  	_ =	swait.ge [sflag:s31], $0x8000  }
0x9e: {  	[sflag:s31] =	ssyncset.done $0x0  }
0x9f: {  	[sflag:s31] =	ssyncadd.s32 $0xFFFF8000  }
0xa0: {  	[hbm4b:s7+s2] =	stream.linear.scatter [tilespmem:s14], [sflag:$0x2], $0x8000, $0x38;
	[tilespmem:$0x8080] =	vst v63  }
0xa1: {  	_ =	swait.ge [sflag:s13], $0x8000  }
0xa2: {  	[sflag:s13] =	ssyncset.done $0x0  }
0xa3: {  	[sflag:s13] =	ssyncadd.s32 $0xFFFF8000  }
0xa4: {  	[tilespmem:s2], [sflag:$0x2] =	stream.linear.gather [hbm4b:s8+s2], $0x40, $0x38;
	[tilespmem:$0x8080] =	vst v63  }
0xa5: {  	_ =	swait.ge [sflag:s13], $0x40  }
0xa6: {  	[sflag:s13] =	ssyncset.done $0x0  }
0xa7: {  	[sflag:s13] =	ssyncadd.s32 $0xFFFFFFC0  }
0xa8: {  	v3 =	vld [tilespmem:$0x0];
	_ =	sdelay $0x4  }
0xa9: {  	v56 =	vshll.u32 v3, $0x2  }
0xaa: {  	v3 =	vand.u32 $0x7, v3;
	v4 =	vand.u32 $0xFFFFFFE0, v56  }
0xab: {  	v3 =	vor.u32 v3, v4  }
0xac: {  	v4 =	vperm.xlane v3, v0;
	_ =	sdelay $0x1  }
0xad: {  	v4 =	vadd.s32 v1, v4;
	_ =	sdelay $0x1  }
0xae: {  	v3 =	vperm.xlane v3, v2;
	_ =	sdelay $0x1  }
0xaf: {  	v3 =	vadd.s32 v1, v3  }
0xb0: {  	[tilespmem:s14], [sflag:$0x1] =	stream.indirect_vreg.gather [hbm4b:s3+s2], $0x80, v4, vm0, $0xb8;
	[tilespmem:$0x8080] =	vst v63  }
0xb1: {  	_ = 	snop  }
0xb2: {  	[tilespmem:s15], [sflag:$0x1] =	stream.indirect_vreg.gather [hbm4b:s4+s2], $0x80, v4, vm0, $0xb8;
	[tilespmem:$0x8080] =	vst v63  }
0xb3: {  	_ = 	snop  }
0xb4: {  	[tilespmem:s16], [sflag:$0x1] =	stream.indirect_vreg.gather [hbm4b:s3+s2], $0x80, v3, vm0, $0xb8;
	[tilespmem:$0x8080] =	vst v63  }
0xb5: {  	_ = 	snop  }
0xb6: {  	[tilespmem:s17], [sflag:$0x1] =	stream.indirect_vreg.gather [hbm4b:s4+s2], $0x80, v3, vm0, $0xb8;
	[tilespmem:$0x8080] =	vst v63  }
0xb7: {  	v3 =	vld [tilespmem:$0x10];
	_ =	sdelay $0x4  }
0xb8: {  	v57 =	vshll.u32 v3, $0x2  }
0xb9: {  	v3 =	vand.u32 $0x7, v3;
	v4 =	vand.u32 $0xFFFFFFE0, v57  }
0xba: {  	v3 =	vor.u32 v3, v4  }
0xbb: {  	v4 =	vperm.xlane v3, v0;
	_ =	sdelay $0x1  }
0xbc: {  	v4 =	vadd.s32 v1, v4;
	_ =	sdelay $0x1  }
0xbd: {  	v3 =	vperm.xlane v3, v2;
	_ =	sdelay $0x1  }
0xbe: {  	v3 =	vadd.s32 v1, v3  }
0xbf: {  	[tilespmem:s18], [sflag:$0x1] =	stream.indirect_vreg.gather [hbm4b:s3+s2], $0x80, v4, vm0, $0xb8;
	[tilespmem:$0x8080] =	vst v63  }
0xc0: {  	_ = 	snop  }
0xc1: {  	[tilespmem:s19], [sflag:$0x1] =	stream.indirect_vreg.gather [hbm4b:s4+s2], $0x80, v4, vm0, $0xb8;
	[tilespmem:$0x8080] =	vst v63  }
0xc2: {  	_ = 	snop  }
0xc3: {  	[tilespmem:s20], [sflag:$0x1] =	stream.indirect_vreg.gather [hbm4b:s3+s2], $0x80, v3, vm0, $0xb8;
	[tilespmem:$0x8080] =	vst v63  }
0xc4: {  	_ = 	snop  }
0xc5: {  	[tilespmem:s21], [sflag:$0x1] =	stream.indirect_vreg.gather [hbm4b:s4+s2], $0x80, v3, vm0, $0xb8;
	[tilespmem:$0x8080] =	vst v63  }
0xc6: {  	v3 =	vld [tilespmem:$0x20];
	_ =	sdelay $0x4  }
0xc7: {  	v58 =	vshll.u32 v3, $0x2  }
0xc8: {  	v3 =	vand.u32 $0x7, v3;
	v4 =	vand.u32 $0xFFFFFFE0, v58  }
0xc9: {  	v3 =	vor.u32 v3, v4  }
0xca: {  	v4 =	vperm.xlane v3, v0;
	_ =	sdelay $0x1  }
0xcb: {  	v4 =	vadd.s32 v1, v4;
	_ =	sdelay $0x1  }
0xcc: {  	v3 =	vperm.xlane v3, v2;
	_ =	sdelay $0x1  }
0xcd: {  	v3 =	vadd.s32 v1, v3  }
0xce: {  	[tilespmem:s22], [sflag:$0x1] =	stream.indirect_vreg.gather [hbm4b:s3+s2], $0x80, v4, vm0, $0xb8;
	[tilespmem:$0x8080] =	vst v63  }
0xcf: {  	_ = 	snop  }
0xd0: {  	[tilespmem:s23], [sflag:$0x1] =	stream.indirect_vreg.gather [hbm4b:s4+s2], $0x80, v4, vm0, $0xb8;
	[tilespmem:$0x8080] =	vst v63  }
0xd1: {  	_ = 	snop  }
0xd2: {  	[tilespmem:s24], [sflag:$0x1] =	stream.indirect_vreg.gather [hbm4b:s3+s2], $0x80, v3, vm0, $0xb8;
	[tilespmem:$0x8080] =	vst v63  }
0xd3: {  	_ = 	snop  }
0xd4: {  	[tilespmem:s25], [sflag:$0x1] =	stream.indirect_vreg.gather [hbm4b:s4+s2], $0x80, v3, vm0, $0xb8;
	[tilespmem:$0x8080] =	vst v63  }
0xd5: {  	v3 =	vld [tilespmem:$0x30];
	_ =	sdelay $0x4  }
0xd6: {  	v59 =	vshll.u32 v3, $0x2  }
0xd7: {  	v3 =	vand.u32 $0x7, v3;
	v4 =	vand.u32 $0xFFFFFFE0, v59  }
0xd8: {  	v3 =	vor.u32 v3, v4  }
0xd9: {  	v4 =	vperm.xlane v3, v0;
	_ =	sdelay $0x1  }
0xda: {  	v4 =	vadd.s32 v1, v4;
	_ =	sdelay $0x1  }
0xdb: {  	v3 =	vperm.xlane v3, v2;
	_ =	sdelay $0x1  }
0xdc: {  	v3 =	vadd.s32 v1, v3  }
0xdd: {  	[tilespmem:s26], [sflag:$0x1] =	stream.indirect_vreg.gather [hbm4b:s3+s2], $0x80, v4, vm0, $0xb8;
	[tilespmem:$0x8080] =	vst v63  }
0xde: {  	_ = 	snop  }
0xdf: {  	[tilespmem:s28], [sflag:$0x1] =	stream.indirect_vreg.gather [hbm4b:s4+s2], $0x80, v4, vm0, $0xb8;
	[tilespmem:$0x8080] =	vst v63  }
0xe0: {  	_ = 	snop  }
0xe1: {  	[tilespmem:s29], [sflag:$0x1] =	stream.indirect_vreg.gather [hbm4b:s3+s2], $0x80, v3, vm0, $0xb8;
	[tilespmem:$0x8080] =	vst v63  }
0xe2: {  	_ = 	snop  }
0xe3: {  	[tilespmem:s30], [sflag:$0x1] =	stream.indirect_vreg.gather [hbm4b:s4+s2], $0x80, v3, vm0, $0xb8;
	[tilespmem:$0x8080] =	vst v63  }
0xe4: {  	_ =	swait.ge [sflag:s31], $0x8000  }
0xe5: {  	[sflag:s31] =	ssyncset.done $0x0  }
0xe6: {  	[sflag:s31] =	ssyncadd.s32 $0xFFFF8000  }
0xe7: {  	[hbm4b:s9+s2] =	stream.linear.scatter [tilespmem:s14], [sflag:$0x2], $0x8000, $0x38;
	[tilespmem:$0x8080] =	vst v63  }
0xe8: {  	_ =	swait.ge [sflag:s13], $0x8000  }
0xe9: {  	[sflag:s13] =	ssyncset.done $0x0  }
0xea: {  	[sflag:s13] =	ssyncadd.s32 $0xFFFF8000  }
0xeb: {  	[tilespmem:s2], [sflag:$0x2] =	stream.linear.gather [hbm4b:s10+s2], $0x40, $0x38;
	[tilespmem:$0x8080] =	vst v63  }
0xec: {  	_ =	swait.ge [sflag:s13], $0x40  }
0xed: {  	[sflag:s13] =	ssyncset.done $0x0  }
0xee: {  	[sflag:s13] =	ssyncadd.s32 $0xFFFFFFC0  }
0xef: {  	v3 =	vld [tilespmem:$0x0];
	_ =	sdelay $0x4  }
0xf0: {  	v60 =	vshll.u32 v3, $0x2  }
0xf1: {  	v3 =	vand.u32 $0x7, v3;
	v4 =	vand.u32 $0xFFFFFFE0, v60  }
0xf2: {  	v3 =	vor.u32 v3, v4  }
0xf3: {  	v4 =	vperm.xlane v3, v0;
	_ =	sdelay $0x1  }
0xf4: {  	v4 =	vadd.s32 v1, v4;
	_ =	sdelay $0x1  }
0xf5: {  	v3 =	vperm.xlane v3, v2;
	_ =	sdelay $0x1  }
0xf6: {  	v3 =	vadd.s32 v1, v3  }
0xf7: {  	[tilespmem:s14], [sflag:$0x1] =	stream.indirect_vreg.gather [hbm4b:s3+s2], $0x80, v4, vm0, $0xb8;
	[tilespmem:$0x8080] =	vst v63  }
0xf8: {  	_ = 	snop  }
0xf9: {  	[tilespmem:s15], [sflag:$0x1] =	stream.indirect_vreg.gather [hbm4b:s4+s2], $0x80, v4, vm0, $0xb8;
	[tilespmem:$0x8080] =	vst v63  }
0xfa: {  	_ = 	snop  }
0xfb: {  	[tilespmem:s16], [sflag:$0x1] =	stream.indirect_vreg.gather [hbm4b:s3+s2], $0x80, v3, vm0, $0xb8;
	[tilespmem:$0x8080] =	vst v63  }
0xfc: {  	_ = 	snop  }
0xfd: {  	[tilespmem:s17], [sflag:$0x1] =	stream.indirect_vreg.gather [hbm4b:s4+s2], $0x80, v3, vm0, $0xb8;
	[tilespmem:$0x8080] =	vst v63  }
0xfe: {  	v3 =	vld [tilespmem:$0x10];
	_ =	sdelay $0x4  }
0xff: {  	v61 =	vshll.u32 v3, $0x2  }
0x100: {  	v3 =	vand.u32 $0x7, v3;
	v4 =	vand.u32 $0xFFFFFFE0, v61  }
0x101: {  	v3 =	vor.u32 v3, v4  }
0x102: {  	v4 =	vperm.xlane v3, v0;
	_ =	sdelay $0x1  }
0x103: {  	v4 =	vadd.s32 v1, v4;
	_ =	sdelay $0x1  }
0x104: {  	v3 =	vperm.xlane v3, v2;
	_ =	sdelay $0x1  }
0x105: {  	v3 =	vadd.s32 v1, v3  }
0x106: {  	[tilespmem:s18], [sflag:$0x1] =	stream.indirect_vreg.gather [hbm4b:s3+s2], $0x80, v4, vm0, $0xb8;
	[tilespmem:$0x8080] =	vst v63  }
0x107: {  	_ = 	snop  }
0x108: {  	[tilespmem:s19], [sflag:$0x1] =	stream.indirect_vreg.gather [hbm4b:s4+s2], $0x80, v4, vm0, $0xb8;
	[tilespmem:$0x8080] =	vst v63  }
0x109: {  	_ = 	snop  }
0x10a: {  	[tilespmem:s20], [sflag:$0x1] =	stream.indirect_vreg.gather [hbm4b:s3+s2], $0x80, v3, vm0, $0xb8;
	[tilespmem:$0x8080] =	vst v63  }
0x10b: {  	_ = 	snop  }
0x10c: {  	[tilespmem:s21], [sflag:$0x1] =	stream.indirect_vreg.gather [hbm4b:s4+s2], $0x80, v3, vm0, $0xb8;
	[tilespmem:$0x8080] =	vst v63  }
0x10d: {  	v3 =	vld [tilespmem:$0x20];
	_ =	sdelay $0x4  }
0x10e: {  	v62 =	vshll.u32 v3, $0x2  }
0x10f: {  	v3 =	vand.u32 $0x7, v3;
	v4 =	vand.u32 $0xFFFFFFE0, v62  }
0x110: {  	v3 =	vor.u32 v3, v4  }
0x111: {  	v4 =	vperm.xlane v3, v0;
	_ =	sdelay $0x1  }
0x112: {  	v4 =	vadd.s32 v1, v4;
	_ =	sdelay $0x1  }
0x113: {  	v3 =	vperm.xlane v3, v2;
	_ =	sdelay $0x1  }
0x114: {  	v3 =	vadd.s32 v1, v3  }
0x115: {  	[tilespmem:s22], [sflag:$0x1] =	stream.indirect_vreg.gather [hbm4b:s3+s2], $0x80, v4, vm0, $0xb8;
	[tilespmem:$0x8080] =	vst v63  }
0x116: {  	_ = 	snop  }
0x117: {  	[tilespmem:s23], [sflag:$0x1] =	stream.indirect_vreg.gather [hbm4b:s4+s2], $0x80, v4, vm0, $0xb8;
	[tilespmem:$0x8080] =	vst v63  }
0x118: {  	_ = 	snop  }
0x119: {  	[tilespmem:s24], [sflag:$0x1] =	stream.indirect_vreg.gather [hbm4b:s3+s2], $0x80, v3, vm0, $0xb8;
	[tilespmem:$0x8080] =	vst v63  }
0x11a: {  	_ = 	snop  }
0x11b: {  	[tilespmem:s25], [sflag:$0x1] =	stream.indirect_vreg.gather [hbm4b:s4+s2], $0x80, v3, vm0, $0xb8;
	[tilespmem:$0x8080] =	vst v63  }
0x11c: {  	v3 =	vld [tilespmem:$0x30];
	_ =	sdelay $0x4  }
0x11d: {  	v63 =	vshll.u32 v3, $0x2  }
0x11e: {  	v3 =	vand.u32 $0x7, v3;
	v4 =	vand.u32 $0xFFFFFFE0, v63  }
0x11f: {  	v3 =	vor.u32 v3, v4  }
0x120: {  	v4 =	vperm.xlane v3, v0;
	_ =	sdelay $0x1  }
0x121: {  	v4 =	vadd.s32 v1, v4;
	_ =	sdelay $0x1  }
0x122: {  	v3 =	vperm.xlane v3, v2;
	_ =	sdelay $0x1  }
0x123: {  	v3 =	vadd.s32 v1, v3  }
0x124: {  	[tilespmem:s26], [sflag:$0x1] =	stream.indirect_vreg.gather [hbm4b:s3+s2], $0x80, v4, vm0, $0xb8;
	[tilespmem:$0x8080] =	vst v63  }
0x125: {  	_ = 	snop  }
0x126: {  	[tilespmem:s28], [sflag:$0x1] =	stream.indirect_vreg.gather [hbm4b:s4+s2], $0x80, v4, vm0, $0xb8;
	[tilespmem:$0x8080] =	vst v63  }
0x127: {  	_ = 	snop  }
0x128: {  	[tilespmem:s29], [sflag:$0x1] =	stream.indirect_vreg.gather [hbm4b:s3+s2], $0x80, v3, vm0, $0xb8;
	[tilespmem:$0x8080] =	vst v63  }
0x129: {  	_ = 	snop  }
0x12a: {  	[tilespmem:s30], [sflag:$0x1] =	stream.indirect_vreg.gather [hbm4b:s4+s2], $0x80, v3, vm0, $0xb8;
	[tilespmem:$0x8080] =	vst v63  }
0x12b: {  	_ =	swait.ge [sflag:s31], $0x8000  }
0x12c: {  	p0 =	sne.s32 s12, $0x1;
	[sflag:s31] =	ssyncset.done $0x0  }
.Ltmp0:
0x12d: {  	[sflag:s31] =	ssyncadd.s32 $0xFFFF8000;
	(pc) =	sbr.rel @p0 .LBB2_1-.Ltmp0, $4  }
0x12e: {  	[hbm4b:s11+s2] =	stream.linear.scatter [tilespmem:s14], [sflag:$0x2], $0x8000, $0x38;
	[tilespmem:$0x8080] =	vst v63  }
0x12f: {  	_ =	swait.ge [sflag:s13], $0x8000  }
0x130: {  	[sflag:s13] =	ssyncset.done $0x0  }
0x131: {  	s12 =	sadd.s32 $0xFFFFFFFF, s12;
	[sflag:s13] =	ssyncadd.s32 $0xFFFF8000  }
0x132: {  	_ =	sfence.sel $0x180000  }
0x133: {  	[bflag:$0x0] =	sbarrier.arrive $0xFFFF  }
0x134: {  	_ =	strace $0x9000005C  }
0x135: {  	[bflag:$0x2] =	sbarrier.arrive $0xFFFF  }
0x136: {  	p0 =	sne.s32 s1, $0x0;
	s0 =	rddreg [dreg:$0x2]  }
0x137: {  	s0 =	sadd.s32 @!p0 $0x100000, s0  }
0x138: {  	[sflag:s0] =	ssyncadd.tile.s32 @!p0 $0x1;
	_ =	shalt  }
.Lfunc_end2:
_tile_overlayer_lowered:
.L_overlay_start_2:
0x139: {  	(tag) =	ssettag $0x2  }
0x13a: {  	s0 =	rddreg [dreg:$0x0];
	s2 =	stileid.u32  }
0x13b: {  	s1 =	rddreg [dreg:$0x1];
	p0 =	sne.s32 s2, $0x0  }
0x13c: {  	s3 =	rddreg [dreg:$0x2];
	[bflag:$0x3] =	sbarrier.arrive $0xFFFF;
	s2 =	simm.s32 @!p0 $0x1C02  }
0x13d: {  	[timem:s3], [sflag:s2] =	dma.local @!p0 [hbm:s0], s1  }
0x13e: {  	s0 =	simm.s32 @!p0 $0x2  }
0x13f: {  	_ =	swait.ge @!p0 [sflag:s0], s1  }
0x140: {  	s1 =	ssub.s32 @!p0 $0x0, s1;
	[sflag:s0] =	ssyncset.done @!p0 $0x0  }
0x141: {  	[sflag:s0] =	ssyncadd.s32 @!p0 s1  }
0x142: {  	[bflag:$0x3] =	sbarrier.arrive $0xFFFF  }
0x143: {  	_ =	shalt  }

</sc_bundles>
